<compile_context>
chip_gen: v7x
topology: tpu7x:2x2x1
jax: 0.10.2.dev20260603
libtpu: 0.0.44.dev20260713+nightly
codegen_flags: <defaults>
</compile_context>

<pallas_src>
import jax
import jax.numpy as jnp
from jax import lax
from jax.experimental import pallas as pl
from jax.experimental.pallas import tpu as pltpu
from jax.experimental.pallas import tpu_sc as plsc

_K = 8192
_C = 32
_P = 2048
_HW = 1024
_N1 = 512
_N2 = 128
_PT = 256
_E0 = _P + _N1 + _N2 + 128
_T0 = _E0 // _PT
_T1 = _P // _PT
_NROW = (_T0 + _T1) * _PT
_NW = 32
_PPW = _P // _NW


def _nd_scores(e, cb):
    dot = lax.dot_general(e, cb, (((1,), (1,)), ((), ())),
                          preferred_element_type=jnp.float32)
    e2 = jnp.sum(e * e, axis=1, keepdims=True)
    cb2 = jnp.sum(cb * cb, axis=1)[None, :]
    return (2.0 * dot - e2) - cb2


def _matcher_soft(e_ref, cb_ref, zidx_ref, zs_ref):
    nd = _nd_scores(e_ref[0], cb_ref[...])
    zidx_ref[...] = jnp.argmax(nd, axis=-1).astype(jnp.int32)
    m = jnp.max(nd, axis=-1, keepdims=True)
    s = jnp.sum(jnp.exp(nd - m), axis=-1)
    zs_ref[...] = 1.0 / s


def _matcher_hard(e_ref, cb_ref, zidx_ref):
    nd = _nd_scores(e_ref[0], cb_ref[...])
    zidx_ref[...] = jnp.argmax(nd, axis=-1).astype(jnp.int32)


def _matcher_call(etab, cb0, cb1):
    zidx_a, zs_a = pl.pallas_call(
        _matcher_soft,
        grid=(_T0,),
        in_specs=[
            pl.BlockSpec((1, _PT, _C), lambda r: (r, 0, 0)),
            pl.BlockSpec((_K, _C), lambda r: (0, 0)),
        ],
        out_specs=[
            pl.BlockSpec((_PT,), lambda r: (r,)),
            pl.BlockSpec((_PT,), lambda r: (r,)),
        ],
        out_shape=[
            jax.ShapeDtypeStruct((_E0,), jnp.int32),
            jax.ShapeDtypeStruct((_E0,), jnp.float32),
        ],
    )(etab.reshape(_T0, _PT, _C), cb0)
    zidx_b = pl.pallas_call(
        _matcher_hard,
        grid=(_T1,),
        in_specs=[
            pl.BlockSpec((1, _PT, _C), lambda r: (r, 0, 0)),
            pl.BlockSpec((_K, _C), lambda r: (0, 0)),
        ],
        out_specs=pl.BlockSpec((_PT,), lambda r: (r,)),
        out_shape=jax.ShapeDtypeStruct((_P,), jnp.int32),
    )(etab[:_P].reshape(_T1, _PT, _C), cb1)
    return zidx_a, zs_a, zidx_b


def _sc_select_gather(zidx_a, zs_a, zidx_b, etab, cb0, cb1,
                      quant_out, zidx0_out,
                      zs0v, j0v, z2v, zs1v, zs2v, j1v, j2v,
                      idx1v, ridxv, e2v, q1v, q2v, e1v, outv, sem):
    wid = lax.axis_index("s") * 2 + lax.axis_index("c")
    base = wid * _PPW
    b = base // _HW
    hw0 = base % _HW
    cps = [
        pltpu.async_copy(zs_a.at[pl.ds(base, _PPW)], zs0v, sem),
        pltpu.async_copy(zidx_a.at[pl.ds(base, _PPW)], j0v, sem),
        pltpu.async_copy(zidx_b.at[pl.ds(base, _PPW)], z2v, sem),
        pltpu.async_copy(zs_a.at[pl.ds(_P, _N1)], zs1v, sem),
        pltpu.async_copy(zs_a.at[pl.ds(_P + _N1, _N2)], zs2v, sem),
        pltpu.async_copy(zidx_a.at[pl.ds(_P, _N1)], j1v, sem),
        pltpu.async_copy(zidx_a.at[pl.ds(_P + _N1, _N2)], j2v, sem),
        pltpu.async_copy(etab.at[pl.ds(base, _PPW)], e2v, sem),
    ]
    for cp in cps:
        cp.wait()

    lane = lax.broadcasted_iota(jnp.int32, (16,), 0)
    for c in range(_PPW // 16):
        sl = pl.ds(c * 16, 16)
        p = base + c * 16 + lane
        hh = lax.shift_right_logical(p, 5) & 31
        ww = p & 31
        pool1 = b * 256 + lax.shift_right_logical(hh, 1) * 16 \
            + lax.shift_right_logical(ww, 1)
        pool2 = b * 64 + lax.shift_right_logical(hh, 2) * 8 \
            + lax.shift_right_logical(ww, 2)
        a1 = plsc.load_gather(zs1v, [pool1])
        a2 = plsc.load_gather(zs2v, [pool2])
        i1 = plsc.load_gather(j1v, [pool1])
        i2 = plsc.load_gather(j2v, [pool2])
        best = zs0v[sl]
        bidx = j0v[sl]
        ridx = p
        c1 = a1 > best
        best = jnp.where(c1, a1, best)
        bidx = jnp.where(c1, i1, bidx)
        ridx = jnp.where(c1, _P + pool1, ridx)
        c2 = a2 > best
        bidx = jnp.where(c2, i2, bidx)
        ridx = jnp.where(c2, _P + _N1 + pool2, ridx)
        idx1v[sl] = bidx
        ridxv[sl] = ridx

    g1 = pltpu.async_copy(cb0.at[idx1v], q1v, sem)
    g2 = pltpu.async_copy(cb1.at[z2v], q2v, sem)
    g3 = pltpu.async_copy(etab.at[ridxv], e1v, sem)
    g1.wait()
    g2.wait()
    g3.wait()

    for r in range(_PPW):
        rvec = jnp.full((16,), r, jnp.int32)
        for ch in range(_C // 16):
            sl = pl.ds(ch * 16, 16)
            ef = (e1v[r, sl] + e2v[r, sl]) * 0.5
            rq = (q1v[r, sl] + q2v[r, sl]) * 0.5
            plsc.store_scatter(outv, [ch * 16 + lane, rvec], ef + (rq - ef))

    pltpu.sync_copy(outv, quant_out.at[b, :, pl.ds(hw0, _PPW)])
    pltpu.sync_copy(idx1v, zidx0_out.at[b, 0, pl.ds(hw0, _PPW)])
    pltpu.sync_copy(z2v, zidx0_out.at[b, 1, pl.ds(hw0, _PPW)])


def _make_sc_call():
    f32 = jnp.float32
    i32 = jnp.int32
    return pl.kernel(
        _sc_select_gather,
        mesh=plsc.VectorSubcoreMesh(core_axis_name="c", subcore_axis_name="s"),
        out_type=[jax.ShapeDtypeStruct((2, _C, _HW), f32),
                  jax.ShapeDtypeStruct((2, 2, _HW), i32)],
        scratch_types=[
            pltpu.VMEM((_PPW,), f32), pltpu.VMEM((_PPW,), i32),
            pltpu.VMEM((_PPW,), i32),
            pltpu.VMEM((_N1,), f32), pltpu.VMEM((_N2,), f32),
            pltpu.VMEM((_N1,), i32), pltpu.VMEM((_N2,), i32),
            pltpu.VMEM((_PPW,), i32), pltpu.VMEM((_PPW,), i32),
            pltpu.VMEM((_PPW, _C), f32), pltpu.VMEM((_PPW, _C), f32),
            pltpu.VMEM((_PPW, _C), f32), pltpu.VMEM((_PPW, _C), f32),
            pltpu.VMEM((_C, _PPW), f32),
            pltpu.SemaphoreType.DMA,
        ],
        compiler_params=pltpu.CompilerParams(use_tc_tiling_on_sc=False,
                                             needs_layout_passes=False),
    )


def kernel(input, codebook0, codebook1, codebook2, codebook3):
    b, c, h, w = input.shape
    x1 = jax.image.resize(input, (b, c, h // 2, w // 2), method='bilinear')
    x2 = jax.image.resize(input, (b, c, h // 4, w // 4), method='bilinear')
    t0 = jnp.transpose(input, (0, 2, 3, 1)).reshape(_P, _C)
    p1 = jnp.transpose(x1, (0, 2, 3, 1)).reshape(_N1, _C)
    p2 = jnp.transpose(x2, (0, 2, 3, 1)).reshape(_N2, _C)
    etab = jnp.concatenate(
        [t0, p1, p2, jnp.zeros((_E0 - _P - _N1 - _N2, _C), jnp.float32)])

    zidx_a, zs_a, zidx_b = _matcher_call(etab, codebook0, codebook1)
    quant_t, zidx_t = _make_sc_call()(zidx_a, zs_a, zidx_b, etab,
                                      codebook0, codebook1)

    return (input,
            zidx_t.reshape(b, 2, h, w),
            quant_t.reshape(b, c, h, w))

# --- scband reference (transcript-rebuilt; emitter-appended) ---
"""Pipeline reference for scband-vqvaezmulti-scale-19035295056275 (READ-ONLY COPY).

The authoritative reference and input builder live on the scoring server;
editing this copy changes nothing except your own understanding.
"""

import jax, jax.numpy as jnp
import numpy as np

NUM_SCALE = 3
K = 8192
C = 32
B = 2
H = 32
W = 32


def match(e, cb):
    d = jnp.sum(e * e, axis=-1, keepdims=True) - 2.0 * jnp.einsum('...c,kc->...k', e, cb) + jnp.sum(cb * cb, axis=-1)
    zsoft = jax.nn.softmax(-d, axis=-1)
    zidx = jnp.argmax(zsoft, axis=-1)
    return zsoft, zidx


def avg_pool2d(x, k):
    b, c, h, w = x.shape
    return x.reshape(b, c, h // k, k, w // k, k).mean(axis=(3, 5))


def upsample_nearest(x, k):
    return jnp.repeat(jnp.repeat(x, k, axis=2), k, axis=3)


def bilinear_down(x, f):
    b, c, h, w = x.shape
    return jax.image.resize(x, (b, c, h // (2 ** f), w // (2 ** f)), method='bilinear')


def setup_inputs(seed: int = 0):
    key = jax.random.key(seed)
    ks = jax.random.split(key, 5)
    inp = {}
    inp['input'] = jax.random.normal(ks[0], (B, C, H, W), dtype=jnp.float32)
    for i in range(1 + NUM_SCALE):
        inp['codebook%d' % i] = jax.random.normal(ks[1 + i], (K, C), dtype=jnp.float32) * 0.1
    return inp


def _forward(input, codebooks):
    s = NUM_SCALE
    inputs = [input] + [bilinear_down(input, i) for i in range(1, s)]
    encodes = inputs  # encode == nn.Identity
    encodes_ = [jnp.transpose(e, (0, 2, 3, 1)) for e in encodes]
    c = encodes_[0].shape[-1]
    zidx1s, encode1s, quant1s = [], [], []
    for i1 in range(s):
        e1list = []
        for j1, enc in enumerate(encodes_):
            e1_ = jnp.transpose(enc, (0, 3, 1, 2))
            if j1 < i1:
                e1_ = avg_pool2d(e1_, 2 ** (i1 - j1))
            elif j1 > i1:
                e1_ = upsample_nearest(e1_, 2 ** (j1 - i1))
            e1list.append(jnp.transpose(e1_, (0, 2, 3, 1)))
        encode1_ = jnp.stack(e1list)
        ns, b, h, w, _c = encode1_.shape
        zsoft_flat, _zi = match(encode1_.reshape(ns * b, h, w, c), codebooks[0])
        zsoft1_ = zsoft_flat.reshape(ns, b, h, w, -1)
        zsoft11 = jnp.max(zsoft1_, axis=-1)
        zidx11 = jnp.argmax(zsoft1_, axis=-1)
        zidx12 = jnp.argmax(zsoft11, axis=0)
        zidx1 = jnp.take_along_axis(zidx11, zidx12[None], axis=0)[0]
        gidx = jnp.broadcast_to(zidx12[None, ..., None], (1, b, h, w, c))
        encode1 = jnp.take_along_axis(encode1_, gidx, axis=0)[0]
        quant1 = jnp.take(codebooks[0], zidx1, axis=0)
        zidx1s.append(zidx1)
        encode1s.append(encode1)
        quant1s.append(quant1)
    zidx2s, encode2s, quant2s = [], [], []
    for i2 in range(s):
        encode2 = encodes_[i2]
        _zs, zidx2 = match(encode2, codebooks[1 + i2])
        quant2 = jnp.take(codebooks[1 + i2], zidx2, axis=0)
        zidx2s.append(zidx2)
        encode2s.append(encode2)
        quant2s.append(quant2)
    zidxs = [jnp.stack([u, v], -1) for u, v in zip(zidx1s, zidx2s)]
    encodes_f = [(u + v) / 2 for u, v in zip(encode1s, encode2s)]
    quants_f = [(u + v) / 2 for u, v in zip(quant1s, quant2s)]
    residuals = quants_f  # alpha == 0
    stes = [e + jax.lax.stop_gradient(r - e) for e, r in zip(encodes_f, residuals)]
    zidx0 = jnp.transpose(zidxs[0], (0, 3, 1, 2))
    quant0 = jnp.transpose(stes[0], (0, 3, 1, 2))
    return encodes[0], zidx0, quant0


def reference(input, codebook0, codebook1, codebook2, codebook3):
    return _forward(input, [codebook0, codebook1, codebook2, codebook3])

if __name__ == "__main__":
    import jax
    _d = setup_inputs()
    print(jax.jit(kernel)(*tuple(_d.values())))

</pallas_src>

<mosaic_0001>
#map = affine_map<(d0, d1) -> (0)>
#map1 = affine_map<(d0, d1) -> (0, 0)>
#map2 = affine_map<(d0, d1) -> (0, 0, 0)>
module attributes {stable_mosaic.version = 14 : i64} {
  func.func @_sc_select_gather(%arg0: i32, %arg1: i32, %arg2: memref<2816xi32, #tpu.memory_space<hbm>>, %arg3: memref<2816xf32, #tpu.memory_space<hbm>>, %arg4: memref<2048xi32, #tpu.memory_space<hbm>>, %arg5: memref<2816x32xf32, #tpu.memory_space<hbm>>, %arg6: memref<8192x32xf32, #tpu.memory_space<hbm>>, %arg7: memref<8192x32xf32, #tpu.memory_space<hbm>>, %arg8: memref<2x32x1024xf32, #tpu.memory_space<hbm>>, %arg9: memref<2x2x1024xi32, #tpu.memory_space<hbm>>, %arg10: memref<64xf32, #tpu.memory_space<vmem>>, %arg11: memref<64xi32, #tpu.memory_space<vmem>>, %arg12: memref<64xi32, #tpu.memory_space<vmem>>, %arg13: memref<512xf32, #tpu.memory_space<vmem>>, %arg14: memref<128xf32, #tpu.memory_space<vmem>>, %arg15: memref<512xi32, #tpu.memory_space<vmem>>, %arg16: memref<128xi32, #tpu.memory_space<vmem>>, %arg17: memref<64xi32, #tpu.memory_space<vmem>>, %arg18: memref<64xi32, #tpu.memory_space<vmem>>, %arg19: memref<64x32xf32, #tpu.memory_space<vmem>>, %arg20: memref<64x32xf32, #tpu.memory_space<vmem>>, %arg21: memref<64x32xf32, #tpu.memory_space<vmem>>, %arg22: memref<64x32xf32, #tpu.memory_space<vmem>>, %arg23: memref<32x64xf32, #tpu.memory_space<vmem>>, %arg24: memref<!tpu.dma_semaphore, #tpu.memory_space<semaphore_mem>>) attributes {dimension_semantics = [#tpu.dimension_semantics<core_parallel>, #tpu.dimension_semantics<subcore_parallel>], iteration_bounds = array<i64: 2, 16>, scalar_prefetch = 0 : i64, scratch_operands = 15 : i64, tpu.core_type = #tpu.core_type<sc_vector_subcore>, window_params = [{transform_indices = #map}, {transform_indices = #map}, {transform_indices = #map}, {transform_indices = #map1}, {transform_indices = #map1}, {transform_indices = #map1}, {transform_indices = #map2}, {transform_indices = #map2}]} {
    %mul3A = arith.constant 2 : i32
    %mul3A_0 = arith.muli %arg1, %mul3A : i32
    %add3A = arith.addi %mul3A_0, %arg0 : i32
    %mul3A_1 = arith.constant 64 : i32
    %mul3A_2 = arith.muli %add3A, %mul3A_1 : i32
    %jit3A = arith.constant 1024 : i32
    %div3A = arith.divsi %mul3A_2, %jit3A : i32
    %sign3A = arith.constant 0 : i32
    %sign3A_3 = arith.cmpi sgt, %mul3A_2, %sign3A : i32
    %sign3A_4 = arith.extui %sign3A_3 : i1 to i32
    %sign3A_5 = arith.constant 0 : i32
    %sign3A_6 = arith.cmpi slt, %mul3A_2, %sign3A_5 : i32
    %sign3A_7 = arith.extui %sign3A_6 : i1 to i32
    %sign3A_8 = arith.subi %sign3A_4, %sign3A_7 : i32
    %sign3A_9 = arith.constant 0 : i32
    %sign3A_10 = arith.cmpi sgt, %jit3A, %sign3A_9 : i32
    %sign3A_11 = arith.extui %sign3A_10 : i1 to i32
    %sign3A_12 = arith.constant 0 : i32
    %sign3A_13 = arith.cmpi slt, %jit3A, %sign3A_12 : i32
    %sign3A_14 = arith.extui %sign3A_13 : i1 to i32
    %sign3A_15 = arith.subi %sign3A_11, %sign3A_14 : i32
    %ne3A = arith.cmpi ne, %sign3A_8, %sign3A_15 : i32
    %rem3A = arith.remsi %mul3A_2, %jit3A : i32
    %ne3A_16 = arith.constant 0 : i32
    %ne3A_17 = arith.cmpi ne, %rem3A, %ne3A_16 : i32
    %and3A = arith.andi %ne3A, %ne3A_17 : i1
    %sub3A = arith.constant 1 : i32
    %sub3A_18 = arith.subi %div3A, %sub3A : i32
    %select_n3A = arith.select %and3A, %sub3A_18, %div3A : i32
    %jit3A_19 = arith.constant 1024 : i32
    %eq3A = arith.constant 0 : i32
    %eq3A_20 = arith.cmpi eq, %jit3A_19, %eq3A : i32
    %jit3A_21 = arith.constant 1 : i32
    %select_n3A_22 = arith.select %eq3A_20, %jit3A_21, %jit3A_19 : i32
    %rem3A_23 = arith.remsi %mul3A_2, %select_n3A_22 : i32
    %ne3A_24 = arith.constant 0 : i32
    %ne3A_25 = arith.cmpi ne, %rem3A_23, %ne3A_24 : i32
    %lt3A = arith.constant 0 : i32
    %lt3A_26 = arith.cmpi slt, %rem3A_23, %lt3A : i32
    %lt3A_27 = arith.constant 0 : i32
    %lt3A_28 = arith.cmpi slt, %select_n3A_22, %lt3A_27 : i32
    %ne3A_29 = arith.xori %lt3A_26, %lt3A_28 : i1
    %and3A_30 = arith.andi %ne3A_29, %ne3A_25 : i1
    %add3A_31 = arith.addi %rem3A_23, %select_n3A_22 : i32
    %select_n3A_32 = arith.select %and3A_30, %add3A_31, %rem3A_23 : i32
    %dma_start3A = tpu.memref_slice %arg3[%mul3A_2] : memref<2816xf32, #tpu.memory_space<hbm>> -> memref<64xf32, #tpu.memory_space<hbm>>
    %dma_start3A_33 = tpu.memref_slice %arg3[%mul3A_2] : memref<2816xf32, #tpu.memory_space<hbm>> -> memref<64xf32, #tpu.memory_space<hbm>>
    tpu.enqueue_dma source(%dma_start3A_33 : memref<64xf32, #tpu.memory_space<hbm>>) target(%arg10 : memref<64xf32, #tpu.memory_space<vmem>>) target_semaphore(%arg24 : memref<!tpu.dma_semaphore, #tpu.memory_space<semaphore_mem>>)
    %dma_start3A_34 = tpu.memref_slice %arg2[%mul3A_2] : memref<2816xi32, #tpu.memory_space<hbm>> -> memref<64xi32, #tpu.memory_space<hbm>>
    %dma_start3A_35 = tpu.memref_slice %arg2[%mul3A_2] : memref<2816xi32, #tpu.memory_space<hbm>> -> memref<64xi32, #tpu.memory_space<hbm>>
    tpu.enqueue_dma source(%dma_start3A_35 : memref<64xi32, #tpu.memory_space<hbm>>) target(%arg11 : memref<64xi32, #tpu.memory_space<vmem>>) target_semaphore(%arg24 : memref<!tpu.dma_semaphore, #tpu.memory_space<semaphore_mem>>)
    %dma_start3A_36 = tpu.memref_slice %arg4[%mul3A_2] : memref<2048xi32, #tpu.memory_space<hbm>> -> memref<64xi32, #tpu.memory_space<hbm>>
    %dma_start3A_37 = tpu.memref_slice %arg4[%mul3A_2] : memref<2048xi32, #tpu.memory_space<hbm>> -> memref<64xi32, #tpu.memory_space<hbm>>
    tpu.enqueue_dma source(%dma_start3A_37 : memref<64xi32, #tpu.memory_space<hbm>>) target(%arg12 : memref<64xi32, #tpu.memory_space<vmem>>) target_semaphore(%arg24 : memref<!tpu.dma_semaphore, #tpu.memory_space<semaphore_mem>>)
    %dma_start3A_38 = arith.constant 2048 : i32
    %dma_start3A_39 = tpu.memref_slice %arg3[%dma_start3A_38] : memref<2816xf32, #tpu.memory_space<hbm>> -> memref<512xf32, #tpu.memory_space<hbm>>
    %dma_start3A_40 = arith.constant 2048 : i32
    %dma_start3A_41 = tpu.memref_slice %arg3[%dma_start3A_40] : memref<2816xf32, #tpu.memory_space<hbm>> -> memref<512xf32, #tpu.memory_space<hbm>>
    tpu.enqueue_dma source(%dma_start3A_41 : memref<512xf32, #tpu.memory_space<hbm>>) target(%arg13 : memref<512xf32, #tpu.memory_space<vmem>>) target_semaphore(%arg24 : memref<!tpu.dma_semaphore, #tpu.memory_space<semaphore_mem>>)
    %dma_start3A_42 = arith.constant 2560 : i32
    %dma_start3A_43 = tpu.memref_slice %arg3[%dma_start3A_42] : memref<2816xf32, #tpu.memory_space<hbm>> -> memref<128xf32, #tpu.memory_space<hbm>>
    %dma_start3A_44 = arith.constant 2560 : i32
    %dma_start3A_45 = tpu.memref_slice %arg3[%dma_start3A_44] : memref<2816xf32, #tpu.memory_space<hbm>> -> memref<128xf32, #tpu.memory_space<hbm>>
    tpu.enqueue_dma source(%dma_start3A_45 : memref<128xf32, #tpu.memory_space<hbm>>) target(%arg14 : memref<128xf32, #tpu.memory_space<vmem>>) target_semaphore(%arg24 : memref<!tpu.dma_semaphore, #tpu.memory_space<semaphore_mem>>)
    %dma_start3A_46 = arith.constant 2048 : i32
    %dma_start3A_47 = tpu.memref_slice %arg2[%dma_start3A_46] : memref<2816xi32, #tpu.memory_space<hbm>> -> memref<512xi32, #tpu.memory_space<hbm>>
    %dma_start3A_48 = arith.constant 2048 : i32
    %dma_start3A_49 = tpu.memref_slice %arg2[%dma_start3A_48] : memref<2816xi32, #tpu.memory_space<hbm>> -> memref<512xi32, #tpu.memory_space<hbm>>
    tpu.enqueue_dma source(%dma_start3A_49 : memref<512xi32, #tpu.memory_space<hbm>>) target(%arg15 : memref<512xi32, #tpu.memory_space<vmem>>) target_semaphore(%arg24 : memref<!tpu.dma_semaphore, #tpu.memory_space<semaphore_mem>>)
    %dma_start3A_50 = arith.constant 2560 : i32
    %dma_start3A_51 = tpu.memref_slice %arg2[%dma_start3A_50] : memref<2816xi32, #tpu.memory_space<hbm>> -> memref<128xi32, #tpu.memory_space<hbm>>
    %dma_start3A_52 = arith.constant 2560 : i32
    %dma_start3A_53 = tpu.memref_slice %arg2[%dma_start3A_52] : memref<2816xi32, #tpu.memory_space<hbm>> -> memref<128xi32, #tpu.memory_space<hbm>>
    tpu.enqueue_dma source(%dma_start3A_53 : memref<128xi32, #tpu.memory_space<hbm>>) target(%arg16 : memref<128xi32, #tpu.memory_space<vmem>>) target_semaphore(%arg24 : memref<!tpu.dma_semaphore, #tpu.memory_space<semaphore_mem>>)
    %dma_start3A_54 = arith.constant 0 : i32
    %dma_start3A_55 = tpu.memref_slice %arg5[%mul3A_2, %dma_start3A_54] : memref<2816x32xf32, #tpu.memory_space<hbm>> -> memref<64x32xf32, #tpu.memory_space<hbm>>
    %dma_start3A_56 = arith.constant 0 : i32
    %dma_start3A_57 = tpu.memref_slice %arg5[%mul3A_2, %dma_start3A_56] : memref<2816x32xf32, #tpu.memory_space<hbm>> -> memref<64x32xf32, #tpu.memory_space<hbm>>
    tpu.enqueue_dma source(%dma_start3A_57 : memref<64x32xf32, #tpu.memory_space<hbm>>) target(%arg19 : memref<64x32xf32, #tpu.memory_space<vmem>>) target_semaphore(%arg24 : memref<!tpu.dma_semaphore, #tpu.memory_space<semaphore_mem>>)
    %dma_wait3A = tpu.memref_slice %arg3[%mul3A_2] : memref<2816xf32, #tpu.memory_space<hbm>> -> memref<64xf32, #tpu.memory_space<hbm>>
    %dma_wait3A_58 = tpu.memref_slice %arg3[%mul3A_2] : memref<2816xf32, #tpu.memory_space<hbm>> -> memref<64xf32, #tpu.memory_space<hbm>>
    tpu.wait_dma2 semaphore(%arg24 : memref<!tpu.dma_semaphore, #tpu.memory_space<semaphore_mem>>) src(%dma_wait3A_58 : memref<64xf32, #tpu.memory_space<hbm>>) dst(%arg10 : memref<64xf32, #tpu.memory_space<vmem>>)
    %dma_wait3A_59 = tpu.memref_slice %arg2[%mul3A_2] : memref<2816xi32, #tpu.memory_space<hbm>> -> memref<64xi32, #tpu.memory_space<hbm>>
    %dma_wait3A_60 = tpu.memref_slice %arg2[%mul3A_2] : memref<2816xi32, #tpu.memory_space<hbm>> -> memref<64xi32, #tpu.memory_space<hbm>>
    tpu.wait_dma2 semaphore(%arg24 : memref<!tpu.dma_semaphore, #tpu.memory_space<semaphore_mem>>) src(%dma_wait3A_60 : memref<64xi32, #tpu.memory_space<hbm>>) dst(%arg11 : memref<64xi32, #tpu.memory_space<vmem>>)
    %dma_wait3A_61 = tpu.memref_slice %arg4[%mul3A_2] : memref<2048xi32, #tpu.memory_space<hbm>> -> memref<64xi32, #tpu.memory_space<hbm>>
    %dma_wait3A_62 = tpu.memref_slice %arg4[%mul3A_2] : memref<2048xi32, #tpu.memory_space<hbm>> -> memref<64xi32, #tpu.memory_space<hbm>>
    tpu.wait_dma2 semaphore(%arg24 : memref<!tpu.dma_semaphore, #tpu.memory_space<semaphore_mem>>) src(%dma_wait3A_62 : memref<64xi32, #tpu.memory_space<hbm>>) dst(%arg12 : memref<64xi32, #tpu.memory_space<vmem>>)
    %dma_wait3A_63 = arith.constant 2048 : i32
    %dma_wait3A_64 = tpu.memref_slice %arg3[%dma_wait3A_63] : memref<2816xf32, #tpu.memory_space<hbm>> -> memref<512xf32, #tpu.memory_space<hbm>>
    %dma_wait3A_65 = arith.constant 2048 : i32
    %dma_wait3A_66 = tpu.memref_slice %arg3[%dma_wait3A_65] : memref<2816xf32, #tpu.memory_space<hbm>> -> memref<512xf32, #tpu.memory_space<hbm>>
    tpu.wait_dma2 semaphore(%arg24 : memref<!tpu.dma_semaphore, #tpu.memory_space<semaphore_mem>>) src(%dma_wait3A_66 : memref<512xf32, #tpu.memory_space<hbm>>) dst(%arg13 : memref<512xf32, #tpu.memory_space<vmem>>)
    %dma_wait3A_67 = arith.constant 2560 : i32
    %dma_wait3A_68 = tpu.memref_slice %arg3[%dma_wait3A_67] : memref<2816xf32, #tpu.memory_space<hbm>> -> memref<128xf32, #tpu.memory_space<hbm>>
    %dma_wait3A_69 = arith.constant 2560 : i32
    %dma_wait3A_70 = tpu.memref_slice %arg3[%dma_wait3A_69] : memref<2816xf32, #tpu.memory_space<hbm>> -> memref<128xf32, #tpu.memory_space<hbm>>
    tpu.wait_dma2 semaphore(%arg24 : memref<!tpu.dma_semaphore, #tpu.memory_space<semaphore_mem>>) src(%dma_wait3A_70 : memref<128xf32, #tpu.memory_space<hbm>>) dst(%arg14 : memref<128xf32, #tpu.memory_space<vmem>>)
    %dma_wait3A_71 = arith.constant 2048 : i32
    %dma_wait3A_72 = tpu.memref_slice %arg2[%dma_wait3A_71] : memref<2816xi32, #tpu.memory_space<hbm>> -> memref<512xi32, #tpu.memory_space<hbm>>
    %dma_wait3A_73 = arith.constant 2048 : i32
    %dma_wait3A_74 = tpu.memref_slice %arg2[%dma_wait3A_73] : memref<2816xi32, #tpu.memory_space<hbm>> -> memref<512xi32, #tpu.memory_space<hbm>>
    tpu.wait_dma2 semaphore(%arg24 : memref<!tpu.dma_semaphore, #tpu.memory_space<semaphore_mem>>) src(%dma_wait3A_74 : memref<512xi32, #tpu.memory_space<hbm>>) dst(%arg15 : memref<512xi32, #tpu.memory_space<vmem>>)
    %dma_wait3A_75 = arith.constant 2560 : i32
    %dma_wait3A_76 = tpu.memref_slice %arg2[%dma_wait3A_75] : memref<2816xi32, #tpu.memory_space<hbm>> -> memref<128xi32, #tpu.memory_space<hbm>>
    %dma_wait3A_77 = arith.constant 2560 : i32
    %dma_wait3A_78 = tpu.memref_slice %arg2[%dma_wait3A_77] : memref<2816xi32, #tpu.memory_space<hbm>> -> memref<128xi32, #tpu.memory_space<hbm>>
    tpu.wait_dma2 semaphore(%arg24 : memref<!tpu.dma_semaphore, #tpu.memory_space<semaphore_mem>>) src(%dma_wait3A_78 : memref<128xi32, #tpu.memory_space<hbm>>) dst(%arg16 : memref<128xi32, #tpu.memory_space<vmem>>)
    %dma_wait3A_79 = arith.constant 0 : i32
    %dma_wait3A_80 = tpu.memref_slice %arg5[%mul3A_2, %dma_wait3A_79] : memref<2816x32xf32, #tpu.memory_space<hbm>> -> memref<64x32xf32, #tpu.memory_space<hbm>>
    %dma_wait3A_81 = arith.constant 0 : i32
    %dma_wait3A_82 = tpu.memref_slice %arg5[%mul3A_2, %dma_wait3A_81] : memref<2816x32xf32, #tpu.memory_space<hbm>> -> memref<64x32xf32, #tpu.memory_space<hbm>>
    tpu.wait_dma2 semaphore(%arg24 : memref<!tpu.dma_semaphore, #tpu.memory_space<semaphore_mem>>) src(%dma_wait3A_82 : memref<64x32xf32, #tpu.memory_space<hbm>>) dst(%arg19 : memref<64x32xf32, #tpu.memory_space<vmem>>)
    %iota3A = tpu.iota {dimensions = array<i32: 0>} : vector<16xi32>
    %add3A_83 = arith.constant 0 : i32
    %add3A_84 = arith.addi %mul3A_2, %add3A_83 : i32
    %add3A_85 = vector.broadcast %add3A_84 : i32 to vector<16xi32>
    %add3A_86 = arith.addi %add3A_85, %iota3A : vector<16xi32>
    %shift_right_logical3A = arith.constant 5 : i32
    %shift_right_logical3A_87 = vector.broadcast %shift_right_logical3A : i32 to vector<16xi32>
    %shift_right_logical3A_88 = arith.shrui %add3A_86, %shift_right_logical3A_87 : vector<16xi32>
    %and3A_89 = arith.constant 31 : i32
    %and3A_90 = vector.broadcast %and3A_89 : i32 to vector<16xi32>
    %and3A_91 = arith.andi %shift_right_logical3A_88, %and3A_90 : vector<16xi32>
    %and3A_92 = arith.constant 31 : i32
    %and3A_93 = vector.broadcast %and3A_92 : i32 to vector<16xi32>
    %and3A_94 = arith.andi %add3A_86, %and3A_93 : vector<16xi32>
    %mul3A_95 = arith.constant 256 : i32
    %mul3A_96 = arith.muli %select_n3A, %mul3A_95 : i32
    %shift_right_logical3A_97 = arith.constant 1 : i32
    %shift_right_logical3A_98 = vector.broadcast %shift_right_logical3A_97 : i32 to vector<16xi32>
    %shift_right_logical3A_99 = arith.shrui %and3A_91, %shift_right_logical3A_98 : vector<16xi32>
    %mul3A_100 = arith.constant 16 : i32
    %mul3A_101 = vector.broadcast %mul3A_100 : i32 to vector<16xi32>
    %mul3A_102 = arith.muli %shift_right_logical3A_99, %mul3A_101 : vector<16xi32>
    %add3A_103 = vector.broadcast %mul3A_96 : i32 to vector<16xi32>
    %add3A_104 = arith.addi %add3A_103, %mul3A_102 : vector<16xi32>
    %shift_right_logical3A_105 = arith.constant 1 : i32
    %shift_right_logical3A_106 = vector.broadcast %shift_right_logical3A_105 : i32 to vector<16xi32>
    %shift_right_logical3A_107 = arith.shrui %and3A_94, %shift_right_logical3A_106 : vector<16xi32>
    %add3A_108 = arith.addi %add3A_104, %shift_right_logical3A_107 : vector<16xi32>
    %mul3A_109 = arith.constant 64 : i32
    %mul3A_110 = arith.muli %select_n3A, %mul3A_109 : i32
    %shift_right_logical3A_111 = arith.constant 2 : i32
    %shift_right_logical3A_112 = vector.broadcast %shift_right_logical3A_111 : i32 to vector<16xi32>
    %shift_right_logical3A_113 = arith.shrui %and3A_91, %shift_right_logical3A_112 : vector<16xi32>
    %mul3A_114 = arith.constant 8 : i32
    %mul3A_115 = vector.broadcast %mul3A_114 : i32 to vector<16xi32>
    %mul3A_116 = arith.muli %shift_right_logical3A_113, %mul3A_115 : vector<16xi32>
    %add3A_117 = vector.broadcast %mul3A_110 : i32 to vector<16xi32>
    %add3A_118 = arith.addi %add3A_117, %mul3A_116 : vector<16xi32>
    %shift_right_logical3A_119 = arith.constant 2 : i32
    %shift_right_logical3A_120 = vector.broadcast %shift_right_logical3A_119 : i32 to vector<16xi32>
    %shift_right_logical3A_121 = arith.shrui %and3A_94, %shift_right_logical3A_120 : vector<16xi32>
    %add3A_122 = arith.addi %add3A_118, %shift_right_logical3A_121 : vector<16xi32>
    %gather3A = tpu.vector_load_idx %arg13[%add3A_108] : memref<512xf32, #tpu.memory_space<vmem>>[vector<16xi32>], vector<16xf32>,
    %gather3A_123 = tpu.vector_load_idx %arg14[%add3A_122] : memref<128xf32, #tpu.memory_space<vmem>>[vector<16xi32>], vector<16xf32>,
    %gather3A_124 = tpu.vector_load_idx %arg15[%add3A_108] : memref<512xi32, #tpu.memory_space<vmem>>[vector<16xi32>], vector<16xi32>,
    %gather3A_125 = tpu.vector_load_idx %arg16[%add3A_122] : memref<128xi32, #tpu.memory_space<vmem>>[vector<16xi32>], vector<16xi32>,
    %get3A = arith.constant 0 : index
    %get3A_126 = tpu.vector_load %arg10[%get3A] {strides = array<i32>} : memref<64xf32, #tpu.memory_space<vmem>>, vector<16xf32>,
    %get3A_127 = arith.constant 0 : index
    %get3A_128 = tpu.vector_load %arg11[%get3A_127] {strides = array<i32>} : memref<64xi32, #tpu.memory_space<vmem>>, vector<16xi32>,
    %gt3A = arith.cmpf ogt, %gather3A, %get3A_126 : vector<16xf32>
    %select_n3A_129 = arith.select %gt3A, %gather3A, %get3A_126 : vector<16xi1>, vector<16xf32>
    %select_n3A_130 = arith.select %gt3A, %gather3A_124, %get3A_128 : vector<16xi1>, vector<16xi32>
    %add3A_131 = arith.constant 2048 : i32
    %add3A_132 = vector.broadcast %add3A_131 : i32 to vector<16xi32>
    %add3A_133 = arith.addi %add3A_132, %add3A_108 : vector<16xi32>
    %select_n3A_134 = arith.select %gt3A, %add3A_133, %add3A_86 : vector<16xi1>, vector<16xi32>
    %gt3A_135 = arith.cmpf ogt, %gather3A_123, %select_n3A_129 : vector<16xf32>
    %select_n3A_136 = arith.select %gt3A_135, %gather3A_125, %select_n3A_130 : vector<16xi1>, vector<16xi32>
    %add3A_137 = arith.constant 2560 : i32
    %add3A_138 = vector.broadcast %add3A_137 : i32 to vector<16xi32>
    %add3A_139 = arith.addi %add3A_138, %add3A_122 : vector<16xi32>
    %select_n3A_140 = arith.select %gt3A_135, %add3A_139, %select_n3A_134 : vector<16xi1>, vector<16xi32>
    %swap3A = arith.constant 0 : index
    %swap3A_141 = tpu.vector_load %arg17[%swap3A] {strides = array<i32>} : memref<64xi32, #tpu.memory_space<vmem>>, vector<16xi32>,
    tpu.vector_store %arg17[%swap3A], %select_n3A_136 {strides = array<i32>} : memref<64xi32, #tpu.memory_space<vmem>>, vector<16xi32>,
    %swap3A_142 = arith.constant 0 : index
    %swap3A_143 = tpu.vector_load %arg18[%swap3A_142] {strides = array<i32>} : memref<64xi32, #tpu.memory_space<vmem>>, vector<16xi32>,
    tpu.vector_store %arg18[%swap3A_142], %select_n3A_140 {strides = array<i32>} : memref<64xi32, #tpu.memory_space<vmem>>, vector<16xi32>,
    %add3A_144 = arith.constant 16 : i32
    %add3A_145 = arith.addi %mul3A_2, %add3A_144 : i32
    %add3A_146 = vector.broadcast %add3A_145 : i32 to vector<16xi32>
    %add3A_147 = arith.addi %add3A_146, %iota3A : vector<16xi32>
    %shift_right_logical3A_148 = arith.constant 5 : i32
    %shift_right_logical3A_149 = vector.broadcast %shift_right_logical3A_148 : i32 to vector<16xi32>
    %shift_right_logical3A_150 = arith.shrui %add3A_147, %shift_right_logical3A_149 : vector<16xi32>
    %and3A_151 = arith.constant 31 : i32
    %and3A_152 = vector.broadcast %and3A_151 : i32 to vector<16xi32>
    %and3A_153 = arith.andi %shift_right_logical3A_150, %and3A_152 : vector<16xi32>
    %and3A_154 = arith.constant 31 : i32
    %and3A_155 = vector.broadcast %and3A_154 : i32 to vector<16xi32>
    %and3A_156 = arith.andi %add3A_147, %and3A_155 : vector<16xi32>
    %mul3A_157 = arith.constant 256 : i32
    %mul3A_158 = arith.muli %select_n3A, %mul3A_157 : i32
    %shift_right_logical3A_159 = arith.constant 1 : i32
    %shift_right_logical3A_160 = vector.broadcast %shift_right_logical3A_159 : i32 to vector<16xi32>
    %shift_right_logical3A_161 = arith.shrui %and3A_153, %shift_right_logical3A_160 : vector<16xi32>
    %mul3A_162 = arith.constant 16 : i32
    %mul3A_163 = vector.broadcast %mul3A_162 : i32 to vector<16xi32>
    %mul3A_164 = arith.muli %shift_right_logical3A_161, %mul3A_163 : vector<16xi32>
    %add3A_165 = vector.broadcast %mul3A_158 : i32 to vector<16xi32>
    %add3A_166 = arith.addi %add3A_165, %mul3A_164 : vector<16xi32>
    %shift_right_logical3A_167 = arith.constant 1 : i32
    %shift_right_logical3A_168 = vector.broadcast %shift_right_logical3A_167 : i32 to vector<16xi32>
    %shift_right_logical3A_169 = arith.shrui %and3A_156, %shift_right_logical3A_168 : vector<16xi32>
    %add3A_170 = arith.addi %add3A_166, %shift_right_logical3A_169 : vector<16xi32>
    %mul3A_171 = arith.constant 64 : i32
    %mul3A_172 = arith.muli %select_n3A, %mul3A_171 : i32
    %shift_right_logical3A_173 = arith.constant 2 : i32
    %shift_right_logical3A_174 = vector.broadcast %shift_right_logical3A_173 : i32 to vector<16xi32>
    %shift_right_logical3A_175 = arith.shrui %and3A_153, %shift_right_logical3A_174 : vector<16xi32>
    %mul3A_176 = arith.constant 8 : i32
    %mul3A_177 = vector.broadcast %mul3A_176 : i32 to vector<16xi32>
    %mul3A_178 = arith.muli %shift_right_logical3A_175, %mul3A_177 : vector<16xi32>
    %add3A_179 = vector.broadcast %mul3A_172 : i32 to vector<16xi32>
    %add3A_180 = arith.addi %add3A_179, %mul3A_178 : vector<16xi32>
    %shift_right_logical3A_181 = arith.constant 2 : i32
    %shift_right_logical3A_182 = vector.broadcast %shift_right_logical3A_181 : i32 to vector<16xi32>
    %shift_right_logical3A_183 = arith.shrui %and3A_156, %shift_right_logical3A_182 : vector<16xi32>
    %add3A_184 = arith.addi %add3A_180, %shift_right_logical3A_183 : vector<16xi32>
    %gather3A_185 = tpu.vector_load_idx %arg13[%add3A_170] : memref<512xf32, #tpu.memory_space<vmem>>[vector<16xi32>], vector<16xf32>,
    %gather3A_186 = tpu.vector_load_idx %arg14[%add3A_184] : memref<128xf32, #tpu.memory_space<vmem>>[vector<16xi32>], vector<16xf32>,
    %gather3A_187 = tpu.vector_load_idx %arg15[%add3A_170] : memref<512xi32, #tpu.memory_space<vmem>>[vector<16xi32>], vector<16xi32>,
    %gather3A_188 = tpu.vector_load_idx %arg16[%add3A_184] : memref<128xi32, #tpu.memory_space<vmem>>[vector<16xi32>], vector<16xi32>,
    %get3A_189 = arith.constant 16 : index
    %get3A_190 = tpu.vector_load %arg10[%get3A_189] {strides = array<i32>} : memref<64xf32, #tpu.memory_space<vmem>>, vector<16xf32>,
    %get3A_191 = arith.constant 16 : index
    %get3A_192 = tpu.vector_load %arg11[%get3A_191] {strides = array<i32>} : memref<64xi32, #tpu.memory_space<vmem>>, vector<16xi32>,
    %gt3A_193 = arith.cmpf ogt, %gather3A_185, %get3A_190 : vector<16xf32>
    %select_n3A_194 = arith.select %gt3A_193, %gather3A_185, %get3A_190 : vector<16xi1>, vector<16xf32>
    %select_n3A_195 = arith.select %gt3A_193, %gather3A_187, %get3A_192 : vector<16xi1>, vector<16xi32>
    %add3A_196 = arith.constant 2048 : i32
    %add3A_197 = vector.broadcast %add3A_196 : i32 to vector<16xi32>
    %add3A_198 = arith.addi %add3A_197, %add3A_170 : vector<16xi32>
    %select_n3A_199 = arith.select %gt3A_193, %add3A_198, %add3A_147 : vector<16xi1>, vector<16xi32>
    %gt3A_200 = arith.cmpf ogt, %gather3A_186, %select_n3A_194 : vector<16xf32>
    %select_n3A_201 = arith.select %gt3A_200, %gather3A_188, %select_n3A_195 : vector<16xi1>, vector<16xi32>
    %add3A_202 = arith.constant 2560 : i32
    %add3A_203 = vector.broadcast %add3A_202 : i32 to vector<16xi32>
    %add3A_204 = arith.addi %add3A_203, %add3A_184 : vector<16xi32>
    %select_n3A_205 = arith.select %gt3A_200, %add3A_204, %select_n3A_199 : vector<16xi1>, vector<16xi32>
    %swap3A_206 = arith.constant 16 : index
    %swap3A_207 = tpu.vector_load %arg17[%swap3A_206] {strides = array<i32>} : memref<64xi32, #tpu.memory_space<vmem>>, vector<16xi32>,
    tpu.vector_store %arg17[%swap3A_206], %select_n3A_201 {strides = array<i32>} : memref<64xi32, #tpu.memory_space<vmem>>, vector<16xi32>,
    %swap3A_208 = arith.constant 16 : index
    %swap3A_209 = tpu.vector_load %arg18[%swap3A_208] {strides = array<i32>} : memref<64xi32, #tpu.memory_space<vmem>>, vector<16xi32>,
    tpu.vector_store %arg18[%swap3A_208], %select_n3A_205 {strides = array<i32>} : memref<64xi32, #tpu.memory_space<vmem>>, vector<16xi32>,
    %add3A_210 = arith.constant 32 : i32
    %add3A_211 = arith.addi %mul3A_2, %add3A_210 : i32
    %add3A_212 = vector.broadcast %add3A_211 : i32 to vector<16xi32>
    %add3A_213 = arith.addi %add3A_212, %iota3A : vector<16xi32>
    %shift_right_logical3A_214 = arith.constant 5 : i32
    %shift_right_logical3A_215 = vector.broadcast %shift_right_logical3A_214 : i32 to vector<16xi32>
    %shift_right_logical3A_216 = arith.shrui %add3A_213, %shift_right_logical3A_215 : vector<16xi32>
    %and3A_217 = arith.constant 31 : i32
    %and3A_218 = vector.broadcast %and3A_217 : i32 to vector<16xi32>
    %and3A_219 = arith.andi %shift_right_logical3A_216, %and3A_218 : vector<16xi32>
    %and3A_220 = arith.constant 31 : i32
    %and3A_221 = vector.broadcast %and3A_220 : i32 to vector<16xi32>
    %and3A_222 = arith.andi %add3A_213, %and3A_221 : vector<16xi32>
    %mul3A_223 = arith.constant 256 : i32
    %mul3A_224 = arith.muli %select_n3A, %mul3A_223 : i32
    %shift_right_logical3A_225 = arith.constant 1 : i32
    %shift_right_logical3A_226 = vector.broadcast %shift_right_logical3A_225 : i32 to vector<16xi32>
    %shift_right_logical3A_227 = arith.shrui %and3A_219, %shift_right_logical3A_226 : vector<16xi32>
    %mul3A_228 = arith.constant 16 : i32
    %mul3A_229 = vector.broadcast %mul3A_228 : i32 to vector<16xi32>
    %mul3A_230 = arith.muli %shift_right_logical3A_227, %mul3A_229 : vector<16xi32>
    %add3A_231 = vector.broadcast %mul3A_224 : i32 to vector<16xi32>
    %add3A_232 = arith.addi %add3A_231, %mul3A_230 : vector<16xi32>
    %shift_right_logical3A_233 = arith.constant 1 : i32
    %shift_right_logical3A_234 = vector.broadcast %shift_right_logical3A_233 : i32 to vector<16xi32>
    %shift_right_logical3A_235 = arith.shrui %and3A_222, %shift_right_logical3A_234 : vector<16xi32>
    %add3A_236 = arith.addi %add3A_232, %shift_right_logical3A_235 : vector<16xi32>
    %mul3A_237 = arith.constant 64 : i32
    %mul3A_238 = arith.muli %select_n3A, %mul3A_237 : i32
    %shift_right_logical3A_239 = arith.constant 2 : i32
    %shift_right_logical3A_240 = vector.broadcast %shift_right_logical3A_239 : i32 to vector<16xi32>
    %shift_right_logical3A_241 = arith.shrui %and3A_219, %shift_right_logical3A_240 : vector<16xi32>
    %mul3A_242 = arith.constant 8 : i32
    %mul3A_243 = vector.broadcast %mul3A_242 : i32 to vector<16xi32>
    %mul3A_244 = arith.muli %shift_right_logical3A_241, %mul3A_243 : vector<16xi32>
    %add3A_245 = vector.broadcast %mul3A_238 : i32 to vector<16xi32>
    %add3A_246 = arith.addi %add3A_245, %mul3A_244 : vector<16xi32>
    %shift_right_logical3A_247 = arith.constant 2 : i32
    %shift_right_logical3A_248 = vector.broadcast %shift_right_logical3A_247 : i32 to vector<16xi32>
    %shift_right_logical3A_249 = arith.shrui %and3A_222, %shift_right_logical3A_248 : vector<16xi32>
    %add3A_250 = arith.addi %add3A_246, %shift_right_logical3A_249 : vector<16xi32>
    %gather3A_251 = tpu.vector_load_idx %arg13[%add3A_236] : memref<512xf32, #tpu.memory_space<vmem>>[vector<16xi32>], vector<16xf32>,
    %gather3A_252 = tpu.vector_load_idx %arg14[%add3A_250] : memref<128xf32, #tpu.memory_space<vmem>>[vector<16xi32>], vector<16xf32>,
    %gather3A_253 = tpu.vector_load_idx %arg15[%add3A_236] : memref<512xi32, #tpu.memory_space<vmem>>[vector<16xi32>], vector<16xi32>,
    %gather3A_254 = tpu.vector_load_idx %arg16[%add3A_250] : memref<128xi32, #tpu.memory_space<vmem>>[vector<16xi32>], vector<16xi32>,
    %get3A_255 = arith.constant 32 : index
    %get3A_256 = tpu.vector_load %arg10[%get3A_255] {strides = array<i32>} : memref<64xf32, #tpu.memory_space<vmem>>, vector<16xf32>,
    %get3A_257 = arith.constant 32 : index
    %get3A_258 = tpu.vector_load %arg11[%get3A_257] {strides = array<i32>} : memref<64xi32, #tpu.memory_space<vmem>>, vector<16xi32>,
    %gt3A_259 = arith.cmpf ogt, %gather3A_251, %get3A_256 : vector<16xf32>
    %select_n3A_260 = arith.select %gt3A_259, %gather3A_251, %get3A_256 : vector<16xi1>, vector<16xf32>
    %select_n3A_261 = arith.select %gt3A_259, %gather3A_253, %get3A_258 : vector<16xi1>, vector<16xi32>
    %add3A_262 = arith.constant 2048 : i32
    %add3A_263 = vector.broadcast %add3A_262 : i32 to vector<16xi32>
    %add3A_264 = arith.addi %add3A_263, %add3A_236 : vector<16xi32>
    %select_n3A_265 = arith.select %gt3A_259, %add3A_264, %add3A_213 : vector<16xi1>, vector<16xi32>
    %gt3A_266 = arith.cmpf ogt, %gather3A_252, %select_n3A_260 : vector<16xf32>
    %select_n3A_267 = arith.select %gt3A_266, %gather3A_254, %select_n3A_261 : vector<16xi1>, vector<16xi32>
    %add3A_268 = arith.constant 2560 : i32
    %add3A_269 = vector.broadcast %add3A_268 : i32 to vector<16xi32>
    %add3A_270 = arith.addi %add3A_269, %add3A_250 : vector<16xi32>
    %select_n3A_271 = arith.select %gt3A_266, %add3A_270, %select_n3A_265 : vector<16xi1>, vector<16xi32>
    %swap3A_272 = arith.constant 32 : index
    %swap3A_273 = tpu.vector_load %arg17[%swap3A_272] {strides = array<i32>} : memref<64xi32, #tpu.memory_space<vmem>>, vector<16xi32>,
    tpu.vector_store %arg17[%swap3A_272], %select_n3A_267 {strides = array<i32>} : memref<64xi32, #tpu.memory_space<vmem>>, vector<16xi32>,
    %swap3A_274 = arith.constant 32 : index
    %swap3A_275 = tpu.vector_load %arg18[%swap3A_274] {strides = array<i32>} : memref<64xi32, #tpu.memory_space<vmem>>, vector<16xi32>,
    tpu.vector_store %arg18[%swap3A_274], %select_n3A_271 {strides = array<i32>} : memref<64xi32, #tpu.memory_space<vmem>>, vector<16xi32>,
    %add3A_276 = arith.constant 48 : i32
    %add3A_277 = arith.addi %mul3A_2, %add3A_276 : i32
    %add3A_278 = vector.broadcast %add3A_277 : i32 to vector<16xi32>
    %add3A_279 = arith.addi %add3A_278, %iota3A : vector<16xi32>
    %shift_right_logical3A_280 = arith.constant 5 : i32
    %shift_right_logical3A_281 = vector.broadcast %shift_right_logical3A_280 : i32 to vector<16xi32>
    %shift_right_logical3A_282 = arith.shrui %add3A_279, %shift_right_logical3A_281 : vector<16xi32>
    %and3A_283 = arith.constant 31 : i32
    %and3A_284 = vector.broadcast %and3A_283 : i32 to vector<16xi32>
    %and3A_285 = arith.andi %shift_right_logical3A_282, %and3A_284 : vector<16xi32>
    %and3A_286 = arith.constant 31 : i32
    %and3A_287 = vector.broadcast %and3A_286 : i32 to vector<16xi32>
    %and3A_288 = arith.andi %add3A_279, %and3A_287 : vector<16xi32>
    %mul3A_289 = arith.constant 256 : i32
    %mul3A_290 = arith.muli %select_n3A, %mul3A_289 : i32
    %shift_right_logical3A_291 = arith.constant 1 : i32
    %shift_right_logical3A_292 = vector.broadcast %shift_right_logical3A_291 : i32 to vector<16xi32>
    %shift_right_logical3A_293 = arith.shrui %and3A_285, %shift_right_logical3A_292 : vector<16xi32>
    %mul3A_294 = arith.constant 16 : i32
    %mul3A_295 = vector.broadcast %mul3A_294 : i32 to vector<16xi32>
    %mul3A_296 = arith.muli %shift_right_logical3A_293, %mul3A_295 : vector<16xi32>
    %add3A_297 = vector.broadcast %mul3A_290 : i32 to vector<16xi32>
    %add3A_298 = arith.addi %add3A_297, %mul3A_296 : vector<16xi32>
    %shift_right_logical3A_299 = arith.constant 1 : i32
    %shift_right_logical3A_300 = vector.broadcast %shift_right_logical3A_299 : i32 to vector<16xi32>
    %shift_right_logical3A_301 = arith.shrui %and3A_288, %shift_right_logical3A_300 : vector<16xi32>
    %add3A_302 = arith.addi %add3A_298, %shift_right_logical3A_301 : vector<16xi32>
    %mul3A_303 = arith.constant 64 : i32
    %mul3A_304 = arith.muli %select_n3A, %mul3A_303 : i32
    %shift_right_logical3A_305 = arith.constant 2 : i32
    %shift_right_logical3A_306 = vector.broadcast %shift_right_logical3A_305 : i32 to vector<16xi32>
    %shift_right_logical3A_307 = arith.shrui %and3A_285, %shift_right_logical3A_306 : vector<16xi32>
    %mul3A_308 = arith.constant 8 : i32
    %mul3A_309 = vector.broadcast %mul3A_308 : i32 to vector<16xi32>
    %mul3A_310 = arith.muli %shift_right_logical3A_307, %mul3A_309 : vector<16xi32>
    %add3A_311 = vector.broadcast %mul3A_304 : i32 to vector<16xi32>
    %add3A_312 = arith.addi %add3A_311, %mul3A_310 : vector<16xi32>
    %shift_right_logical3A_313 = arith.constant 2 : i32
    %shift_right_logical3A_314 = vector.broadcast %shift_right_logical3A_313 : i32 to vector<16xi32>
    %shift_right_logical3A_315 = arith.shrui %and3A_288, %shift_right_logical3A_314 : vector<16xi32>
    %add3A_316 = arith.addi %add3A_312, %shift_right_logical3A_315 : vector<16xi32>
    %gather3A_317 = tpu.vector_load_idx %arg13[%add3A_302] : memref<512xf32, #tpu.memory_space<vmem>>[vector<16xi32>], vector<16xf32>,
    %gather3A_318 = tpu.vector_load_idx %arg14[%add3A_316] : memref<128xf32, #tpu.memory_space<vmem>>[vector<16xi32>], vector<16xf32>,
    %gather3A_319 = tpu.vector_load_idx %arg15[%add3A_302] : memref<512xi32, #tpu.memory_space<vmem>>[vector<16xi32>], vector<16xi32>,
    %gather3A_320 = tpu.vector_load_idx %arg16[%add3A_316] : memref<128xi32, #tpu.memory_space<vmem>>[vector<16xi32>], vector<16xi32>,
    %get3A_321 = arith.constant 48 : index
    %get3A_322 = tpu.vector_load %arg10[%get3A_321] {strides = array<i32>} : memref<64xf32, #tpu.memory_space<vmem>>, vector<16xf32>,
    %get3A_323 = arith.constant 48 : index
    %get3A_324 = tpu.vector_load %arg11[%get3A_323] {strides = array<i32>} : memref<64xi32, #tpu.memory_space<vmem>>, vector<16xi32>,
    %gt3A_325 = arith.cmpf ogt, %gather3A_317, %get3A_322 : vector<16xf32>
    %select_n3A_326 = arith.select %gt3A_325, %gather3A_317, %get3A_322 : vector<16xi1>, vector<16xf32>
    %select_n3A_327 = arith.select %gt3A_325, %gather3A_319, %get3A_324 : vector<16xi1>, vector<16xi32>
    %add3A_328 = arith.constant 2048 : i32
    %add3A_329 = vector.broadcast %add3A_328 : i32 to vector<16xi32>
    %add3A_330 = arith.addi %add3A_329, %add3A_302 : vector<16xi32>
    %select_n3A_331 = arith.select %gt3A_325, %add3A_330, %add3A_279 : vector<16xi1>, vector<16xi32>
    %gt3A_332 = arith.cmpf ogt, %gather3A_318, %select_n3A_326 : vector<16xf32>
    %select_n3A_333 = arith.select %gt3A_332, %gather3A_320, %select_n3A_327 : vector<16xi1>, vector<16xi32>
    %add3A_334 = arith.constant 2560 : i32
    %add3A_335 = vector.broadcast %add3A_334 : i32 to vector<16xi32>
    %add3A_336 = arith.addi %add3A_335, %add3A_316 : vector<16xi32>
    %select_n3A_337 = arith.select %gt3A_332, %add3A_336, %select_n3A_331 : vector<16xi1>, vector<16xi32>
    %swap3A_338 = arith.constant 48 : index
    %swap3A_339 = tpu.vector_load %arg17[%swap3A_338] {strides = array<i32>} : memref<64xi32, #tpu.memory_space<vmem>>, vector<16xi32>,
    tpu.vector_store %arg17[%swap3A_338], %select_n3A_333 {strides = array<i32>} : memref<64xi32, #tpu.memory_space<vmem>>, vector<16xi32>,
    %swap3A_340 = arith.constant 48 : index
    %swap3A_341 = tpu.vector_load %arg18[%swap3A_340] {strides = array<i32>} : memref<64xi32, #tpu.memory_space<vmem>>, vector<16xi32>,
    tpu.vector_store %arg18[%swap3A_340], %select_n3A_337 {strides = array<i32>} : memref<64xi32, #tpu.memory_space<vmem>>, vector<16xi32>,
    %dma_start3A_342 = arith.constant 0 : i32
    %dma_start3A_343 = arith.constant 0 : i32
    %dma_start3A_344 = tpu.memref_slice %arg6[%dma_start3A_342, %dma_start3A_343] : memref<8192x32xf32, #tpu.memory_space<hbm>> -> memref<8192x32xf32, #tpu.memory_space<hbm>>
    tpu.enqueue_indirect_dma source(%dma_start3A_344 : memref<8192x32xf32, #tpu.memory_space<hbm>>) target(%arg20 : memref<64x32xf32, #tpu.memory_space<vmem>>) offsets(%arg17 : memref<64xi32, #tpu.memory_space<vmem>>) semaphore(%arg24 : memref<!tpu.dma_semaphore, #tpu.memory_space<semaphore_mem>>)
    %dma_start3A_345 = arith.constant 0 : i32
    %dma_start3A_346 = arith.constant 0 : i32
    %dma_start3A_347 = tpu.memref_slice %arg7[%dma_start3A_345, %dma_start3A_346] : memref<8192x32xf32, #tpu.memory_space<hbm>> -> memref<8192x32xf32, #tpu.memory_space<hbm>>
    tpu.enqueue_indirect_dma source(%dma_start3A_347 : memref<8192x32xf32, #tpu.memory_space<hbm>>) target(%arg21 : memref<64x32xf32, #tpu.memory_space<vmem>>) offsets(%arg12 : memref<64xi32, #tpu.memory_space<vmem>>) semaphore(%arg24 : memref<!tpu.dma_semaphore, #tpu.memory_space<semaphore_mem>>)
    %dma_start3A_348 = arith.constant 0 : i32
    %dma_start3A_349 = arith.constant 0 : i32
    %dma_start3A_350 = tpu.memref_slice %arg5[%dma_start3A_348, %dma_start3A_349] : memref<2816x32xf32, #tpu.memory_space<hbm>> -> memref<2816x32xf32, #tpu.memory_space<hbm>>
    tpu.enqueue_indirect_dma source(%dma_start3A_350 : memref<2816x32xf32, #tpu.memory_space<hbm>>) target(%arg22 : memref<64x32xf32, #tpu.memory_space<vmem>>) offsets(%arg18 : memref<64xi32, #tpu.memory_space<vmem>>) semaphore(%arg24 : memref<!tpu.dma_semaphore, #tpu.memory_space<semaphore_mem>>)
    %dma_wait3A_351 = arith.constant 0 : i32
    %dma_wait3A_352 = arith.constant 0 : i32
    %dma_wait3A_353 = tpu.memref_slice %arg6[%dma_wait3A_351, %dma_wait3A_352] : memref<8192x32xf32, #tpu.memory_space<hbm>> -> memref<8192x32xf32, #tpu.memory_space<hbm>>
    tpu.wait_indirect_dma semaphore(%arg24 : memref<!tpu.dma_semaphore, #tpu.memory_space<semaphore_mem>>) src(%dma_wait3A_353 : memref<8192x32xf32, #tpu.memory_space<hbm>>) dst(%arg20 : memref<64x32xf32, #tpu.memory_space<vmem>>)
    %dma_wait3A_354 = arith.constant 0 : i32
    %dma_wait3A_355 = arith.constant 0 : i32
    %dma_wait3A_356 = tpu.memref_slice %arg7[%dma_wait3A_354, %dma_wait3A_355] : memref<8192x32xf32, #tpu.memory_space<hbm>> -> memref<8192x32xf32, #tpu.memory_space<hbm>>
    tpu.wait_indirect_dma semaphore(%arg24 : memref<!tpu.dma_semaphore, #tpu.memory_space<semaphore_mem>>) src(%dma_wait3A_356 : memref<8192x32xf32, #tpu.memory_space<hbm>>) dst(%arg21 : memref<64x32xf32, #tpu.memory_space<vmem>>)
    %dma_wait3A_357 = arith.constant 0 : i32
    %dma_wait3A_358 = arith.constant 0 : i32
    %dma_wait3A_359 = tpu.memref_slice %arg5[%dma_wait3A_357, %dma_wait3A_358] : memref<2816x32xf32, #tpu.memory_space<hbm>> -> memref<2816x32xf32, #tpu.memory_space<hbm>>
    tpu.wait_indirect_dma semaphore(%arg24 : memref<!tpu.dma_semaphore, #tpu.memory_space<semaphore_mem>>) src(%dma_wait3A_359 : memref<2816x32xf32, #tpu.memory_space<hbm>>) dst(%arg22 : memref<64x32xf32, #tpu.memory_space<vmem>>)
    %broadcast_in_dim3A = arith.constant 0 : i32
    %broadcast_in_dim3A_360 = vector.broadcast %broadcast_in_dim3A : i32 to vector<16xi32>
    %get3A_361 = arith.constant 0 : i32
    %get3A_362 = arith.index_cast %get3A_361 : i32 to index
    %get3A_363 = arith.constant 0 : index
    %get3A_364 = tpu.vector_load %arg22[%get3A_362, %get3A_363] {strides = array<i32>} : memref<64x32xf32, #tpu.memory_space<vmem>>, vector<16xf32>,
    %get3A_365 = arith.constant 0 : i32
    %get3A_366 = arith.index_cast %get3A_365 : i32 to index
    %get3A_367 = arith.constant 0 : index
    %get3A_368 = tpu.vector_load %arg19[%get3A_366, %get3A_367] {strides = array<i32>} : memref<64x32xf32, #tpu.memory_space<vmem>>, vector<16xf32>,
    %add3A_369 = arith.addf %get3A_364, %get3A_368 : vector<16xf32>
    %mul3A_370 = arith.constant 5.000000e-01 : f32
    %mul3A_371 = vector.broadcast %mul3A_370 : f32 to vector<16xf32>
    %mul3A_372 = arith.mulf %add3A_369, %mul3A_371 : vector<16xf32>
    %get3A_373 = arith.constant 0 : i32
    %get3A_374 = arith.index_cast %get3A_373 : i32 to index
    %get3A_375 = arith.constant 0 : index
    %get3A_376 = tpu.vector_load %arg20[%get3A_374, %get3A_375] {strides = array<i32>} : memref<64x32xf32, #tpu.memory_space<vmem>>, vector<16xf32>,
    %get3A_377 = arith.constant 0 : i32
    %get3A_378 = arith.index_cast %get3A_377 : i32 to index
    %get3A_379 = arith.constant 0 : index
    %get3A_380 = tpu.vector_load %arg21[%get3A_378, %get3A_379] {strides = array<i32>} : memref<64x32xf32, #tpu.memory_space<vmem>>, vector<16xf32>,
    %add3A_381 = arith.addf %get3A_376, %get3A_380 : vector<16xf32>
    %mul3A_382 = arith.constant 5.000000e-01 : f32
    %mul3A_383 = vector.broadcast %mul3A_382 : f32 to vector<16xf32>
    %mul3A_384 = arith.mulf %add3A_381, %mul3A_383 : vector<16xf32>
    %add3A_385 = arith.constant 0 : i32
    %add3A_386 = vector.broadcast %add3A_385 : i32 to vector<16xi32>
    %add3A_387 = arith.addi %add3A_386, %iota3A : vector<16xi32>
    %sub3A_388 = arith.subf %mul3A_384, %mul3A_372 : vector<16xf32>
    %add3A_389 = arith.addf %mul3A_372, %sub3A_388 : vector<16xf32>
    tpu.vector_store_idx %arg23[%add3A_387, %broadcast_in_dim3A_360], %add3A_389 : memref<32x64xf32, #tpu.memory_space<vmem>>[vector<16xi32>, vector<16xi32>], vector<16xf32>,
    %get3A_390 = arith.constant 0 : i32
    %get3A_391 = arith.index_cast %get3A_390 : i32 to index
    %get3A_392 = arith.constant 16 : index
    %get3A_393 = tpu.vector_load %arg22[%get3A_391, %get3A_392] {strides = array<i32>} : memref<64x32xf32, #tpu.memory_space<vmem>>, vector<16xf32>,
    %get3A_394 = arith.constant 0 : i32
    %get3A_395 = arith.index_cast %get3A_394 : i32 to index
    %get3A_396 = arith.constant 16 : index
    %get3A_397 = tpu.vector_load %arg19[%get3A_395, %get3A_396] {strides = array<i32>} : memref<64x32xf32, #tpu.memory_space<vmem>>, vector<16xf32>,
    %add3A_398 = arith.addf %get3A_393, %get3A_397 : vector<16xf32>
    %mul3A_399 = arith.constant 5.000000e-01 : f32
    %mul3A_400 = vector.broadcast %mul3A_399 : f32 to vector<16xf32>
    %mul3A_401 = arith.mulf %add3A_398, %mul3A_400 : vector<16xf32>
    %get3A_402 = arith.constant 0 : i32
    %get3A_403 = arith.index_cast %get3A_402 : i32 to index
    %get3A_404 = arith.constant 16 : index
    %get3A_405 = tpu.vector_load %arg20[%get3A_403, %get3A_404] {strides = array<i32>} : memref<64x32xf32, #tpu.memory_space<vmem>>, vector<16xf32>,
    %get3A_406 = arith.constant 0 : i32
    %get3A_407 = arith.index_cast %get3A_406 : i32 to index
    %get3A_408 = arith.constant 16 : index
    %get3A_409 = tpu.vector_load %arg21[%get3A_407, %get3A_408] {strides = array<i32>} : memref<64x32xf32, #tpu.memory_space<vmem>>, vector<16xf32>,
    %add3A_410 = arith.addf %get3A_405, %get3A_409 : vector<16xf32>
    %mul3A_411 = arith.constant 5.000000e-01 : f32
    %mul3A_412 = vector.broadcast %mul3A_411 : f32 to vector<16xf32>
    %mul3A_413 = arith.mulf %add3A_410, %mul3A_412 : vector<16xf32>
    %add3A_414 = arith.constant 16 : i32
    %add3A_415 = vector.broadcast %add3A_414 : i32 to vector<16xi32>
    %add3A_416 = arith.addi %add3A_415, %iota3A : vector<16xi32>
    %sub3A_417 = arith.subf %mul3A_413, %mul3A_401 : vector<16xf32>
    %add3A_418 = arith.addf %mul3A_401, %sub3A_417 : vector<16xf32>
    tpu.vector_store_idx %arg23[%add3A_416, %broadcast_in_dim3A_360], %add3A_418 : memref<32x64xf32, #tpu.memory_space<vmem>>[vector<16xi32>, vector<16xi32>], vector<16xf32>,
    %broadcast_in_dim3A_419 = arith.constant 1 : i32
    %broadcast_in_dim3A_420 = vector.broadcast %broadcast_in_dim3A_419 : i32 to vector<16xi32>
    %get3A_421 = arith.constant 1 : i32
    %get3A_422 = arith.index_cast %get3A_421 : i32 to index
    %get3A_423 = arith.constant 0 : index
    %get3A_424 = tpu.vector_load %arg22[%get3A_422, %get3A_423] {strides = array<i32>} : memref<64x32xf32, #tpu.memory_space<vmem>>, vector<16xf32>,
    %get3A_425 = arith.constant 1 : i32
    %get3A_426 = arith.index_cast %get3A_425 : i32 to index
    %get3A_427 = arith.constant 0 : index
    %get3A_428 = tpu.vector_load %arg19[%get3A_426, %get3A_427] {strides = array<i32>} : memref<64x32xf32, #tpu.memory_space<vmem>>, vector<16xf32>,
    %add3A_429 = arith.addf %get3A_424, %get3A_428 : vector<16xf32>
    %mul3A_430 = arith.constant 5.000000e-01 : f32
    %mul3A_431 = vector.broadcast %mul3A_430 : f32 to vector<16xf32>
    %mul3A_432 = arith.mulf %add3A_429, %mul3A_431 : vector<16xf32>
    %get3A_433 = arith.constant 1 : i32
    %get3A_434 = arith.index_cast %get3A_433 : i32 to index
    %get3A_435 = arith.constant 0 : index
    %get3A_436 = tpu.vector_load %arg20[%get3A_434, %get3A_435] {strides = array<i32>} : memref<64x32xf32, #tpu.memory_space<vmem>>, vector<16xf32>,
    %get3A_437 = arith.constant 1 : i32
    %get3A_438 = arith.index_cast %get3A_437 : i32 to index
    %get3A_439 = arith.constant 0 : index
    %get3A_440 = tpu.vector_load %arg21[%get3A_438, %get3A_439] {strides = array<i32>} : memref<64x32xf32, #tpu.memory_space<vmem>>, vector<16xf32>,
    %add3A_441 = arith.addf %get3A_436, %get3A_440 : vector<16xf32>
    %mul3A_442 = arith.constant 5.000000e-01 : f32
    %mul3A_443 = vector.broadcast %mul3A_442 : f32 to vector<16xf32>
    %mul3A_444 = arith.mulf %add3A_441, %mul3A_443 : vector<16xf32>
    %add3A_445 = arith.constant 0 : i32
    %add3A_446 = vector.broadcast %add3A_445 : i32 to vector<16xi32>
    %add3A_447 = arith.addi %add3A_446, %iota3A : vector<16xi32>
    %sub3A_448 = arith.subf %mul3A_444, %mul3A_432 : vector<16xf32>
    %add3A_449 = arith.addf %mul3A_432, %sub3A_448 : vector<16xf32>
    tpu.vector_store_idx %arg23[%add3A_447, %broadcast_in_dim3A_420], %add3A_449 : memref<32x64xf32, #tpu.memory_space<vmem>>[vector<16xi32>, vector<16xi32>], vector<16xf32>,
    %get3A_450 = arith.constant 1 : i32
    %get3A_451 = arith.index_cast %get3A_450 : i32 to index
    %get3A_452 = arith.constant 16 : index
    %get3A_453 = tpu.vector_load %arg22[%get3A_451, %get3A_452] {strides = array<i32>} : memref<64x32xf32, #tpu.memory_space<vmem>>, vector<16xf32>,
    %get3A_454 = arith.constant 1 : i32
    %get3A_455 = arith.index_cast %get3A_454 : i32 to index
    %get3A_456 = arith.constant 16 : index
    %get3A_457 = tpu.vector_load %arg19[%get3A_455, %get3A_456] {strides = array<i32>} : memref<64x32xf32, #tpu.memory_space<vmem>>, vector<16xf32>,
    %add3A_458 = arith.addf %get3A_453, %get3A_457 : vector<16xf32>
    %mul3A_459 = arith.constant 5.000000e-01 : f32
    %mul3A_460 = vector.broadcast %mul3A_459 : f32 to vector<16xf32>
    %mul3A_461 = arith.mulf %add3A_458, %mul3A_460 : vector<16xf32>
    %get3A_462 = arith.constant 1 : i32
    %get3A_463 = arith.index_cast %get3A_462 : i32 to index
    %get3A_464 = arith.constant 16 : index
    %get3A_465 = tpu.vector_load %arg20[%get3A_463, %get3A_464] {strides = array<i32>} : memref<64x32xf32, #tpu.memory_space<vmem>>, vector<16xf32>,
    %get3A_466 = arith.constant 1 : i32
    %get3A_467 = arith.index_cast %get3A_466 : i32 to index
    %get3A_468 = arith.constant 16 : index
    %get3A_469 = tpu.vector_load %arg21[%get3A_467, %get3A_468] {strides = array<i32>} : memref<64x32xf32, #tpu.memory_space<vmem>>, vector<16xf32>,
    %add3A_470 = arith.addf %get3A_465, %get3A_469 : vector<16xf32>
    %mul3A_471 = arith.constant 5.000000e-01 : f32
    %mul3A_472 = vector.broadcast %mul3A_471 : f32 to vector<16xf32>
    %mul3A_473 = arith.mulf %add3A_470, %mul3A_472 : vector<16xf32>
    %add3A_474 = arith.constant 16 : i32
    %add3A_475 = vector.broadcast %add3A_474 : i32 to vector<16xi32>
    %add3A_476 = arith.addi %add3A_475, %iota3A : vector<16xi32>
    %sub3A_477 = arith.subf %mul3A_473, %mul3A_461 : vector<16xf32>
    %add3A_478 = arith.addf %mul3A_461, %sub3A_477 : vector<16xf32>
    tpu.vector_store_idx %arg23[%add3A_476, %broadcast_in_dim3A_420], %add3A_478 : memref<32x64xf32, #tpu.memory_space<vmem>>[vector<16xi32>, vector<16xi32>], vector<16xf32>,
    %broadcast_in_dim3A_479 = arith.constant 2 : i32
    %broadcast_in_dim3A_480 = vector.broadcast %broadcast_in_dim3A_479 : i32 to vector<16xi32>
    %get3A_481 = arith.constant 2 : i32
    %get3A_482 = arith.index_cast %get3A_481 : i32 to index
    %get3A_483 = arith.constant 0 : index
    %get3A_484 = tpu.vector_load %arg22[%get3A_482, %get3A_483] {strides = array<i32>} : memref<64x32xf32, #tpu.memory_space<vmem>>, vector<16xf32>,
    %get3A_485 = arith.constant 2 : i32
    %get3A_486 = arith.index_cast %get3A_485 : i32 to index
    %get3A_487 = arith.constant 0 : index
    %get3A_488 = tpu.vector_load %arg19[%get3A_486, %get3A_487] {strides = array<i32>} : memref<64x32xf32, #tpu.memory_space<vmem>>, vector<16xf32>,
    %add3A_489 = arith.addf %get3A_484, %get3A_488 : vector<16xf32>
    %mul3A_490 = arith.constant 5.000000e-01 : f32
    %mul3A_491 = vector.broadcast %mul3A_490 : f32 to vector<16xf32>
    %mul3A_492 = arith.mulf %add3A_489, %mul3A_491 : vector<16xf32>
    %get3A_493 = arith.constant 2 : i32
    %get3A_494 = arith.index_cast %get3A_493 : i32 to index
    %get3A_495 = arith.constant 0 : index
    %get3A_496 = tpu.vector_load %arg20[%get3A_494, %get3A_495] {strides = array<i32>} : memref<64x32xf32, #tpu.memory_space<vmem>>, vector<16xf32>,
    %get3A_497 = arith.constant 2 : i32
    %get3A_498 = arith.index_cast %get3A_497 : i32 to index
    %get3A_499 = arith.constant 0 : index
    %get3A_500 = tpu.vector_load %arg21[%get3A_498, %get3A_499] {strides = array<i32>} : memref<64x32xf32, #tpu.memory_space<vmem>>, vector<16xf32>,
    %add3A_501 = arith.addf %get3A_496, %get3A_500 : vector<16xf32>
    %mul3A_502 = arith.constant 5.000000e-01 : f32
    %mul3A_503 = vector.broadcast %mul3A_502 : f32 to vector<16xf32>
    %mul3A_504 = arith.mulf %add3A_501, %mul3A_503 : vector<16xf32>
    %add3A_505 = arith.constant 0 : i32
    %add3A_506 = vector.broadcast %add3A_505 : i32 to vector<16xi32>
    %add3A_507 = arith.addi %add3A_506, %iota3A : vector<16xi32>
    %sub3A_508 = arith.subf %mul3A_504, %mul3A_492 : vector<16xf32>
    %add3A_509 = arith.addf %mul3A_492, %sub3A_508 : vector<16xf32>
    tpu.vector_store_idx %arg23[%add3A_507, %broadcast_in_dim3A_480], %add3A_509 : memref<32x64xf32, #tpu.memory_space<vmem>>[vector<16xi32>, vector<16xi32>], vector<16xf32>,
    %get3A_510 = arith.constant 2 : i32
    %get3A_511 = arith.index_cast %get3A_510 : i32 to index
    %get3A_512 = arith.constant 16 : index
    %get3A_513 = tpu.vector_load %arg22[%get3A_511, %get3A_512] {strides = array<i32>} : memref<64x32xf32, #tpu.memory_space<vmem>>, vector<16xf32>,
    %get3A_514 = arith.constant 2 : i32
    %get3A_515 = arith.index_cast %get3A_514 : i32 to index
    %get3A_516 = arith.constant 16 : index
    %get3A_517 = tpu.vector_load %arg19[%get3A_515, %get3A_516] {strides = array<i32>} : memref<64x32xf32, #tpu.memory_space<vmem>>, vector<16xf32>,
    %add3A_518 = arith.addf %get3A_513, %get3A_517 : vector<16xf32>
    %mul3A_519 = arith.constant 5.000000e-01 : f32
    %mul3A_520 = vector.broadcast %mul3A_519 : f32 to vector<16xf32>
    %mul3A_521 = arith.mulf %add3A_518, %mul3A_520 : vector<16xf32>
    %get3A_522 = arith.constant 2 : i32
    %get3A_523 = arith.index_cast %get3A_522 : i32 to index
    %get3A_524 = arith.constant 16 : index
    %get3A_525 = tpu.vector_load %arg20[%get3A_523, %get3A_524] {strides = array<i32>} : memref<64x32xf32, #tpu.memory_space<vmem>>, vector<16xf32>,
    %get3A_526 = arith.constant 2 : i32
    %get3A_527 = arith.index_cast %get3A_526 : i32 to index
    %get3A_528 = arith.constant 16 : index
    %get3A_529 = tpu.vector_load %arg21[%get3A_527, %get3A_528] {strides = array<i32>} : memref<64x32xf32, #tpu.memory_space<vmem>>, vector<16xf32>,
    %add3A_530 = arith.addf %get3A_525, %get3A_529 : vector<16xf32>
    %mul3A_531 = arith.constant 5.000000e-01 : f32
    %mul3A_532 = vector.broadcast %mul3A_531 : f32 to vector<16xf32>
    %mul3A_533 = arith.mulf %add3A_530, %mul3A_532 : vector<16xf32>
    %add3A_534 = arith.constant 16 : i32
    %add3A_535 = vector.broadcast %add3A_534 : i32 to vector<16xi32>
    %add3A_536 = arith.addi %add3A_535, %iota3A : vector<16xi32>
    %sub3A_537 = arith.subf %mul3A_533, %mul3A_521 : vector<16xf32>
    %add3A_538 = arith.addf %mul3A_521, %sub3A_537 : vector<16xf32>
    tpu.vector_store_idx %arg23[%add3A_536, %broadcast_in_dim3A_480], %add3A_538 : memref<32x64xf32, #tpu.memory_space<vmem>>[vector<16xi32>, vector<16xi32>], vector<16xf32>,
    %broadcast_in_dim3A_539 = arith.constant 3 : i32
    %broadcast_in_dim3A_540 = vector.broadcast %broadcast_in_dim3A_539 : i32 to vector<16xi32>
    %get3A_541 = arith.constant 3 : i32
    %get3A_542 = arith.index_cast %get3A_541 : i32 to index
    %get3A_543 = arith.constant 0 : index
    %get3A_544 = tpu.vector_load %arg22[%get3A_542, %get3A_543] {strides = array<i32>} : memref<64x32xf32, #tpu.memory_space<vmem>>, vector<16xf32>,
    %get3A_545 = arith.constant 3 : i32
    %get3A_546 = arith.index_cast %get3A_545 : i32 to index
    %get3A_547 = arith.constant 0 : index
    %get3A_548 = tpu.vector_load %arg19[%get3A_546, %get3A_547] {strides = array<i32>} : memref<64x32xf32, #tpu.memory_space<vmem>>, vector<16xf32>,
    %add3A_549 = arith.addf %get3A_544, %get3A_548 : vector<16xf32>
    %mul3A_550 = arith.constant 5.000000e-01 : f32
    %mul3A_551 = vector.broadcast %mul3A_550 : f32 to vector<16xf32>
    %mul3A_552 = arith.mulf %add3A_549, %mul3A_551 : vector<16xf32>
    %get3A_553 = arith.constant 3 : i32
    %get3A_554 = arith.index_cast %get3A_553 : i32 to index
    %get3A_555 = arith.constant 0 : index
    %get3A_556 = tpu.vector_load %arg20[%get3A_554, %get3A_555] {strides = array<i32>} : memref<64x32xf32, #tpu.memory_space<vmem>>, vector<16xf32>,
    %get3A_557 = arith.constant 3 : i32
    %get3A_558 = arith.index_cast %get3A_557 : i32 to index
    %get3A_559 = arith.constant 0 : index
    %get3A_560 = tpu.vector_load %arg21[%get3A_558, %get3A_559] {strides = array<i32>} : memref<64x32xf32, #tpu.memory_space<vmem>>, vector<16xf32>,
    %add3A_561 = arith.addf %get3A_556, %get3A_560 : vector<16xf32>
    %mul3A_562 = arith.constant 5.000000e-01 : f32
    %mul3A_563 = vector.broadcast %mul3A_562 : f32 to vector<16xf32>
    %mul3A_564 = arith.mulf %add3A_561, %mul3A_563 : vector<16xf32>
    %add3A_565 = arith.constant 0 : i32
    %add3A_566 = vector.broadcast %add3A_565 : i32 to vector<16xi32>
    %add3A_567 = arith.addi %add3A_566, %iota3A : vector<16xi32>
    %sub3A_568 = arith.subf %mul3A_564, %mul3A_552 : vector<16xf32>
    %add3A_569 = arith.addf %mul3A_552, %sub3A_568 : vector<16xf32>
    tpu.vector_store_idx %arg23[%add3A_567, %broadcast_in_dim3A_540], %add3A_569 : memref<32x64xf32, #tpu.memory_space<vmem>>[vector<16xi32>, vector<16xi32>], vector<16xf32>,
    %get3A_570 = arith.constant 3 : i32
    %get3A_571 = arith.index_cast %get3A_570 : i32 to index
    %get3A_572 = arith.constant 16 : index
    %get3A_573 = tpu.vector_load %arg22[%get3A_571, %get3A_572] {strides = array<i32>} : memref<64x32xf32, #tpu.memory_space<vmem>>, vector<16xf32>,
    %get3A_574 = arith.constant 3 : i32
    %get3A_575 = arith.index_cast %get3A_574 : i32 to index
    %get3A_576 = arith.constant 16 : index
    %get3A_577 = tpu.vector_load %arg19[%get3A_575, %get3A_576] {strides = array<i32>} : memref<64x32xf32, #tpu.memory_space<vmem>>, vector<16xf32>,
    %add3A_578 = arith.addf %get3A_573, %get3A_577 : vector<16xf32>
    %mul3A_579 = arith.constant 5.000000e-01 : f32
    %mul3A_580 = vector.broadcast %mul3A_579 : f32 to vector<16xf32>
    %mul3A_581 = arith.mulf %add3A_578, %mul3A_580 : vector<16xf32>
    %get3A_582 = arith.constant 3 : i32
    %get3A_583 = arith.index_cast %get3A_582 : i32 to index
    %get3A_584 = arith.constant 16 : index
    %get3A_585 = tpu.vector_load %arg20[%get3A_583, %get3A_584] {strides = array<i32>} : memref<64x32xf32, #tpu.memory_space<vmem>>, vector<16xf32>,
    %get3A_586 = arith.constant 3 : i32
    %get3A_587 = arith.index_cast %get3A_586 : i32 to index
    %get3A_588 = arith.constant 16 : index
    %get3A_589 = tpu.vector_load %arg21[%get3A_587, %get3A_588] {strides = array<i32>} : memref<64x32xf32, #tpu.memory_space<vmem>>, vector<16xf32>,
    %add3A_590 = arith.addf %get3A_585, %get3A_589 : vector<16xf32>
    %mul3A_591 = arith.constant 5.000000e-01 : f32
    %mul3A_592 = vector.broadcast %mul3A_591 : f32 to vector<16xf32>
    %mul3A_593 = arith.mulf %add3A_590, %mul3A_592 : vector<16xf32>
    %add3A_594 = arith.constant 16 : i32
    %add3A_595 = vector.broadcast %add3A_594 : i32 to vector<16xi32>
    %add3A_596 = arith.addi %add3A_595, %iota3A : vector<16xi32>
    %sub3A_597 = arith.subf %mul3A_593, %mul3A_581 : vector<16xf32>
    %add3A_598 = arith.addf %mul3A_581, %sub3A_597 : vector<16xf32>
    tpu.vector_store_idx %arg23[%add3A_596, %broadcast_in_dim3A_540], %add3A_598 : memref<32x64xf32, #tpu.memory_space<vmem>>[vector<16xi32>, vector<16xi32>], vector<16xf32>,
    %broadcast_in_dim3A_599 = arith.constant 4 : i32
    %broadcast_in_dim3A_600 = vector.broadcast %broadcast_in_dim3A_599 : i32 to vector<16xi32>
    %get3A_601 = arith.constant 4 : i32
    %get3A_602 = arith.index_cast %get3A_601 : i32 to index
    %get3A_603 = arith.constant 0 : index
    %get3A_604 = tpu.vector_load %arg22[%get3A_602, %get3A_603] {strides = array<i32>} : memref<64x32xf32, #tpu.memory_space<vmem>>, vector<16xf32>,
    %get3A_605 = arith.constant 4 : i32
    %get3A_606 = arith.index_cast %get3A_605 : i32 to index
    %get3A_607 = arith.constant 0 : index
    %get3A_608 = tpu.vector_load %arg19[%get3A_606, %get3A_607] {strides = array<i32>} : memref<64x32xf32, #tpu.memory_space<vmem>>, vector<16xf32>,
    %add3A_609 = arith.addf %get3A_604, %get3A_608 : vector<16xf32>
    %mul3A_610 = arith.constant 5.000000e-01 : f32
    %mul3A_611 = vector.broadcast %mul3A_610 : f32 to vector<16xf32>
    %mul3A_612 = arith.mulf %add3A_609, %mul3A_611 : vector<16xf32>
    %get3A_613 = arith.constant 4 : i32
    %get3A_614 = arith.index_cast %get3A_613 : i32 to index
    %get3A_615 = arith.constant 0 : index
    %get3A_616 = tpu.vector_load %arg20[%get3A_614, %get3A_615] {strides = array<i32>} : memref<64x32xf32, #tpu.memory_space<vmem>>, vector<16xf32>,
    %get3A_617 = arith.constant 4 : i32
    %get3A_618 = arith.index_cast %get3A_617 : i32 to index
    %get3A_619 = arith.constant 0 : index
    %get3A_620 = tpu.vector_load %arg21[%get3A_618, %get3A_619] {strides = array<i32>} : memref<64x32xf32, #tpu.memory_space<vmem>>, vector<16xf32>,
    %add3A_621 = arith.addf %get3A_616, %get3A_620 : vector<16xf32>
    %mul3A_622 = arith.constant 5.000000e-01 : f32
    %mul3A_623 = vector.broadcast %mul3A_622 : f32 to vector<16xf32>
    %mul3A_624 = arith.mulf %add3A_621, %mul3A_623 : vector<16xf32>
    %add3A_625 = arith.constant 0 : i32
    %add3A_626 = vector.broadcast %add3A_625 : i32 to vector<16xi32>
    %add3A_627 = arith.addi %add3A_626, %iota3A : vector<16xi32>
    %sub3A_628 = arith.subf %mul3A_624, %mul3A_612 : vector<16xf32>
    %add3A_629 = arith.addf %mul3A_612, %sub3A_628 : vector<16xf32>
    tpu.vector_store_idx %arg23[%add3A_627, %broadcast_in_dim3A_600], %add3A_629 : memref<32x64xf32, #tpu.memory_space<vmem>>[vector<16xi32>, vector<16xi32>], vector<16xf32>,
    %get3A_630 = arith.constant 4 : i32
    %get3A_631 = arith.index_cast %get3A_630 : i32 to index
    %get3A_632 = arith.constant 16 : index
    %get3A_633 = tpu.vector_load %arg22[%get3A_631, %get3A_632] {strides = array<i32>} : memref<64x32xf32, #tpu.memory_space<vmem>>, vector<16xf32>,
    %get3A_634 = arith.constant 4 : i32
    %get3A_635 = arith.index_cast %get3A_634 : i32 to index
    %get3A_636 = arith.constant 16 : index
    %get3A_637 = tpu.vector_load %arg19[%get3A_635, %get3A_636] {strides = array<i32>} : memref<64x32xf32, #tpu.memory_space<vmem>>, vector<16xf32>,
    %add3A_638 = arith.addf %get3A_633, %get3A_637 : vector<16xf32>
    %mul3A_639 = arith.constant 5.000000e-01 : f32
    %mul3A_640 = vector.broadcast %mul3A_639 : f32 to vector<16xf32>
    %mul3A_641 = arith.mulf %add3A_638, %mul3A_640 : vector<16xf32>
    %get3A_642 = arith.constant 4 : i32
    %get3A_643 = arith.index_cast %get3A_642 : i32 to index
    %get3A_644 = arith.constant 16 : index
    %get3A_645 = tpu.vector_load %arg20[%get3A_643, %get3A_644] {strides = array<i32>} : memref<64x32xf32, #tpu.memory_space<vmem>>, vector<16xf32>,
    %get3A_646 = arith.constant 4 : i32
    %get3A_647 = arith.index_cast %get3A_646 : i32 to index
    %get3A_648 = arith.constant 16 : index
    %get3A_649 = tpu.vector_load %arg21[%get3A_647, %get3A_648] {strides = array<i32>} : memref<64x32xf32, #tpu.memory_space<vmem>>, vector<16xf32>,
    %add3A_650 = arith.addf %get3A_645, %get3A_649 : vector<16xf32>
    %mul3A_651 = arith.constant 5.000000e-01 : f32
    %mul3A_652 = vector.broadcast %mul3A_651 : f32 to vector<16xf32>
    %mul3A_653 = arith.mulf %add3A_650, %mul3A_652 : vector<16xf32>
    %add3A_654 = arith.constant 16 : i32
    %add3A_655 = vector.broadcast %add3A_654 : i32 to vector<16xi32>
    %add3A_656 = arith.addi %add3A_655, %iota3A : vector<16xi32>
    %sub3A_657 = arith.subf %mul3A_653, %mul3A_641 : vector<16xf32>
    %add3A_658 = arith.addf %mul3A_641, %sub3A_657 : vector<16xf32>
    tpu.vector_store_idx %arg23[%add3A_656, %broadcast_in_dim3A_600], %add3A_658 : memref<32x64xf32, #tpu.memory_space<vmem>>[vector<16xi32>, vector<16xi32>], vector<16xf32>,
    %broadcast_in_dim3A_659 = arith.constant 5 : i32
    %broadcast_in_dim3A_660 = vector.broadcast %broadcast_in_dim3A_659 : i32 to vector<16xi32>
    %get3A_661 = arith.constant 5 : i32
    %get3A_662 = arith.index_cast %get3A_661 : i32 to index
    %get3A_663 = arith.constant 0 : index
    %get3A_664 = tpu.vector_load %arg22[%get3A_662, %get3A_663] {strides = array<i32>} : memref<64x32xf32, #tpu.memory_space<vmem>>, vector<16xf32>,
    %get3A_665 = arith.constant 5 : i32
    %get3A_666 = arith.index_cast %get3A_665 : i32 to index
    %get3A_667 = arith.constant 0 : index
    %get3A_668 = tpu.vector_load %arg19[%get3A_666, %get3A_667] {strides = array<i32>} : memref<64x32xf32, #tpu.memory_space<vmem>>, vector<16xf32>,
    %add3A_669 = arith.addf %get3A_664, %get3A_668 : vector<16xf32>
    %mul3A_670 = arith.constant 5.000000e-01 : f32
    %mul3A_671 = vector.broadcast %mul3A_670 : f32 to vector<16xf32>
    %mul3A_672 = arith.mulf %add3A_669, %mul3A_671 : vector<16xf32>
    %get3A_673 = arith.constant 5 : i32
    %get3A_674 = arith.index_cast %get3A_673 : i32 to index
    %get3A_675 = arith.constant 0 : index
    %get3A_676 = tpu.vector_load %arg20[%get3A_674, %get3A_675] {strides = array<i32>} : memref<64x32xf32, #tpu.memory_space<vmem>>, vector<16xf32>,
    %get3A_677 = arith.constant 5 : i32
    %get3A_678 = arith.index_cast %get3A_677 : i32 to index
    %get3A_679 = arith.constant 0 : index
    %get3A_680 = tpu.vector_load %arg21[%get3A_678, %get3A_679] {strides = array<i32>} : memref<64x32xf32, #tpu.memory_space<vmem>>, vector<16xf32>,
    %add3A_681 = arith.addf %get3A_676, %get3A_680 : vector<16xf32>
    %mul3A_682 = arith.constant 5.000000e-01 : f32
    %mul3A_683 = vector.broadcast %mul3A_682 : f32 to vector<16xf32>
    %mul3A_684 = arith.mulf %add3A_681, %mul3A_683 : vector<16xf32>
    %add3A_685 = arith.constant 0 : i32
    %add3A_686 = vector.broadcast %add3A_685 : i32 to vector<16xi32>
    %add3A_687 = arith.addi %add3A_686, %iota3A : vector<16xi32>
    %sub3A_688 = arith.subf %mul3A_684, %mul3A_672 : vector<16xf32>
    %add3A_689 = arith.addf %mul3A_672, %sub3A_688 : vector<16xf32>
    tpu.vector_store_idx %arg23[%add3A_687, %broadcast_in_dim3A_660], %add3A_689 : memref<32x64xf32, #tpu.memory_space<vmem>>[vector<16xi32>, vector<16xi32>], vector<16xf32>,
    %get3A_690 = arith.constant 5 : i32
    %get3A_691 = arith.index_cast %get3A_690 : i32 to index
    %get3A_692 = arith.constant 16 : index
    %get3A_693 = tpu.vector_load %arg22[%get3A_691, %get3A_692] {strides = array<i32>} : memref<64x32xf32, #tpu.memory_space<vmem>>, vector<16xf32>,
    %get3A_694 = arith.constant 5 : i32
    %get3A_695 = arith.index_cast %get3A_694 : i32 to index
    %get3A_696 = arith.constant 16 : index
    %get3A_697 = tpu.vector_load %arg19[%get3A_695, %get3A_696] {strides = array<i32>} : memref<64x32xf32, #tpu.memory_space<vmem>>, vector<16xf32>,
    %add3A_698 = arith.addf %get3A_693, %get3A_697 : vector<16xf32>
    %mul3A_699 = arith.constant 5.000000e-01 : f32
    %mul3A_700 = vector.broadcast %mul3A_699 : f32 to vector<16xf32>
    %mul3A_701 = arith.mulf %add3A_698, %mul3A_700 : vector<16xf32>
    %get3A_702 = arith.constant 5 : i32
    %get3A_703 = arith.index_cast %get3A_702 : i32 to index
    %get3A_704 = arith.constant 16 : index
    %get3A_705 = tpu.vector_load %arg20[%get3A_703, %get3A_704] {strides = array<i32>} : memref<64x32xf32, #tpu.memory_space<vmem>>, vector<16xf32>,
    %get3A_706 = arith.constant 5 : i32
    %get3A_707 = arith.index_cast %get3A_706 : i32 to index
    %get3A_708 = arith.constant 16 : index
    %get3A_709 = tpu.vector_load %arg21[%get3A_707, %get3A_708] {strides = array<i32>} : memref<64x32xf32, #tpu.memory_space<vmem>>, vector<16xf32>,
    %add3A_710 = arith.addf %get3A_705, %get3A_709 : vector<16xf32>
    %mul3A_711 = arith.constant 5.000000e-01 : f32
    %mul3A_712 = vector.broadcast %mul3A_711 : f32 to vector<16xf32>
    %mul3A_713 = arith.mulf %add3A_710, %mul3A_712 : vector<16xf32>
    %add3A_714 = arith.constant 16 : i32
    %add3A_715 = vector.broadcast %add3A_714 : i32 to vector<16xi32>
    %add3A_716 = arith.addi %add3A_715, %iota3A : vector<16xi32>
    %sub3A_717 = arith.subf %mul3A_713, %mul3A_701 : vector<16xf32>
    %add3A_718 = arith.addf %mul3A_701, %sub3A_717 : vector<16xf32>
    tpu.vector_store_idx %arg23[%add3A_716, %broadcast_in_dim3A_660], %add3A_718 : memref<32x64xf32, #tpu.memory_space<vmem>>[vector<16xi32>, vector<16xi32>], vector<16xf32>,
    %broadcast_in_dim3A_719 = arith.constant 6 : i32
    %broadcast_in_dim3A_720 = vector.broadcast %broadcast_in_dim3A_719 : i32 to vector<16xi32>
    %get3A_721 = arith.constant 6 : i32
    %get3A_722 = arith.index_cast %get3A_721 : i32 to index
    %get3A_723 = arith.constant 0 : index
    %get3A_724 = tpu.vector_load %arg22[%get3A_722, %get3A_723] {strides = array<i32>} : memref<64x32xf32, #tpu.memory_space<vmem>>, vector<16xf32>,
    %get3A_725 = arith.constant 6 : i32
    %get3A_726 = arith.index_cast %get3A_725 : i32 to index
    %get3A_727 = arith.constant 0 : index
    %get3A_728 = tpu.vector_load %arg19[%get3A_726, %get3A_727] {strides = array<i32>} : memref<64x32xf32, #tpu.memory_space<vmem>>, vector<16xf32>,
    %add3A_729 = arith.addf %get3A_724, %get3A_728 : vector<16xf32>
    %mul3A_730 = arith.constant 5.000000e-01 : f32
    %mul3A_731 = vector.broadcast %mul3A_730 : f32 to vector<16xf32>
    %mul3A_732 = arith.mulf %add3A_729, %mul3A_731 : vector<16xf32>
    %get3A_733 = arith.constant 6 : i32
    %get3A_734 = arith.index_cast %get3A_733 : i32 to index
    %get3A_735 = arith.constant 0 : index
    %get3A_736 = tpu.vector_load %arg20[%get3A_734, %get3A_735] {strides = array<i32>} : memref<64x32xf32, #tpu.memory_space<vmem>>, vector<16xf32>,
    %get3A_737 = arith.constant 6 : i32
    %get3A_738 = arith.index_cast %get3A_737 : i32 to index
    %get3A_739 = arith.constant 0 : index
    %get3A_740 = tpu.vector_load %arg21[%get3A_738, %get3A_739] {strides = array<i32>} : memref<64x32xf32, #tpu.memory_space<vmem>>, vector<16xf32>,
    %add3A_741 = arith.addf %get3A_736, %get3A_740 : vector<16xf32>
    %mul3A_742 = arith.constant 5.000000e-01 : f32
    %mul3A_743 = vector.broadcast %mul3A_742 : f32 to vector<16xf32>
    %mul3A_744 = arith.mulf %add3A_741, %mul3A_743 : vector<16xf32>
    %add3A_745 = arith.constant 0 : i32
    %add3A_746 = vector.broadcast %add3A_745 : i32 to vector<16xi32>
    %add3A_747 = arith.addi %add3A_746, %iota3A : vector<16xi32>
    %sub3A_748 = arith.subf %mul3A_744, %mul3A_732 : vector<16xf32>
    %add3A_749 = arith.addf %mul3A_732, %sub3A_748 : vector<16xf32>
    tpu.vector_store_idx %arg23[%add3A_747, %broadcast_in_dim3A_720], %add3A_749 : memref<32x64xf32, #tpu.memory_space<vmem>>[vector<16xi32>, vector<16xi32>], vector<16xf32>,
    %get3A_750 = arith.constant 6 : i32
    %get3A_751 = arith.index_cast %get3A_750 : i32 to index
    %get3A_752 = arith.constant 16 : index
    %get3A_753 = tpu.vector_load %arg22[%get3A_751, %get3A_752] {strides = array<i32>} : memref<64x32xf32, #tpu.memory_space<vmem>>, vector<16xf32>,
    %get3A_754 = arith.constant 6 : i32
    %get3A_755 = arith.index_cast %get3A_754 : i32 to index
    %get3A_756 = arith.constant 16 : index
    %get3A_757 = tpu.vector_load %arg19[%get3A_755, %get3A_756] {strides = array<i32>} : memref<64x32xf32, #tpu.memory_space<vmem>>, vector<16xf32>,
    %add3A_758 = arith.addf %get3A_753, %get3A_757 : vector<16xf32>
    %mul3A_759 = arith.constant 5.000000e-01 : f32
    %mul3A_760 = vector.broadcast %mul3A_759 : f32 to vector<16xf32>
    %mul3A_761 = arith.mulf %add3A_758, %mul3A_760 : vector<16xf32>
    %get3A_762 = arith.constant 6 : i32
    %get3A_763 = arith.index_cast %get3A_762 : i32 to index
    %get3A_764 = arith.constant 16 : index
    %get3A_765 = tpu.vector_load %arg20[%get3A_763, %get3A_764] {strides = array<i32>} : memref<64x32xf32, #tpu.memory_space<vmem>>, vector<16xf32>,
    %get3A_766 = arith.constant 6 : i32
    %get3A_767 = arith.index_cast %get3A_766 : i32 to index
    %get3A_768 = arith.constant 16 : index
    %get3A_769 = tpu.vector_load %arg21[%get3A_767, %get3A_768] {strides = array<i32>} : memref<64x32xf32, #tpu.memory_space<vmem>>, vector<16xf32>,
    %add3A_770 = arith.addf %get3A_765, %get3A_769 : vector<16xf32>
    %mul3A_771 = arith.constant 5.000000e-01 : f32
    %mul3A_772 = vector.broadcast %mul3A_771 : f32 to vector<16xf32>
    %mul3A_773 = arith.mulf %add3A_770, %mul3A_772 : vector<16xf32>
    %add3A_774 = arith.constant 16 : i32
    %add3A_775 = vector.broadcast %add3A_774 : i32 to vector<16xi32>
    %add3A_776 = arith.addi %add3A_775, %iota3A : vector<16xi32>
    %sub3A_777 = arith.subf %mul3A_773, %mul3A_761 : vector<16xf32>
    %add3A_778 = arith.addf %mul3A_761, %sub3A_777 : vector<16xf32>
    tpu.vector_store_idx %arg23[%add3A_776, %broadcast_in_dim3A_720], %add3A_778 : memref<32x64xf32, #tpu.memory_space<vmem>>[vector<16xi32>, vector<16xi32>], vector<16xf32>,
    %broadcast_in_dim3A_779 = arith.constant 7 : i32
    %broadcast_in_dim3A_780 = vector.broadcast %broadcast_in_dim3A_779 : i32 to vector<16xi32>
    %get3A_781 = arith.constant 7 : i32
    %get3A_782 = arith.index_cast %get3A_781 : i32 to index
    %get3A_783 = arith.constant 0 : index
    %get3A_784 = tpu.vector_load %arg22[%get3A_782, %get3A_783] {strides = array<i32>} : memref<64x32xf32, #tpu.memory_space<vmem>>, vector<16xf32>,
    %get3A_785 = arith.constant 7 : i32
    %get3A_786 = arith.index_cast %get3A_785 : i32 to index
    %get3A_787 = arith.constant 0 : index
    %get3A_788 = tpu.vector_load %arg19[%get3A_786, %get3A_787] {strides = array<i32>} : memref<64x32xf32, #tpu.memory_space<vmem>>, vector<16xf32>,
    %add3A_789 = arith.addf %get3A_784, %get3A_788 : vector<16xf32>
    %mul3A_790 = arith.constant 5.000000e-01 : f32
    %mul3A_791 = vector.broadcast %mul3A_790 : f32 to vector<16xf32>
    %mul3A_792 = arith.mulf %add3A_789, %mul3A_791 : vector<16xf32>
    %get3A_793 = arith.constant 7 : i32
    %get3A_794 = arith.index_cast %get3A_793 : i32 to index
    %get3A_795 = arith.constant 0 : index
    %get3A_796 = tpu.vector_load %arg20[%get3A_794, %get3A_795] {strides = array<i32>} : memref<64x32xf32, #tpu.memory_space<vmem>>, vector<16xf32>,
    %get3A_797 = arith.constant 7 : i32
    %get3A_798 = arith.index_cast %get3A_797 : i32 to index
    %get3A_799 = arith.constant 0 : index
    %get3A_800 = tpu.vector_load %arg21[%get3A_798, %get3A_799] {strides = array<i32>} : memref<64x32xf32, #tpu.memory_space<vmem>>, vector<16xf32>,
    %add3A_801 = arith.addf %get3A_796, %get3A_800 : vector<16xf32>
    %mul3A_802 = arith.constant 5.000000e-01 : f32
    %mul3A_803 = vector.broadcast %mul3A_802 : f32 to vector<16xf32>
    %mul3A_804 = arith.mulf %add3A_801, %mul3A_803 : vector<16xf32>
    %add3A_805 = arith.constant 0 : i32
    %add3A_806 = vector.broadcast %add3A_805 : i32 to vector<16xi32>
    %add3A_807 = arith.addi %add3A_806, %iota3A : vector<16xi32>
    %sub3A_808 = arith.subf %mul3A_804, %mul3A_792 : vector<16xf32>
    %add3A_809 = arith.addf %mul3A_792, %sub3A_808 : vector<16xf32>
    tpu.vector_store_idx %arg23[%add3A_807, %broadcast_in_dim3A_780], %add3A_809 : memref<32x64xf32, #tpu.memory_space<vmem>>[vector<16xi32>, vector<16xi32>], vector<16xf32>,
    %get3A_810 = arith.constant 7 : i32
    %get3A_811 = arith.index_cast %get3A_810 : i32 to index
    %get3A_812 = arith.constant 16 : index
    %get3A_813 = tpu.vector_load %arg22[%get3A_811, %get3A_812] {strides = array<i32>} : memref<64x32xf32, #tpu.memory_space<vmem>>, vector<16xf32>,
    %get3A_814 = arith.constant 7 : i32
    %get3A_815 = arith.index_cast %get3A_814 : i32 to index
    %get3A_816 = arith.constant 16 : index
    %get3A_817 = tpu.vector_load %arg19[%get3A_815, %get3A_816] {strides = array<i32>} : memref<64x32xf32, #tpu.memory_space<vmem>>, vector<16xf32>,
    %add3A_818 = arith.addf %get3A_813, %get3A_817 : vector<16xf32>
    %mul3A_819 = arith.constant 5.000000e-01 : f32
    %mul3A_820 = vector.broadcast %mul3A_819 : f32 to vector<16xf32>
    %mul3A_821 = arith.mulf %add3A_818, %mul3A_820 : vector<16xf32>
    %get3A_822 = arith.constant 7 : i32
    %get3A_823 = arith.index_cast %get3A_822 : i32 to index
    %get3A_824 = arith.constant 16 : index
    %get3A_825 = tpu.vector_load %arg20[%get3A_823, %get3A_824] {strides = array<i32>} : memref<64x32xf32, #tpu.memory_space<vmem>>, vector<16xf32>,
    %get3A_826 = arith.constant 7 : i32
    %get3A_827 = arith.index_cast %get3A_826 : i32 to index
    %get3A_828 = arith.constant 16 : index
    %get3A_829 = tpu.vector_load %arg21[%get3A_827, %get3A_828] {strides = array<i32>} : memref<64x32xf32, #tpu.memory_space<vmem>>, vector<16xf32>,
    %add3A_830 = arith.addf %get3A_825, %get3A_829 : vector<16xf32>
    %mul3A_831 = arith.constant 5.000000e-01 : f32
    %mul3A_832 = vector.broadcast %mul3A_831 : f32 to vector<16xf32>
    %mul3A_833 = arith.mulf %add3A_830, %mul3A_832 : vector<16xf32>
    %add3A_834 = arith.constant 16 : i32
    %add3A_835 = vector.broadcast %add3A_834 : i32 to vector<16xi32>
    %add3A_836 = arith.addi %add3A_835, %iota3A : vector<16xi32>
    %sub3A_837 = arith.subf %mul3A_833, %mul3A_821 : vector<16xf32>
    %add3A_838 = arith.addf %mul3A_821, %sub3A_837 : vector<16xf32>
    tpu.vector_store_idx %arg23[%add3A_836, %broadcast_in_dim3A_780], %add3A_838 : memref<32x64xf32, #tpu.memory_space<vmem>>[vector<16xi32>, vector<16xi32>], vector<16xf32>,
    %broadcast_in_dim3A_839 = arith.constant 8 : i32
    %broadcast_in_dim3A_840 = vector.broadcast %broadcast_in_dim3A_839 : i32 to vector<16xi32>
    %get3A_841 = arith.constant 8 : i32
    %get3A_842 = arith.index_cast %get3A_841 : i32 to index
    %get3A_843 = arith.constant 0 : index
    %get3A_844 = tpu.vector_load %arg22[%get3A_842, %get3A_843] {strides = array<i32>} : memref<64x32xf32, #tpu.memory_space<vmem>>, vector<16xf32>,
    %get3A_845 = arith.constant 8 : i32
    %get3A_846 = arith.index_cast %get3A_845 : i32 to index
    %get3A_847 = arith.constant 0 : index
    %get3A_848 = tpu.vector_load %arg19[%get3A_846, %get3A_847] {strides = array<i32>} : memref<64x32xf32, #tpu.memory_space<vmem>>, vector<16xf32>,
    %add3A_849 = arith.addf %get3A_844, %get3A_848 : vector<16xf32>
    %mul3A_850 = arith.constant 5.000000e-01 : f32
    %mul3A_851 = vector.broadcast %mul3A_850 : f32 to vector<16xf32>
    %mul3A_852 = arith.mulf %add3A_849, %mul3A_851 : vector<16xf32>
    %get3A_853 = arith.constant 8 : i32
    %get3A_854 = arith.index_cast %get3A_853 : i32 to index
    %get3A_855 = arith.constant 0 : index
    %get3A_856 = tpu.vector_load %arg20[%get3A_854, %get3A_855] {strides = array<i32>} : memref<64x32xf32, #tpu.memory_space<vmem>>, vector<16xf32>,
    %get3A_857 = arith.constant 8 : i32
    %get3A_858 = arith.index_cast %get3A_857 : i32 to index
    %get3A_859 = arith.constant 0 : index
    %get3A_860 = tpu.vector_load %arg21[%get3A_858, %get3A_859] {strides = array<i32>} : memref<64x32xf32, #tpu.memory_space<vmem>>, vector<16xf32>,
    %add3A_861 = arith.addf %get3A_856, %get3A_860 : vector<16xf32>
    %mul3A_862 = arith.constant 5.000000e-01 : f32
    %mul3A_863 = vector.broadcast %mul3A_862 : f32 to vector<16xf32>
    %mul3A_864 = arith.mulf %add3A_861, %mul3A_863 : vector<16xf32>
    %add3A_865 = arith.constant 0 : i32
    %add3A_866 = vector.broadcast %add3A_865 : i32 to vector<16xi32>
    %add3A_867 = arith.addi %add3A_866, %iota3A : vector<16xi32>
    %sub3A_868 = arith.subf %mul3A_864, %mul3A_852 : vector<16xf32>
    %add3A_869 = arith.addf %mul3A_852, %sub3A_868 : vector<16xf32>
    tpu.vector_store_idx %arg23[%add3A_867, %broadcast_in_dim3A_840], %add3A_869 : memref<32x64xf32, #tpu.memory_space<vmem>>[vector<16xi32>, vector<16xi32>], vector<16xf32>,
    %get3A_870 = arith.constant 8 : i32
    %get3A_871 = arith.index_cast %get3A_870 : i32 to index
    %get3A_872 = arith.constant 16 : index
    %get3A_873 = tpu.vector_load %arg22[%get3A_871, %get3A_872] {strides = array<i32>} : memref<64x32xf32, #tpu.memory_space<vmem>>, vector<16xf32>,
    %get3A_874 = arith.constant 8 : i32
    %get3A_875 = arith.index_cast %get3A_874 : i32 to index
    %get3A_876 = arith.constant 16 : index
    %get3A_877 = tpu.vector_load %arg19[%get3A_875, %get3A_876] {strides = array<i32>} : memref<64x32xf32, #tpu.memory_space<vmem>>, vector<16xf32>,
    %add3A_878 = arith.addf %get3A_873, %get3A_877 : vector<16xf32>
    %mul3A_879 = arith.constant 5.000000e-01 : f32
    %mul3A_880 = vector.broadcast %mul3A_879 : f32 to vector<16xf32>
    %mul3A_881 = arith.mulf %add3A_878, %mul3A_880 : vector<16xf32>
    %get3A_882 = arith.constant 8 : i32
    %get3A_883 = arith.index_cast %get3A_882 : i32 to index
    %get3A_884 = arith.constant 16 : index
    %get3A_885 = tpu.vector_load %arg20[%get3A_883, %get3A_884] {strides = array<i32>} : memref<64x32xf32, #tpu.memory_space<vmem>>, vector<16xf32>,
    %get3A_886 = arith.constant 8 : i32
    %get3A_887 = arith.index_cast %get3A_886 : i32 to index
    %get3A_888 = arith.constant 16 : index
    %get3A_889 = tpu.vector_load %arg21[%get3A_887, %get3A_888] {strides = array<i32>} : memref<64x32xf32, #tpu.memory_space<vmem>>, vector<16xf32>,
    %add3A_890 = arith.addf %get3A_885, %get3A_889 : vector<16xf32>
    %mul3A_891 = arith.constant 5.000000e-01 : f32
    %mul3A_892 = vector.broadcast %mul3A_891 : f32 to vector<16xf32>
    %mul3A_893 = arith.mulf %add3A_890, %mul3A_892 : vector<16xf32>
    %add3A_894 = arith.constant 16 : i32
    %add3A_895 = vector.broadcast %add3A_894 : i32 to vector<16xi32>
    %add3A_896 = arith.addi %add3A_895, %iota3A : vector<16xi32>
    %sub3A_897 = arith.subf %mul3A_893, %mul3A_881 : vector<16xf32>
    %add3A_898 = arith.addf %mul3A_881, %sub3A_897 : vector<16xf32>
    tpu.vector_store_idx %arg23[%add3A_896, %broadcast_in_dim3A_840], %add3A_898 : memref<32x64xf32, #tpu.memory_space<vmem>>[vector<16xi32>, vector<16xi32>], vector<16xf32>,
    %broadcast_in_dim3A_899 = arith.constant 9 : i32
    %broadcast_in_dim3A_900 = vector.broadcast %broadcast_in_dim3A_899 : i32 to vector<16xi32>
    %get3A_901 = arith.constant 9 : i32
    %get3A_902 = arith.index_cast %get3A_901 : i32 to index
    %get3A_903 = arith.constant 0 : index
    %get3A_904 = tpu.vector_load %arg22[%get3A_902, %get3A_903] {strides = array<i32>} : memref<64x32xf32, #tpu.memory_space<vmem>>, vector<16xf32>,
    %get3A_905 = arith.constant 9 : i32
    %get3A_906 = arith.index_cast %get3A_905 : i32 to index
    %get3A_907 = arith.constant 0 : index
    %get3A_908 = tpu.vector_load %arg19[%get3A_906, %get3A_907] {strides = array<i32>} : memref<64x32xf32, #tpu.memory_space<vmem>>, vector<16xf32>,
    %add3A_909 = arith.addf %get3A_904, %get3A_908 : vector<16xf32>
    %mul3A_910 = arith.constant 5.000000e-01 : f32
    %mul3A_911 = vector.broadcast %mul3A_910 : f32 to vector<16xf32>
    %mul3A_912 = arith.mulf %add3A_909, %mul3A_911 : vector<16xf32>
    %get3A_913 = arith.constant 9 : i32
    %get3A_914 = arith.index_cast %get3A_913 : i32 to index
    %get3A_915 = arith.constant 0 : index
    %get3A_916 = tpu.vector_load %arg20[%get3A_914, %get3A_915] {strides = array<i32>} : memref<64x32xf32, #tpu.memory_space<vmem>>, vector<16xf32>,
    %get3A_917 = arith.constant 9 : i32
    %get3A_918 = arith.index_cast %get3A_917 : i32 to index
    %get3A_919 = arith.constant 0 : index
    %get3A_920 = tpu.vector_load %arg21[%get3A_918, %get3A_919] {strides = array<i32>} : memref<64x32xf32, #tpu.memory_space<vmem>>, vector<16xf32>,
    %add3A_921 = arith.addf %get3A_916, %get3A_920 : vector<16xf32>
    %mul3A_922 = arith.constant 5.000000e-01 : f32
    %mul3A_923 = vector.broadcast %mul3A_922 : f32 to vector<16xf32>
    %mul3A_924 = arith.mulf %add3A_921, %mul3A_923 : vector<16xf32>
    %add3A_925 = arith.constant 0 : i32
    %add3A_926 = vector.broadcast %add3A_925 : i32 to vector<16xi32>
    %add3A_927 = arith.addi %add3A_926, %iota3A : vector<16xi32>
    %sub3A_928 = arith.subf %mul3A_924, %mul3A_912 : vector<16xf32>
    %add3A_929 = arith.addf %mul3A_912, %sub3A_928 : vector<16xf32>
    tpu.vector_store_idx %arg23[%add3A_927, %broadcast_in_dim3A_900], %add3A_929 : memref<32x64xf32, #tpu.memory_space<vmem>>[vector<16xi32>, vector<16xi32>], vector<16xf32>,
    %get3A_930 = arith.constant 9 : i32
    %get3A_931 = arith.index_cast %get3A_930 : i32 to index
    %get3A_932 = arith.constant 16 : index
    %get3A_933 = tpu.vector_load %arg22[%get3A_931, %get3A_932] {strides = array<i32>} : memref<64x32xf32, #tpu.memory_space<vmem>>, vector<16xf32>,
    %get3A_934 = arith.constant 9 : i32
    %get3A_935 = arith.index_cast %get3A_934 : i32 to index
    %get3A_936 = arith.constant 16 : index
    %get3A_937 = tpu.vector_load %arg19[%get3A_935, %get3A_936] {strides = array<i32>} : memref<64x32xf32, #tpu.memory_space<vmem>>, vector<16xf32>,
    %add3A_938 = arith.addf %get3A_933, %get3A_937 : vector<16xf32>
    %mul3A_939 = arith.constant 5.000000e-01 : f32
    %mul3A_940 = vector.broadcast %mul3A_939 : f32 to vector<16xf32>
    %mul3A_941 = arith.mulf %add3A_938, %mul3A_940 : vector<16xf32>
    %get3A_942 = arith.constant 9 : i32
    %get3A_943 = arith.index_cast %get3A_942 : i32 to index
    %get3A_944 = arith.constant 16 : index
    %get3A_945 = tpu.vector_load %arg20[%get3A_943, %get3A_944] {strides = array<i32>} : memref<64x32xf32, #tpu.memory_space<vmem>>, vector<16xf32>,
    %get3A_946 = arith.constant 9 : i32
    %get3A_947 = arith.index_cast %get3A_946 : i32 to index
    %get3A_948 = arith.constant 16 : index
    %get3A_949 = tpu.vector_load %arg21[%get3A_947, %get3A_948] {strides = array<i32>} : memref<64x32xf32, #tpu.memory_space<vmem>>, vector<16xf32>,
    %add3A_950 = arith.addf %get3A_945, %get3A_949 : vector<16xf32>
    %mul3A_951 = arith.constant 5.000000e-01 : f32
    %mul3A_952 = vector.broadcast %mul3A_951 : f32 to vector<16xf32>
    %mul3A_953 = arith.mulf %add3A_950, %mul3A_952 : vector<16xf32>
    %add3A_954 = arith.constant 16 : i32
    %add3A_955 = vector.broadcast %add3A_954 : i32 to vector<16xi32>
    %add3A_956 = arith.addi %add3A_955, %iota3A : vector<16xi32>
    %sub3A_957 = arith.subf %mul3A_953, %mul3A_941 : vector<16xf32>
    %add3A_958 = arith.addf %mul3A_941, %sub3A_957 : vector<16xf32>
    tpu.vector_store_idx %arg23[%add3A_956, %broadcast_in_dim3A_900], %add3A_958 : memref<32x64xf32, #tpu.memory_space<vmem>>[vector<16xi32>, vector<16xi32>], vector<16xf32>,
    %broadcast_in_dim3A_959 = arith.constant 10 : i32
    %broadcast_in_dim3A_960 = vector.broadcast %broadcast_in_dim3A_959 : i32 to vector<16xi32>
    %get3A_961 = arith.constant 10 : i32
    %get3A_962 = arith.index_cast %get3A_961 : i32 to index
    %get3A_963 = arith.constant 0 : index
    %get3A_964 = tpu.vector_load %arg22[%get3A_962, %get3A_963] {strides = array<i32>} : memref<64x32xf32, #tpu.memory_space<vmem>>, vector<16xf32>,
    %get3A_965 = arith.constant 10 : i32
    %get3A_966 = arith.index_cast %get3A_965 : i32 to index
    %get3A_967 = arith.constant 0 : index
    %get3A_968 = tpu.vector_load %arg19[%get3A_966, %get3A_967] {strides = array<i32>} : memref<64x32xf32, #tpu.memory_space<vmem>>, vector<16xf32>,
    %add3A_969 = arith.addf %get3A_964, %get3A_968 : vector<16xf32>
    %mul3A_970 = arith.constant 5.000000e-01 : f32
    %mul3A_971 = vector.broadcast %mul3A_970 : f32 to vector<16xf32>
    %mul3A_972 = arith.mulf %add3A_969, %mul3A_971 : vector<16xf32>
    %get3A_973 = arith.constant 10 : i32
    %get3A_974 = arith.index_cast %get3A_973 : i32 to index
    %get3A_975 = arith.constant 0 : index
    %get3A_976 = tpu.vector_load %arg20[%get3A_974, %get3A_975] {strides = array<i32>} : memref<64x32xf32, #tpu.memory_space<vmem>>, vector<16xf32>,
    %get3A_977 = arith.constant 10 : i32
    %get3A_978 = arith.index_cast %get3A_977 : i32 to index
    %get3A_979 = arith.constant 0 : index
    %get3A_980 = tpu.vector_load %arg21[%get3A_978, %get3A_979] {strides = array<i32>} : memref<64x32xf32, #tpu.memory_space<vmem>>, vector<16xf32>,
    %add3A_981 = arith.addf %get3A_976, %get3A_980 : vector<16xf32>
    %mul3A_982 = arith.constant 5.000000e-01 : f32
    %mul3A_983 = vector.broadcast %mul3A_982 : f32 to vector<16xf32>
    %mul3A_984 = arith.mulf %add3A_981, %mul3A_983 : vector<16xf32>
    %add3A_985 = arith.constant 0 : i32
    %add3A_986 = vector.broadcast %add3A_985 : i32 to vector<16xi32>
    %add3A_987 = arith.addi %add3A_986, %iota3A : vector<16xi32>
    %sub3A_988 = arith.subf %mul3A_984, %mul3A_972 : vector<16xf32>
    %add3A_989 = arith.addf %mul3A_972, %sub3A_988 : vector<16xf32>
    tpu.vector_store_idx %arg23[%add3A_987, %broadcast_in_dim3A_960], %add3A_989 : memref<32x64xf32, #tpu.memory_space<vmem>>[vector<16xi32>, vector<16xi32>], vector<16xf32>,
    %get3A_990 = arith.constant 10 : i32
    %get3A_991 = arith.index_cast %get3A_990 : i32 to index
    %get3A_992 = arith.constant 16 : index
    %get3A_993 = tpu.vector_load %arg22[%get3A_991, %get3A_992] {strides = array<i32>} : memref<64x32xf32, #tpu.memory_space<vmem>>, vector<16xf32>,
    %get3A_994 = arith.constant 10 : i32
    %get3A_995 = arith.index_cast %get3A_994 : i32 to index
    %get3A_996 = arith.constant 16 : index
    %get3A_997 = tpu.vector_load %arg19[%get3A_995, %get3A_996] {strides = array<i32>} : memref<64x32xf32, #tpu.memory_space<vmem>>, vector<16xf32>,
    %add3A_998 = arith.addf %get3A_993, %get3A_997 : vector<16xf32>
    %mul3A_999 = arith.constant 5.000000e-01 : f32
    %mul3A_1000 = vector.broadcast %mul3A_999 : f32 to vector<16xf32>
    %mul3A_1001 = arith.mulf %add3A_998, %mul3A_1000 : vector<16xf32>
    %get3A_1002 = arith.constant 10 : i32
    %get3A_1003 = arith.index_cast %get3A_1002 : i32 to index
    %get3A_1004 = arith.constant 16 : index
    %get3A_1005 = tpu.vector_load %arg20[%get3A_1003, %get3A_1004] {strides = array<i32>} : memref<64x32xf32, #tpu.memory_space<vmem>>, vector<16xf32>,
    %get3A_1006 = arith.constant 10 : i32
    %get3A_1007 = arith.index_cast %get3A_1006 : i32 to index
    %get3A_1008 = arith.constant 16 : index
    %get3A_1009 = tpu.vector_load %arg21[%get3A_1007, %get3A_1008] {strides = array<i32>} : memref<64x32xf32, #tpu.memory_space<vmem>>, vector<16xf32>,
    %add3A_1010 = arith.addf %get3A_1005, %get3A_1009 : vector<16xf32>
    %mul3A_1011 = arith.constant 5.000000e-01 : f32
    %mul3A_1012 = vector.broadcast %mul3A_1011 : f32 to vector<16xf32>
    %mul3A_1013 = arith.mulf %add3A_1010, %mul3A_1012 : vector<16xf32>
    %add3A_1014 = arith.constant 16 : i32
    %add3A_1015 = vector.broadcast %add3A_1014 : i32 to vector<16xi32>
    %add3A_1016 = arith.addi %add3A_1015, %iota3A : vector<16xi32>
    %sub3A_1017 = arith.subf %mul3A_1013, %mul3A_1001 : vector<16xf32>
    %add3A_1018 = arith.addf %mul3A_1001, %sub3A_1017 : vector<16xf32>
    tpu.vector_store_idx %arg23[%add3A_1016, %broadcast_in_dim3A_960], %add3A_1018 : memref<32x64xf32, #tpu.memory_space<vmem>>[vector<16xi32>, vector<16xi32>], vector<16xf32>,
    %broadcast_in_dim3A_1019 = arith.constant 11 : i32
    %broadcast_in_dim3A_1020 = vector.broadcast %broadcast_in_dim3A_1019 : i32 to vector<16xi32>
    %get3A_1021 = arith.constant 11 : i32
    %get3A_1022 = arith.index_cast %get3A_1021 : i32 to index
    %get3A_1023 = arith.constant 0 : index
    %get3A_1024 = tpu.vector_load %arg22[%get3A_1022, %get3A_1023] {strides = array<i32>} : memref<64x32xf32, #tpu.memory_space<vmem>>, vector<16xf32>,
    %get3A_1025 = arith.constant 11 : i32
    %get3A_1026 = arith.index_cast %get3A_1025 : i32 to index
    %get3A_1027 = arith.constant 0 : index
    %get3A_1028 = tpu.vector_load %arg19[%get3A_1026, %get3A_1027] {strides = array<i32>} : memref<64x32xf32, #tpu.memory_space<vmem>>, vector<16xf32>,
    %add3A_1029 = arith.addf %get3A_1024, %get3A_1028 : vector<16xf32>
    %mul3A_1030 = arith.constant 5.000000e-01 : f32
    %mul3A_1031 = vector.broadcast %mul3A_1030 : f32 to vector<16xf32>
    %mul3A_1032 = arith.mulf %add3A_1029, %mul3A_1031 : vector<16xf32>
    %get3A_1033 = arith.constant 11 : i32
    %get3A_1034 = arith.index_cast %get3A_1033 : i32 to index
    %get3A_1035 = arith.constant 0 : index
    %get3A_1036 = tpu.vector_load %arg20[%get3A_1034, %get3A_1035] {strides = array<i32>} : memref<64x32xf32, #tpu.memory_space<vmem>>, vector<16xf32>,
    %get3A_1037 = arith.constant 11 : i32
    %get3A_1038 = arith.index_cast %get3A_1037 : i32 to index
    %get3A_1039 = arith.constant 0 : index
    %get3A_1040 = tpu.vector_load %arg21[%get3A_1038, %get3A_1039] {strides = array<i32>} : memref<64x32xf32, #tpu.memory_space<vmem>>, vector<16xf32>,
    %add3A_1041 = arith.addf %get3A_1036, %get3A_1040 : vector<16xf32>
    %mul3A_1042 = arith.constant 5.000000e-01 : f32
    %mul3A_1043 = vector.broadcast %mul3A_1042 : f32 to vector<16xf32>
    %mul3A_1044 = arith.mulf %add3A_1041, %mul3A_1043 : vector<16xf32>
    %add3A_1045 = arith.constant 0 : i32
    %add3A_1046 = vector.broadcast %add3A_1045 : i32 to vector<16xi32>
    %add3A_1047 = arith.addi %add3A_1046, %iota3A : vector<16xi32>
    %sub3A_1048 = arith.subf %mul3A_1044, %mul3A_1032 : vector<16xf32>
    %add3A_1049 = arith.addf %mul3A_1032, %sub3A_1048 : vector<16xf32>
    tpu.vector_store_idx %arg23[%add3A_1047, %broadcast_in_dim3A_1020], %add3A_1049 : memref<32x64xf32, #tpu.memory_space<vmem>>[vector<16xi32>, vector<16xi32>], vector<16xf32>,
    %get3A_1050 = arith.constant 11 : i32
    %get3A_1051 = arith.index_cast %get3A_1050 : i32 to index
    %get3A_1052 = arith.constant 16 : index
    %get3A_1053 = tpu.vector_load %arg22[%get3A_1051, %get3A_1052] {strides = array<i32>} : memref<64x32xf32, #tpu.memory_space<vmem>>, vector<16xf32>,
    %get3A_1054 = arith.constant 11 : i32
    %get3A_1055 = arith.index_cast %get3A_1054 : i32 to index
    %get3A_1056 = arith.constant 16 : index
    %get3A_1057 = tpu.vector_load %arg19[%get3A_1055, %get3A_1056] {strides = array<i32>} : memref<64x32xf32, #tpu.memory_space<vmem>>, vector<16xf32>,
    %add3A_1058 = arith.addf %get3A_1053, %get3A_1057 : vector<16xf32>
    %mul3A_1059 = arith.constant 5.000000e-01 : f32
    %mul3A_1060 = vector.broadcast %mul3A_1059 : f32 to vector<16xf32>
    %mul3A_1061 = arith.mulf %add3A_1058, %mul3A_1060 : vector<16xf32>
    %get3A_1062 = arith.constant 11 : i32
    %get3A_1063 = arith.index_cast %get3A_1062 : i32 to index
    %get3A_1064 = arith.constant 16 : index
    %get3A_1065 = tpu.vector_load %arg20[%get3A_1063, %get3A_1064] {strides = array<i32>} : memref<64x32xf32, #tpu.memory_space<vmem>>, vector<16xf32>,
    %get3A_1066 = arith.constant 11 : i32
    %get3A_1067 = arith.index_cast %get3A_1066 : i32 to index
    %get3A_1068 = arith.constant 16 : index
    %get3A_1069 = tpu.vector_load %arg21[%get3A_1067, %get3A_1068] {strides = array<i32>} : memref<64x32xf32, #tpu.memory_space<vmem>>, vector<16xf32>,
    %add3A_1070 = arith.addf %get3A_1065, %get3A_1069 : vector<16xf32>
    %mul3A_1071 = arith.constant 5.000000e-01 : f32
    %mul3A_1072 = vector.broadcast %mul3A_1071 : f32 to vector<16xf32>
    %mul3A_1073 = arith.mulf %add3A_1070, %mul3A_1072 : vector<16xf32>
    %add3A_1074 = arith.constant 16 : i32
    %add3A_1075 = vector.broadcast %add3A_1074 : i32 to vector<16xi32>
    %add3A_1076 = arith.addi %add3A_1075, %iota3A : vector<16xi32>
    %sub3A_1077 = arith.subf %mul3A_1073, %mul3A_1061 : vector<16xf32>
    %add3A_1078 = arith.addf %mul3A_1061, %sub3A_1077 : vector<16xf32>
    tpu.vector_store_idx %arg23[%add3A_1076, %broadcast_in_dim3A_1020], %add3A_1078 : memref<32x64xf32, #tpu.memory_space<vmem>>[vector<16xi32>, vector<16xi32>], vector<16xf32>,
    %broadcast_in_dim3A_1079 = arith.constant 12 : i32
    %broadcast_in_dim3A_1080 = vector.broadcast %broadcast_in_dim3A_1079 : i32 to vector<16xi32>
    %get3A_1081 = arith.constant 12 : i32
    %get3A_1082 = arith.index_cast %get3A_1081 : i32 to index
    %get3A_1083 = arith.constant 0 : index
    %get3A_1084 = tpu.vector_load %arg22[%get3A_1082, %get3A_1083] {strides = array<i32>} : memref<64x32xf32, #tpu.memory_space<vmem>>, vector<16xf32>,
    %get3A_1085 = arith.constant 12 : i32
    %get3A_1086 = arith.index_cast %get3A_1085 : i32 to index
    %get3A_1087 = arith.constant 0 : index
    %get3A_1088 = tpu.vector_load %arg19[%get3A_1086, %get3A_1087] {strides = array<i32>} : memref<64x32xf32, #tpu.memory_space<vmem>>, vector<16xf32>,
    %add3A_1089 = arith.addf %get3A_1084, %get3A_1088 : vector<16xf32>
    %mul3A_1090 = arith.constant 5.000000e-01 : f32
    %mul3A_1091 = vector.broadcast %mul3A_1090 : f32 to vector<16xf32>
    %mul3A_1092 = arith.mulf %add3A_1089, %mul3A_1091 : vector<16xf32>
    %get3A_1093 = arith.constant 12 : i32
    %get3A_1094 = arith.index_cast %get3A_1093 : i32 to index
    %get3A_1095 = arith.constant 0 : index
    %get3A_1096 = tpu.vector_load %arg20[%get3A_1094, %get3A_1095] {strides = array<i32>} : memref<64x32xf32, #tpu.memory_space<vmem>>, vector<16xf32>,
    %get3A_1097 = arith.constant 12 : i32
    %get3A_1098 = arith.index_cast %get3A_1097 : i32 to index
    %get3A_1099 = arith.constant 0 : index
    %get3A_1100 = tpu.vector_load %arg21[%get3A_1098, %get3A_1099] {strides = array<i32>} : memref<64x32xf32, #tpu.memory_space<vmem>>, vector<16xf32>,
    %add3A_1101 = arith.addf %get3A_1096, %get3A_1100 : vector<16xf32>
    %mul3A_1102 = arith.constant 5.000000e-01 : f32
    %mul3A_1103 = vector.broadcast %mul3A_1102 : f32 to vector<16xf32>
    %mul3A_1104 = arith.mulf %add3A_1101, %mul3A_1103 : vector<16xf32>
    %add3A_1105 = arith.constant 0 : i32
    %add3A_1106 = vector.broadcast %add3A_1105 : i32 to vector<16xi32>
    %add3A_1107 = arith.addi %add3A_1106, %iota3A : vector<16xi32>
    %sub3A_1108 = arith.subf %mul3A_1104, %mul3A_1092 : vector<16xf32>
    %add3A_1109 = arith.addf %mul3A_1092, %sub3A_1108 : vector<16xf32>
    tpu.vector_store_idx %arg23[%add3A_1107, %broadcast_in_dim3A_1080], %add3A_1109 : memref<32x64xf32, #tpu.memory_space<vmem>>[vector<16xi32>, vector<16xi32>], vector<16xf32>,
    %get3A_1110 = arith.constant 12 : i32
    %get3A_1111 = arith.index_cast %get3A_1110 : i32 to index
    %get3A_1112 = arith.constant 16 : index
    %get3A_1113 = tpu.vector_load %arg22[%get3A_1111, %get3A_1112] {strides = array<i32>} : memref<64x32xf32, #tpu.memory_space<vmem>>, vector<16xf32>,
    %get3A_1114 = arith.constant 12 : i32
    %get3A_1115 = arith.index_cast %get3A_1114 : i32 to index
    %get3A_1116 = arith.constant 16 : index
    %get3A_1117 = tpu.vector_load %arg19[%get3A_1115, %get3A_1116] {strides = array<i32>} : memref<64x32xf32, #tpu.memory_space<vmem>>, vector<16xf32>,
    %add3A_1118 = arith.addf %get3A_1113, %get3A_1117 : vector<16xf32>
    %mul3A_1119 = arith.constant 5.000000e-01 : f32
    %mul3A_1120 = vector.broadcast %mul3A_1119 : f32 to vector<16xf32>
    %mul3A_1121 = arith.mulf %add3A_1118, %mul3A_1120 : vector<16xf32>
    %get3A_1122 = arith.constant 12 : i32
    %get3A_1123 = arith.index_cast %get3A_1122 : i32 to index
    %get3A_1124 = arith.constant 16 : index
    %get3A_1125 = tpu.vector_load %arg20[%get3A_1123, %get3A_1124] {strides = array<i32>} : memref<64x32xf32, #tpu.memory_space<vmem>>, vector<16xf32>,
    %get3A_1126 = arith.constant 12 : i32
    %get3A_1127 = arith.index_cast %get3A_1126 : i32 to index
    %get3A_1128 = arith.constant 16 : index
    %get3A_1129 = tpu.vector_load %arg21[%get3A_1127, %get3A_1128] {strides = array<i32>} : memref<64x32xf32, #tpu.memory_space<vmem>>, vector<16xf32>,
    %add3A_1130 = arith.addf %get3A_1125, %get3A_1129 : vector<16xf32>
    %mul3A_1131 = arith.constant 5.000000e-01 : f32
    %mul3A_1132 = vector.broadcast %mul3A_1131 : f32 to vector<16xf32>
    %mul3A_1133 = arith.mulf %add3A_1130, %mul3A_1132 : vector<16xf32>
    %add3A_1134 = arith.constant 16 : i32
    %add3A_1135 = vector.broadcast %add3A_1134 : i32 to vector<16xi32>
    %add3A_1136 = arith.addi %add3A_1135, %iota3A : vector<16xi32>
    %sub3A_1137 = arith.subf %mul3A_1133, %mul3A_1121 : vector<16xf32>
    %add3A_1138 = arith.addf %mul3A_1121, %sub3A_1137 : vector<16xf32>
    tpu.vector_store_idx %arg23[%add3A_1136, %broadcast_in_dim3A_1080], %add3A_1138 : memref<32x64xf32, #tpu.memory_space<vmem>>[vector<16xi32>, vector<16xi32>], vector<16xf32>,
    %broadcast_in_dim3A_1139 = arith.constant 13 : i32
    %broadcast_in_dim3A_1140 = vector.broadcast %broadcast_in_dim3A_1139 : i32 to vector<16xi32>
    %get3A_1141 = arith.constant 13 : i32
    %get3A_1142 = arith.index_cast %get3A_1141 : i32 to index
    %get3A_1143 = arith.constant 0 : index
    %get3A_1144 = tpu.vector_load %arg22[%get3A_1142, %get3A_1143] {strides = array<i32>} : memref<64x32xf32, #tpu.memory_space<vmem>>, vector<16xf32>,
    %get3A_1145 = arith.constant 13 : i32
    %get3A_1146 = arith.index_cast %get3A_1145 : i32 to index
    %get3A_1147 = arith.constant 0 : index
    %get3A_1148 = tpu.vector_load %arg19[%get3A_1146, %get3A_1147] {strides = array<i32>} : memref<64x32xf32, #tpu.memory_space<vmem>>, vector<16xf32>,
    %add3A_1149 = arith.addf %get3A_1144, %get3A_1148 : vector<16xf32>
    %mul3A_1150 = arith.constant 5.000000e-01 : f32
    %mul3A_1151 = vector.broadcast %mul3A_1150 : f32 to vector<16xf32>
    %mul3A_1152 = arith.mulf %add3A_1149, %mul3A_1151 : vector<16xf32>
    %get3A_1153 = arith.constant 13 : i32
    %get3A_1154 = arith.index_cast %get3A_1153 : i32 to index
    %get3A_1155 = arith.constant 0 : index
    %get3A_1156 = tpu.vector_load %arg20[%get3A_1154, %get3A_1155] {strides = array<i32>} : memref<64x32xf32, #tpu.memory_space<vmem>>, vector<16xf32>,
    %get3A_1157 = arith.constant 13 : i32
    %get3A_1158 = arith.index_cast %get3A_1157 : i32 to index
    %get3A_1159 = arith.constant 0 : index
    %get3A_1160 = tpu.vector_load %arg21[%get3A_1158, %get3A_1159] {strides = array<i32>} : memref<64x32xf32, #tpu.memory_space<vmem>>, vector<16xf32>,
    %add3A_1161 = arith.addf %get3A_1156, %get3A_1160 : vector<16xf32>
    %mul3A_1162 = arith.constant 5.000000e-01 : f32
    %mul3A_1163 = vector.broadcast %mul3A_1162 : f32 to vector<16xf32>
    %mul3A_1164 = arith.mulf %add3A_1161, %mul3A_1163 : vector<16xf32>
    %add3A_1165 = arith.constant 0 : i32
    %add3A_1166 = vector.broadcast %add3A_1165 : i32 to vector<16xi32>
    %add3A_1167 = arith.addi %add3A_1166, %iota3A : vector<16xi32>
    %sub3A_1168 = arith.subf %mul3A_1164, %mul3A_1152 : vector<16xf32>
    %add3A_1169 = arith.addf %mul3A_1152, %sub3A_1168 : vector<16xf32>
    tpu.vector_store_idx %arg23[%add3A_1167, %broadcast_in_dim3A_1140], %add3A_1169 : memref<32x64xf32, #tpu.memory_space<vmem>>[vector<16xi32>, vector<16xi32>], vector<16xf32>,
    %get3A_1170 = arith.constant 13 : i32
    %get3A_1171 = arith.index_cast %get3A_1170 : i32 to index
    %get3A_1172 = arith.constant 16 : index
    %get3A_1173 = tpu.vector_load %arg22[%get3A_1171, %get3A_1172] {strides = array<i32>} : memref<64x32xf32, #tpu.memory_space<vmem>>, vector<16xf32>,
    %get3A_1174 = arith.constant 13 : i32
    %get3A_1175 = arith.index_cast %get3A_1174 : i32 to index
    %get3A_1176 = arith.constant 16 : index
    %get3A_1177 = tpu.vector_load %arg19[%get3A_1175, %get3A_1176] {strides = array<i32>} : memref<64x32xf32, #tpu.memory_space<vmem>>, vector<16xf32>,
    %add3A_1178 = arith.addf %get3A_1173, %get3A_1177 : vector<16xf32>
    %mul3A_1179 = arith.constant 5.000000e-01 : f32
    %mul3A_1180 = vector.broadcast %mul3A_1179 : f32 to vector<16xf32>
    %mul3A_1181 = arith.mulf %add3A_1178, %mul3A_1180 : vector<16xf32>
    %get3A_1182 = arith.constant 13 : i32
    %get3A_1183 = arith.index_cast %get3A_1182 : i32 to index
    %get3A_1184 = arith.constant 16 : index
    %get3A_1185 = tpu.vector_load %arg20[%get3A_1183, %get3A_1184] {strides = array<i32>} : memref<64x32xf32, #tpu.memory_space<vmem>>, vector<16xf32>,
    %get3A_1186 = arith.constant 13 : i32
    %get3A_1187 = arith.index_cast %get3A_1186 : i32 to index
    %get3A_1188 = arith.constant 16 : index
    %get3A_1189 = tpu.vector_load %arg21[%get3A_1187, %get3A_1188] {strides = array<i32>} : memref<64x32xf32, #tpu.memory_space<vmem>>, vector<16xf32>,
    %add3A_1190 = arith.addf %get3A_1185, %get3A_1189 : vector<16xf32>
    %mul3A_1191 = arith.constant 5.000000e-01 : f32
    %mul3A_1192 = vector.broadcast %mul3A_1191 : f32 to vector<16xf32>
    %mul3A_1193 = arith.mulf %add3A_1190, %mul3A_1192 : vector<16xf32>
    %add3A_1194 = arith.constant 16 : i32
    %add3A_1195 = vector.broadcast %add3A_1194 : i32 to vector<16xi32>
    %add3A_1196 = arith.addi %add3A_1195, %iota3A : vector<16xi32>
    %sub3A_1197 = arith.subf %mul3A_1193, %mul3A_1181 : vector<16xf32>
    %add3A_1198 = arith.addf %mul3A_1181, %sub3A_1197 : vector<16xf32>
    tpu.vector_store_idx %arg23[%add3A_1196, %broadcast_in_dim3A_1140], %add3A_1198 : memref<32x64xf32, #tpu.memory_space<vmem>>[vector<16xi32>, vector<16xi32>], vector<16xf32>,
    %broadcast_in_dim3A_1199 = arith.constant 14 : i32
    %broadcast_in_dim3A_1200 = vector.broadcast %broadcast_in_dim3A_1199 : i32 to vector<16xi32>
    %get3A_1201 = arith.constant 14 : i32
    %get3A_1202 = arith.index_cast %get3A_1201 : i32 to index
    %get3A_1203 = arith.constant 0 : index
    %get3A_1204 = tpu.vector_load %arg22[%get3A_1202, %get3A_1203] {strides = array<i32>} : memref<64x32xf32, #tpu.memory_space<vmem>>, vector<16xf32>,
    %get3A_1205 = arith.constant 14 : i32
    %get3A_1206 = arith.index_cast %get3A_1205 : i32 to index
    %get3A_1207 = arith.constant 0 : index
    %get3A_1208 = tpu.vector_load %arg19[%get3A_1206, %get3A_1207] {strides = array<i32>} : memref<64x32xf32, #tpu.memory_space<vmem>>, vector<16xf32>,
    %add3A_1209 = arith.addf %get3A_1204, %get3A_1208 : vector<16xf32>
    %mul3A_1210 = arith.constant 5.000000e-01 : f32
    %mul3A_1211 = vector.broadcast %mul3A_1210 : f32 to vector<16xf32>
    %mul3A_1212 = arith.mulf %add3A_1209, %mul3A_1211 : vector<16xf32>
    %get3A_1213 = arith.constant 14 : i32
    %get3A_1214 = arith.index_cast %get3A_1213 : i32 to index
    %get3A_1215 = arith.constant 0 : index
    %get3A_1216 = tpu.vector_load %arg20[%get3A_1214, %get3A_1215] {strides = array<i32>} : memref<64x32xf32, #tpu.memory_space<vmem>>, vector<16xf32>,
    %get3A_1217 = arith.constant 14 : i32
    %get3A_1218 = arith.index_cast %get3A_1217 : i32 to index
    %get3A_1219 = arith.constant 0 : index
    %get3A_1220 = tpu.vector_load %arg21[%get3A_1218, %get3A_1219] {strides = array<i32>} : memref<64x32xf32, #tpu.memory_space<vmem>>, vector<16xf32>,
    %add3A_1221 = arith.addf %get3A_1216, %get3A_1220 : vector<16xf32>
    %mul3A_1222 = arith.constant 5.000000e-01 : f32
    %mul3A_1223 = vector.broadcast %mul3A_1222 : f32 to vector<16xf32>
    %mul3A_1224 = arith.mulf %add3A_1221, %mul3A_1223 : vector<16xf32>
    %add3A_1225 = arith.constant 0 : i32
    %add3A_1226 = vector.broadcast %add3A_1225 : i32 to vector<16xi32>
    %add3A_1227 = arith.addi %add3A_1226, %iota3A : vector<16xi32>
    %sub3A_1228 = arith.subf %mul3A_1224, %mul3A_1212 : vector<16xf32>
    %add3A_1229 = arith.addf %mul3A_1212, %sub3A_1228 : vector<16xf32>
    tpu.vector_store_idx %arg23[%add3A_1227, %broadcast_in_dim3A_1200], %add3A_1229 : memref<32x64xf32, #tpu.memory_space<vmem>>[vector<16xi32>, vector<16xi32>], vector<16xf32>,
    %get3A_1230 = arith.constant 14 : i32
    %get3A_1231 = arith.index_cast %get3A_1230 : i32 to index
    %get3A_1232 = arith.constant 16 : index
    %get3A_1233 = tpu.vector_load %arg22[%get3A_1231, %get3A_1232] {strides = array<i32>} : memref<64x32xf32, #tpu.memory_space<vmem>>, vector<16xf32>,
    %get3A_1234 = arith.constant 14 : i32
    %get3A_1235 = arith.index_cast %get3A_1234 : i32 to index
    %get3A_1236 = arith.constant 16 : index
    %get3A_1237 = tpu.vector_load %arg19[%get3A_1235, %get3A_1236] {strides = array<i32>} : memref<64x32xf32, #tpu.memory_space<vmem>>, vector<16xf32>,
    %add3A_1238 = arith.addf %get3A_1233, %get3A_1237 : vector<16xf32>
    %mul3A_1239 = arith.constant 5.000000e-01 : f32
    %mul3A_1240 = vector.broadcast %mul3A_1239 : f32 to vector<16xf32>
    %mul3A_1241 = arith.mulf %add3A_1238, %mul3A_1240 : vector<16xf32>
    %get3A_1242 = arith.constant 14 : i32
    %get3A_1243 = arith.index_cast %get3A_1242 : i32 to index
    %get3A_1244 = arith.constant 16 : index
    %get3A_1245 = tpu.vector_load %arg20[%get3A_1243, %get3A_1244] {strides = array<i32>} : memref<64x32xf32, #tpu.memory_space<vmem>>, vector<16xf32>,
    %get3A_1246 = arith.constant 14 : i32
    %get3A_1247 = arith.index_cast %get3A_1246 : i32 to index
    %get3A_1248 = arith.constant 16 : index
    %get3A_1249 = tpu.vector_load %arg21[%get3A_1247, %get3A_1248] {strides = array<i32>} : memref<64x32xf32, #tpu.memory_space<vmem>>, vector<16xf32>,
    %add3A_1250 = arith.addf %get3A_1245, %get3A_1249 : vector<16xf32>
    %mul3A_1251 = arith.constant 5.000000e-01 : f32
    %mul3A_1252 = vector.broadcast %mul3A_1251 : f32 to vector<16xf32>
    %mul3A_1253 = arith.mulf %add3A_1250, %mul3A_1252 : vector<16xf32>
    %add3A_1254 = arith.constant 16 : i32
    %add3A_1255 = vector.broadcast %add3A_1254 : i32 to vector<16xi32>
    %add3A_1256 = arith.addi %add3A_1255, %iota3A : vector<16xi32>
    %sub3A_1257 = arith.subf %mul3A_1253, %mul3A_1241 : vector<16xf32>
    %add3A_1258 = arith.addf %mul3A_1241, %sub3A_1257 : vector<16xf32>
    tpu.vector_store_idx %arg23[%add3A_1256, %broadcast_in_dim3A_1200], %add3A_1258 : memref<32x64xf32, #tpu.memory_space<vmem>>[vector<16xi32>, vector<16xi32>], vector<16xf32>,
    %broadcast_in_dim3A_1259 = arith.constant 15 : i32
    %broadcast_in_dim3A_1260 = vector.broadcast %broadcast_in_dim3A_1259 : i32 to vector<16xi32>
    %get3A_1261 = arith.constant 15 : i32
    %get3A_1262 = arith.index_cast %get3A_1261 : i32 to index
    %get3A_1263 = arith.constant 0 : index
    %get3A_1264 = tpu.vector_load %arg22[%get3A_1262, %get3A_1263] {strides = array<i32>} : memref<64x32xf32, #tpu.memory_space<vmem>>, vector<16xf32>,
    %get3A_1265 = arith.constant 15 : i32
    %get3A_1266 = arith.index_cast %get3A_1265 : i32 to index
    %get3A_1267 = arith.constant 0 : index
    %get3A_1268 = tpu.vector_load %arg19[%get3A_1266, %get3A_1267] {strides = array<i32>} : memref<64x32xf32, #tpu.memory_space<vmem>>, vector<16xf32>,
    %add3A_1269 = arith.addf %get3A_1264, %get3A_1268 : vector<16xf32>
    %mul3A_1270 = arith.constant 5.000000e-01 : f32
    %mul3A_1271 = vector.broadcast %mul3A_1270 : f32 to vector<16xf32>
    %mul3A_1272 = arith.mulf %add3A_1269, %mul3A_1271 : vector<16xf32>
    %get3A_1273 = arith.constant 15 : i32
    %get3A_1274 = arith.index_cast %get3A_1273 : i32 to index
    %get3A_1275 = arith.constant 0 : index
    %get3A_1276 = tpu.vector_load %arg20[%get3A_1274, %get3A_1275] {strides = array<i32>} : memref<64x32xf32, #tpu.memory_space<vmem>>, vector<16xf32>,
    %get3A_1277 = arith.constant 15 : i32
    %get3A_1278 = arith.index_cast %get3A_1277 : i32 to index
    %get3A_1279 = arith.constant 0 : index
    %get3A_1280 = tpu.vector_load %arg21[%get3A_1278, %get3A_1279] {strides = array<i32>} : memref<64x32xf32, #tpu.memory_space<vmem>>, vector<16xf32>,
    %add3A_1281 = arith.addf %get3A_1276, %get3A_1280 : vector<16xf32>
    %mul3A_1282 = arith.constant 5.000000e-01 : f32
    %mul3A_1283 = vector.broadcast %mul3A_1282 : f32 to vector<16xf32>
    %mul3A_1284 = arith.mulf %add3A_1281, %mul3A_1283 : vector<16xf32>
    %add3A_1285 = arith.constant 0 : i32
    %add3A_1286 = vector.broadcast %add3A_1285 : i32 to vector<16xi32>
    %add3A_1287 = arith.addi %add3A_1286, %iota3A : vector<16xi32>
    %sub3A_1288 = arith.subf %mul3A_1284, %mul3A_1272 : vector<16xf32>
    %add3A_1289 = arith.addf %mul3A_1272, %sub3A_1288 : vector<16xf32>
    tpu.vector_store_idx %arg23[%add3A_1287, %broadcast_in_dim3A_1260], %add3A_1289 : memref<32x64xf32, #tpu.memory_space<vmem>>[vector<16xi32>, vector<16xi32>], vector<16xf32>,
    %get3A_1290 = arith.constant 15 : i32
    %get3A_1291 = arith.index_cast %get3A_1290 : i32 to index
    %get3A_1292 = arith.constant 16 : index
    %get3A_1293 = tpu.vector_load %arg22[%get3A_1291, %get3A_1292] {strides = array<i32>} : memref<64x32xf32, #tpu.memory_space<vmem>>, vector<16xf32>,
    %get3A_1294 = arith.constant 15 : i32
    %get3A_1295 = arith.index_cast %get3A_1294 : i32 to index
    %get3A_1296 = arith.constant 16 : index
    %get3A_1297 = tpu.vector_load %arg19[%get3A_1295, %get3A_1296] {strides = array<i32>} : memref<64x32xf32, #tpu.memory_space<vmem>>, vector<16xf32>,
    %add3A_1298 = arith.addf %get3A_1293, %get3A_1297 : vector<16xf32>
    %mul3A_1299 = arith.constant 5.000000e-01 : f32
    %mul3A_1300 = vector.broadcast %mul3A_1299 : f32 to vector<16xf32>
    %mul3A_1301 = arith.mulf %add3A_1298, %mul3A_1300 : vector<16xf32>
    %get3A_1302 = arith.constant 15 : i32
    %get3A_1303 = arith.index_cast %get3A_1302 : i32 to index
    %get3A_1304 = arith.constant 16 : index
    %get3A_1305 = tpu.vector_load %arg20[%get3A_1303, %get3A_1304] {strides = array<i32>} : memref<64x32xf32, #tpu.memory_space<vmem>>, vector<16xf32>,
    %get3A_1306 = arith.constant 15 : i32
    %get3A_1307 = arith.index_cast %get3A_1306 : i32 to index
    %get3A_1308 = arith.constant 16 : index
    %get3A_1309 = tpu.vector_load %arg21[%get3A_1307, %get3A_1308] {strides = array<i32>} : memref<64x32xf32, #tpu.memory_space<vmem>>, vector<16xf32>,
    %add3A_1310 = arith.addf %get3A_1305, %get3A_1309 : vector<16xf32>
    %mul3A_1311 = arith.constant 5.000000e-01 : f32
    %mul3A_1312 = vector.broadcast %mul3A_1311 : f32 to vector<16xf32>
    %mul3A_1313 = arith.mulf %add3A_1310, %mul3A_1312 : vector<16xf32>
    %add3A_1314 = arith.constant 16 : i32
    %add3A_1315 = vector.broadcast %add3A_1314 : i32 to vector<16xi32>
    %add3A_1316 = arith.addi %add3A_1315, %iota3A : vector<16xi32>
    %sub3A_1317 = arith.subf %mul3A_1313, %mul3A_1301 : vector<16xf32>
    %add3A_1318 = arith.addf %mul3A_1301, %sub3A_1317 : vector<16xf32>
    tpu.vector_store_idx %arg23[%add3A_1316, %broadcast_in_dim3A_1260], %add3A_1318 : memref<32x64xf32, #tpu.memory_space<vmem>>[vector<16xi32>, vector<16xi32>], vector<16xf32>,
    %broadcast_in_dim3A_1319 = arith.constant 16 : i32
    %broadcast_in_dim3A_1320 = vector.broadcast %broadcast_in_dim3A_1319 : i32 to vector<16xi32>
    %get3A_1321 = arith.constant 16 : i32
    %get3A_1322 = arith.index_cast %get3A_1321 : i32 to index
    %get3A_1323 = arith.constant 0 : index
    %get3A_1324 = tpu.vector_load %arg22[%get3A_1322, %get3A_1323] {strides = array<i32>} : memref<64x32xf32, #tpu.memory_space<vmem>>, vector<16xf32>,
    %get3A_1325 = arith.constant 16 : i32
    %get3A_1326 = arith.index_cast %get3A_1325 : i32 to index
    %get3A_1327 = arith.constant 0 : index
    %get3A_1328 = tpu.vector_load %arg19[%get3A_1326, %get3A_1327] {strides = array<i32>} : memref<64x32xf32, #tpu.memory_space<vmem>>, vector<16xf32>,
    %add3A_1329 = arith.addf %get3A_1324, %get3A_1328 : vector<16xf32>
    %mul3A_1330 = arith.constant 5.000000e-01 : f32
    %mul3A_1331 = vector.broadcast %mul3A_1330 : f32 to vector<16xf32>
    %mul3A_1332 = arith.mulf %add3A_1329, %mul3A_1331 : vector<16xf32>
    %get3A_1333 = arith.constant 16 : i32
    %get3A_1334 = arith.index_cast %get3A_1333 : i32 to index
    %get3A_1335 = arith.constant 0 : index
    %get3A_1336 = tpu.vector_load %arg20[%get3A_1334, %get3A_1335] {strides = array<i32>} : memref<64x32xf32, #tpu.memory_space<vmem>>, vector<16xf32>,
    %get3A_1337 = arith.constant 16 : i32
    %get3A_1338 = arith.index_cast %get3A_1337 : i32 to index
    %get3A_1339 = arith.constant 0 : index
    %get3A_1340 = tpu.vector_load %arg21[%get3A_1338, %get3A_1339] {strides = array<i32>} : memref<64x32xf32, #tpu.memory_space<vmem>>, vector<16xf32>,
    %add3A_1341 = arith.addf %get3A_1336, %get3A_1340 : vector<16xf32>
    %mul3A_1342 = arith.constant 5.000000e-01 : f32
    %mul3A_1343 = vector.broadcast %mul3A_1342 : f32 to vector<16xf32>
    %mul3A_1344 = arith.mulf %add3A_1341, %mul3A_1343 : vector<16xf32>
    %add3A_1345 = arith.constant 0 : i32
    %add3A_1346 = vector.broadcast %add3A_1345 : i32 to vector<16xi32>
    %add3A_1347 = arith.addi %add3A_1346, %iota3A : vector<16xi32>
    %sub3A_1348 = arith.subf %mul3A_1344, %mul3A_1332 : vector<16xf32>
    %add3A_1349 = arith.addf %mul3A_1332, %sub3A_1348 : vector<16xf32>
    tpu.vector_store_idx %arg23[%add3A_1347, %broadcast_in_dim3A_1320], %add3A_1349 : memref<32x64xf32, #tpu.memory_space<vmem>>[vector<16xi32>, vector<16xi32>], vector<16xf32>,
    %get3A_1350 = arith.constant 16 : i32
    %get3A_1351 = arith.index_cast %get3A_1350 : i32 to index
    %get3A_1352 = arith.constant 16 : index
    %get3A_1353 = tpu.vector_load %arg22[%get3A_1351, %get3A_1352] {strides = array<i32>} : memref<64x32xf32, #tpu.memory_space<vmem>>, vector<16xf32>,
    %get3A_1354 = arith.constant 16 : i32
    %get3A_1355 = arith.index_cast %get3A_1354 : i32 to index
    %get3A_1356 = arith.constant 16 : index
    %get3A_1357 = tpu.vector_load %arg19[%get3A_1355, %get3A_1356] {strides = array<i32>} : memref<64x32xf32, #tpu.memory_space<vmem>>, vector<16xf32>,
    %add3A_1358 = arith.addf %get3A_1353, %get3A_1357 : vector<16xf32>
    %mul3A_1359 = arith.constant 5.000000e-01 : f32
    %mul3A_1360 = vector.broadcast %mul3A_1359 : f32 to vector<16xf32>
    %mul3A_1361 = arith.mulf %add3A_1358, %mul3A_1360 : vector<16xf32>
    %get3A_1362 = arith.constant 16 : i32
    %get3A_1363 = arith.index_cast %get3A_1362 : i32 to index
    %get3A_1364 = arith.constant 16 : index
    %get3A_1365 = tpu.vector_load %arg20[%get3A_1363, %get3A_1364] {strides = array<i32>} : memref<64x32xf32, #tpu.memory_space<vmem>>, vector<16xf32>,
    %get3A_1366 = arith.constant 16 : i32
    %get3A_1367 = arith.index_cast %get3A_1366 : i32 to index
    %get3A_1368 = arith.constant 16 : index
    %get3A_1369 = tpu.vector_load %arg21[%get3A_1367, %get3A_1368] {strides = array<i32>} : memref<64x32xf32, #tpu.memory_space<vmem>>, vector<16xf32>,
    %add3A_1370 = arith.addf %get3A_1365, %get3A_1369 : vector<16xf32>
    %mul3A_1371 = arith.constant 5.000000e-01 : f32
    %mul3A_1372 = vector.broadcast %mul3A_1371 : f32 to vector<16xf32>
    %mul3A_1373 = arith.mulf %add3A_1370, %mul3A_1372 : vector<16xf32>
    %add3A_1374 = arith.constant 16 : i32
    %add3A_1375 = vector.broadcast %add3A_1374 : i32 to vector<16xi32>
    %add3A_1376 = arith.addi %add3A_1375, %iota3A : vector<16xi32>
    %sub3A_1377 = arith.subf %mul3A_1373, %mul3A_1361 : vector<16xf32>
    %add3A_1378 = arith.addf %mul3A_1361, %sub3A_1377 : vector<16xf32>
    tpu.vector_store_idx %arg23[%add3A_1376, %broadcast_in_dim3A_1320], %add3A_1378 : memref<32x64xf32, #tpu.memory_space<vmem>>[vector<16xi32>, vector<16xi32>], vector<16xf32>,
    %broadcast_in_dim3A_1379 = arith.constant 17 : i32
    %broadcast_in_dim3A_1380 = vector.broadcast %broadcast_in_dim3A_1379 : i32 to vector<16xi32>
    %get3A_1381 = arith.constant 17 : i32
    %get3A_1382 = arith.index_cast %get3A_1381 : i32 to index
    %get3A_1383 = arith.constant 0 : index
    %get3A_1384 = tpu.vector_load %arg22[%get3A_1382, %get3A_1383] {strides = array<i32>} : memref<64x32xf32, #tpu.memory_space<vmem>>, vector<16xf32>,
    %get3A_1385 = arith.constant 17 : i32
    %get3A_1386 = arith.index_cast %get3A_1385 : i32 to index
    %get3A_1387 = arith.constant 0 : index
    %get3A_1388 = tpu.vector_load %arg19[%get3A_1386, %get3A_1387] {strides = array<i32>} : memref<64x32xf32, #tpu.memory_space<vmem>>, vector<16xf32>,
    %add3A_1389 = arith.addf %get3A_1384, %get3A_1388 : vector<16xf32>
    %mul3A_1390 = arith.constant 5.000000e-01 : f32
    %mul3A_1391 = vector.broadcast %mul3A_1390 : f32 to vector<16xf32>
    %mul3A_1392 = arith.mulf %add3A_1389, %mul3A_1391 : vector<16xf32>
    %get3A_1393 = arith.constant 17 : i32
    %get3A_1394 = arith.index_cast %get3A_1393 : i32 to index
    %get3A_1395 = arith.constant 0 : index
    %get3A_1396 = tpu.vector_load %arg20[%get3A_1394, %get3A_1395] {strides = array<i32>} : memref<64x32xf32, #tpu.memory_space<vmem>>, vector<16xf32>,
    %get3A_1397 = arith.constant 17 : i32
    %get3A_1398 = arith.index_cast %get3A_1397 : i32 to index
    %get3A_1399 = arith.constant 0 : index
    %get3A_1400 = tpu.vector_load %arg21[%get3A_1398, %get3A_1399] {strides = array<i32>} : memref<64x32xf32, #tpu.memory_space<vmem>>, vector<16xf32>,
    %add3A_1401 = arith.addf %get3A_1396, %get3A_1400 : vector<16xf32>
    %mul3A_1402 = arith.constant 5.000000e-01 : f32
    %mul3A_1403 = vector.broadcast %mul3A_1402 : f32 to vector<16xf32>
    %mul3A_1404 = arith.mulf %add3A_1401, %mul3A_1403 : vector<16xf32>
    %add3A_1405 = arith.constant 0 : i32
    %add3A_1406 = vector.broadcast %add3A_1405 : i32 to vector<16xi32>
    %add3A_1407 = arith.addi %add3A_1406, %iota3A : vector<16xi32>
    %sub3A_1408 = arith.subf %mul3A_1404, %mul3A_1392 : vector<16xf32>
    %add3A_1409 = arith.addf %mul3A_1392, %sub3A_1408 : vector<16xf32>
    tpu.vector_store_idx %arg23[%add3A_1407, %broadcast_in_dim3A_1380], %add3A_1409 : memref<32x64xf32, #tpu.memory_space<vmem>>[vector<16xi32>, vector<16xi32>], vector<16xf32>,
    %get3A_1410 = arith.constant 17 : i32
    %get3A_1411 = arith.index_cast %get3A_1410 : i32 to index
    %get3A_1412 = arith.constant 16 : index
    %get3A_1413 = tpu.vector_load %arg22[%get3A_1411, %get3A_1412] {strides = array<i32>} : memref<64x32xf32, #tpu.memory_space<vmem>>, vector<16xf32>,
    %get3A_1414 = arith.constant 17 : i32
    %get3A_1415 = arith.index_cast %get3A_1414 : i32 to index
    %get3A_1416 = arith.constant 16 : index
    %get3A_1417 = tpu.vector_load %arg19[%get3A_1415, %get3A_1416] {strides = array<i32>} : memref<64x32xf32, #tpu.memory_space<vmem>>, vector<16xf32>,
    %add3A_1418 = arith.addf %get3A_1413, %get3A_1417 : vector<16xf32>
    %mul3A_1419 = arith.constant 5.000000e-01 : f32
    %mul3A_1420 = vector.broadcast %mul3A_1419 : f32 to vector<16xf32>
    %mul3A_1421 = arith.mulf %add3A_1418, %mul3A_1420 : vector<16xf32>
    %get3A_1422 = arith.constant 17 : i32
    %get3A_1423 = arith.index_cast %get3A_1422 : i32 to index
    %get3A_1424 = arith.constant 16 : index
    %get3A_1425 = tpu.vector_load %arg20[%get3A_1423, %get3A_1424] {strides = array<i32>} : memref<64x32xf32, #tpu.memory_space<vmem>>, vector<16xf32>,
    %get3A_1426 = arith.constant 17 : i32
    %get3A_1427 = arith.index_cast %get3A_1426 : i32 to index
    %get3A_1428 = arith.constant 16 : index
    %get3A_1429 = tpu.vector_load %arg21[%get3A_1427, %get3A_1428] {strides = array<i32>} : memref<64x32xf32, #tpu.memory_space<vmem>>, vector<16xf32>,
    %add3A_1430 = arith.addf %get3A_1425, %get3A_1429 : vector<16xf32>
    %mul3A_1431 = arith.constant 5.000000e-01 : f32
    %mul3A_1432 = vector.broadcast %mul3A_1431 : f32 to vector<16xf32>
    %mul3A_1433 = arith.mulf %add3A_1430, %mul3A_1432 : vector<16xf32>
    %add3A_1434 = arith.constant 16 : i32
    %add3A_1435 = vector.broadcast %add3A_1434 : i32 to vector<16xi32>
    %add3A_1436 = arith.addi %add3A_1435, %iota3A : vector<16xi32>
    %sub3A_1437 = arith.subf %mul3A_1433, %mul3A_1421 : vector<16xf32>
    %add3A_1438 = arith.addf %mul3A_1421, %sub3A_1437 : vector<16xf32>
    tpu.vector_store_idx %arg23[%add3A_1436, %broadcast_in_dim3A_1380], %add3A_1438 : memref<32x64xf32, #tpu.memory_space<vmem>>[vector<16xi32>, vector<16xi32>], vector<16xf32>,
    %broadcast_in_dim3A_1439 = arith.constant 18 : i32
    %broadcast_in_dim3A_1440 = vector.broadcast %broadcast_in_dim3A_1439 : i32 to vector<16xi32>
    %get3A_1441 = arith.constant 18 : i32
    %get3A_1442 = arith.index_cast %get3A_1441 : i32 to index
    %get3A_1443 = arith.constant 0 : index
    %get3A_1444 = tpu.vector_load %arg22[%get3A_1442, %get3A_1443] {strides = array<i32>} : memref<64x32xf32, #tpu.memory_space<vmem>>, vector<16xf32>,
    %get3A_1445 = arith.constant 18 : i32
    %get3A_1446 = arith.index_cast %get3A_1445 : i32 to index
    %get3A_1447 = arith.constant 0 : index
    %get3A_1448 = tpu.vector_load %arg19[%get3A_1446, %get3A_1447] {strides = array<i32>} : memref<64x32xf32, #tpu.memory_space<vmem>>, vector<16xf32>,
    %add3A_1449 = arith.addf %get3A_1444, %get3A_1448 : vector<16xf32>
    %mul3A_1450 = arith.constant 5.000000e-01 : f32
    %mul3A_1451 = vector.broadcast %mul3A_1450 : f32 to vector<16xf32>
    %mul3A_1452 = arith.mulf %add3A_1449, %mul3A_1451 : vector<16xf32>
    %get3A_1453 = arith.constant 18 : i32
    %get3A_1454 = arith.index_cast %get3A_1453 : i32 to index
    %get3A_1455 = arith.constant 0 : index
    %get3A_1456 = tpu.vector_load %arg20[%get3A_1454, %get3A_1455] {strides = array<i32>} : memref<64x32xf32, #tpu.memory_space<vmem>>, vector<16xf32>,
    %get3A_1457 = arith.constant 18 : i32
    %get3A_1458 = arith.index_cast %get3A_1457 : i32 to index
    %get3A_1459 = arith.constant 0 : index
    %get3A_1460 = tpu.vector_load %arg21[%get3A_1458, %get3A_1459] {strides = array<i32>} : memref<64x32xf32, #tpu.memory_space<vmem>>, vector<16xf32>,
    %add3A_1461 = arith.addf %get3A_1456, %get3A_1460 : vector<16xf32>
    %mul3A_1462 = arith.constant 5.000000e-01 : f32
    %mul3A_1463 = vector.broadcast %mul3A_1462 : f32 to vector<16xf32>
    %mul3A_1464 = arith.mulf %add3A_1461, %mul3A_1463 : vector<16xf32>
    %add3A_1465 = arith.constant 0 : i32
    %add3A_1466 = vector.broadcast %add3A_1465 : i32 to vector<16xi32>
    %add3A_1467 = arith.addi %add3A_1466, %iota3A : vector<16xi32>
    %sub3A_1468 = arith.subf %mul3A_1464, %mul3A_1452 : vector<16xf32>
    %add3A_1469 = arith.addf %mul3A_1452, %sub3A_1468 : vector<16xf32>
    tpu.vector_store_idx %arg23[%add3A_1467, %broadcast_in_dim3A_1440], %add3A_1469 : memref<32x64xf32, #tpu.memory_space<vmem>>[vector<16xi32>, vector<16xi32>], vector<16xf32>,
    %get3A_1470 = arith.constant 18 : i32
    %get3A_1471 = arith.index_cast %get3A_1470 : i32 to index
    %get3A_1472 = arith.constant 16 : index
    %get3A_1473 = tpu.vector_load %arg22[%get3A_1471, %get3A_1472] {strides = array<i32>} : memref<64x32xf32, #tpu.memory_space<vmem>>, vector<16xf32>,
    %get3A_1474 = arith.constant 18 : i32
    %get3A_1475 = arith.index_cast %get3A_1474 : i32 to index
    %get3A_1476 = arith.constant 16 : index
    %get3A_1477 = tpu.vector_load %arg19[%get3A_1475, %get3A_1476] {strides = array<i32>} : memref<64x32xf32, #tpu.memory_space<vmem>>, vector<16xf32>,
    %add3A_1478 = arith.addf %get3A_1473, %get3A_1477 : vector<16xf32>
    %mul3A_1479 = arith.constant 5.000000e-01 : f32
    %mul3A_1480 = vector.broadcast %mul3A_1479 : f32 to vector<16xf32>
    %mul3A_1481 = arith.mulf %add3A_1478, %mul3A_1480 : vector<16xf32>
    %get3A_1482 = arith.constant 18 : i32
    %get3A_1483 = arith.index_cast %get3A_1482 : i32 to index
    %get3A_1484 = arith.constant 16 : index
    %get3A_1485 = tpu.vector_load %arg20[%get3A_1483, %get3A_1484] {strides = array<i32>} : memref<64x32xf32, #tpu.memory_space<vmem>>, vector<16xf32>,
    %get3A_1486 = arith.constant 18 : i32
    %get3A_1487 = arith.index_cast %get3A_1486 : i32 to index
    %get3A_1488 = arith.constant 16 : index
    %get3A_1489 = tpu.vector_load %arg21[%get3A_1487, %get3A_1488] {strides = array<i32>} : memref<64x32xf32, #tpu.memory_space<vmem>>, vector<16xf32>,
    %add3A_1490 = arith.addf %get3A_1485, %get3A_1489 : vector<16xf32>
    %mul3A_1491 = arith.constant 5.000000e-01 : f32
    %mul3A_1492 = vector.broadcast %mul3A_1491 : f32 to vector<16xf32>
    %mul3A_1493 = arith.mulf %add3A_1490, %mul3A_1492 : vector<16xf32>
    %add3A_1494 = arith.constant 16 : i32
    %add3A_1495 = vector.broadcast %add3A_1494 : i32 to vector<16xi32>
    %add3A_1496 = arith.addi %add3A_1495, %iota3A : vector<16xi32>
    %sub3A_1497 = arith.subf %mul3A_1493, %mul3A_1481 : vector<16xf32>
    %add3A_1498 = arith.addf %mul3A_1481, %sub3A_1497 : vector<16xf32>
    tpu.vector_store_idx %arg23[%add3A_1496, %broadcast_in_dim3A_1440], %add3A_1498 : memref<32x64xf32, #tpu.memory_space<vmem>>[vector<16xi32>, vector<16xi32>], vector<16xf32>,
    %broadcast_in_dim3A_1499 = arith.constant 19 : i32
    %broadcast_in_dim3A_1500 = vector.broadcast %broadcast_in_dim3A_1499 : i32 to vector<16xi32>
    %get3A_1501 = arith.constant 19 : i32
    %get3A_1502 = arith.index_cast %get3A_1501 : i32 to index
    %get3A_1503 = arith.constant 0 : index
    %get3A_1504 = tpu.vector_load %arg22[%get3A_1502, %get3A_1503] {strides = array<i32>} : memref<64x32xf32, #tpu.memory_space<vmem>>, vector<16xf32>,
    %get3A_1505 = arith.constant 19 : i32
    %get3A_1506 = arith.index_cast %get3A_1505 : i32 to index
    %get3A_1507 = arith.constant 0 : index
    %get3A_1508 = tpu.vector_load %arg19[%get3A_1506, %get3A_1507] {strides = array<i32>} : memref<64x32xf32, #tpu.memory_space<vmem>>, vector<16xf32>,
    %add3A_1509 = arith.addf %get3A_1504, %get3A_1508 : vector<16xf32>
    %mul3A_1510 = arith.constant 5.000000e-01 : f32
    %mul3A_1511 = vector.broadcast %mul3A_1510 : f32 to vector<16xf32>
    %mul3A_1512 = arith.mulf %add3A_1509, %mul3A_1511 : vector<16xf32>
    %get3A_1513 = arith.constant 19 : i32
    %get3A_1514 = arith.index_cast %get3A_1513 : i32 to index
    %get3A_1515 = arith.constant 0 : index
    %get3A_1516 = tpu.vector_load %arg20[%get3A_1514, %get3A_1515] {strides = array<i32>} : memref<64x32xf32, #tpu.memory_space<vmem>>, vector<16xf32>,
    %get3A_1517 = arith.constant 19 : i32
    %get3A_1518 = arith.index_cast %get3A_1517 : i32 to index
    %get3A_1519 = arith.constant 0 : index
    %get3A_1520 = tpu.vector_load %arg21[%get3A_1518, %get3A_1519] {strides = array<i32>} : memref<64x32xf32, #tpu.memory_space<vmem>>, vector<16xf32>,
    %add3A_1521 = arith.addf %get3A_1516, %get3A_1520 : vector<16xf32>
    %mul3A_1522 = arith.constant 5.000000e-01 : f32
    %mul3A_1523 = vector.broadcast %mul3A_1522 : f32 to vector<16xf32>
    %mul3A_1524 = arith.mulf %add3A_1521, %mul3A_1523 : vector<16xf32>
    %add3A_1525 = arith.constant 0 : i32
    %add3A_1526 = vector.broadcast %add3A_1525 : i32 to vector<16xi32>
    %add3A_1527 = arith.addi %add3A_1526, %iota3A : vector<16xi32>
    %sub3A_1528 = arith.subf %mul3A_1524, %mul3A_1512 : vector<16xf32>
    %add3A_1529 = arith.addf %mul3A_1512, %sub3A_1528 : vector<16xf32>
    tpu.vector_store_idx %arg23[%add3A_1527, %broadcast_in_dim3A_1500], %add3A_1529 : memref<32x64xf32, #tpu.memory_space<vmem>>[vector<16xi32>, vector<16xi32>], vector<16xf32>,
    %get3A_1530 = arith.constant 19 : i32
    %get3A_1531 = arith.index_cast %get3A_1530 : i32 to index
    %get3A_1532 = arith.constant 16 : index
    %get3A_1533 = tpu.vector_load %arg22[%get3A_1531, %get3A_1532] {strides = array<i32>} : memref<64x32xf32, #tpu.memory_space<vmem>>, vector<16xf32>,
    %get3A_1534 = arith.constant 19 : i32
    %get3A_1535 = arith.index_cast %get3A_1534 : i32 to index
    %get3A_1536 = arith.constant 16 : index
    %get3A_1537 = tpu.vector_load %arg19[%get3A_1535, %get3A_1536] {strides = array<i32>} : memref<64x32xf32, #tpu.memory_space<vmem>>, vector<16xf32>,
    %add3A_1538 = arith.addf %get3A_1533, %get3A_1537 : vector<16xf32>
    %mul3A_1539 = arith.constant 5.000000e-01 : f32
    %mul3A_1540 = vector.broadcast %mul3A_1539 : f32 to vector<16xf32>
    %mul3A_1541 = arith.mulf %add3A_1538, %mul3A_1540 : vector<16xf32>
    %get3A_1542 = arith.constant 19 : i32
    %get3A_1543 = arith.index_cast %get3A_1542 : i32 to index
    %get3A_1544 = arith.constant 16 : index
    %get3A_1545 = tpu.vector_load %arg20[%get3A_1543, %get3A_1544] {strides = array<i32>} : memref<64x32xf32, #tpu.memory_space<vmem>>, vector<16xf32>,
    %get3A_1546 = arith.constant 19 : i32
    %get3A_1547 = arith.index_cast %get3A_1546 : i32 to index
    %get3A_1548 = arith.constant 16 : index
    %get3A_1549 = tpu.vector_load %arg21[%get3A_1547, %get3A_1548] {strides = array<i32>} : memref<64x32xf32, #tpu.memory_space<vmem>>, vector<16xf32>,
    %add3A_1550 = arith.addf %get3A_1545, %get3A_1549 : vector<16xf32>
    %mul3A_1551 = arith.constant 5.000000e-01 : f32
    %mul3A_1552 = vector.broadcast %mul3A_1551 : f32 to vector<16xf32>
    %mul3A_1553 = arith.mulf %add3A_1550, %mul3A_1552 : vector<16xf32>
    %add3A_1554 = arith.constant 16 : i32
    %add3A_1555 = vector.broadcast %add3A_1554 : i32 to vector<16xi32>
    %add3A_1556 = arith.addi %add3A_1555, %iota3A : vector<16xi32>
    %sub3A_1557 = arith.subf %mul3A_1553, %mul3A_1541 : vector<16xf32>
    %add3A_1558 = arith.addf %mul3A_1541, %sub3A_1557 : vector<16xf32>
    tpu.vector_store_idx %arg23[%add3A_1556, %broadcast_in_dim3A_1500], %add3A_1558 : memref<32x64xf32, #tpu.memory_space<vmem>>[vector<16xi32>, vector<16xi32>], vector<16xf32>,
    %broadcast_in_dim3A_1559 = arith.constant 20 : i32
    %broadcast_in_dim3A_1560 = vector.broadcast %broadcast_in_dim3A_1559 : i32 to vector<16xi32>
    %get3A_1561 = arith.constant 20 : i32
    %get3A_1562 = arith.index_cast %get3A_1561 : i32 to index
    %get3A_1563 = arith.constant 0 : index
    %get3A_1564 = tpu.vector_load %arg22[%get3A_1562, %get3A_1563] {strides = array<i32>} : memref<64x32xf32, #tpu.memory_space<vmem>>, vector<16xf32>,
    %get3A_1565 = arith.constant 20 : i32
    %get3A_1566 = arith.index_cast %get3A_1565 : i32 to index
    %get3A_1567 = arith.constant 0 : index
    %get3A_1568 = tpu.vector_load %arg19[%get3A_1566, %get3A_1567] {strides = array<i32>} : memref<64x32xf32, #tpu.memory_space<vmem>>, vector<16xf32>,
    %add3A_1569 = arith.addf %get3A_1564, %get3A_1568 : vector<16xf32>
    %mul3A_1570 = arith.constant 5.000000e-01 : f32
    %mul3A_1571 = vector.broadcast %mul3A_1570 : f32 to vector<16xf32>
    %mul3A_1572 = arith.mulf %add3A_1569, %mul3A_1571 : vector<16xf32>
    %get3A_1573 = arith.constant 20 : i32
    %get3A_1574 = arith.index_cast %get3A_1573 : i32 to index
    %get3A_1575 = arith.constant 0 : index
    %get3A_1576 = tpu.vector_load %arg20[%get3A_1574, %get3A_1575] {strides = array<i32>} : memref<64x32xf32, #tpu.memory_space<vmem>>, vector<16xf32>,
    %get3A_1577 = arith.constant 20 : i32
    %get3A_1578 = arith.index_cast %get3A_1577 : i32 to index
    %get3A_1579 = arith.constant 0 : index
    %get3A_1580 = tpu.vector_load %arg21[%get3A_1578, %get3A_1579] {strides = array<i32>} : memref<64x32xf32, #tpu.memory_space<vmem>>, vector<16xf32>,
    %add3A_1581 = arith.addf %get3A_1576, %get3A_1580 : vector<16xf32>
    %mul3A_1582 = arith.constant 5.000000e-01 : f32
    %mul3A_1583 = vector.broadcast %mul3A_1582 : f32 to vector<16xf32>
    %mul3A_1584 = arith.mulf %add3A_1581, %mul3A_1583 : vector<16xf32>
    %add3A_1585 = arith.constant 0 : i32
    %add3A_1586 = vector.broadcast %add3A_1585 : i32 to vector<16xi32>
    %add3A_1587 = arith.addi %add3A_1586, %iota3A : vector<16xi32>
    %sub3A_1588 = arith.subf %mul3A_1584, %mul3A_1572 : vector<16xf32>
    %add3A_1589 = arith.addf %mul3A_1572, %sub3A_1588 : vector<16xf32>
    tpu.vector_store_idx %arg23[%add3A_1587, %broadcast_in_dim3A_1560], %add3A_1589 : memref<32x64xf32, #tpu.memory_space<vmem>>[vector<16xi32>, vector<16xi32>], vector<16xf32>,
    %get3A_1590 = arith.constant 20 : i32
    %get3A_1591 = arith.index_cast %get3A_1590 : i32 to index
    %get3A_1592 = arith.constant 16 : index
    %get3A_1593 = tpu.vector_load %arg22[%get3A_1591, %get3A_1592] {strides = array<i32>} : memref<64x32xf32, #tpu.memory_space<vmem>>, vector<16xf32>,
    %get3A_1594 = arith.constant 20 : i32
    %get3A_1595 = arith.index_cast %get3A_1594 : i32 to index
    %get3A_1596 = arith.constant 16 : index
    %get3A_1597 = tpu.vector_load %arg19[%get3A_1595, %get3A_1596] {strides = array<i32>} : memref<64x32xf32, #tpu.memory_space<vmem>>, vector<16xf32>,
    %add3A_1598 = arith.addf %get3A_1593, %get3A_1597 : vector<16xf32>
    %mul3A_1599 = arith.constant 5.000000e-01 : f32
    %mul3A_1600 = vector.broadcast %mul3A_1599 : f32 to vector<16xf32>
    %mul3A_1601 = arith.mulf %add3A_1598, %mul3A_1600 : vector<16xf32>
    %get3A_1602 = arith.constant 20 : i32
    %get3A_1603 = arith.index_cast %get3A_1602 : i32 to index
    %get3A_1604 = arith.constant 16 : index
    %get3A_1605 = tpu.vector_load %arg20[%get3A_1603, %get3A_1604] {strides = array<i32>} : memref<64x32xf32, #tpu.memory_space<vmem>>, vector<16xf32>,
    %get3A_1606 = arith.constant 20 : i32
    %get3A_1607 = arith.index_cast %get3A_1606 : i32 to index
    %get3A_1608 = arith.constant 16 : index
    %get3A_1609 = tpu.vector_load %arg21[%get3A_1607, %get3A_1608] {strides = array<i32>} : memref<64x32xf32, #tpu.memory_space<vmem>>, vector<16xf32>,
    %add3A_1610 = arith.addf %get3A_1605, %get3A_1609 : vector<16xf32>
    %mul3A_1611 = arith.constant 5.000000e-01 : f32
    %mul3A_1612 = vector.broadcast %mul3A_1611 : f32 to vector<16xf32>
    %mul3A_1613 = arith.mulf %add3A_1610, %mul3A_1612 : vector<16xf32>
    %add3A_1614 = arith.constant 16 : i32
    %add3A_1615 = vector.broadcast %add3A_1614 : i32 to vector<16xi32>
    %add3A_1616 = arith.addi %add3A_1615, %iota3A : vector<16xi32>
    %sub3A_1617 = arith.subf %mul3A_1613, %mul3A_1601 : vector<16xf32>
    %add3A_1618 = arith.addf %mul3A_1601, %sub3A_1617 : vector<16xf32>
    tpu.vector_store_idx %arg23[%add3A_1616, %broadcast_in_dim3A_1560], %add3A_1618 : memref<32x64xf32, #tpu.memory_space<vmem>>[vector<16xi32>, vector<16xi32>], vector<16xf32>,
    %broadcast_in_dim3A_1619 = arith.constant 21 : i32
    %broadcast_in_dim3A_1620 = vector.broadcast %broadcast_in_dim3A_1619 : i32 to vector<16xi32>
    %get3A_1621 = arith.constant 21 : i32
    %get3A_1622 = arith.index_cast %get3A_1621 : i32 to index
    %get3A_1623 = arith.constant 0 : index
    %get3A_1624 = tpu.vector_load %arg22[%get3A_1622, %get3A_1623] {strides = array<i32>} : memref<64x32xf32, #tpu.memory_space<vmem>>, vector<16xf32>,
    %get3A_1625 = arith.constant 21 : i32
    %get3A_1626 = arith.index_cast %get3A_1625 : i32 to index
    %get3A_1627 = arith.constant 0 : index
    %get3A_1628 = tpu.vector_load %arg19[%get3A_1626, %get3A_1627] {strides = array<i32>} : memref<64x32xf32, #tpu.memory_space<vmem>>, vector<16xf32>,
    %add3A_1629 = arith.addf %get3A_1624, %get3A_1628 : vector<16xf32>
    %mul3A_1630 = arith.constant 5.000000e-01 : f32
    %mul3A_1631 = vector.broadcast %mul3A_1630 : f32 to vector<16xf32>
    %mul3A_1632 = arith.mulf %add3A_1629, %mul3A_1631 : vector<16xf32>
    %get3A_1633 = arith.constant 21 : i32
    %get3A_1634 = arith.index_cast %get3A_1633 : i32 to index
    %get3A_1635 = arith.constant 0 : index
    %get3A_1636 = tpu.vector_load %arg20[%get3A_1634, %get3A_1635] {strides = array<i32>} : memref<64x32xf32, #tpu.memory_space<vmem>>, vector<16xf32>,
    %get3A_1637 = arith.constant 21 : i32
    %get3A_1638 = arith.index_cast %get3A_1637 : i32 to index
    %get3A_1639 = arith.constant 0 : index
    %get3A_1640 = tpu.vector_load %arg21[%get3A_1638, %get3A_1639] {strides = array<i32>} : memref<64x32xf32, #tpu.memory_space<vmem>>, vector<16xf32>,
    %add3A_1641 = arith.addf %get3A_1636, %get3A_1640 : vector<16xf32>
    %mul3A_1642 = arith.constant 5.000000e-01 : f32
    %mul3A_1643 = vector.broadcast %mul3A_1642 : f32 to vector<16xf32>
    %mul3A_1644 = arith.mulf %add3A_1641, %mul3A_1643 : vector<16xf32>
    %add3A_1645 = arith.constant 0 : i32
    %add3A_1646 = vector.broadcast %add3A_1645 : i32 to vector<16xi32>
    %add3A_1647 = arith.addi %add3A_1646, %iota3A : vector<16xi32>
    %sub3A_1648 = arith.subf %mul3A_1644, %mul3A_1632 : vector<16xf32>
    %add3A_1649 = arith.addf %mul3A_1632, %sub3A_1648 : vector<16xf32>
    tpu.vector_store_idx %arg23[%add3A_1647, %broadcast_in_dim3A_1620], %add3A_1649 : memref<32x64xf32, #tpu.memory_space<vmem>>[vector<16xi32>, vector<16xi32>], vector<16xf32>,
    %get3A_1650 = arith.constant 21 : i32
    %get3A_1651 = arith.index_cast %get3A_1650 : i32 to index
    %get3A_1652 = arith.constant 16 : index
    %get3A_1653 = tpu.vector_load %arg22[%get3A_1651, %get3A_1652] {strides = array<i32>} : memref<64x32xf32, #tpu.memory_space<vmem>>, vector<16xf32>,
    %get3A_1654 = arith.constant 21 : i32
    %get3A_1655 = arith.index_cast %get3A_1654 : i32 to index
    %get3A_1656 = arith.constant 16 : index
    %get3A_1657 = tpu.vector_load %arg19[%get3A_1655, %get3A_1656] {strides = array<i32>} : memref<64x32xf32, #tpu.memory_space<vmem>>, vector<16xf32>,
    %add3A_1658 = arith.addf %get3A_1653, %get3A_1657 : vector<16xf32>
    %mul3A_1659 = arith.constant 5.000000e-01 : f32
    %mul3A_1660 = vector.broadcast %mul3A_1659 : f32 to vector<16xf32>
    %mul3A_1661 = arith.mulf %add3A_1658, %mul3A_1660 : vector<16xf32>
    %get3A_1662 = arith.constant 21 : i32
    %get3A_1663 = arith.index_cast %get3A_1662 : i32 to index
    %get3A_1664 = arith.constant 16 : index
    %get3A_1665 = tpu.vector_load %arg20[%get3A_1663, %get3A_1664] {strides = array<i32>} : memref<64x32xf32, #tpu.memory_space<vmem>>, vector<16xf32>,
    %get3A_1666 = arith.constant 21 : i32
    %get3A_1667 = arith.index_cast %get3A_1666 : i32 to index
    %get3A_1668 = arith.constant 16 : index
    %get3A_1669 = tpu.vector_load %arg21[%get3A_1667, %get3A_1668] {strides = array<i32>} : memref<64x32xf32, #tpu.memory_space<vmem>>, vector<16xf32>,
    %add3A_1670 = arith.addf %get3A_1665, %get3A_1669 : vector<16xf32>
    %mul3A_1671 = arith.constant 5.000000e-01 : f32
    %mul3A_1672 = vector.broadcast %mul3A_1671 : f32 to vector<16xf32>
    %mul3A_1673 = arith.mulf %add3A_1670, %mul3A_1672 : vector<16xf32>
    %add3A_1674 = arith.constant 16 : i32
    %add3A_1675 = vector.broadcast %add3A_1674 : i32 to vector<16xi32>
    %add3A_1676 = arith.addi %add3A_1675, %iota3A : vector<16xi32>
    %sub3A_1677 = arith.subf %mul3A_1673, %mul3A_1661 : vector<16xf32>
    %add3A_1678 = arith.addf %mul3A_1661, %sub3A_1677 : vector<16xf32>
    tpu.vector_store_idx %arg23[%add3A_1676, %broadcast_in_dim3A_1620], %add3A_1678 : memref<32x64xf32, #tpu.memory_space<vmem>>[vector<16xi32>, vector<16xi32>], vector<16xf32>,
    %broadcast_in_dim3A_1679 = arith.constant 22 : i32
    %broadcast_in_dim3A_1680 = vector.broadcast %broadcast_in_dim3A_1679 : i32 to vector<16xi32>
    %get3A_1681 = arith.constant 22 : i32
    %get3A_1682 = arith.index_cast %get3A_1681 : i32 to index
    %get3A_1683 = arith.constant 0 : index
    %get3A_1684 = tpu.vector_load %arg22[%get3A_1682, %get3A_1683] {strides = array<i32>} : memref<64x32xf32, #tpu.memory_space<vmem>>, vector<16xf32>,
    %get3A_1685 = arith.constant 22 : i32
    %get3A_1686 = arith.index_cast %get3A_1685 : i32 to index
    %get3A_1687 = arith.constant 0 : index
    %get3A_1688 = tpu.vector_load %arg19[%get3A_1686, %get3A_1687] {strides = array<i32>} : memref<64x32xf32, #tpu.memory_space<vmem>>, vector<16xf32>,
    %add3A_1689 = arith.addf %get3A_1684, %get3A_1688 : vector<16xf32>
    %mul3A_1690 = arith.constant 5.000000e-01 : f32
    %mul3A_1691 = vector.broadcast %mul3A_1690 : f32 to vector<16xf32>
    %mul3A_1692 = arith.mulf %add3A_1689, %mul3A_1691 : vector<16xf32>
    %get3A_1693 = arith.constant 22 : i32
    %get3A_1694 = arith.index_cast %get3A_1693 : i32 to index
    %get3A_1695 = arith.constant 0 : index
    %get3A_1696 = tpu.vector_load %arg20[%get3A_1694, %get3A_1695] {strides = array<i32>} : memref<64x32xf32, #tpu.memory_space<vmem>>, vector<16xf32>,
    %get3A_1697 = arith.constant 22 : i32
    %get3A_1698 = arith.index_cast %get3A_1697 : i32 to index
    %get3A_1699 = arith.constant 0 : index
    %get3A_1700 = tpu.vector_load %arg21[%get3A_1698, %get3A_1699] {strides = array<i32>} : memref<64x32xf32, #tpu.memory_space<vmem>>, vector<16xf32>,
    %add3A_1701 = arith.addf %get3A_1696, %get3A_1700 : vector<16xf32>
    %mul3A_1702 = arith.constant 5.000000e-01 : f32
    %mul3A_1703 = vector.broadcast %mul3A_1702 : f32 to vector<16xf32>
    %mul3A_1704 = arith.mulf %add3A_1701, %mul3A_1703 : vector<16xf32>
    %add3A_1705 = arith.constant 0 : i32
    %add3A_1706 = vector.broadcast %add3A_1705 : i32 to vector<16xi32>
    %add3A_1707 = arith.addi %add3A_1706, %iota3A : vector<16xi32>
    %sub3A_1708 = arith.subf %mul3A_1704, %mul3A_1692 : vector<16xf32>
    %add3A_1709 = arith.addf %mul3A_1692, %sub3A_1708 : vector<16xf32>
    tpu.vector_store_idx %arg23[%add3A_1707, %broadcast_in_dim3A_1680], %add3A_1709 : memref<32x64xf32, #tpu.memory_space<vmem>>[vector<16xi32>, vector<16xi32>], vector<16xf32>,
    %get3A_1710 = arith.constant 22 : i32
    %get3A_1711 = arith.index_cast %get3A_1710 : i32 to index
    %get3A_1712 = arith.constant 16 : index
    %get3A_1713 = tpu.vector_load %arg22[%get3A_1711, %get3A_1712] {strides = array<i32>} : memref<64x32xf32, #tpu.memory_space<vmem>>, vector<16xf32>,
    %get3A_1714 = arith.constant 22 : i32
    %get3A_1715 = arith.index_cast %get3A_1714 : i32 to index
    %get3A_1716 = arith.constant 16 : index
    %get3A_1717 = tpu.vector_load %arg19[%get3A_1715, %get3A_1716] {strides = array<i32>} : memref<64x32xf32, #tpu.memory_space<vmem>>, vector<16xf32>,
    %add3A_1718 = arith.addf %get3A_1713, %get3A_1717 : vector<16xf32>
    %mul3A_1719 = arith.constant 5.000000e-01 : f32
    %mul3A_1720 = vector.broadcast %mul3A_1719 : f32 to vector<16xf32>
    %mul3A_1721 = arith.mulf %add3A_1718, %mul3A_1720 : vector<16xf32>
    %get3A_1722 = arith.constant 22 : i32
    %get3A_1723 = arith.index_cast %get3A_1722 : i32 to index
    %get3A_1724 = arith.constant 16 : index
    %get3A_1725 = tpu.vector_load %arg20[%get3A_1723, %get3A_1724] {strides = array<i32>} : memref<64x32xf32, #tpu.memory_space<vmem>>, vector<16xf32>,
    %get3A_1726 = arith.constant 22 : i32
    %get3A_1727 = arith.index_cast %get3A_1726 : i32 to index
    %get3A_1728 = arith.constant 16 : index
    %get3A_1729 = tpu.vector_load %arg21[%get3A_1727, %get3A_1728] {strides = array<i32>} : memref<64x32xf32, #tpu.memory_space<vmem>>, vector<16xf32>,
    %add3A_1730 = arith.addf %get3A_1725, %get3A_1729 : vector<16xf32>
    %mul3A_1731 = arith.constant 5.000000e-01 : f32
    %mul3A_1732 = vector.broadcast %mul3A_1731 : f32 to vector<16xf32>
    %mul3A_1733 = arith.mulf %add3A_1730, %mul3A_1732 : vector<16xf32>
    %add3A_1734 = arith.constant 16 : i32
    %add3A_1735 = vector.broadcast %add3A_1734 : i32 to vector<16xi32>
    %add3A_1736 = arith.addi %add3A_1735, %iota3A : vector<16xi32>
    %sub3A_1737 = arith.subf %mul3A_1733, %mul3A_1721 : vector<16xf32>
    %add3A_1738 = arith.addf %mul3A_1721, %sub3A_1737 : vector<16xf32>
    tpu.vector_store_idx %arg23[%add3A_1736, %broadcast_in_dim3A_1680], %add3A_1738 : memref<32x64xf32, #tpu.memory_space<vmem>>[vector<16xi32>, vector<16xi32>], vector<16xf32>,
    %broadcast_in_dim3A_1739 = arith.constant 23 : i32
    %broadcast_in_dim3A_1740 = vector.broadcast %broadcast_in_dim3A_1739 : i32 to vector<16xi32>
    %get3A_1741 = arith.constant 23 : i32
    %get3A_1742 = arith.index_cast %get3A_1741 : i32 to index
    %get3A_1743 = arith.constant 0 : index
    %get3A_1744 = tpu.vector_load %arg22[%get3A_1742, %get3A_1743] {strides = array<i32>} : memref<64x32xf32, #tpu.memory_space<vmem>>, vector<16xf32>,
    %get3A_1745 = arith.constant 23 : i32
    %get3A_1746 = arith.index_cast %get3A_1745 : i32 to index
    %get3A_1747 = arith.constant 0 : index
    %get3A_1748 = tpu.vector_load %arg19[%get3A_1746, %get3A_1747] {strides = array<i32>} : memref<64x32xf32, #tpu.memory_space<vmem>>, vector<16xf32>,
    %add3A_1749 = arith.addf %get3A_1744, %get3A_1748 : vector<16xf32>
    %mul3A_1750 = arith.constant 5.000000e-01 : f32
    %mul3A_1751 = vector.broadcast %mul3A_1750 : f32 to vector<16xf32>
    %mul3A_1752 = arith.mulf %add3A_1749, %mul3A_1751 : vector<16xf32>
    %get3A_1753 = arith.constant 23 : i32
    %get3A_1754 = arith.index_cast %get3A_1753 : i32 to index
    %get3A_1755 = arith.constant 0 : index
    %get3A_1756 = tpu.vector_load %arg20[%get3A_1754, %get3A_1755] {strides = array<i32>} : memref<64x32xf32, #tpu.memory_space<vmem>>, vector<16xf32>,
    %get3A_1757 = arith.constant 23 : i32
    %get3A_1758 = arith.index_cast %get3A_1757 : i32 to index
    %get3A_1759 = arith.constant 0 : index
    %get3A_1760 = tpu.vector_load %arg21[%get3A_1758, %get3A_1759] {strides = array<i32>} : memref<64x32xf32, #tpu.memory_space<vmem>>, vector<16xf32>,
    %add3A_1761 = arith.addf %get3A_1756, %get3A_1760 : vector<16xf32>
    %mul3A_1762 = arith.constant 5.000000e-01 : f32
    %mul3A_1763 = vector.broadcast %mul3A_1762 : f32 to vector<16xf32>
    %mul3A_1764 = arith.mulf %add3A_1761, %mul3A_1763 : vector<16xf32>
    %add3A_1765 = arith.constant 0 : i32
    %add3A_1766 = vector.broadcast %add3A_1765 : i32 to vector<16xi32>
    %add3A_1767 = arith.addi %add3A_1766, %iota3A : vector<16xi32>
    %sub3A_1768 = arith.subf %mul3A_1764, %mul3A_1752 : vector<16xf32>
    %add3A_1769 = arith.addf %mul3A_1752, %sub3A_1768 : vector<16xf32>
    tpu.vector_store_idx %arg23[%add3A_1767, %broadcast_in_dim3A_1740], %add3A_1769 : memref<32x64xf32, #tpu.memory_space<vmem>>[vector<16xi32>, vector<16xi32>], vector<16xf32>,
    %get3A_1770 = arith.constant 23 : i32
    %get3A_1771 = arith.index_cast %get3A_1770 : i32 to index
    %get3A_1772 = arith.constant 16 : index
    %get3A_1773 = tpu.vector_load %arg22[%get3A_1771, %get3A_1772] {strides = array<i32>} : memref<64x32xf32, #tpu.memory_space<vmem>>, vector<16xf32>,
    %get3A_1774 = arith.constant 23 : i32
    %get3A_1775 = arith.index_cast %get3A_1774 : i32 to index
    %get3A_1776 = arith.constant 16 : index
    %get3A_1777 = tpu.vector_load %arg19[%get3A_1775, %get3A_1776] {strides = array<i32>} : memref<64x32xf32, #tpu.memory_space<vmem>>, vector<16xf32>,
    %add3A_1778 = arith.addf %get3A_1773, %get3A_1777 : vector<16xf32>
    %mul3A_1779 = arith.constant 5.000000e-01 : f32
    %mul3A_1780 = vector.broadcast %mul3A_1779 : f32 to vector<16xf32>
    %mul3A_1781 = arith.mulf %add3A_1778, %mul3A_1780 : vector<16xf32>
    %get3A_1782 = arith.constant 23 : i32
    %get3A_1783 = arith.index_cast %get3A_1782 : i32 to index
    %get3A_1784 = arith.constant 16 : index
    %get3A_1785 = tpu.vector_load %arg20[%get3A_1783, %get3A_1784] {strides = array<i32>} : memref<64x32xf32, #tpu.memory_space<vmem>>, vector<16xf32>,
    %get3A_1786 = arith.constant 23 : i32
    %get3A_1787 = arith.index_cast %get3A_1786 : i32 to index
    %get3A_1788 = arith.constant 16 : index
    %get3A_1789 = tpu.vector_load %arg21[%get3A_1787, %get3A_1788] {strides = array<i32>} : memref<64x32xf32, #tpu.memory_space<vmem>>, vector<16xf32>,
    %add3A_1790 = arith.addf %get3A_1785, %get3A_1789 : vector<16xf32>
    %mul3A_1791 = arith.constant 5.000000e-01 : f32
    %mul3A_1792 = vector.broadcast %mul3A_1791 : f32 to vector<16xf32>
    %mul3A_1793 = arith.mulf %add3A_1790, %mul3A_1792 : vector<16xf32>
    %add3A_1794 = arith.constant 16 : i32
    %add3A_1795 = vector.broadcast %add3A_1794 : i32 to vector<16xi32>
    %add3A_1796 = arith.addi %add3A_1795, %iota3A : vector<16xi32>
    %sub3A_1797 = arith.subf %mul3A_1793, %mul3A_1781 : vector<16xf32>
    %add3A_1798 = arith.addf %mul3A_1781, %sub3A_1797 : vector<16xf32>
    tpu.vector_store_idx %arg23[%add3A_1796, %broadcast_in_dim3A_1740], %add3A_1798 : memref<32x64xf32, #tpu.memory_space<vmem>>[vector<16xi32>, vector<16xi32>], vector<16xf32>,
    %broadcast_in_dim3A_1799 = arith.constant 24 : i32
    %broadcast_in_dim3A_1800 = vector.broadcast %broadcast_in_dim3A_1799 : i32 to vector<16xi32>
    %get3A_1801 = arith.constant 24 : i32
    %get3A_1802 = arith.index_cast %get3A_1801 : i32 to index
    %get3A_1803 = arith.constant 0 : index
    %get3A_1804 = tpu.vector_load %arg22[%get3A_1802, %get3A_1803] {strides = array<i32>} : memref<64x32xf32, #tpu.memory_space<vmem>>, vector<16xf32>,
    %get3A_1805 = arith.constant 24 : i32
    %get3A_1806 = arith.index_cast %get3A_1805 : i32 to index
    %get3A_1807 = arith.constant 0 : index
    %get3A_1808 = tpu.vector_load %arg19[%get3A_1806, %get3A_1807] {strides = array<i32>} : memref<64x32xf32, #tpu.memory_space<vmem>>, vector<16xf32>,
    %add3A_1809 = arith.addf %get3A_1804, %get3A_1808 : vector<16xf32>
    %mul3A_1810 = arith.constant 5.000000e-01 : f32
    %mul3A_1811 = vector.broadcast %mul3A_1810 : f32 to vector<16xf32>
    %mul3A_1812 = arith.mulf %add3A_1809, %mul3A_1811 : vector<16xf32>
    %get3A_1813 = arith.constant 24 : i32
    %get3A_1814 = arith.index_cast %get3A_1813 : i32 to index
    %get3A_1815 = arith.constant 0 : index
    %get3A_1816 = tpu.vector_load %arg20[%get3A_1814, %get3A_1815] {strides = array<i32>} : memref<64x32xf32, #tpu.memory_space<vmem>>, vector<16xf32>,
    %get3A_1817 = arith.constant 24 : i32
    %get3A_1818 = arith.index_cast %get3A_1817 : i32 to index
    %get3A_1819 = arith.constant 0 : index
    %get3A_1820 = tpu.vector_load %arg21[%get3A_1818, %get3A_1819] {strides = array<i32>} : memref<64x32xf32, #tpu.memory_space<vmem>>, vector<16xf32>,
    %add3A_1821 = arith.addf %get3A_1816, %get3A_1820 : vector<16xf32>
    %mul3A_1822 = arith.constant 5.000000e-01 : f32
    %mul3A_1823 = vector.broadcast %mul3A_1822 : f32 to vector<16xf32>
    %mul3A_1824 = arith.mulf %add3A_1821, %mul3A_1823 : vector<16xf32>
    %add3A_1825 = arith.constant 0 : i32
    %add3A_1826 = vector.broadcast %add3A_1825 : i32 to vector<16xi32>
    %add3A_1827 = arith.addi %add3A_1826, %iota3A : vector<16xi32>
    %sub3A_1828 = arith.subf %mul3A_1824, %mul3A_1812 : vector<16xf32>
    %add3A_1829 = arith.addf %mul3A_1812, %sub3A_1828 : vector<16xf32>
    tpu.vector_store_idx %arg23[%add3A_1827, %broadcast_in_dim3A_1800], %add3A_1829 : memref<32x64xf32, #tpu.memory_space<vmem>>[vector<16xi32>, vector<16xi32>], vector<16xf32>,
    %get3A_1830 = arith.constant 24 : i32
    %get3A_1831 = arith.index_cast %get3A_1830 : i32 to index
    %get3A_1832 = arith.constant 16 : index
    %get3A_1833 = tpu.vector_load %arg22[%get3A_1831, %get3A_1832] {strides = array<i32>} : memref<64x32xf32, #tpu.memory_space<vmem>>, vector<16xf32>,
    %get3A_1834 = arith.constant 24 : i32
    %get3A_1835 = arith.index_cast %get3A_1834 : i32 to index
    %get3A_1836 = arith.constant 16 : index
    %get3A_1837 = tpu.vector_load %arg19[%get3A_1835, %get3A_1836] {strides = array<i32>} : memref<64x32xf32, #tpu.memory_space<vmem>>, vector<16xf32>,
    %add3A_1838 = arith.addf %get3A_1833, %get3A_1837 : vector<16xf32>
    %mul3A_1839 = arith.constant 5.000000e-01 : f32
    %mul3A_1840 = vector.broadcast %mul3A_1839 : f32 to vector<16xf32>
    %mul3A_1841 = arith.mulf %add3A_1838, %mul3A_1840 : vector<16xf32>
    %get3A_1842 = arith.constant 24 : i32
    %get3A_1843 = arith.index_cast %get3A_1842 : i32 to index
    %get3A_1844 = arith.constant 16 : index
    %get3A_1845 = tpu.vector_load %arg20[%get3A_1843, %get3A_1844] {strides = array<i32>} : memref<64x32xf32, #tpu.memory_space<vmem>>, vector<16xf32>,
    %get3A_1846 = arith.constant 24 : i32
    %get3A_1847 = arith.index_cast %get3A_1846 : i32 to index
    %get3A_1848 = arith.constant 16 : index
    %get3A_1849 = tpu.vector_load %arg21[%get3A_1847, %get3A_1848] {strides = array<i32>} : memref<64x32xf32, #tpu.memory_space<vmem>>, vector<16xf32>,
    %add3A_1850 = arith.addf %get3A_1845, %get3A_1849 : vector<16xf32>
    %mul3A_1851 = arith.constant 5.000000e-01 : f32
    %mul3A_1852 = vector.broadcast %mul3A_1851 : f32 to vector<16xf32>
    %mul3A_1853 = arith.mulf %add3A_1850, %mul3A_1852 : vector<16xf32>
    %add3A_1854 = arith.constant 16 : i32
    %add3A_1855 = vector.broadcast %add3A_1854 : i32 to vector<16xi32>
    %add3A_1856 = arith.addi %add3A_1855, %iota3A : vector<16xi32>
    %sub3A_1857 = arith.subf %mul3A_1853, %mul3A_1841 : vector<16xf32>
    %add3A_1858 = arith.addf %mul3A_1841, %sub3A_1857 : vector<16xf32>
    tpu.vector_store_idx %arg23[%add3A_1856, %broadcast_in_dim3A_1800], %add3A_1858 : memref<32x64xf32, #tpu.memory_space<vmem>>[vector<16xi32>, vector<16xi32>], vector<16xf32>,
    %broadcast_in_dim3A_1859 = arith.constant 25 : i32
    %broadcast_in_dim3A_1860 = vector.broadcast %broadcast_in_dim3A_1859 : i32 to vector<16xi32>
    %get3A_1861 = arith.constant 25 : i32
    %get3A_1862 = arith.index_cast %get3A_1861 : i32 to index
    %get3A_1863 = arith.constant 0 : index
    %get3A_1864 = tpu.vector_load %arg22[%get3A_1862, %get3A_1863] {strides = array<i32>} : memref<64x32xf32, #tpu.memory_space<vmem>>, vector<16xf32>,
    %get3A_1865 = arith.constant 25 : i32
    %get3A_1866 = arith.index_cast %get3A_1865 : i32 to index
    %get3A_1867 = arith.constant 0 : index
    %get3A_1868 = tpu.vector_load %arg19[%get3A_1866, %get3A_1867] {strides = array<i32>} : memref<64x32xf32, #tpu.memory_space<vmem>>, vector<16xf32>,
    %add3A_1869 = arith.addf %get3A_1864, %get3A_1868 : vector<16xf32>
    %mul3A_1870 = arith.constant 5.000000e-01 : f32
    %mul3A_1871 = vector.broadcast %mul3A_1870 : f32 to vector<16xf32>
    %mul3A_1872 = arith.mulf %add3A_1869, %mul3A_1871 : vector<16xf32>
    %get3A_1873 = arith.constant 25 : i32
    %get3A_1874 = arith.index_cast %get3A_1873 : i32 to index
    %get3A_1875 = arith.constant 0 : index
    %get3A_1876 = tpu.vector_load %arg20[%get3A_1874, %get3A_1875] {strides = array<i32>} : memref<64x32xf32, #tpu.memory_space<vmem>>, vector<16xf32>,
    %get3A_1877 = arith.constant 25 : i32
    %get3A_1878 = arith.index_cast %get3A_1877 : i32 to index
    %get3A_1879 = arith.constant 0 : index
    %get3A_1880 = tpu.vector_load %arg21[%get3A_1878, %get3A_1879] {strides = array<i32>} : memref<64x32xf32, #tpu.memory_space<vmem>>, vector<16xf32>,
    %add3A_1881 = arith.addf %get3A_1876, %get3A_1880 : vector<16xf32>
    %mul3A_1882 = arith.constant 5.000000e-01 : f32
    %mul3A_1883 = vector.broadcast %mul3A_1882 : f32 to vector<16xf32>
    %mul3A_1884 = arith.mulf %add3A_1881, %mul3A_1883 : vector<16xf32>
    %add3A_1885 = arith.constant 0 : i32
    %add3A_1886 = vector.broadcast %add3A_1885 : i32 to vector<16xi32>
    %add3A_1887 = arith.addi %add3A_1886, %iota3A : vector<16xi32>
    %sub3A_1888 = arith.subf %mul3A_1884, %mul3A_1872 : vector<16xf32>
    %add3A_1889 = arith.addf %mul3A_1872, %sub3A_1888 : vector<16xf32>
    tpu.vector_store_idx %arg23[%add3A_1887, %broadcast_in_dim3A_1860], %add3A_1889 : memref<32x64xf32, #tpu.memory_space<vmem>>[vector<16xi32>, vector<16xi32>], vector<16xf32>,
    %get3A_1890 = arith.constant 25 : i32
    %get3A_1891 = arith.index_cast %get3A_1890 : i32 to index
    %get3A_1892 = arith.constant 16 : index
    %get3A_1893 = tpu.vector_load %arg22[%get3A_1891, %get3A_1892] {strides = array<i32>} : memref<64x32xf32, #tpu.memory_space<vmem>>, vector<16xf32>,
    %get3A_1894 = arith.constant 25 : i32
    %get3A_1895 = arith.index_cast %get3A_1894 : i32 to index
    %get3A_1896 = arith.constant 16 : index
    %get3A_1897 = tpu.vector_load %arg19[%get3A_1895, %get3A_1896] {strides = array<i32>} : memref<64x32xf32, #tpu.memory_space<vmem>>, vector<16xf32>,
    %add3A_1898 = arith.addf %get3A_1893, %get3A_1897 : vector<16xf32>
    %mul3A_1899 = arith.constant 5.000000e-01 : f32
    %mul3A_1900 = vector.broadcast %mul3A_1899 : f32 to vector<16xf32>
    %mul3A_1901 = arith.mulf %add3A_1898, %mul3A_1900 : vector<16xf32>
    %get3A_1902 = arith.constant 25 : i32
    %get3A_1903 = arith.index_cast %get3A_1902 : i32 to index
    %get3A_1904 = arith.constant 16 : index
    %get3A_1905 = tpu.vector_load %arg20[%get3A_1903, %get3A_1904] {strides = array<i32>} : memref<64x32xf32, #tpu.memory_space<vmem>>, vector<16xf32>,
    %get3A_1906 = arith.constant 25 : i32
    %get3A_1907 = arith.index_cast %get3A_1906 : i32 to index
    %get3A_1908 = arith.constant 16 : index
    %get3A_1909 = tpu.vector_load %arg21[%get3A_1907, %get3A_1908] {strides = array<i32>} : memref<64x32xf32, #tpu.memory_space<vmem>>, vector<16xf32>,
    %add3A_1910 = arith.addf %get3A_1905, %get3A_1909 : vector<16xf32>
    %mul3A_1911 = arith.constant 5.000000e-01 : f32
    %mul3A_1912 = vector.broadcast %mul3A_1911 : f32 to vector<16xf32>
    %mul3A_1913 = arith.mulf %add3A_1910, %mul3A_1912 : vector<16xf32>
    %add3A_1914 = arith.constant 16 : i32
    %add3A_1915 = vector.broadcast %add3A_1914 : i32 to vector<16xi32>
    %add3A_1916 = arith.addi %add3A_1915, %iota3A : vector<16xi32>
    %sub3A_1917 = arith.subf %mul3A_1913, %mul3A_1901 : vector<16xf32>
    %add3A_1918 = arith.addf %mul3A_1901, %sub3A_1917 : vector<16xf32>
    tpu.vector_store_idx %arg23[%add3A_1916, %broadcast_in_dim3A_1860], %add3A_1918 : memref<32x64xf32, #tpu.memory_space<vmem>>[vector<16xi32>, vector<16xi32>], vector<16xf32>,
    %broadcast_in_dim3A_1919 = arith.constant 26 : i32
    %broadcast_in_dim3A_1920 = vector.broadcast %broadcast_in_dim3A_1919 : i32 to vector<16xi32>
    %get3A_1921 = arith.constant 26 : i32
    %get3A_1922 = arith.index_cast %get3A_1921 : i32 to index
    %get3A_1923 = arith.constant 0 : index
    %get3A_1924 = tpu.vector_load %arg22[%get3A_1922, %get3A_1923] {strides = array<i32>} : memref<64x32xf32, #tpu.memory_space<vmem>>, vector<16xf32>,
    %get3A_1925 = arith.constant 26 : i32
    %get3A_1926 = arith.index_cast %get3A_1925 : i32 to index
    %get3A_1927 = arith.constant 0 : index
    %get3A_1928 = tpu.vector_load %arg19[%get3A_1926, %get3A_1927] {strides = array<i32>} : memref<64x32xf32, #tpu.memory_space<vmem>>, vector<16xf32>,
    %add3A_1929 = arith.addf %get3A_1924, %get3A_1928 : vector<16xf32>
    %mul3A_1930 = arith.constant 5.000000e-01 : f32
    %mul3A_1931 = vector.broadcast %mul3A_1930 : f32 to vector<16xf32>
    %mul3A_1932 = arith.mulf %add3A_1929, %mul3A_1931 : vector<16xf32>
    %get3A_1933 = arith.constant 26 : i32
    %get3A_1934 = arith.index_cast %get3A_1933 : i32 to index
    %get3A_1935 = arith.constant 0 : index
    %get3A_1936 = tpu.vector_load %arg20[%get3A_1934, %get3A_1935] {strides = array<i32>} : memref<64x32xf32, #tpu.memory_space<vmem>>, vector<16xf32>,
    %get3A_1937 = arith.constant 26 : i32
    %get3A_1938 = arith.index_cast %get3A_1937 : i32 to index
    %get3A_1939 = arith.constant 0 : index
    %get3A_1940 = tpu.vector_load %arg21[%get3A_1938, %get3A_1939] {strides = array<i32>} : memref<64x32xf32, #tpu.memory_space<vmem>>, vector<16xf32>,
    %add3A_1941 = arith.addf %get3A_1936, %get3A_1940 : vector<16xf32>
    %mul3A_1942 = arith.constant 5.000000e-01 : f32
    %mul3A_1943 = vector.broadcast %mul3A_1942 : f32 to vector<16xf32>
    %mul3A_1944 = arith.mulf %add3A_1941, %mul3A_1943 : vector<16xf32>
    %add3A_1945 = arith.constant 0 : i32
    %add3A_1946 = vector.broadcast %add3A_1945 : i32 to vector<16xi32>
    %add3A_1947 = arith.addi %add3A_1946, %iota3A : vector<16xi32>
    %sub3A_1948 = arith.subf %mul3A_1944, %mul3A_1932 : vector<16xf32>
    %add3A_1949 = arith.addf %mul3A_1932, %sub3A_1948 : vector<16xf32>
    tpu.vector_store_idx %arg23[%add3A_1947, %broadcast_in_dim3A_1920], %add3A_1949 : memref<32x64xf32, #tpu.memory_space<vmem>>[vector<16xi32>, vector<16xi32>], vector<16xf32>,
    %get3A_1950 = arith.constant 26 : i32
    %get3A_1951 = arith.index_cast %get3A_1950 : i32 to index
    %get3A_1952 = arith.constant 16 : index
    %get3A_1953 = tpu.vector_load %arg22[%get3A_1951, %get3A_1952] {strides = array<i32>} : memref<64x32xf32, #tpu.memory_space<vmem>>, vector<16xf32>,
    %get3A_1954 = arith.constant 26 : i32
    %get3A_1955 = arith.index_cast %get3A_1954 : i32 to index
    %get3A_1956 = arith.constant 16 : index
    %get3A_1957 = tpu.vector_load %arg19[%get3A_1955, %get3A_1956] {strides = array<i32>} : memref<64x32xf32, #tpu.memory_space<vmem>>, vector<16xf32>,
    %add3A_1958 = arith.addf %get3A_1953, %get3A_1957 : vector<16xf32>
    %mul3A_1959 = arith.constant 5.000000e-01 : f32
    %mul3A_1960 = vector.broadcast %mul3A_1959 : f32 to vector<16xf32>
    %mul3A_1961 = arith.mulf %add3A_1958, %mul3A_1960 : vector<16xf32>
    %get3A_1962 = arith.constant 26 : i32
    %get3A_1963 = arith.index_cast %get3A_1962 : i32 to index
    %get3A_1964 = arith.constant 16 : index
    %get3A_1965 = tpu.vector_load %arg20[%get3A_1963, %get3A_1964] {strides = array<i32>} : memref<64x32xf32, #tpu.memory_space<vmem>>, vector<16xf32>,
    %get3A_1966 = arith.constant 26 : i32
    %get3A_1967 = arith.index_cast %get3A_1966 : i32 to index
    %get3A_1968 = arith.constant 16 : index
    %get3A_1969 = tpu.vector_load %arg21[%get3A_1967, %get3A_1968] {strides = array<i32>} : memref<64x32xf32, #tpu.memory_space<vmem>>, vector<16xf32>,
    %add3A_1970 = arith.addf %get3A_1965, %get3A_1969 : vector<16xf32>
    %mul3A_1971 = arith.constant 5.000000e-01 : f32
    %mul3A_1972 = vector.broadcast %mul3A_1971 : f32 to vector<16xf32>
    %mul3A_1973 = arith.mulf %add3A_1970, %mul3A_1972 : vector<16xf32>
    %add3A_1974 = arith.constant 16 : i32
    %add3A_1975 = vector.broadcast %add3A_1974 : i32 to vector<16xi32>
    %add3A_1976 = arith.addi %add3A_1975, %iota3A : vector<16xi32>
    %sub3A_1977 = arith.subf %mul3A_1973, %mul3A_1961 : vector<16xf32>
    %add3A_1978 = arith.addf %mul3A_1961, %sub3A_1977 : vector<16xf32>
    tpu.vector_store_idx %arg23[%add3A_1976, %broadcast_in_dim3A_1920], %add3A_1978 : memref<32x64xf32, #tpu.memory_space<vmem>>[vector<16xi32>, vector<16xi32>], vector<16xf32>,
    %broadcast_in_dim3A_1979 = arith.constant 27 : i32
    %broadcast_in_dim3A_1980 = vector.broadcast %broadcast_in_dim3A_1979 : i32 to vector<16xi32>
    %get3A_1981 = arith.constant 27 : i32
    %get3A_1982 = arith.index_cast %get3A_1981 : i32 to index
    %get3A_1983 = arith.constant 0 : index
    %get3A_1984 = tpu.vector_load %arg22[%get3A_1982, %get3A_1983] {strides = array<i32>} : memref<64x32xf32, #tpu.memory_space<vmem>>, vector<16xf32>,
    %get3A_1985 = arith.constant 27 : i32
    %get3A_1986 = arith.index_cast %get3A_1985 : i32 to index
    %get3A_1987 = arith.constant 0 : index
    %get3A_1988 = tpu.vector_load %arg19[%get3A_1986, %get3A_1987] {strides = array<i32>} : memref<64x32xf32, #tpu.memory_space<vmem>>, vector<16xf32>,
    %add3A_1989 = arith.addf %get3A_1984, %get3A_1988 : vector<16xf32>
    %mul3A_1990 = arith.constant 5.000000e-01 : f32
    %mul3A_1991 = vector.broadcast %mul3A_1990 : f32 to vector<16xf32>
    %mul3A_1992 = arith.mulf %add3A_1989, %mul3A_1991 : vector<16xf32>
    %get3A_1993 = arith.constant 27 : i32
    %get3A_1994 = arith.index_cast %get3A_1993 : i32 to index
    %get3A_1995 = arith.constant 0 : index
    %get3A_1996 = tpu.vector_load %arg20[%get3A_1994, %get3A_1995] {strides = array<i32>} : memref<64x32xf32, #tpu.memory_space<vmem>>, vector<16xf32>,
    %get3A_1997 = arith.constant 27 : i32
    %get3A_1998 = arith.index_cast %get3A_1997 : i32 to index
    %get3A_1999 = arith.constant 0 : index
    %get3A_2000 = tpu.vector_load %arg21[%get3A_1998, %get3A_1999] {strides = array<i32>} : memref<64x32xf32, #tpu.memory_space<vmem>>, vector<16xf32>,
    %add3A_2001 = arith.addf %get3A_1996, %get3A_2000 : vector<16xf32>
    %mul3A_2002 = arith.constant 5.000000e-01 : f32
    %mul3A_2003 = vector.broadcast %mul3A_2002 : f32 to vector<16xf32>
    %mul3A_2004 = arith.mulf %add3A_2001, %mul3A_2003 : vector<16xf32>
    %add3A_2005 = arith.constant 0 : i32
    %add3A_2006 = vector.broadcast %add3A_2005 : i32 to vector<16xi32>
    %add3A_2007 = arith.addi %add3A_2006, %iota3A : vector<16xi32>
    %sub3A_2008 = arith.subf %mul3A_2004, %mul3A_1992 : vector<16xf32>
    %add3A_2009 = arith.addf %mul3A_1992, %sub3A_2008 : vector<16xf32>
    tpu.vector_store_idx %arg23[%add3A_2007, %broadcast_in_dim3A_1980], %add3A_2009 : memref<32x64xf32, #tpu.memory_space<vmem>>[vector<16xi32>, vector<16xi32>], vector<16xf32>,
    %get3A_2010 = arith.constant 27 : i32
    %get3A_2011 = arith.index_cast %get3A_2010 : i32 to index
    %get3A_2012 = arith.constant 16 : index
    %get3A_2013 = tpu.vector_load %arg22[%get3A_2011, %get3A_2012] {strides = array<i32>} : memref<64x32xf32, #tpu.memory_space<vmem>>, vector<16xf32>,
    %get3A_2014 = arith.constant 27 : i32
    %get3A_2015 = arith.index_cast %get3A_2014 : i32 to index
    %get3A_2016 = arith.constant 16 : index
    %get3A_2017 = tpu.vector_load %arg19[%get3A_2015, %get3A_2016] {strides = array<i32>} : memref<64x32xf32, #tpu.memory_space<vmem>>, vector<16xf32>,
    %add3A_2018 = arith.addf %get3A_2013, %get3A_2017 : vector<16xf32>
    %mul3A_2019 = arith.constant 5.000000e-01 : f32
    %mul3A_2020 = vector.broadcast %mul3A_2019 : f32 to vector<16xf32>
    %mul3A_2021 = arith.mulf %add3A_2018, %mul3A_2020 : vector<16xf32>
    %get3A_2022 = arith.constant 27 : i32
    %get3A_2023 = arith.index_cast %get3A_2022 : i32 to index
    %get3A_2024 = arith.constant 16 : index
    %get3A_2025 = tpu.vector_load %arg20[%get3A_2023, %get3A_2024] {strides = array<i32>} : memref<64x32xf32, #tpu.memory_space<vmem>>, vector<16xf32>,
    %get3A_2026 = arith.constant 27 : i32
    %get3A_2027 = arith.index_cast %get3A_2026 : i32 to index
    %get3A_2028 = arith.constant 16 : index
    %get3A_2029 = tpu.vector_load %arg21[%get3A_2027, %get3A_2028] {strides = array<i32>} : memref<64x32xf32, #tpu.memory_space<vmem>>, vector<16xf32>,
    %add3A_2030 = arith.addf %get3A_2025, %get3A_2029 : vector<16xf32>
    %mul3A_2031 = arith.constant 5.000000e-01 : f32
    %mul3A_2032 = vector.broadcast %mul3A_2031 : f32 to vector<16xf32>
    %mul3A_2033 = arith.mulf %add3A_2030, %mul3A_2032 : vector<16xf32>
    %add3A_2034 = arith.constant 16 : i32
    %add3A_2035 = vector.broadcast %add3A_2034 : i32 to vector<16xi32>
    %add3A_2036 = arith.addi %add3A_2035, %iota3A : vector<16xi32>
    %sub3A_2037 = arith.subf %mul3A_2033, %mul3A_2021 : vector<16xf32>
    %add3A_2038 = arith.addf %mul3A_2021, %sub3A_2037 : vector<16xf32>
    tpu.vector_store_idx %arg23[%add3A_2036, %broadcast_in_dim3A_1980], %add3A_2038 : memref<32x64xf32, #tpu.memory_space<vmem>>[vector<16xi32>, vector<16xi32>], vector<16xf32>,
    %broadcast_in_dim3A_2039 = arith.constant 28 : i32
    %broadcast_in_dim3A_2040 = vector.broadcast %broadcast_in_dim3A_2039 : i32 to vector<16xi32>
    %get3A_2041 = arith.constant 28 : i32
    %get3A_2042 = arith.index_cast %get3A_2041 : i32 to index
    %get3A_2043 = arith.constant 0 : index
    %get3A_2044 = tpu.vector_load %arg22[%get3A_2042, %get3A_2043] {strides = array<i32>} : memref<64x32xf32, #tpu.memory_space<vmem>>, vector<16xf32>,
    %get3A_2045 = arith.constant 28 : i32
    %get3A_2046 = arith.index_cast %get3A_2045 : i32 to index
    %get3A_2047 = arith.constant 0 : index
    %get3A_2048 = tpu.vector_load %arg19[%get3A_2046, %get3A_2047] {strides = array<i32>} : memref<64x32xf32, #tpu.memory_space<vmem>>, vector<16xf32>,
    %add3A_2049 = arith.addf %get3A_2044, %get3A_2048 : vector<16xf32>
    %mul3A_2050 = arith.constant 5.000000e-01 : f32
    %mul3A_2051 = vector.broadcast %mul3A_2050 : f32 to vector<16xf32>
    %mul3A_2052 = arith.mulf %add3A_2049, %mul3A_2051 : vector<16xf32>
    %get3A_2053 = arith.constant 28 : i32
    %get3A_2054 = arith.index_cast %get3A_2053 : i32 to index
    %get3A_2055 = arith.constant 0 : index
    %get3A_2056 = tpu.vector_load %arg20[%get3A_2054, %get3A_2055] {strides = array<i32>} : memref<64x32xf32, #tpu.memory_space<vmem>>, vector<16xf32>,
    %get3A_2057 = arith.constant 28 : i32
    %get3A_2058 = arith.index_cast %get3A_2057 : i32 to index
    %get3A_2059 = arith.constant 0 : index
    %get3A_2060 = tpu.vector_load %arg21[%get3A_2058, %get3A_2059] {strides = array<i32>} : memref<64x32xf32, #tpu.memory_space<vmem>>, vector<16xf32>,
    %add3A_2061 = arith.addf %get3A_2056, %get3A_2060 : vector<16xf32>
    %mul3A_2062 = arith.constant 5.000000e-01 : f32
    %mul3A_2063 = vector.broadcast %mul3A_2062 : f32 to vector<16xf32>
    %mul3A_2064 = arith.mulf %add3A_2061, %mul3A_2063 : vector<16xf32>
    %add3A_2065 = arith.constant 0 : i32
    %add3A_2066 = vector.broadcast %add3A_2065 : i32 to vector<16xi32>
    %add3A_2067 = arith.addi %add3A_2066, %iota3A : vector<16xi32>
    %sub3A_2068 = arith.subf %mul3A_2064, %mul3A_2052 : vector<16xf32>
    %add3A_2069 = arith.addf %mul3A_2052, %sub3A_2068 : vector<16xf32>
    tpu.vector_store_idx %arg23[%add3A_2067, %broadcast_in_dim3A_2040], %add3A_2069 : memref<32x64xf32, #tpu.memory_space<vmem>>[vector<16xi32>, vector<16xi32>], vector<16xf32>,
    %get3A_2070 = arith.constant 28 : i32
    %get3A_2071 = arith.index_cast %get3A_2070 : i32 to index
    %get3A_2072 = arith.constant 16 : index
    %get3A_2073 = tpu.vector_load %arg22[%get3A_2071, %get3A_2072] {strides = array<i32>} : memref<64x32xf32, #tpu.memory_space<vmem>>, vector<16xf32>,
    %get3A_2074 = arith.constant 28 : i32
    %get3A_2075 = arith.index_cast %get3A_2074 : i32 to index
    %get3A_2076 = arith.constant 16 : index
    %get3A_2077 = tpu.vector_load %arg19[%get3A_2075, %get3A_2076] {strides = array<i32>} : memref<64x32xf32, #tpu.memory_space<vmem>>, vector<16xf32>,
    %add3A_2078 = arith.addf %get3A_2073, %get3A_2077 : vector<16xf32>
    %mul3A_2079 = arith.constant 5.000000e-01 : f32
    %mul3A_2080 = vector.broadcast %mul3A_2079 : f32 to vector<16xf32>
    %mul3A_2081 = arith.mulf %add3A_2078, %mul3A_2080 : vector<16xf32>
    %get3A_2082 = arith.constant 28 : i32
    %get3A_2083 = arith.index_cast %get3A_2082 : i32 to index
    %get3A_2084 = arith.constant 16 : index
    %get3A_2085 = tpu.vector_load %arg20[%get3A_2083, %get3A_2084] {strides = array<i32>} : memref<64x32xf32, #tpu.memory_space<vmem>>, vector<16xf32>,
    %get3A_2086 = arith.constant 28 : i32
    %get3A_2087 = arith.index_cast %get3A_2086 : i32 to index
    %get3A_2088 = arith.constant 16 : index
    %get3A_2089 = tpu.vector_load %arg21[%get3A_2087, %get3A_2088] {strides = array<i32>} : memref<64x32xf32, #tpu.memory_space<vmem>>, vector<16xf32>,
    %add3A_2090 = arith.addf %get3A_2085, %get3A_2089 : vector<16xf32>
    %mul3A_2091 = arith.constant 5.000000e-01 : f32
    %mul3A_2092 = vector.broadcast %mul3A_2091 : f32 to vector<16xf32>
    %mul3A_2093 = arith.mulf %add3A_2090, %mul3A_2092 : vector<16xf32>
    %add3A_2094 = arith.constant 16 : i32
    %add3A_2095 = vector.broadcast %add3A_2094 : i32 to vector<16xi32>
    %add3A_2096 = arith.addi %add3A_2095, %iota3A : vector<16xi32>
    %sub3A_2097 = arith.subf %mul3A_2093, %mul3A_2081 : vector<16xf32>
    %add3A_2098 = arith.addf %mul3A_2081, %sub3A_2097 : vector<16xf32>
    tpu.vector_store_idx %arg23[%add3A_2096, %broadcast_in_dim3A_2040], %add3A_2098 : memref<32x64xf32, #tpu.memory_space<vmem>>[vector<16xi32>, vector<16xi32>], vector<16xf32>,
    %broadcast_in_dim3A_2099 = arith.constant 29 : i32
    %broadcast_in_dim3A_2100 = vector.broadcast %broadcast_in_dim3A_2099 : i32 to vector<16xi32>
    %get3A_2101 = arith.constant 29 : i32
    %get3A_2102 = arith.index_cast %get3A_2101 : i32 to index
    %get3A_2103 = arith.constant 0 : index
    %get3A_2104 = tpu.vector_load %arg22[%get3A_2102, %get3A_2103] {strides = array<i32>} : memref<64x32xf32, #tpu.memory_space<vmem>>, vector<16xf32>,
    %get3A_2105 = arith.constant 29 : i32
    %get3A_2106 = arith.index_cast %get3A_2105 : i32 to index
    %get3A_2107 = arith.constant 0 : index
    %get3A_2108 = tpu.vector_load %arg19[%get3A_2106, %get3A_2107] {strides = array<i32>} : memref<64x32xf32, #tpu.memory_space<vmem>>, vector<16xf32>,
    %add3A_2109 = arith.addf %get3A_2104, %get3A_2108 : vector<16xf32>
    %mul3A_2110 = arith.constant 5.000000e-01 : f32
    %mul3A_2111 = vector.broadcast %mul3A_2110 : f32 to vector<16xf32>
    %mul3A_2112 = arith.mulf %add3A_2109, %mul3A_2111 : vector<16xf32>
    %get3A_2113 = arith.constant 29 : i32
    %get3A_2114 = arith.index_cast %get3A_2113 : i32 to index
    %get3A_2115 = arith.constant 0 : index
    %get3A_2116 = tpu.vector_load %arg20[%get3A_2114, %get3A_2115] {strides = array<i32>} : memref<64x32xf32, #tpu.memory_space<vmem>>, vector<16xf32>,
    %get3A_2117 = arith.constant 29 : i32
    %get3A_2118 = arith.index_cast %get3A_2117 : i32 to index
    %get3A_2119 = arith.constant 0 : index
    %get3A_2120 = tpu.vector_load %arg21[%get3A_2118, %get3A_2119] {strides = array<i32>} : memref<64x32xf32, #tpu.memory_space<vmem>>, vector<16xf32>,
    %add3A_2121 = arith.addf %get3A_2116, %get3A_2120 : vector<16xf32>
    %mul3A_2122 = arith.constant 5.000000e-01 : f32
    %mul3A_2123 = vector.broadcast %mul3A_2122 : f32 to vector<16xf32>
    %mul3A_2124 = arith.mulf %add3A_2121, %mul3A_2123 : vector<16xf32>
    %add3A_2125 = arith.constant 0 : i32
    %add3A_2126 = vector.broadcast %add3A_2125 : i32 to vector<16xi32>
    %add3A_2127 = arith.addi %add3A_2126, %iota3A : vector<16xi32>
    %sub3A_2128 = arith.subf %mul3A_2124, %mul3A_2112 : vector<16xf32>
    %add3A_2129 = arith.addf %mul3A_2112, %sub3A_2128 : vector<16xf32>
    tpu.vector_store_idx %arg23[%add3A_2127, %broadcast_in_dim3A_2100], %add3A_2129 : memref<32x64xf32, #tpu.memory_space<vmem>>[vector<16xi32>, vector<16xi32>], vector<16xf32>,
    %get3A_2130 = arith.constant 29 : i32
    %get3A_2131 = arith.index_cast %get3A_2130 : i32 to index
    %get3A_2132 = arith.constant 16 : index
    %get3A_2133 = tpu.vector_load %arg22[%get3A_2131, %get3A_2132] {strides = array<i32>} : memref<64x32xf32, #tpu.memory_space<vmem>>, vector<16xf32>,
    %get3A_2134 = arith.constant 29 : i32
    %get3A_2135 = arith.index_cast %get3A_2134 : i32 to index
    %get3A_2136 = arith.constant 16 : index
    %get3A_2137 = tpu.vector_load %arg19[%get3A_2135, %get3A_2136] {strides = array<i32>} : memref<64x32xf32, #tpu.memory_space<vmem>>, vector<16xf32>,
    %add3A_2138 = arith.addf %get3A_2133, %get3A_2137 : vector<16xf32>
    %mul3A_2139 = arith.constant 5.000000e-01 : f32
    %mul3A_2140 = vector.broadcast %mul3A_2139 : f32 to vector<16xf32>
    %mul3A_2141 = arith.mulf %add3A_2138, %mul3A_2140 : vector<16xf32>
    %get3A_2142 = arith.constant 29 : i32
    %get3A_2143 = arith.index_cast %get3A_2142 : i32 to index
    %get3A_2144 = arith.constant 16 : index
    %get3A_2145 = tpu.vector_load %arg20[%get3A_2143, %get3A_2144] {strides = array<i32>} : memref<64x32xf32, #tpu.memory_space<vmem>>, vector<16xf32>,
    %get3A_2146 = arith.constant 29 : i32
    %get3A_2147 = arith.index_cast %get3A_2146 : i32 to index
    %get3A_2148 = arith.constant 16 : index
    %get3A_2149 = tpu.vector_load %arg21[%get3A_2147, %get3A_2148] {strides = array<i32>} : memref<64x32xf32, #tpu.memory_space<vmem>>, vector<16xf32>,
    %add3A_2150 = arith.addf %get3A_2145, %get3A_2149 : vector<16xf32>
    %mul3A_2151 = arith.constant 5.000000e-01 : f32
    %mul3A_2152 = vector.broadcast %mul3A_2151 : f32 to vector<16xf32>
    %mul3A_2153 = arith.mulf %add3A_2150, %mul3A_2152 : vector<16xf32>
    %add3A_2154 = arith.constant 16 : i32
    %add3A_2155 = vector.broadcast %add3A_2154 : i32 to vector<16xi32>
    %add3A_2156 = arith.addi %add3A_2155, %iota3A : vector<16xi32>
    %sub3A_2157 = arith.subf %mul3A_2153, %mul3A_2141 : vector<16xf32>
    %add3A_2158 = arith.addf %mul3A_2141, %sub3A_2157 : vector<16xf32>
    tpu.vector_store_idx %arg23[%add3A_2156, %broadcast_in_dim3A_2100], %add3A_2158 : memref<32x64xf32, #tpu.memory_space<vmem>>[vector<16xi32>, vector<16xi32>], vector<16xf32>,
    %broadcast_in_dim3A_2159 = arith.constant 30 : i32
    %broadcast_in_dim3A_2160 = vector.broadcast %broadcast_in_dim3A_2159 : i32 to vector<16xi32>
    %get3A_2161 = arith.constant 30 : i32
    %get3A_2162 = arith.index_cast %get3A_2161 : i32 to index
    %get3A_2163 = arith.constant 0 : index
    %get3A_2164 = tpu.vector_load %arg22[%get3A_2162, %get3A_2163] {strides = array<i32>} : memref<64x32xf32, #tpu.memory_space<vmem>>, vector<16xf32>,
    %get3A_2165 = arith.constant 30 : i32
    %get3A_2166 = arith.index_cast %get3A_2165 : i32 to index
    %get3A_2167 = arith.constant 0 : index
    %get3A_2168 = tpu.vector_load %arg19[%get3A_2166, %get3A_2167] {strides = array<i32>} : memref<64x32xf32, #tpu.memory_space<vmem>>, vector<16xf32>,
    %add3A_2169 = arith.addf %get3A_2164, %get3A_2168 : vector<16xf32>
    %mul3A_2170 = arith.constant 5.000000e-01 : f32
    %mul3A_2171 = vector.broadcast %mul3A_2170 : f32 to vector<16xf32>
    %mul3A_2172 = arith.mulf %add3A_2169, %mul3A_2171 : vector<16xf32>
    %get3A_2173 = arith.constant 30 : i32
    %get3A_2174 = arith.index_cast %get3A_2173 : i32 to index
    %get3A_2175 = arith.constant 0 : index
    %get3A_2176 = tpu.vector_load %arg20[%get3A_2174, %get3A_2175] {strides = array<i32>} : memref<64x32xf32, #tpu.memory_space<vmem>>, vector<16xf32>,
    %get3A_2177 = arith.constant 30 : i32
    %get3A_2178 = arith.index_cast %get3A_2177 : i32 to index
    %get3A_2179 = arith.constant 0 : index
    %get3A_2180 = tpu.vector_load %arg21[%get3A_2178, %get3A_2179] {strides = array<i32>} : memref<64x32xf32, #tpu.memory_space<vmem>>, vector<16xf32>,
    %add3A_2181 = arith.addf %get3A_2176, %get3A_2180 : vector<16xf32>
    %mul3A_2182 = arith.constant 5.000000e-01 : f32
    %mul3A_2183 = vector.broadcast %mul3A_2182 : f32 to vector<16xf32>
    %mul3A_2184 = arith.mulf %add3A_2181, %mul3A_2183 : vector<16xf32>
    %add3A_2185 = arith.constant 0 : i32
    %add3A_2186 = vector.broadcast %add3A_2185 : i32 to vector<16xi32>
    %add3A_2187 = arith.addi %add3A_2186, %iota3A : vector<16xi32>
    %sub3A_2188 = arith.subf %mul3A_2184, %mul3A_2172 : vector<16xf32>
    %add3A_2189 = arith.addf %mul3A_2172, %sub3A_2188 : vector<16xf32>
    tpu.vector_store_idx %arg23[%add3A_2187, %broadcast_in_dim3A_2160], %add3A_2189 : memref<32x64xf32, #tpu.memory_space<vmem>>[vector<16xi32>, vector<16xi32>], vector<16xf32>,
    %get3A_2190 = arith.constant 30 : i32
    %get3A_2191 = arith.index_cast %get3A_2190 : i32 to index
    %get3A_2192 = arith.constant 16 : index
    %get3A_2193 = tpu.vector_load %arg22[%get3A_2191, %get3A_2192] {strides = array<i32>} : memref<64x32xf32, #tpu.memory_space<vmem>>, vector<16xf32>,
    %get3A_2194 = arith.constant 30 : i32
    %get3A_2195 = arith.index_cast %get3A_2194 : i32 to index
    %get3A_2196 = arith.constant 16 : index
    %get3A_2197 = tpu.vector_load %arg19[%get3A_2195, %get3A_2196] {strides = array<i32>} : memref<64x32xf32, #tpu.memory_space<vmem>>, vector<16xf32>,
    %add3A_2198 = arith.addf %get3A_2193, %get3A_2197 : vector<16xf32>
    %mul3A_2199 = arith.constant 5.000000e-01 : f32
    %mul3A_2200 = vector.broadcast %mul3A_2199 : f32 to vector<16xf32>
    %mul3A_2201 = arith.mulf %add3A_2198, %mul3A_2200 : vector<16xf32>
    %get3A_2202 = arith.constant 30 : i32
    %get3A_2203 = arith.index_cast %get3A_2202 : i32 to index
    %get3A_2204 = arith.constant 16 : index
    %get3A_2205 = tpu.vector_load %arg20[%get3A_2203, %get3A_2204] {strides = array<i32>} : memref<64x32xf32, #tpu.memory_space<vmem>>, vector<16xf32>,
    %get3A_2206 = arith.constant 30 : i32
    %get3A_2207 = arith.index_cast %get3A_2206 : i32 to index
    %get3A_2208 = arith.constant 16 : index
    %get3A_2209 = tpu.vector_load %arg21[%get3A_2207, %get3A_2208] {strides = array<i32>} : memref<64x32xf32, #tpu.memory_space<vmem>>, vector<16xf32>,
    %add3A_2210 = arith.addf %get3A_2205, %get3A_2209 : vector<16xf32>
    %mul3A_2211 = arith.constant 5.000000e-01 : f32
    %mul3A_2212 = vector.broadcast %mul3A_2211 : f32 to vector<16xf32>
    %mul3A_2213 = arith.mulf %add3A_2210, %mul3A_2212 : vector<16xf32>
    %add3A_2214 = arith.constant 16 : i32
    %add3A_2215 = vector.broadcast %add3A_2214 : i32 to vector<16xi32>
    %add3A_2216 = arith.addi %add3A_2215, %iota3A : vector<16xi32>
    %sub3A_2217 = arith.subf %mul3A_2213, %mul3A_2201 : vector<16xf32>
    %add3A_2218 = arith.addf %mul3A_2201, %sub3A_2217 : vector<16xf32>
    tpu.vector_store_idx %arg23[%add3A_2216, %broadcast_in_dim3A_2160], %add3A_2218 : memref<32x64xf32, #tpu.memory_space<vmem>>[vector<16xi32>, vector<16xi32>], vector<16xf32>,
    %broadcast_in_dim3A_2219 = arith.constant 31 : i32
    %broadcast_in_dim3A_2220 = vector.broadcast %broadcast_in_dim3A_2219 : i32 to vector<16xi32>
    %get3A_2221 = arith.constant 31 : i32
    %get3A_2222 = arith.index_cast %get3A_2221 : i32 to index
    %get3A_2223 = arith.constant 0 : index
    %get3A_2224 = tpu.vector_load %arg22[%get3A_2222, %get3A_2223] {strides = array<i32>} : memref<64x32xf32, #tpu.memory_space<vmem>>, vector<16xf32>,
    %get3A_2225 = arith.constant 31 : i32
    %get3A_2226 = arith.index_cast %get3A_2225 : i32 to index
    %get3A_2227 = arith.constant 0 : index
    %get3A_2228 = tpu.vector_load %arg19[%get3A_2226, %get3A_2227] {strides = array<i32>} : memref<64x32xf32, #tpu.memory_space<vmem>>, vector<16xf32>,
    %add3A_2229 = arith.addf %get3A_2224, %get3A_2228 : vector<16xf32>
    %mul3A_2230 = arith.constant 5.000000e-01 : f32
    %mul3A_2231 = vector.broadcast %mul3A_2230 : f32 to vector<16xf32>
    %mul3A_2232 = arith.mulf %add3A_2229, %mul3A_2231 : vector<16xf32>
    %get3A_2233 = arith.constant 31 : i32
    %get3A_2234 = arith.index_cast %get3A_2233 : i32 to index
    %get3A_2235 = arith.constant 0 : index
    %get3A_2236 = tpu.vector_load %arg20[%get3A_2234, %get3A_2235] {strides = array<i32>} : memref<64x32xf32, #tpu.memory_space<vmem>>, vector<16xf32>,
    %get3A_2237 = arith.constant 31 : i32
    %get3A_2238 = arith.index_cast %get3A_2237 : i32 to index
    %get3A_2239 = arith.constant 0 : index
    %get3A_2240 = tpu.vector_load %arg21[%get3A_2238, %get3A_2239] {strides = array<i32>} : memref<64x32xf32, #tpu.memory_space<vmem>>, vector<16xf32>,
    %add3A_2241 = arith.addf %get3A_2236, %get3A_2240 : vector<16xf32>
    %mul3A_2242 = arith.constant 5.000000e-01 : f32
    %mul3A_2243 = vector.broadcast %mul3A_2242 : f32 to vector<16xf32>
    %mul3A_2244 = arith.mulf %add3A_2241, %mul3A_2243 : vector<16xf32>
    %add3A_2245 = arith.constant 0 : i32
    %add3A_2246 = vector.broadcast %add3A_2245 : i32 to vector<16xi32>
    %add3A_2247 = arith.addi %add3A_2246, %iota3A : vector<16xi32>
    %sub3A_2248 = arith.subf %mul3A_2244, %mul3A_2232 : vector<16xf32>
    %add3A_2249 = arith.addf %mul3A_2232, %sub3A_2248 : vector<16xf32>
    tpu.vector_store_idx %arg23[%add3A_2247, %broadcast_in_dim3A_2220], %add3A_2249 : memref<32x64xf32, #tpu.memory_space<vmem>>[vector<16xi32>, vector<16xi32>], vector<16xf32>,
    %get3A_2250 = arith.constant 31 : i32
    %get3A_2251 = arith.index_cast %get3A_2250 : i32 to index
    %get3A_2252 = arith.constant 16 : index
    %get3A_2253 = tpu.vector_load %arg22[%get3A_2251, %get3A_2252] {strides = array<i32>} : memref<64x32xf32, #tpu.memory_space<vmem>>, vector<16xf32>,
    %get3A_2254 = arith.constant 31 : i32
    %get3A_2255 = arith.index_cast %get3A_2254 : i32 to index
    %get3A_2256 = arith.constant 16 : index
    %get3A_2257 = tpu.vector_load %arg19[%get3A_2255, %get3A_2256] {strides = array<i32>} : memref<64x32xf32, #tpu.memory_space<vmem>>, vector<16xf32>,
    %add3A_2258 = arith.addf %get3A_2253, %get3A_2257 : vector<16xf32>
    %mul3A_2259 = arith.constant 5.000000e-01 : f32
    %mul3A_2260 = vector.broadcast %mul3A_2259 : f32 to vector<16xf32>
    %mul3A_2261 = arith.mulf %add3A_2258, %mul3A_2260 : vector<16xf32>
    %get3A_2262 = arith.constant 31 : i32
    %get3A_2263 = arith.index_cast %get3A_2262 : i32 to index
    %get3A_2264 = arith.constant 16 : index
    %get3A_2265 = tpu.vector_load %arg20[%get3A_2263, %get3A_2264] {strides = array<i32>} : memref<64x32xf32, #tpu.memory_space<vmem>>, vector<16xf32>,
    %get3A_2266 = arith.constant 31 : i32
    %get3A_2267 = arith.index_cast %get3A_2266 : i32 to index
    %get3A_2268 = arith.constant 16 : index
    %get3A_2269 = tpu.vector_load %arg21[%get3A_2267, %get3A_2268] {strides = array<i32>} : memref<64x32xf32, #tpu.memory_space<vmem>>, vector<16xf32>,
    %add3A_2270 = arith.addf %get3A_2265, %get3A_2269 : vector<16xf32>
    %mul3A_2271 = arith.constant 5.000000e-01 : f32
    %mul3A_2272 = vector.broadcast %mul3A_2271 : f32 to vector<16xf32>
    %mul3A_2273 = arith.mulf %add3A_2270, %mul3A_2272 : vector<16xf32>
    %add3A_2274 = arith.constant 16 : i32
    %add3A_2275 = vector.broadcast %add3A_2274 : i32 to vector<16xi32>
    %add3A_2276 = arith.addi %add3A_2275, %iota3A : vector<16xi32>
    %sub3A_2277 = arith.subf %mul3A_2273, %mul3A_2261 : vector<16xf32>
    %add3A_2278 = arith.addf %mul3A_2261, %sub3A_2277 : vector<16xf32>
    tpu.vector_store_idx %arg23[%add3A_2276, %broadcast_in_dim3A_2220], %add3A_2278 : memref<32x64xf32, #tpu.memory_space<vmem>>[vector<16xi32>, vector<16xi32>], vector<16xf32>,
    %broadcast_in_dim3A_2279 = arith.constant 32 : i32
    %broadcast_in_dim3A_2280 = vector.broadcast %broadcast_in_dim3A_2279 : i32 to vector<16xi32>
    %get3A_2281 = arith.constant 32 : i32
    %get3A_2282 = arith.index_cast %get3A_2281 : i32 to index
    %get3A_2283 = arith.constant 0 : index
    %get3A_2284 = tpu.vector_load %arg22[%get3A_2282, %get3A_2283] {strides = array<i32>} : memref<64x32xf32, #tpu.memory_space<vmem>>, vector<16xf32>,
    %get3A_2285 = arith.constant 32 : i32
    %get3A_2286 = arith.index_cast %get3A_2285 : i32 to index
    %get3A_2287 = arith.constant 0 : index
    %get3A_2288 = tpu.vector_load %arg19[%get3A_2286, %get3A_2287] {strides = array<i32>} : memref<64x32xf32, #tpu.memory_space<vmem>>, vector<16xf32>,
    %add3A_2289 = arith.addf %get3A_2284, %get3A_2288 : vector<16xf32>
    %mul3A_2290 = arith.constant 5.000000e-01 : f32
    %mul3A_2291 = vector.broadcast %mul3A_2290 : f32 to vector<16xf32>
    %mul3A_2292 = arith.mulf %add3A_2289, %mul3A_2291 : vector<16xf32>
    %get3A_2293 = arith.constant 32 : i32
    %get3A_2294 = arith.index_cast %get3A_2293 : i32 to index
    %get3A_2295 = arith.constant 0 : index
    %get3A_2296 = tpu.vector_load %arg20[%get3A_2294, %get3A_2295] {strides = array<i32>} : memref<64x32xf32, #tpu.memory_space<vmem>>, vector<16xf32>,
    %get3A_2297 = arith.constant 32 : i32
    %get3A_2298 = arith.index_cast %get3A_2297 : i32 to index
    %get3A_2299 = arith.constant 0 : index
    %get3A_2300 = tpu.vector_load %arg21[%get3A_2298, %get3A_2299] {strides = array<i32>} : memref<64x32xf32, #tpu.memory_space<vmem>>, vector<16xf32>,
    %add3A_2301 = arith.addf %get3A_2296, %get3A_2300 : vector<16xf32>
    %mul3A_2302 = arith.constant 5.000000e-01 : f32
    %mul3A_2303 = vector.broadcast %mul3A_2302 : f32 to vector<16xf32>
    %mul3A_2304 = arith.mulf %add3A_2301, %mul3A_2303 : vector<16xf32>
    %add3A_2305 = arith.constant 0 : i32
    %add3A_2306 = vector.broadcast %add3A_2305 : i32 to vector<16xi32>
    %add3A_2307 = arith.addi %add3A_2306, %iota3A : vector<16xi32>
    %sub3A_2308 = arith.subf %mul3A_2304, %mul3A_2292 : vector<16xf32>
    %add3A_2309 = arith.addf %mul3A_2292, %sub3A_2308 : vector<16xf32>
    tpu.vector_store_idx %arg23[%add3A_2307, %broadcast_in_dim3A_2280], %add3A_2309 : memref<32x64xf32, #tpu.memory_space<vmem>>[vector<16xi32>, vector<16xi32>], vector<16xf32>,
    %get3A_2310 = arith.constant 32 : i32
    %get3A_2311 = arith.index_cast %get3A_2310 : i32 to index
    %get3A_2312 = arith.constant 16 : index
    %get3A_2313 = tpu.vector_load %arg22[%get3A_2311, %get3A_2312] {strides = array<i32>} : memref<64x32xf32, #tpu.memory_space<vmem>>, vector<16xf32>,
    %get3A_2314 = arith.constant 32 : i32
    %get3A_2315 = arith.index_cast %get3A_2314 : i32 to index
    %get3A_2316 = arith.constant 16 : index
    %get3A_2317 = tpu.vector_load %arg19[%get3A_2315, %get3A_2316] {strides = array<i32>} : memref<64x32xf32, #tpu.memory_space<vmem>>, vector<16xf32>,
    %add3A_2318 = arith.addf %get3A_2313, %get3A_2317 : vector<16xf32>
    %mul3A_2319 = arith.constant 5.000000e-01 : f32
    %mul3A_2320 = vector.broadcast %mul3A_2319 : f32 to vector<16xf32>
    %mul3A_2321 = arith.mulf %add3A_2318, %mul3A_2320 : vector<16xf32>
    %get3A_2322 = arith.constant 32 : i32
    %get3A_2323 = arith.index_cast %get3A_2322 : i32 to index
    %get3A_2324 = arith.constant 16 : index
    %get3A_2325 = tpu.vector_load %arg20[%get3A_2323, %get3A_2324] {strides = array<i32>} : memref<64x32xf32, #tpu.memory_space<vmem>>, vector<16xf32>,
    %get3A_2326 = arith.constant 32 : i32
    %get3A_2327 = arith.index_cast %get3A_2326 : i32 to index
    %get3A_2328 = arith.constant 16 : index
    %get3A_2329 = tpu.vector_load %arg21[%get3A_2327, %get3A_2328] {strides = array<i32>} : memref<64x32xf32, #tpu.memory_space<vmem>>, vector<16xf32>,
    %add3A_2330 = arith.addf %get3A_2325, %get3A_2329 : vector<16xf32>
    %mul3A_2331 = arith.constant 5.000000e-01 : f32
    %mul3A_2332 = vector.broadcast %mul3A_2331 : f32 to vector<16xf32>
    %mul3A_2333 = arith.mulf %add3A_2330, %mul3A_2332 : vector<16xf32>
    %add3A_2334 = arith.constant 16 : i32
    %add3A_2335 = vector.broadcast %add3A_2334 : i32 to vector<16xi32>
    %add3A_2336 = arith.addi %add3A_2335, %iota3A : vector<16xi32>
    %sub3A_2337 = arith.subf %mul3A_2333, %mul3A_2321 : vector<16xf32>
    %add3A_2338 = arith.addf %mul3A_2321, %sub3A_2337 : vector<16xf32>
    tpu.vector_store_idx %arg23[%add3A_2336, %broadcast_in_dim3A_2280], %add3A_2338 : memref<32x64xf32, #tpu.memory_space<vmem>>[vector<16xi32>, vector<16xi32>], vector<16xf32>,
    %broadcast_in_dim3A_2339 = arith.constant 33 : i32
    %broadcast_in_dim3A_2340 = vector.broadcast %broadcast_in_dim3A_2339 : i32 to vector<16xi32>
    %get3A_2341 = arith.constant 33 : i32
    %get3A_2342 = arith.index_cast %get3A_2341 : i32 to index
    %get3A_2343 = arith.constant 0 : index
    %get3A_2344 = tpu.vector_load %arg22[%get3A_2342, %get3A_2343] {strides = array<i32>} : memref<64x32xf32, #tpu.memory_space<vmem>>, vector<16xf32>,
    %get3A_2345 = arith.constant 33 : i32
    %get3A_2346 = arith.index_cast %get3A_2345 : i32 to index
    %get3A_2347 = arith.constant 0 : index
    %get3A_2348 = tpu.vector_load %arg19[%get3A_2346, %get3A_2347] {strides = array<i32>} : memref<64x32xf32, #tpu.memory_space<vmem>>, vector<16xf32>,
    %add3A_2349 = arith.addf %get3A_2344, %get3A_2348 : vector<16xf32>
    %mul3A_2350 = arith.constant 5.000000e-01 : f32
    %mul3A_2351 = vector.broadcast %mul3A_2350 : f32 to vector<16xf32>
    %mul3A_2352 = arith.mulf %add3A_2349, %mul3A_2351 : vector<16xf32>
    %get3A_2353 = arith.constant 33 : i32
    %get3A_2354 = arith.index_cast %get3A_2353 : i32 to index
    %get3A_2355 = arith.constant 0 : index
    %get3A_2356 = tpu.vector_load %arg20[%get3A_2354, %get3A_2355] {strides = array<i32>} : memref<64x32xf32, #tpu.memory_space<vmem>>, vector<16xf32>,
    %get3A_2357 = arith.constant 33 : i32
    %get3A_2358 = arith.index_cast %get3A_2357 : i32 to index
    %get3A_2359 = arith.constant 0 : index
    %get3A_2360 = tpu.vector_load %arg21[%get3A_2358, %get3A_2359] {strides = array<i32>} : memref<64x32xf32, #tpu.memory_space<vmem>>, vector<16xf32>,
    %add3A_2361 = arith.addf %get3A_2356, %get3A_2360 : vector<16xf32>
    %mul3A_2362 = arith.constant 5.000000e-01 : f32
    %mul3A_2363 = vector.broadcast %mul3A_2362 : f32 to vector<16xf32>
    %mul3A_2364 = arith.mulf %add3A_2361, %mul3A_2363 : vector<16xf32>
    %add3A_2365 = arith.constant 0 : i32
    %add3A_2366 = vector.broadcast %add3A_2365 : i32 to vector<16xi32>
    %add3A_2367 = arith.addi %add3A_2366, %iota3A : vector<16xi32>
    %sub3A_2368 = arith.subf %mul3A_2364, %mul3A_2352 : vector<16xf32>
    %add3A_2369 = arith.addf %mul3A_2352, %sub3A_2368 : vector<16xf32>
    tpu.vector_store_idx %arg23[%add3A_2367, %broadcast_in_dim3A_2340], %add3A_2369 : memref<32x64xf32, #tpu.memory_space<vmem>>[vector<16xi32>, vector<16xi32>], vector<16xf32>,
    %get3A_2370 = arith.constant 33 : i32
    %get3A_2371 = arith.index_cast %get3A_2370 : i32 to index
    %get3A_2372 = arith.constant 16 : index
    %get3A_2373 = tpu.vector_load %arg22[%get3A_2371, %get3A_2372] {strides = array<i32>} : memref<64x32xf32, #tpu.memory_space<vmem>>, vector<16xf32>,
    %get3A_2374 = arith.constant 33 : i32
    %get3A_2375 = arith.index_cast %get3A_2374 : i32 to index
    %get3A_2376 = arith.constant 16 : index
    %get3A_2377 = tpu.vector_load %arg19[%get3A_2375, %get3A_2376] {strides = array<i32>} : memref<64x32xf32, #tpu.memory_space<vmem>>, vector<16xf32>,
    %add3A_2378 = arith.addf %get3A_2373, %get3A_2377 : vector<16xf32>
    %mul3A_2379 = arith.constant 5.000000e-01 : f32
    %mul3A_2380 = vector.broadcast %mul3A_2379 : f32 to vector<16xf32>
    %mul3A_2381 = arith.mulf %add3A_2378, %mul3A_2380 : vector<16xf32>
    %get3A_2382 = arith.constant 33 : i32
    %get3A_2383 = arith.index_cast %get3A_2382 : i32 to index
    %get3A_2384 = arith.constant 16 : index
    %get3A_2385 = tpu.vector_load %arg20[%get3A_2383, %get3A_2384] {strides = array<i32>} : memref<64x32xf32, #tpu.memory_space<vmem>>, vector<16xf32>,
    %get3A_2386 = arith.constant 33 : i32
    %get3A_2387 = arith.index_cast %get3A_2386 : i32 to index
    %get3A_2388 = arith.constant 16 : index
    %get3A_2389 = tpu.vector_load %arg21[%get3A_2387, %get3A_2388] {strides = array<i32>} : memref<64x32xf32, #tpu.memory_space<vmem>>, vector<16xf32>,
    %add3A_2390 = arith.addf %get3A_2385, %get3A_2389 : vector<16xf32>
    %mul3A_2391 = arith.constant 5.000000e-01 : f32
    %mul3A_2392 = vector.broadcast %mul3A_2391 : f32 to vector<16xf32>
    %mul3A_2393 = arith.mulf %add3A_2390, %mul3A_2392 : vector<16xf32>
    %add3A_2394 = arith.constant 16 : i32
    %add3A_2395 = vector.broadcast %add3A_2394 : i32 to vector<16xi32>
    %add3A_2396 = arith.addi %add3A_2395, %iota3A : vector<16xi32>
    %sub3A_2397 = arith.subf %mul3A_2393, %mul3A_2381 : vector<16xf32>
    %add3A_2398 = arith.addf %mul3A_2381, %sub3A_2397 : vector<16xf32>
    tpu.vector_store_idx %arg23[%add3A_2396, %broadcast_in_dim3A_2340], %add3A_2398 : memref<32x64xf32, #tpu.memory_space<vmem>>[vector<16xi32>, vector<16xi32>], vector<16xf32>,
    %broadcast_in_dim3A_2399 = arith.constant 34 : i32
    %broadcast_in_dim3A_2400 = vector.broadcast %broadcast_in_dim3A_2399 : i32 to vector<16xi32>
    %get3A_2401 = arith.constant 34 : i32
    %get3A_2402 = arith.index_cast %get3A_2401 : i32 to index
    %get3A_2403 = arith.constant 0 : index
    %get3A_2404 = tpu.vector_load %arg22[%get3A_2402, %get3A_2403] {strides = array<i32>} : memref<64x32xf32, #tpu.memory_space<vmem>>, vector<16xf32>,
    %get3A_2405 = arith.constant 34 : i32
    %get3A_2406 = arith.index_cast %get3A_2405 : i32 to index
    %get3A_2407 = arith.constant 0 : index
    %get3A_2408 = tpu.vector_load %arg19[%get3A_2406, %get3A_2407] {strides = array<i32>} : memref<64x32xf32, #tpu.memory_space<vmem>>, vector<16xf32>,
    %add3A_2409 = arith.addf %get3A_2404, %get3A_2408 : vector<16xf32>
    %mul3A_2410 = arith.constant 5.000000e-01 : f32
    %mul3A_2411 = vector.broadcast %mul3A_2410 : f32 to vector<16xf32>
    %mul3A_2412 = arith.mulf %add3A_2409, %mul3A_2411 : vector<16xf32>
    %get3A_2413 = arith.constant 34 : i32
    %get3A_2414 = arith.index_cast %get3A_2413 : i32 to index
    %get3A_2415 = arith.constant 0 : index
    %get3A_2416 = tpu.vector_load %arg20[%get3A_2414, %get3A_2415] {strides = array<i32>} : memref<64x32xf32, #tpu.memory_space<vmem>>, vector<16xf32>,
    %get3A_2417 = arith.constant 34 : i32
    %get3A_2418 = arith.index_cast %get3A_2417 : i32 to index
    %get3A_2419 = arith.constant 0 : index
    %get3A_2420 = tpu.vector_load %arg21[%get3A_2418, %get3A_2419] {strides = array<i32>} : memref<64x32xf32, #tpu.memory_space<vmem>>, vector<16xf32>,
    %add3A_2421 = arith.addf %get3A_2416, %get3A_2420 : vector<16xf32>
    %mul3A_2422 = arith.constant 5.000000e-01 : f32
    %mul3A_2423 = vector.broadcast %mul3A_2422 : f32 to vector<16xf32>
    %mul3A_2424 = arith.mulf %add3A_2421, %mul3A_2423 : vector<16xf32>
    %add3A_2425 = arith.constant 0 : i32
    %add3A_2426 = vector.broadcast %add3A_2425 : i32 to vector<16xi32>
    %add3A_2427 = arith.addi %add3A_2426, %iota3A : vector<16xi32>
    %sub3A_2428 = arith.subf %mul3A_2424, %mul3A_2412 : vector<16xf32>
    %add3A_2429 = arith.addf %mul3A_2412, %sub3A_2428 : vector<16xf32>
    tpu.vector_store_idx %arg23[%add3A_2427, %broadcast_in_dim3A_2400], %add3A_2429 : memref<32x64xf32, #tpu.memory_space<vmem>>[vector<16xi32>, vector<16xi32>], vector<16xf32>,
    %get3A_2430 = arith.constant 34 : i32
    %get3A_2431 = arith.index_cast %get3A_2430 : i32 to index
    %get3A_2432 = arith.constant 16 : index
    %get3A_2433 = tpu.vector_load %arg22[%get3A_2431, %get3A_2432] {strides = array<i32>} : memref<64x32xf32, #tpu.memory_space<vmem>>, vector<16xf32>,
    %get3A_2434 = arith.constant 34 : i32
    %get3A_2435 = arith.index_cast %get3A_2434 : i32 to index
    %get3A_2436 = arith.constant 16 : index
    %get3A_2437 = tpu.vector_load %arg19[%get3A_2435, %get3A_2436] {strides = array<i32>} : memref<64x32xf32, #tpu.memory_space<vmem>>, vector<16xf32>,
    %add3A_2438 = arith.addf %get3A_2433, %get3A_2437 : vector<16xf32>
    %mul3A_2439 = arith.constant 5.000000e-01 : f32
    %mul3A_2440 = vector.broadcast %mul3A_2439 : f32 to vector<16xf32>
    %mul3A_2441 = arith.mulf %add3A_2438, %mul3A_2440 : vector<16xf32>
    %get3A_2442 = arith.constant 34 : i32
    %get3A_2443 = arith.index_cast %get3A_2442 : i32 to index
    %get3A_2444 = arith.constant 16 : index
    %get3A_2445 = tpu.vector_load %arg20[%get3A_2443, %get3A_2444] {strides = array<i32>} : memref<64x32xf32, #tpu.memory_space<vmem>>, vector<16xf32>,
    %get3A_2446 = arith.constant 34 : i32
    %get3A_2447 = arith.index_cast %get3A_2446 : i32 to index
    %get3A_2448 = arith.constant 16 : index
    %get3A_2449 = tpu.vector_load %arg21[%get3A_2447, %get3A_2448] {strides = array<i32>} : memref<64x32xf32, #tpu.memory_space<vmem>>, vector<16xf32>,
    %add3A_2450 = arith.addf %get3A_2445, %get3A_2449 : vector<16xf32>
    %mul3A_2451 = arith.constant 5.000000e-01 : f32
    %mul3A_2452 = vector.broadcast %mul3A_2451 : f32 to vector<16xf32>
    %mul3A_2453 = arith.mulf %add3A_2450, %mul3A_2452 : vector<16xf32>
    %add3A_2454 = arith.constant 16 : i32
    %add3A_2455 = vector.broadcast %add3A_2454 : i32 to vector<16xi32>
    %add3A_2456 = arith.addi %add3A_2455, %iota3A : vector<16xi32>
    %sub3A_2457 = arith.subf %mul3A_2453, %mul3A_2441 : vector<16xf32>
    %add3A_2458 = arith.addf %mul3A_2441, %sub3A_2457 : vector<16xf32>
    tpu.vector_store_idx %arg23[%add3A_2456, %broadcast_in_dim3A_2400], %add3A_2458 : memref<32x64xf32, #tpu.memory_space<vmem>>[vector<16xi32>, vector<16xi32>], vector<16xf32>,
    %broadcast_in_dim3A_2459 = arith.constant 35 : i32
    %broadcast_in_dim3A_2460 = vector.broadcast %broadcast_in_dim3A_2459 : i32 to vector<16xi32>
    %get3A_2461 = arith.constant 35 : i32
    %get3A_2462 = arith.index_cast %get3A_2461 : i32 to index
    %get3A_2463 = arith.constant 0 : index
    %get3A_2464 = tpu.vector_load %arg22[%get3A_2462, %get3A_2463] {strides = array<i32>} : memref<64x32xf32, #tpu.memory_space<vmem>>, vector<16xf32>,
    %get3A_2465 = arith.constant 35 : i32
    %get3A_2466 = arith.index_cast %get3A_2465 : i32 to index
    %get3A_2467 = arith.constant 0 : index
    %get3A_2468 = tpu.vector_load %arg19[%get3A_2466, %get3A_2467] {strides = array<i32>} : memref<64x32xf32, #tpu.memory_space<vmem>>, vector<16xf32>,
    %add3A_2469 = arith.addf %get3A_2464, %get3A_2468 : vector<16xf32>
    %mul3A_2470 = arith.constant 5.000000e-01 : f32
    %mul3A_2471 = vector.broadcast %mul3A_2470 : f32 to vector<16xf32>
    %mul3A_2472 = arith.mulf %add3A_2469, %mul3A_2471 : vector<16xf32>
    %get3A_2473 = arith.constant 35 : i32
    %get3A_2474 = arith.index_cast %get3A_2473 : i32 to index
    %get3A_2475 = arith.constant 0 : index
    %get3A_2476 = tpu.vector_load %arg20[%get3A_2474, %get3A_2475] {strides = array<i32>} : memref<64x32xf32, #tpu.memory_space<vmem>>, vector<16xf32>,
    %get3A_2477 = arith.constant 35 : i32
    %get3A_2478 = arith.index_cast %get3A_2477 : i32 to index
    %get3A_2479 = arith.constant 0 : index
    %get3A_2480 = tpu.vector_load %arg21[%get3A_2478, %get3A_2479] {strides = array<i32>} : memref<64x32xf32, #tpu.memory_space<vmem>>, vector<16xf32>,
    %add3A_2481 = arith.addf %get3A_2476, %get3A_2480 : vector<16xf32>
    %mul3A_2482 = arith.constant 5.000000e-01 : f32
    %mul3A_2483 = vector.broadcast %mul3A_2482 : f32 to vector<16xf32>
    %mul3A_2484 = arith.mulf %add3A_2481, %mul3A_2483 : vector<16xf32>
    %add3A_2485 = arith.constant 0 : i32
    %add3A_2486 = vector.broadcast %add3A_2485 : i32 to vector<16xi32>
    %add3A_2487 = arith.addi %add3A_2486, %iota3A : vector<16xi32>
    %sub3A_2488 = arith.subf %mul3A_2484, %mul3A_2472 : vector<16xf32>
    %add3A_2489 = arith.addf %mul3A_2472, %sub3A_2488 : vector<16xf32>
    tpu.vector_store_idx %arg23[%add3A_2487, %broadcast_in_dim3A_2460], %add3A_2489 : memref<32x64xf32, #tpu.memory_space<vmem>>[vector<16xi32>, vector<16xi32>], vector<16xf32>,
    %get3A_2490 = arith.constant 35 : i32
    %get3A_2491 = arith.index_cast %get3A_2490 : i32 to index
    %get3A_2492 = arith.constant 16 : index
    %get3A_2493 = tpu.vector_load %arg22[%get3A_2491, %get3A_2492] {strides = array<i32>} : memref<64x32xf32, #tpu.memory_space<vmem>>, vector<16xf32>,
    %get3A_2494 = arith.constant 35 : i32
    %get3A_2495 = arith.index_cast %get3A_2494 : i32 to index
    %get3A_2496 = arith.constant 16 : index
    %get3A_2497 = tpu.vector_load %arg19[%get3A_2495, %get3A_2496] {strides = array<i32>} : memref<64x32xf32, #tpu.memory_space<vmem>>, vector<16xf32>,
    %add3A_2498 = arith.addf %get3A_2493, %get3A_2497 : vector<16xf32>
    %mul3A_2499 = arith.constant 5.000000e-01 : f32
    %mul3A_2500 = vector.broadcast %mul3A_2499 : f32 to vector<16xf32>
    %mul3A_2501 = arith.mulf %add3A_2498, %mul3A_2500 : vector<16xf32>
    %get3A_2502 = arith.constant 35 : i32
    %get3A_2503 = arith.index_cast %get3A_2502 : i32 to index
    %get3A_2504 = arith.constant 16 : index
    %get3A_2505 = tpu.vector_load %arg20[%get3A_2503, %get3A_2504] {strides = array<i32>} : memref<64x32xf32, #tpu.memory_space<vmem>>, vector<16xf32>,
    %get3A_2506 = arith.constant 35 : i32
    %get3A_2507 = arith.index_cast %get3A_2506 : i32 to index
    %get3A_2508 = arith.constant 16 : index
    %get3A_2509 = tpu.vector_load %arg21[%get3A_2507, %get3A_2508] {strides = array<i32>} : memref<64x32xf32, #tpu.memory_space<vmem>>, vector<16xf32>,
    %add3A_2510 = arith.addf %get3A_2505, %get3A_2509 : vector<16xf32>
    %mul3A_2511 = arith.constant 5.000000e-01 : f32
    %mul3A_2512 = vector.broadcast %mul3A_2511 : f32 to vector<16xf32>
    %mul3A_2513 = arith.mulf %add3A_2510, %mul3A_2512 : vector<16xf32>
    %add3A_2514 = arith.constant 16 : i32
    %add3A_2515 = vector.broadcast %add3A_2514 : i32 to vector<16xi32>
    %add3A_2516 = arith.addi %add3A_2515, %iota3A : vector<16xi32>
    %sub3A_2517 = arith.subf %mul3A_2513, %mul3A_2501 : vector<16xf32>
    %add3A_2518 = arith.addf %mul3A_2501, %sub3A_2517 : vector<16xf32>
    tpu.vector_store_idx %arg23[%add3A_2516, %broadcast_in_dim3A_2460], %add3A_2518 : memref<32x64xf32, #tpu.memory_space<vmem>>[vector<16xi32>, vector<16xi32>], vector<16xf32>,
    %broadcast_in_dim3A_2519 = arith.constant 36 : i32
    %broadcast_in_dim3A_2520 = vector.broadcast %broadcast_in_dim3A_2519 : i32 to vector<16xi32>
    %get3A_2521 = arith.constant 36 : i32
    %get3A_2522 = arith.index_cast %get3A_2521 : i32 to index
    %get3A_2523 = arith.constant 0 : index
    %get3A_2524 = tpu.vector_load %arg22[%get3A_2522, %get3A_2523] {strides = array<i32>} : memref<64x32xf32, #tpu.memory_space<vmem>>, vector<16xf32>,
    %get3A_2525 = arith.constant 36 : i32
    %get3A_2526 = arith.index_cast %get3A_2525 : i32 to index
    %get3A_2527 = arith.constant 0 : index
    %get3A_2528 = tpu.vector_load %arg19[%get3A_2526, %get3A_2527] {strides = array<i32>} : memref<64x32xf32, #tpu.memory_space<vmem>>, vector<16xf32>,
    %add3A_2529 = arith.addf %get3A_2524, %get3A_2528 : vector<16xf32>
    %mul3A_2530 = arith.constant 5.000000e-01 : f32
    %mul3A_2531 = vector.broadcast %mul3A_2530 : f32 to vector<16xf32>
    %mul3A_2532 = arith.mulf %add3A_2529, %mul3A_2531 : vector<16xf32>
    %get3A_2533 = arith.constant 36 : i32
    %get3A_2534 = arith.index_cast %get3A_2533 : i32 to index
    %get3A_2535 = arith.constant 0 : index
    %get3A_2536 = tpu.vector_load %arg20[%get3A_2534, %get3A_2535] {strides = array<i32>} : memref<64x32xf32, #tpu.memory_space<vmem>>, vector<16xf32>,
    %get3A_2537 = arith.constant 36 : i32
    %get3A_2538 = arith.index_cast %get3A_2537 : i32 to index
    %get3A_2539 = arith.constant 0 : index
    %get3A_2540 = tpu.vector_load %arg21[%get3A_2538, %get3A_2539] {strides = array<i32>} : memref<64x32xf32, #tpu.memory_space<vmem>>, vector<16xf32>,
    %add3A_2541 = arith.addf %get3A_2536, %get3A_2540 : vector<16xf32>
    %mul3A_2542 = arith.constant 5.000000e-01 : f32
    %mul3A_2543 = vector.broadcast %mul3A_2542 : f32 to vector<16xf32>
    %mul3A_2544 = arith.mulf %add3A_2541, %mul3A_2543 : vector<16xf32>
    %add3A_2545 = arith.constant 0 : i32
    %add3A_2546 = vector.broadcast %add3A_2545 : i32 to vector<16xi32>
    %add3A_2547 = arith.addi %add3A_2546, %iota3A : vector<16xi32>
    %sub3A_2548 = arith.subf %mul3A_2544, %mul3A_2532 : vector<16xf32>
    %add3A_2549 = arith.addf %mul3A_2532, %sub3A_2548 : vector<16xf32>
    tpu.vector_store_idx %arg23[%add3A_2547, %broadcast_in_dim3A_2520], %add3A_2549 : memref<32x64xf32, #tpu.memory_space<vmem>>[vector<16xi32>, vector<16xi32>], vector<16xf32>,
    %get3A_2550 = arith.constant 36 : i32
    %get3A_2551 = arith.index_cast %get3A_2550 : i32 to index
    %get3A_2552 = arith.constant 16 : index
    %get3A_2553 = tpu.vector_load %arg22[%get3A_2551, %get3A_2552] {strides = array<i32>} : memref<64x32xf32, #tpu.memory_space<vmem>>, vector<16xf32>,
    %get3A_2554 = arith.constant 36 : i32
    %get3A_2555 = arith.index_cast %get3A_2554 : i32 to index
    %get3A_2556 = arith.constant 16 : index
    %get3A_2557 = tpu.vector_load %arg19[%get3A_2555, %get3A_2556] {strides = array<i32>} : memref<64x32xf32, #tpu.memory_space<vmem>>, vector<16xf32>,
    %add3A_2558 = arith.addf %get3A_2553, %get3A_2557 : vector<16xf32>
    %mul3A_2559 = arith.constant 5.000000e-01 : f32
    %mul3A_2560 = vector.broadcast %mul3A_2559 : f32 to vector<16xf32>
    %mul3A_2561 = arith.mulf %add3A_2558, %mul3A_2560 : vector<16xf32>
    %get3A_2562 = arith.constant 36 : i32
    %get3A_2563 = arith.index_cast %get3A_2562 : i32 to index
    %get3A_2564 = arith.constant 16 : index
    %get3A_2565 = tpu.vector_load %arg20[%get3A_2563, %get3A_2564] {strides = array<i32>} : memref<64x32xf32, #tpu.memory_space<vmem>>, vector<16xf32>,
    %get3A_2566 = arith.constant 36 : i32
    %get3A_2567 = arith.index_cast %get3A_2566 : i32 to index
    %get3A_2568 = arith.constant 16 : index
    %get3A_2569 = tpu.vector_load %arg21[%get3A_2567, %get3A_2568] {strides = array<i32>} : memref<64x32xf32, #tpu.memory_space<vmem>>, vector<16xf32>,
    %add3A_2570 = arith.addf %get3A_2565, %get3A_2569 : vector<16xf32>
    %mul3A_2571 = arith.constant 5.000000e-01 : f32
    %mul3A_2572 = vector.broadcast %mul3A_2571 : f32 to vector<16xf32>
    %mul3A_2573 = arith.mulf %add3A_2570, %mul3A_2572 : vector<16xf32>
    %add3A_2574 = arith.constant 16 : i32
    %add3A_2575 = vector.broadcast %add3A_2574 : i32 to vector<16xi32>
    %add3A_2576 = arith.addi %add3A_2575, %iota3A : vector<16xi32>
    %sub3A_2577 = arith.subf %mul3A_2573, %mul3A_2561 : vector<16xf32>
    %add3A_2578 = arith.addf %mul3A_2561, %sub3A_2577 : vector<16xf32>
    tpu.vector_store_idx %arg23[%add3A_2576, %broadcast_in_dim3A_2520], %add3A_2578 : memref<32x64xf32, #tpu.memory_space<vmem>>[vector<16xi32>, vector<16xi32>], vector<16xf32>,
    %broadcast_in_dim3A_2579 = arith.constant 37 : i32
    %broadcast_in_dim3A_2580 = vector.broadcast %broadcast_in_dim3A_2579 : i32 to vector<16xi32>
    %get3A_2581 = arith.constant 37 : i32
    %get3A_2582 = arith.index_cast %get3A_2581 : i32 to index
    %get3A_2583 = arith.constant 0 : index
    %get3A_2584 = tpu.vector_load %arg22[%get3A_2582, %get3A_2583] {strides = array<i32>} : memref<64x32xf32, #tpu.memory_space<vmem>>, vector<16xf32>,
    %get3A_2585 = arith.constant 37 : i32
    %get3A_2586 = arith.index_cast %get3A_2585 : i32 to index
    %get3A_2587 = arith.constant 0 : index
    %get3A_2588 = tpu.vector_load %arg19[%get3A_2586, %get3A_2587] {strides = array<i32>} : memref<64x32xf32, #tpu.memory_space<vmem>>, vector<16xf32>,
    %add3A_2589 = arith.addf %get3A_2584, %get3A_2588 : vector<16xf32>
    %mul3A_2590 = arith.constant 5.000000e-01 : f32
    %mul3A_2591 = vector.broadcast %mul3A_2590 : f32 to vector<16xf32>
    %mul3A_2592 = arith.mulf %add3A_2589, %mul3A_2591 : vector<16xf32>
    %get3A_2593 = arith.constant 37 : i32
    %get3A_2594 = arith.index_cast %get3A_2593 : i32 to index
    %get3A_2595 = arith.constant 0 : index
    %get3A_2596 = tpu.vector_load %arg20[%get3A_2594, %get3A_2595] {strides = array<i32>} : memref<64x32xf32, #tpu.memory_space<vmem>>, vector<16xf32>,
    %get3A_2597 = arith.constant 37 : i32
    %get3A_2598 = arith.index_cast %get3A_2597 : i32 to index
    %get3A_2599 = arith.constant 0 : index
    %get3A_2600 = tpu.vector_load %arg21[%get3A_2598, %get3A_2599] {strides = array<i32>} : memref<64x32xf32, #tpu.memory_space<vmem>>, vector<16xf32>,
    %add3A_2601 = arith.addf %get3A_2596, %get3A_2600 : vector<16xf32>
    %mul3A_2602 = arith.constant 5.000000e-01 : f32
    %mul3A_2603 = vector.broadcast %mul3A_2602 : f32 to vector<16xf32>
    %mul3A_2604 = arith.mulf %add3A_2601, %mul3A_2603 : vector<16xf32>
    %add3A_2605 = arith.constant 0 : i32
    %add3A_2606 = vector.broadcast %add3A_2605 : i32 to vector<16xi32>
    %add3A_2607 = arith.addi %add3A_2606, %iota3A : vector<16xi32>
    %sub3A_2608 = arith.subf %mul3A_2604, %mul3A_2592 : vector<16xf32>
    %add3A_2609 = arith.addf %mul3A_2592, %sub3A_2608 : vector<16xf32>
    tpu.vector_store_idx %arg23[%add3A_2607, %broadcast_in_dim3A_2580], %add3A_2609 : memref<32x64xf32, #tpu.memory_space<vmem>>[vector<16xi32>, vector<16xi32>], vector<16xf32>,
    %get3A_2610 = arith.constant 37 : i32
    %get3A_2611 = arith.index_cast %get3A_2610 : i32 to index
    %get3A_2612 = arith.constant 16 : index
    %get3A_2613 = tpu.vector_load %arg22[%get3A_2611, %get3A_2612] {strides = array<i32>} : memref<64x32xf32, #tpu.memory_space<vmem>>, vector<16xf32>,
    %get3A_2614 = arith.constant 37 : i32
    %get3A_2615 = arith.index_cast %get3A_2614 : i32 to index
    %get3A_2616 = arith.constant 16 : index
    %get3A_2617 = tpu.vector_load %arg19[%get3A_2615, %get3A_2616] {strides = array<i32>} : memref<64x32xf32, #tpu.memory_space<vmem>>, vector<16xf32>,
    %add3A_2618 = arith.addf %get3A_2613, %get3A_2617 : vector<16xf32>
    %mul3A_2619 = arith.constant 5.000000e-01 : f32
    %mul3A_2620 = vector.broadcast %mul3A_2619 : f32 to vector<16xf32>
    %mul3A_2621 = arith.mulf %add3A_2618, %mul3A_2620 : vector<16xf32>
    %get3A_2622 = arith.constant 37 : i32
    %get3A_2623 = arith.index_cast %get3A_2622 : i32 to index
    %get3A_2624 = arith.constant 16 : index
    %get3A_2625 = tpu.vector_load %arg20[%get3A_2623, %get3A_2624] {strides = array<i32>} : memref<64x32xf32, #tpu.memory_space<vmem>>, vector<16xf32>,
    %get3A_2626 = arith.constant 37 : i32
    %get3A_2627 = arith.index_cast %get3A_2626 : i32 to index
    %get3A_2628 = arith.constant 16 : index
    %get3A_2629 = tpu.vector_load %arg21[%get3A_2627, %get3A_2628] {strides = array<i32>} : memref<64x32xf32, #tpu.memory_space<vmem>>, vector<16xf32>,
    %add3A_2630 = arith.addf %get3A_2625, %get3A_2629 : vector<16xf32>
    %mul3A_2631 = arith.constant 5.000000e-01 : f32
    %mul3A_2632 = vector.broadcast %mul3A_2631 : f32 to vector<16xf32>
    %mul3A_2633 = arith.mulf %add3A_2630, %mul3A_2632 : vector<16xf32>
    %add3A_2634 = arith.constant 16 : i32
    %add3A_2635 = vector.broadcast %add3A_2634 : i32 to vector<16xi32>
    %add3A_2636 = arith.addi %add3A_2635, %iota3A : vector<16xi32>
    %sub3A_2637 = arith.subf %mul3A_2633, %mul3A_2621 : vector<16xf32>
    %add3A_2638 = arith.addf %mul3A_2621, %sub3A_2637 : vector<16xf32>
    tpu.vector_store_idx %arg23[%add3A_2636, %broadcast_in_dim3A_2580], %add3A_2638 : memref<32x64xf32, #tpu.memory_space<vmem>>[vector<16xi32>, vector<16xi32>], vector<16xf32>,
    %broadcast_in_dim3A_2639 = arith.constant 38 : i32
    %broadcast_in_dim3A_2640 = vector.broadcast %broadcast_in_dim3A_2639 : i32 to vector<16xi32>
    %get3A_2641 = arith.constant 38 : i32
    %get3A_2642 = arith.index_cast %get3A_2641 : i32 to index
    %get3A_2643 = arith.constant 0 : index
    %get3A_2644 = tpu.vector_load %arg22[%get3A_2642, %get3A_2643] {strides = array<i32>} : memref<64x32xf32, #tpu.memory_space<vmem>>, vector<16xf32>,
    %get3A_2645 = arith.constant 38 : i32
    %get3A_2646 = arith.index_cast %get3A_2645 : i32 to index
    %get3A_2647 = arith.constant 0 : index
    %get3A_2648 = tpu.vector_load %arg19[%get3A_2646, %get3A_2647] {strides = array<i32>} : memref<64x32xf32, #tpu.memory_space<vmem>>, vector<16xf32>,
    %add3A_2649 = arith.addf %get3A_2644, %get3A_2648 : vector<16xf32>
    %mul3A_2650 = arith.constant 5.000000e-01 : f32
    %mul3A_2651 = vector.broadcast %mul3A_2650 : f32 to vector<16xf32>
    %mul3A_2652 = arith.mulf %add3A_2649, %mul3A_2651 : vector<16xf32>
    %get3A_2653 = arith.constant 38 : i32
    %get3A_2654 = arith.index_cast %get3A_2653 : i32 to index
    %get3A_2655 = arith.constant 0 : index
    %get3A_2656 = tpu.vector_load %arg20[%get3A_2654, %get3A_2655] {strides = array<i32>} : memref<64x32xf32, #tpu.memory_space<vmem>>, vector<16xf32>,
    %get3A_2657 = arith.constant 38 : i32
    %get3A_2658 = arith.index_cast %get3A_2657 : i32 to index
    %get3A_2659 = arith.constant 0 : index
    %get3A_2660 = tpu.vector_load %arg21[%get3A_2658, %get3A_2659] {strides = array<i32>} : memref<64x32xf32, #tpu.memory_space<vmem>>, vector<16xf32>,
    %add3A_2661 = arith.addf %get3A_2656, %get3A_2660 : vector<16xf32>
    %mul3A_2662 = arith.constant 5.000000e-01 : f32
    %mul3A_2663 = vector.broadcast %mul3A_2662 : f32 to vector<16xf32>
    %mul3A_2664 = arith.mulf %add3A_2661, %mul3A_2663 : vector<16xf32>
    %add3A_2665 = arith.constant 0 : i32
    %add3A_2666 = vector.broadcast %add3A_2665 : i32 to vector<16xi32>
    %add3A_2667 = arith.addi %add3A_2666, %iota3A : vector<16xi32>
    %sub3A_2668 = arith.subf %mul3A_2664, %mul3A_2652 : vector<16xf32>
    %add3A_2669 = arith.addf %mul3A_2652, %sub3A_2668 : vector<16xf32>
    tpu.vector_store_idx %arg23[%add3A_2667, %broadcast_in_dim3A_2640], %add3A_2669 : memref<32x64xf32, #tpu.memory_space<vmem>>[vector<16xi32>, vector<16xi32>], vector<16xf32>,
    %get3A_2670 = arith.constant 38 : i32
    %get3A_2671 = arith.index_cast %get3A_2670 : i32 to index
    %get3A_2672 = arith.constant 16 : index
    %get3A_2673 = tpu.vector_load %arg22[%get3A_2671, %get3A_2672] {strides = array<i32>} : memref<64x32xf32, #tpu.memory_space<vmem>>, vector<16xf32>,
    %get3A_2674 = arith.constant 38 : i32
    %get3A_2675 = arith.index_cast %get3A_2674 : i32 to index
    %get3A_2676 = arith.constant 16 : index
    %get3A_2677 = tpu.vector_load %arg19[%get3A_2675, %get3A_2676] {strides = array<i32>} : memref<64x32xf32, #tpu.memory_space<vmem>>, vector<16xf32>,
    %add3A_2678 = arith.addf %get3A_2673, %get3A_2677 : vector<16xf32>
    %mul3A_2679 = arith.constant 5.000000e-01 : f32
    %mul3A_2680 = vector.broadcast %mul3A_2679 : f32 to vector<16xf32>
    %mul3A_2681 = arith.mulf %add3A_2678, %mul3A_2680 : vector<16xf32>
    %get3A_2682 = arith.constant 38 : i32
    %get3A_2683 = arith.index_cast %get3A_2682 : i32 to index
    %get3A_2684 = arith.constant 16 : index
    %get3A_2685 = tpu.vector_load %arg20[%get3A_2683, %get3A_2684] {strides = array<i32>} : memref<64x32xf32, #tpu.memory_space<vmem>>, vector<16xf32>,
    %get3A_2686 = arith.constant 38 : i32
    %get3A_2687 = arith.index_cast %get3A_2686 : i32 to index
    %get3A_2688 = arith.constant 16 : index
    %get3A_2689 = tpu.vector_load %arg21[%get3A_2687, %get3A_2688] {strides = array<i32>} : memref<64x32xf32, #tpu.memory_space<vmem>>, vector<16xf32>,
    %add3A_2690 = arith.addf %get3A_2685, %get3A_2689 : vector<16xf32>
    %mul3A_2691 = arith.constant 5.000000e-01 : f32
    %mul3A_2692 = vector.broadcast %mul3A_2691 : f32 to vector<16xf32>
    %mul3A_2693 = arith.mulf %add3A_2690, %mul3A_2692 : vector<16xf32>
    %add3A_2694 = arith.constant 16 : i32
    %add3A_2695 = vector.broadcast %add3A_2694 : i32 to vector<16xi32>
    %add3A_2696 = arith.addi %add3A_2695, %iota3A : vector<16xi32>
    %sub3A_2697 = arith.subf %mul3A_2693, %mul3A_2681 : vector<16xf32>
    %add3A_2698 = arith.addf %mul3A_2681, %sub3A_2697 : vector<16xf32>
    tpu.vector_store_idx %arg23[%add3A_2696, %broadcast_in_dim3A_2640], %add3A_2698 : memref<32x64xf32, #tpu.memory_space<vmem>>[vector<16xi32>, vector<16xi32>], vector<16xf32>,
    %broadcast_in_dim3A_2699 = arith.constant 39 : i32
    %broadcast_in_dim3A_2700 = vector.broadcast %broadcast_in_dim3A_2699 : i32 to vector<16xi32>
    %get3A_2701 = arith.constant 39 : i32
    %get3A_2702 = arith.index_cast %get3A_2701 : i32 to index
    %get3A_2703 = arith.constant 0 : index
    %get3A_2704 = tpu.vector_load %arg22[%get3A_2702, %get3A_2703] {strides = array<i32>} : memref<64x32xf32, #tpu.memory_space<vmem>>, vector<16xf32>,
    %get3A_2705 = arith.constant 39 : i32
    %get3A_2706 = arith.index_cast %get3A_2705 : i32 to index
    %get3A_2707 = arith.constant 0 : index
    %get3A_2708 = tpu.vector_load %arg19[%get3A_2706, %get3A_2707] {strides = array<i32>} : memref<64x32xf32, #tpu.memory_space<vmem>>, vector<16xf32>,
    %add3A_2709 = arith.addf %get3A_2704, %get3A_2708 : vector<16xf32>
    %mul3A_2710 = arith.constant 5.000000e-01 : f32
    %mul3A_2711 = vector.broadcast %mul3A_2710 : f32 to vector<16xf32>
    %mul3A_2712 = arith.mulf %add3A_2709, %mul3A_2711 : vector<16xf32>
    %get3A_2713 = arith.constant 39 : i32
    %get3A_2714 = arith.index_cast %get3A_2713 : i32 to index
    %get3A_2715 = arith.constant 0 : index
    %get3A_2716 = tpu.vector_load %arg20[%get3A_2714, %get3A_2715] {strides = array<i32>} : memref<64x32xf32, #tpu.memory_space<vmem>>, vector<16xf32>,
    %get3A_2717 = arith.constant 39 : i32
    %get3A_2718 = arith.index_cast %get3A_2717 : i32 to index
    %get3A_2719 = arith.constant 0 : index
    %get3A_2720 = tpu.vector_load %arg21[%get3A_2718, %get3A_2719] {strides = array<i32>} : memref<64x32xf32, #tpu.memory_space<vmem>>, vector<16xf32>,
    %add3A_2721 = arith.addf %get3A_2716, %get3A_2720 : vector<16xf32>
    %mul3A_2722 = arith.constant 5.000000e-01 : f32
    %mul3A_2723 = vector.broadcast %mul3A_2722 : f32 to vector<16xf32>
    %mul3A_2724 = arith.mulf %add3A_2721, %mul3A_2723 : vector<16xf32>
    %add3A_2725 = arith.constant 0 : i32
    %add3A_2726 = vector.broadcast %add3A_2725 : i32 to vector<16xi32>
    %add3A_2727 = arith.addi %add3A_2726, %iota3A : vector<16xi32>
    %sub3A_2728 = arith.subf %mul3A_2724, %mul3A_2712 : vector<16xf32>
    %add3A_2729 = arith.addf %mul3A_2712, %sub3A_2728 : vector<16xf32>
    tpu.vector_store_idx %arg23[%add3A_2727, %broadcast_in_dim3A_2700], %add3A_2729 : memref<32x64xf32, #tpu.memory_space<vmem>>[vector<16xi32>, vector<16xi32>], vector<16xf32>,
    %get3A_2730 = arith.constant 39 : i32
    %get3A_2731 = arith.index_cast %get3A_2730 : i32 to index
    %get3A_2732 = arith.constant 16 : index
    %get3A_2733 = tpu.vector_load %arg22[%get3A_2731, %get3A_2732] {strides = array<i32>} : memref<64x32xf32, #tpu.memory_space<vmem>>, vector<16xf32>,
    %get3A_2734 = arith.constant 39 : i32
    %get3A_2735 = arith.index_cast %get3A_2734 : i32 to index
    %get3A_2736 = arith.constant 16 : index
    %get3A_2737 = tpu.vector_load %arg19[%get3A_2735, %get3A_2736] {strides = array<i32>} : memref<64x32xf32, #tpu.memory_space<vmem>>, vector<16xf32>,
    %add3A_2738 = arith.addf %get3A_2733, %get3A_2737 : vector<16xf32>
    %mul3A_2739 = arith.constant 5.000000e-01 : f32
    %mul3A_2740 = vector.broadcast %mul3A_2739 : f32 to vector<16xf32>
    %mul3A_2741 = arith.mulf %add3A_2738, %mul3A_2740 : vector<16xf32>
    %get3A_2742 = arith.constant 39 : i32
    %get3A_2743 = arith.index_cast %get3A_2742 : i32 to index
    %get3A_2744 = arith.constant 16 : index
    %get3A_2745 = tpu.vector_load %arg20[%get3A_2743, %get3A_2744] {strides = array<i32>} : memref<64x32xf32, #tpu.memory_space<vmem>>, vector<16xf32>,
    %get3A_2746 = arith.constant 39 : i32
    %get3A_2747 = arith.index_cast %get3A_2746 : i32 to index
    %get3A_2748 = arith.constant 16 : index
    %get3A_2749 = tpu.vector_load %arg21[%get3A_2747, %get3A_2748] {strides = array<i32>} : memref<64x32xf32, #tpu.memory_space<vmem>>, vector<16xf32>,
    %add3A_2750 = arith.addf %get3A_2745, %get3A_2749 : vector<16xf32>
    %mul3A_2751 = arith.constant 5.000000e-01 : f32
    %mul3A_2752 = vector.broadcast %mul3A_2751 : f32 to vector<16xf32>
    %mul3A_2753 = arith.mulf %add3A_2750, %mul3A_2752 : vector<16xf32>
    %add3A_2754 = arith.constant 16 : i32
    %add3A_2755 = vector.broadcast %add3A_2754 : i32 to vector<16xi32>
    %add3A_2756 = arith.addi %add3A_2755, %iota3A : vector<16xi32>
    %sub3A_2757 = arith.subf %mul3A_2753, %mul3A_2741 : vector<16xf32>
    %add3A_2758 = arith.addf %mul3A_2741, %sub3A_2757 : vector<16xf32>
    tpu.vector_store_idx %arg23[%add3A_2756, %broadcast_in_dim3A_2700], %add3A_2758 : memref<32x64xf32, #tpu.memory_space<vmem>>[vector<16xi32>, vector<16xi32>], vector<16xf32>,
    %broadcast_in_dim3A_2759 = arith.constant 40 : i32
    %broadcast_in_dim3A_2760 = vector.broadcast %broadcast_in_dim3A_2759 : i32 to vector<16xi32>
    %get3A_2761 = arith.constant 40 : i32
    %get3A_2762 = arith.index_cast %get3A_2761 : i32 to index
    %get3A_2763 = arith.constant 0 : index
    %get3A_2764 = tpu.vector_load %arg22[%get3A_2762, %get3A_2763] {strides = array<i32>} : memref<64x32xf32, #tpu.memory_space<vmem>>, vector<16xf32>,
    %get3A_2765 = arith.constant 40 : i32
    %get3A_2766 = arith.index_cast %get3A_2765 : i32 to index
    %get3A_2767 = arith.constant 0 : index
    %get3A_2768 = tpu.vector_load %arg19[%get3A_2766, %get3A_2767] {strides = array<i32>} : memref<64x32xf32, #tpu.memory_space<vmem>>, vector<16xf32>,
    %add3A_2769 = arith.addf %get3A_2764, %get3A_2768 : vector<16xf32>
    %mul3A_2770 = arith.constant 5.000000e-01 : f32
    %mul3A_2771 = vector.broadcast %mul3A_2770 : f32 to vector<16xf32>
    %mul3A_2772 = arith.mulf %add3A_2769, %mul3A_2771 : vector<16xf32>
    %get3A_2773 = arith.constant 40 : i32
    %get3A_2774 = arith.index_cast %get3A_2773 : i32 to index
    %get3A_2775 = arith.constant 0 : index
    %get3A_2776 = tpu.vector_load %arg20[%get3A_2774, %get3A_2775] {strides = array<i32>} : memref<64x32xf32, #tpu.memory_space<vmem>>, vector<16xf32>,
    %get3A_2777 = arith.constant 40 : i32
    %get3A_2778 = arith.index_cast %get3A_2777 : i32 to index
    %get3A_2779 = arith.constant 0 : index
    %get3A_2780 = tpu.vector_load %arg21[%get3A_2778, %get3A_2779] {strides = array<i32>} : memref<64x32xf32, #tpu.memory_space<vmem>>, vector<16xf32>,
    %add3A_2781 = arith.addf %get3A_2776, %get3A_2780 : vector<16xf32>
    %mul3A_2782 = arith.constant 5.000000e-01 : f32
    %mul3A_2783 = vector.broadcast %mul3A_2782 : f32 to vector<16xf32>
    %mul3A_2784 = arith.mulf %add3A_2781, %mul3A_2783 : vector<16xf32>
    %add3A_2785 = arith.constant 0 : i32
    %add3A_2786 = vector.broadcast %add3A_2785 : i32 to vector<16xi32>
    %add3A_2787 = arith.addi %add3A_2786, %iota3A : vector<16xi32>
    %sub3A_2788 = arith.subf %mul3A_2784, %mul3A_2772 : vector<16xf32>
    %add3A_2789 = arith.addf %mul3A_2772, %sub3A_2788 : vector<16xf32>
    tpu.vector_store_idx %arg23[%add3A_2787, %broadcast_in_dim3A_2760], %add3A_2789 : memref<32x64xf32, #tpu.memory_space<vmem>>[vector<16xi32>, vector<16xi32>], vector<16xf32>,
    %get3A_2790 = arith.constant 40 : i32
    %get3A_2791 = arith.index_cast %get3A_2790 : i32 to index
    %get3A_2792 = arith.constant 16 : index
    %get3A_2793 = tpu.vector_load %arg22[%get3A_2791, %get3A_2792] {strides = array<i32>} : memref<64x32xf32, #tpu.memory_space<vmem>>, vector<16xf32>,
    %get3A_2794 = arith.constant 40 : i32
    %get3A_2795 = arith.index_cast %get3A_2794 : i32 to index
    %get3A_2796 = arith.constant 16 : index
    %get3A_2797 = tpu.vector_load %arg19[%get3A_2795, %get3A_2796] {strides = array<i32>} : memref<64x32xf32, #tpu.memory_space<vmem>>, vector<16xf32>,
    %add3A_2798 = arith.addf %get3A_2793, %get3A_2797 : vector<16xf32>
    %mul3A_2799 = arith.constant 5.000000e-01 : f32
    %mul3A_2800 = vector.broadcast %mul3A_2799 : f32 to vector<16xf32>
    %mul3A_2801 = arith.mulf %add3A_2798, %mul3A_2800 : vector<16xf32>
    %get3A_2802 = arith.constant 40 : i32
    %get3A_2803 = arith.index_cast %get3A_2802 : i32 to index
    %get3A_2804 = arith.constant 16 : index
    %get3A_2805 = tpu.vector_load %arg20[%get3A_2803, %get3A_2804] {strides = array<i32>} : memref<64x32xf32, #tpu.memory_space<vmem>>, vector<16xf32>,
    %get3A_2806 = arith.constant 40 : i32
    %get3A_2807 = arith.index_cast %get3A_2806 : i32 to index
    %get3A_2808 = arith.constant 16 : index
    %get3A_2809 = tpu.vector_load %arg21[%get3A_2807, %get3A_2808] {strides = array<i32>} : memref<64x32xf32, #tpu.memory_space<vmem>>, vector<16xf32>,
    %add3A_2810 = arith.addf %get3A_2805, %get3A_2809 : vector<16xf32>
    %mul3A_2811 = arith.constant 5.000000e-01 : f32
    %mul3A_2812 = vector.broadcast %mul3A_2811 : f32 to vector<16xf32>
    %mul3A_2813 = arith.mulf %add3A_2810, %mul3A_2812 : vector<16xf32>
    %add3A_2814 = arith.constant 16 : i32
    %add3A_2815 = vector.broadcast %add3A_2814 : i32 to vector<16xi32>
    %add3A_2816 = arith.addi %add3A_2815, %iota3A : vector<16xi32>
    %sub3A_2817 = arith.subf %mul3A_2813, %mul3A_2801 : vector<16xf32>
    %add3A_2818 = arith.addf %mul3A_2801, %sub3A_2817 : vector<16xf32>
    tpu.vector_store_idx %arg23[%add3A_2816, %broadcast_in_dim3A_2760], %add3A_2818 : memref<32x64xf32, #tpu.memory_space<vmem>>[vector<16xi32>, vector<16xi32>], vector<16xf32>,
    %broadcast_in_dim3A_2819 = arith.constant 41 : i32
    %broadcast_in_dim3A_2820 = vector.broadcast %broadcast_in_dim3A_2819 : i32 to vector<16xi32>
    %get3A_2821 = arith.constant 41 : i32
    %get3A_2822 = arith.index_cast %get3A_2821 : i32 to index
    %get3A_2823 = arith.constant 0 : index
    %get3A_2824 = tpu.vector_load %arg22[%get3A_2822, %get3A_2823] {strides = array<i32>} : memref<64x32xf32, #tpu.memory_space<vmem>>, vector<16xf32>,
    %get3A_2825 = arith.constant 41 : i32
    %get3A_2826 = arith.index_cast %get3A_2825 : i32 to index
    %get3A_2827 = arith.constant 0 : index
    %get3A_2828 = tpu.vector_load %arg19[%get3A_2826, %get3A_2827] {strides = array<i32>} : memref<64x32xf32, #tpu.memory_space<vmem>>, vector<16xf32>,
    %add3A_2829 = arith.addf %get3A_2824, %get3A_2828 : vector<16xf32>
    %mul3A_2830 = arith.constant 5.000000e-01 : f32
    %mul3A_2831 = vector.broadcast %mul3A_2830 : f32 to vector<16xf32>
    %mul3A_2832 = arith.mulf %add3A_2829, %mul3A_2831 : vector<16xf32>
    %get3A_2833 = arith.constant 41 : i32
    %get3A_2834 = arith.index_cast %get3A_2833 : i32 to index
    %get3A_2835 = arith.constant 0 : index
    %get3A_2836 = tpu.vector_load %arg20[%get3A_2834, %get3A_2835] {strides = array<i32>} : memref<64x32xf32, #tpu.memory_space<vmem>>, vector<16xf32>,
    %get3A_2837 = arith.constant 41 : i32
    %get3A_2838 = arith.index_cast %get3A_2837 : i32 to index
    %get3A_2839 = arith.constant 0 : index
    %get3A_2840 = tpu.vector_load %arg21[%get3A_2838, %get3A_2839] {strides = array<i32>} : memref<64x32xf32, #tpu.memory_space<vmem>>, vector<16xf32>,
    %add3A_2841 = arith.addf %get3A_2836, %get3A_2840 : vector<16xf32>
    %mul3A_2842 = arith.constant 5.000000e-01 : f32
    %mul3A_2843 = vector.broadcast %mul3A_2842 : f32 to vector<16xf32>
    %mul3A_2844 = arith.mulf %add3A_2841, %mul3A_2843 : vector<16xf32>
    %add3A_2845 = arith.constant 0 : i32
    %add3A_2846 = vector.broadcast %add3A_2845 : i32 to vector<16xi32>
    %add3A_2847 = arith.addi %add3A_2846, %iota3A : vector<16xi32>
    %sub3A_2848 = arith.subf %mul3A_2844, %mul3A_2832 : vector<16xf32>
    %add3A_2849 = arith.addf %mul3A_2832, %sub3A_2848 : vector<16xf32>
    tpu.vector_store_idx %arg23[%add3A_2847, %broadcast_in_dim3A_2820], %add3A_2849 : memref<32x64xf32, #tpu.memory_space<vmem>>[vector<16xi32>, vector<16xi32>], vector<16xf32>,
    %get3A_2850 = arith.constant 41 : i32
    %get3A_2851 = arith.index_cast %get3A_2850 : i32 to index
    %get3A_2852 = arith.constant 16 : index
    %get3A_2853 = tpu.vector_load %arg22[%get3A_2851, %get3A_2852] {strides = array<i32>} : memref<64x32xf32, #tpu.memory_space<vmem>>, vector<16xf32>,
    %get3A_2854 = arith.constant 41 : i32
    %get3A_2855 = arith.index_cast %get3A_2854 : i32 to index
    %get3A_2856 = arith.constant 16 : index
    %get3A_2857 = tpu.vector_load %arg19[%get3A_2855, %get3A_2856] {strides = array<i32>} : memref<64x32xf32, #tpu.memory_space<vmem>>, vector<16xf32>,
    %add3A_2858 = arith.addf %get3A_2853, %get3A_2857 : vector<16xf32>
    %mul3A_2859 = arith.constant 5.000000e-01 : f32
    %mul3A_2860 = vector.broadcast %mul3A_2859 : f32 to vector<16xf32>
    %mul3A_2861 = arith.mulf %add3A_2858, %mul3A_2860 : vector<16xf32>
    %get3A_2862 = arith.constant 41 : i32
    %get3A_2863 = arith.index_cast %get3A_2862 : i32 to index
    %get3A_2864 = arith.constant 16 : index
    %get3A_2865 = tpu.vector_load %arg20[%get3A_2863, %get3A_2864] {strides = array<i32>} : memref<64x32xf32, #tpu.memory_space<vmem>>, vector<16xf32>,
    %get3A_2866 = arith.constant 41 : i32
    %get3A_2867 = arith.index_cast %get3A_2866 : i32 to index
    %get3A_2868 = arith.constant 16 : index
    %get3A_2869 = tpu.vector_load %arg21[%get3A_2867, %get3A_2868] {strides = array<i32>} : memref<64x32xf32, #tpu.memory_space<vmem>>, vector<16xf32>,
    %add3A_2870 = arith.addf %get3A_2865, %get3A_2869 : vector<16xf32>
    %mul3A_2871 = arith.constant 5.000000e-01 : f32
    %mul3A_2872 = vector.broadcast %mul3A_2871 : f32 to vector<16xf32>
    %mul3A_2873 = arith.mulf %add3A_2870, %mul3A_2872 : vector<16xf32>
    %add3A_2874 = arith.constant 16 : i32
    %add3A_2875 = vector.broadcast %add3A_2874 : i32 to vector<16xi32>
    %add3A_2876 = arith.addi %add3A_2875, %iota3A : vector<16xi32>
    %sub3A_2877 = arith.subf %mul3A_2873, %mul3A_2861 : vector<16xf32>
    %add3A_2878 = arith.addf %mul3A_2861, %sub3A_2877 : vector<16xf32>
    tpu.vector_store_idx %arg23[%add3A_2876, %broadcast_in_dim3A_2820], %add3A_2878 : memref<32x64xf32, #tpu.memory_space<vmem>>[vector<16xi32>, vector<16xi32>], vector<16xf32>,
    %broadcast_in_dim3A_2879 = arith.constant 42 : i32
    %broadcast_in_dim3A_2880 = vector.broadcast %broadcast_in_dim3A_2879 : i32 to vector<16xi32>
    %get3A_2881 = arith.constant 42 : i32
    %get3A_2882 = arith.index_cast %get3A_2881 : i32 to index
    %get3A_2883 = arith.constant 0 : index
    %get3A_2884 = tpu.vector_load %arg22[%get3A_2882, %get3A_2883] {strides = array<i32>} : memref<64x32xf32, #tpu.memory_space<vmem>>, vector<16xf32>,
    %get3A_2885 = arith.constant 42 : i32
    %get3A_2886 = arith.index_cast %get3A_2885 : i32 to index
    %get3A_2887 = arith.constant 0 : index
    %get3A_2888 = tpu.vector_load %arg19[%get3A_2886, %get3A_2887] {strides = array<i32>} : memref<64x32xf32, #tpu.memory_space<vmem>>, vector<16xf32>,
    %add3A_2889 = arith.addf %get3A_2884, %get3A_2888 : vector<16xf32>
    %mul3A_2890 = arith.constant 5.000000e-01 : f32
    %mul3A_2891 = vector.broadcast %mul3A_2890 : f32 to vector<16xf32>
    %mul3A_2892 = arith.mulf %add3A_2889, %mul3A_2891 : vector<16xf32>
    %get3A_2893 = arith.constant 42 : i32
    %get3A_2894 = arith.index_cast %get3A_2893 : i32 to index
    %get3A_2895 = arith.constant 0 : index
    %get3A_2896 = tpu.vector_load %arg20[%get3A_2894, %get3A_2895] {strides = array<i32>} : memref<64x32xf32, #tpu.memory_space<vmem>>, vector<16xf32>,
    %get3A_2897 = arith.constant 42 : i32
    %get3A_2898 = arith.index_cast %get3A_2897 : i32 to index
    %get3A_2899 = arith.constant 0 : index
    %get3A_2900 = tpu.vector_load %arg21[%get3A_2898, %get3A_2899] {strides = array<i32>} : memref<64x32xf32, #tpu.memory_space<vmem>>, vector<16xf32>,
    %add3A_2901 = arith.addf %get3A_2896, %get3A_2900 : vector<16xf32>
    %mul3A_2902 = arith.constant 5.000000e-01 : f32
    %mul3A_2903 = vector.broadcast %mul3A_2902 : f32 to vector<16xf32>
    %mul3A_2904 = arith.mulf %add3A_2901, %mul3A_2903 : vector<16xf32>
    %add3A_2905 = arith.constant 0 : i32
    %add3A_2906 = vector.broadcast %add3A_2905 : i32 to vector<16xi32>
    %add3A_2907 = arith.addi %add3A_2906, %iota3A : vector<16xi32>
    %sub3A_2908 = arith.subf %mul3A_2904, %mul3A_2892 : vector<16xf32>
    %add3A_2909 = arith.addf %mul3A_2892, %sub3A_2908 : vector<16xf32>
    tpu.vector_store_idx %arg23[%add3A_2907, %broadcast_in_dim3A_2880], %add3A_2909 : memref<32x64xf32, #tpu.memory_space<vmem>>[vector<16xi32>, vector<16xi32>], vector<16xf32>,
    %get3A_2910 = arith.constant 42 : i32
    %get3A_2911 = arith.index_cast %get3A_2910 : i32 to index
    %get3A_2912 = arith.constant 16 : index
    %get3A_2913 = tpu.vector_load %arg22[%get3A_2911, %get3A_2912] {strides = array<i32>} : memref<64x32xf32, #tpu.memory_space<vmem>>, vector<16xf32>,
    %get3A_2914 = arith.constant 42 : i32
    %get3A_2915 = arith.index_cast %get3A_2914 : i32 to index
    %get3A_2916 = arith.constant 16 : index
    %get3A_2917 = tpu.vector_load %arg19[%get3A_2915, %get3A_2916] {strides = array<i32>} : memref<64x32xf32, #tpu.memory_space<vmem>>, vector<16xf32>,
    %add3A_2918 = arith.addf %get3A_2913, %get3A_2917 : vector<16xf32>
    %mul3A_2919 = arith.constant 5.000000e-01 : f32
    %mul3A_2920 = vector.broadcast %mul3A_2919 : f32 to vector<16xf32>
    %mul3A_2921 = arith.mulf %add3A_2918, %mul3A_2920 : vector<16xf32>
    %get3A_2922 = arith.constant 42 : i32
    %get3A_2923 = arith.index_cast %get3A_2922 : i32 to index
    %get3A_2924 = arith.constant 16 : index
    %get3A_2925 = tpu.vector_load %arg20[%get3A_2923, %get3A_2924] {strides = array<i32>} : memref<64x32xf32, #tpu.memory_space<vmem>>, vector<16xf32>,
    %get3A_2926 = arith.constant 42 : i32
    %get3A_2927 = arith.index_cast %get3A_2926 : i32 to index
    %get3A_2928 = arith.constant 16 : index
    %get3A_2929 = tpu.vector_load %arg21[%get3A_2927, %get3A_2928] {strides = array<i32>} : memref<64x32xf32, #tpu.memory_space<vmem>>, vector<16xf32>,
    %add3A_2930 = arith.addf %get3A_2925, %get3A_2929 : vector<16xf32>
    %mul3A_2931 = arith.constant 5.000000e-01 : f32
    %mul3A_2932 = vector.broadcast %mul3A_2931 : f32 to vector<16xf32>
    %mul3A_2933 = arith.mulf %add3A_2930, %mul3A_2932 : vector<16xf32>
    %add3A_2934 = arith.constant 16 : i32
    %add3A_2935 = vector.broadcast %add3A_2934 : i32 to vector<16xi32>
    %add3A_2936 = arith.addi %add3A_2935, %iota3A : vector<16xi32>
    %sub3A_2937 = arith.subf %mul3A_2933, %mul3A_2921 : vector<16xf32>
    %add3A_2938 = arith.addf %mul3A_2921, %sub3A_2937 : vector<16xf32>
    tpu.vector_store_idx %arg23[%add3A_2936, %broadcast_in_dim3A_2880], %add3A_2938 : memref<32x64xf32, #tpu.memory_space<vmem>>[vector<16xi32>, vector<16xi32>], vector<16xf32>,
    %broadcast_in_dim3A_2939 = arith.constant 43 : i32
    %broadcast_in_dim3A_2940 = vector.broadcast %broadcast_in_dim3A_2939 : i32 to vector<16xi32>
    %get3A_2941 = arith.constant 43 : i32
    %get3A_2942 = arith.index_cast %get3A_2941 : i32 to index
    %get3A_2943 = arith.constant 0 : index
    %get3A_2944 = tpu.vector_load %arg22[%get3A_2942, %get3A_2943] {strides = array<i32>} : memref<64x32xf32, #tpu.memory_space<vmem>>, vector<16xf32>,
    %get3A_2945 = arith.constant 43 : i32
    %get3A_2946 = arith.index_cast %get3A_2945 : i32 to index
    %get3A_2947 = arith.constant 0 : index
    %get3A_2948 = tpu.vector_load %arg19[%get3A_2946, %get3A_2947] {strides = array<i32>} : memref<64x32xf32, #tpu.memory_space<vmem>>, vector<16xf32>,
    %add3A_2949 = arith.addf %get3A_2944, %get3A_2948 : vector<16xf32>
    %mul3A_2950 = arith.constant 5.000000e-01 : f32
    %mul3A_2951 = vector.broadcast %mul3A_2950 : f32 to vector<16xf32>
    %mul3A_2952 = arith.mulf %add3A_2949, %mul3A_2951 : vector<16xf32>
    %get3A_2953 = arith.constant 43 : i32
    %get3A_2954 = arith.index_cast %get3A_2953 : i32 to index
    %get3A_2955 = arith.constant 0 : index
    %get3A_2956 = tpu.vector_load %arg20[%get3A_2954, %get3A_2955] {strides = array<i32>} : memref<64x32xf32, #tpu.memory_space<vmem>>, vector<16xf32>,
    %get3A_2957 = arith.constant 43 : i32
    %get3A_2958 = arith.index_cast %get3A_2957 : i32 to index
    %get3A_2959 = arith.constant 0 : index
    %get3A_2960 = tpu.vector_load %arg21[%get3A_2958, %get3A_2959] {strides = array<i32>} : memref<64x32xf32, #tpu.memory_space<vmem>>, vector<16xf32>,
    %add3A_2961 = arith.addf %get3A_2956, %get3A_2960 : vector<16xf32>
    %mul3A_2962 = arith.constant 5.000000e-01 : f32
    %mul3A_2963 = vector.broadcast %mul3A_2962 : f32 to vector<16xf32>
    %mul3A_2964 = arith.mulf %add3A_2961, %mul3A_2963 : vector<16xf32>
    %add3A_2965 = arith.constant 0 : i32
    %add3A_2966 = vector.broadcast %add3A_2965 : i32 to vector<16xi32>
    %add3A_2967 = arith.addi %add3A_2966, %iota3A : vector<16xi32>
    %sub3A_2968 = arith.subf %mul3A_2964, %mul3A_2952 : vector<16xf32>
    %add3A_2969 = arith.addf %mul3A_2952, %sub3A_2968 : vector<16xf32>
    tpu.vector_store_idx %arg23[%add3A_2967, %broadcast_in_dim3A_2940], %add3A_2969 : memref<32x64xf32, #tpu.memory_space<vmem>>[vector<16xi32>, vector<16xi32>], vector<16xf32>,
    %get3A_2970 = arith.constant 43 : i32
    %get3A_2971 = arith.index_cast %get3A_2970 : i32 to index
    %get3A_2972 = arith.constant 16 : index
    %get3A_2973 = tpu.vector_load %arg22[%get3A_2971, %get3A_2972] {strides = array<i32>} : memref<64x32xf32, #tpu.memory_space<vmem>>, vector<16xf32>,
    %get3A_2974 = arith.constant 43 : i32
    %get3A_2975 = arith.index_cast %get3A_2974 : i32 to index
    %get3A_2976 = arith.constant 16 : index
    %get3A_2977 = tpu.vector_load %arg19[%get3A_2975, %get3A_2976] {strides = array<i32>} : memref<64x32xf32, #tpu.memory_space<vmem>>, vector<16xf32>,
    %add3A_2978 = arith.addf %get3A_2973, %get3A_2977 : vector<16xf32>
    %mul3A_2979 = arith.constant 5.000000e-01 : f32
    %mul3A_2980 = vector.broadcast %mul3A_2979 : f32 to vector<16xf32>
    %mul3A_2981 = arith.mulf %add3A_2978, %mul3A_2980 : vector<16xf32>
    %get3A_2982 = arith.constant 43 : i32
    %get3A_2983 = arith.index_cast %get3A_2982 : i32 to index
    %get3A_2984 = arith.constant 16 : index
    %get3A_2985 = tpu.vector_load %arg20[%get3A_2983, %get3A_2984] {strides = array<i32>} : memref<64x32xf32, #tpu.memory_space<vmem>>, vector<16xf32>,
    %get3A_2986 = arith.constant 43 : i32
    %get3A_2987 = arith.index_cast %get3A_2986 : i32 to index
    %get3A_2988 = arith.constant 16 : index
    %get3A_2989 = tpu.vector_load %arg21[%get3A_2987, %get3A_2988] {strides = array<i32>} : memref<64x32xf32, #tpu.memory_space<vmem>>, vector<16xf32>,
    %add3A_2990 = arith.addf %get3A_2985, %get3A_2989 : vector<16xf32>
    %mul3A_2991 = arith.constant 5.000000e-01 : f32
    %mul3A_2992 = vector.broadcast %mul3A_2991 : f32 to vector<16xf32>
    %mul3A_2993 = arith.mulf %add3A_2990, %mul3A_2992 : vector<16xf32>
    %add3A_2994 = arith.constant 16 : i32
    %add3A_2995 = vector.broadcast %add3A_2994 : i32 to vector<16xi32>
    %add3A_2996 = arith.addi %add3A_2995, %iota3A : vector<16xi32>
    %sub3A_2997 = arith.subf %mul3A_2993, %mul3A_2981 : vector<16xf32>
    %add3A_2998 = arith.addf %mul3A_2981, %sub3A_2997 : vector<16xf32>
    tpu.vector_store_idx %arg23[%add3A_2996, %broadcast_in_dim3A_2940], %add3A_2998 : memref<32x64xf32, #tpu.memory_space<vmem>>[vector<16xi32>, vector<16xi32>], vector<16xf32>,
    %broadcast_in_dim3A_2999 = arith.constant 44 : i32
    %broadcast_in_dim3A_3000 = vector.broadcast %broadcast_in_dim3A_2999 : i32 to vector<16xi32>
    %get3A_3001 = arith.constant 44 : i32
    %get3A_3002 = arith.index_cast %get3A_3001 : i32 to index
    %get3A_3003 = arith.constant 0 : index
    %get3A_3004 = tpu.vector_load %arg22[%get3A_3002, %get3A_3003] {strides = array<i32>} : memref<64x32xf32, #tpu.memory_space<vmem>>, vector<16xf32>,
    %get3A_3005 = arith.constant 44 : i32
    %get3A_3006 = arith.index_cast %get3A_3005 : i32 to index
    %get3A_3007 = arith.constant 0 : index
    %get3A_3008 = tpu.vector_load %arg19[%get3A_3006, %get3A_3007] {strides = array<i32>} : memref<64x32xf32, #tpu.memory_space<vmem>>, vector<16xf32>,
    %add3A_3009 = arith.addf %get3A_3004, %get3A_3008 : vector<16xf32>
    %mul3A_3010 = arith.constant 5.000000e-01 : f32
    %mul3A_3011 = vector.broadcast %mul3A_3010 : f32 to vector<16xf32>
    %mul3A_3012 = arith.mulf %add3A_3009, %mul3A_3011 : vector<16xf32>
    %get3A_3013 = arith.constant 44 : i32
    %get3A_3014 = arith.index_cast %get3A_3013 : i32 to index
    %get3A_3015 = arith.constant 0 : index
    %get3A_3016 = tpu.vector_load %arg20[%get3A_3014, %get3A_3015] {strides = array<i32>} : memref<64x32xf32, #tpu.memory_space<vmem>>, vector<16xf32>,
    %get3A_3017 = arith.constant 44 : i32
    %get3A_3018 = arith.index_cast %get3A_3017 : i32 to index
    %get3A_3019 = arith.constant 0 : index
    %get3A_3020 = tpu.vector_load %arg21[%get3A_3018, %get3A_3019] {strides = array<i32>} : memref<64x32xf32, #tpu.memory_space<vmem>>, vector<16xf32>,
    %add3A_3021 = arith.addf %get3A_3016, %get3A_3020 : vector<16xf32>
    %mul3A_3022 = arith.constant 5.000000e-01 : f32
    %mul3A_3023 = vector.broadcast %mul3A_3022 : f32 to vector<16xf32>
    %mul3A_3024 = arith.mulf %add3A_3021, %mul3A_3023 : vector<16xf32>
    %add3A_3025 = arith.constant 0 : i32
    %add3A_3026 = vector.broadcast %add3A_3025 : i32 to vector<16xi32>
    %add3A_3027 = arith.addi %add3A_3026, %iota3A : vector<16xi32>
    %sub3A_3028 = arith.subf %mul3A_3024, %mul3A_3012 : vector<16xf32>
    %add3A_3029 = arith.addf %mul3A_3012, %sub3A_3028 : vector<16xf32>
    tpu.vector_store_idx %arg23[%add3A_3027, %broadcast_in_dim3A_3000], %add3A_3029 : memref<32x64xf32, #tpu.memory_space<vmem>>[vector<16xi32>, vector<16xi32>], vector<16xf32>,
    %get3A_3030 = arith.constant 44 : i32
    %get3A_3031 = arith.index_cast %get3A_3030 : i32 to index
    %get3A_3032 = arith.constant 16 : index
    %get3A_3033 = tpu.vector_load %arg22[%get3A_3031, %get3A_3032] {strides = array<i32>} : memref<64x32xf32, #tpu.memory_space<vmem>>, vector<16xf32>,
    %get3A_3034 = arith.constant 44 : i32
    %get3A_3035 = arith.index_cast %get3A_3034 : i32 to index
    %get3A_3036 = arith.constant 16 : index
    %get3A_3037 = tpu.vector_load %arg19[%get3A_3035, %get3A_3036] {strides = array<i32>} : memref<64x32xf32, #tpu.memory_space<vmem>>, vector<16xf32>,
    %add3A_3038 = arith.addf %get3A_3033, %get3A_3037 : vector<16xf32>
    %mul3A_3039 = arith.constant 5.000000e-01 : f32
    %mul3A_3040 = vector.broadcast %mul3A_3039 : f32 to vector<16xf32>
    %mul3A_3041 = arith.mulf %add3A_3038, %mul3A_3040 : vector<16xf32>
    %get3A_3042 = arith.constant 44 : i32
    %get3A_3043 = arith.index_cast %get3A_3042 : i32 to index
    %get3A_3044 = arith.constant 16 : index
    %get3A_3045 = tpu.vector_load %arg20[%get3A_3043, %get3A_3044] {strides = array<i32>} : memref<64x32xf32, #tpu.memory_space<vmem>>, vector<16xf32>,
    %get3A_3046 = arith.constant 44 : i32
    %get3A_3047 = arith.index_cast %get3A_3046 : i32 to index
    %get3A_3048 = arith.constant 16 : index
    %get3A_3049 = tpu.vector_load %arg21[%get3A_3047, %get3A_3048] {strides = array<i32>} : memref<64x32xf32, #tpu.memory_space<vmem>>, vector<16xf32>,
    %add3A_3050 = arith.addf %get3A_3045, %get3A_3049 : vector<16xf32>
    %mul3A_3051 = arith.constant 5.000000e-01 : f32
    %mul3A_3052 = vector.broadcast %mul3A_3051 : f32 to vector<16xf32>
    %mul3A_3053 = arith.mulf %add3A_3050, %mul3A_3052 : vector<16xf32>
    %add3A_3054 = arith.constant 16 : i32
    %add3A_3055 = vector.broadcast %add3A_3054 : i32 to vector<16xi32>
    %add3A_3056 = arith.addi %add3A_3055, %iota3A : vector<16xi32>
    %sub3A_3057 = arith.subf %mul3A_3053, %mul3A_3041 : vector<16xf32>
    %add3A_3058 = arith.addf %mul3A_3041, %sub3A_3057 : vector<16xf32>
    tpu.vector_store_idx %arg23[%add3A_3056, %broadcast_in_dim3A_3000], %add3A_3058 : memref<32x64xf32, #tpu.memory_space<vmem>>[vector<16xi32>, vector<16xi32>], vector<16xf32>,
    %broadcast_in_dim3A_3059 = arith.constant 45 : i32
    %broadcast_in_dim3A_3060 = vector.broadcast %broadcast_in_dim3A_3059 : i32 to vector<16xi32>
    %get3A_3061 = arith.constant 45 : i32
    %get3A_3062 = arith.index_cast %get3A_3061 : i32 to index
    %get3A_3063 = arith.constant 0 : index
    %get3A_3064 = tpu.vector_load %arg22[%get3A_3062, %get3A_3063] {strides = array<i32>} : memref<64x32xf32, #tpu.memory_space<vmem>>, vector<16xf32>,
    %get3A_3065 = arith.constant 45 : i32
    %get3A_3066 = arith.index_cast %get3A_3065 : i32 to index
    %get3A_3067 = arith.constant 0 : index
    %get3A_3068 = tpu.vector_load %arg19[%get3A_3066, %get3A_3067] {strides = array<i32>} : memref<64x32xf32, #tpu.memory_space<vmem>>, vector<16xf32>,
    %add3A_3069 = arith.addf %get3A_3064, %get3A_3068 : vector<16xf32>
    %mul3A_3070 = arith.constant 5.000000e-01 : f32
    %mul3A_3071 = vector.broadcast %mul3A_3070 : f32 to vector<16xf32>
    %mul3A_3072 = arith.mulf %add3A_3069, %mul3A_3071 : vector<16xf32>
    %get3A_3073 = arith.constant 45 : i32
    %get3A_3074 = arith.index_cast %get3A_3073 : i32 to index
    %get3A_3075 = arith.constant 0 : index
    %get3A_3076 = tpu.vector_load %arg20[%get3A_3074, %get3A_3075] {strides = array<i32>} : memref<64x32xf32, #tpu.memory_space<vmem>>, vector<16xf32>,
    %get3A_3077 = arith.constant 45 : i32
    %get3A_3078 = arith.index_cast %get3A_3077 : i32 to index
    %get3A_3079 = arith.constant 0 : index
    %get3A_3080 = tpu.vector_load %arg21[%get3A_3078, %get3A_3079] {strides = array<i32>} : memref<64x32xf32, #tpu.memory_space<vmem>>, vector<16xf32>,
    %add3A_3081 = arith.addf %get3A_3076, %get3A_3080 : vector<16xf32>
    %mul3A_3082 = arith.constant 5.000000e-01 : f32
    %mul3A_3083 = vector.broadcast %mul3A_3082 : f32 to vector<16xf32>
    %mul3A_3084 = arith.mulf %add3A_3081, %mul3A_3083 : vector<16xf32>
    %add3A_3085 = arith.constant 0 : i32
    %add3A_3086 = vector.broadcast %add3A_3085 : i32 to vector<16xi32>
    %add3A_3087 = arith.addi %add3A_3086, %iota3A : vector<16xi32>
    %sub3A_3088 = arith.subf %mul3A_3084, %mul3A_3072 : vector<16xf32>
    %add3A_3089 = arith.addf %mul3A_3072, %sub3A_3088 : vector<16xf32>
    tpu.vector_store_idx %arg23[%add3A_3087, %broadcast_in_dim3A_3060], %add3A_3089 : memref<32x64xf32, #tpu.memory_space<vmem>>[vector<16xi32>, vector<16xi32>], vector<16xf32>,
    %get3A_3090 = arith.constant 45 : i32
    %get3A_3091 = arith.index_cast %get3A_3090 : i32 to index
    %get3A_3092 = arith.constant 16 : index
    %get3A_3093 = tpu.vector_load %arg22[%get3A_3091, %get3A_3092] {strides = array<i32>} : memref<64x32xf32, #tpu.memory_space<vmem>>, vector<16xf32>,
    %get3A_3094 = arith.constant 45 : i32
    %get3A_3095 = arith.index_cast %get3A_3094 : i32 to index
    %get3A_3096 = arith.constant 16 : index
    %get3A_3097 = tpu.vector_load %arg19[%get3A_3095, %get3A_3096] {strides = array<i32>} : memref<64x32xf32, #tpu.memory_space<vmem>>, vector<16xf32>,
    %add3A_3098 = arith.addf %get3A_3093, %get3A_3097 : vector<16xf32>
    %mul3A_3099 = arith.constant 5.000000e-01 : f32
    %mul3A_3100 = vector.broadcast %mul3A_3099 : f32 to vector<16xf32>
    %mul3A_3101 = arith.mulf %add3A_3098, %mul3A_3100 : vector<16xf32>
    %get3A_3102 = arith.constant 45 : i32
    %get3A_3103 = arith.index_cast %get3A_3102 : i32 to index
    %get3A_3104 = arith.constant 16 : index
    %get3A_3105 = tpu.vector_load %arg20[%get3A_3103, %get3A_3104] {strides = array<i32>} : memref<64x32xf32, #tpu.memory_space<vmem>>, vector<16xf32>,
    %get3A_3106 = arith.constant 45 : i32
    %get3A_3107 = arith.index_cast %get3A_3106 : i32 to index
    %get3A_3108 = arith.constant 16 : index
    %get3A_3109 = tpu.vector_load %arg21[%get3A_3107, %get3A_3108] {strides = array<i32>} : memref<64x32xf32, #tpu.memory_space<vmem>>, vector<16xf32>,
    %add3A_3110 = arith.addf %get3A_3105, %get3A_3109 : vector<16xf32>
    %mul3A_3111 = arith.constant 5.000000e-01 : f32
    %mul3A_3112 = vector.broadcast %mul3A_3111 : f32 to vector<16xf32>
    %mul3A_3113 = arith.mulf %add3A_3110, %mul3A_3112 : vector<16xf32>
    %add3A_3114 = arith.constant 16 : i32
    %add3A_3115 = vector.broadcast %add3A_3114 : i32 to vector<16xi32>
    %add3A_3116 = arith.addi %add3A_3115, %iota3A : vector<16xi32>
    %sub3A_3117 = arith.subf %mul3A_3113, %mul3A_3101 : vector<16xf32>
    %add3A_3118 = arith.addf %mul3A_3101, %sub3A_3117 : vector<16xf32>
    tpu.vector_store_idx %arg23[%add3A_3116, %broadcast_in_dim3A_3060], %add3A_3118 : memref<32x64xf32, #tpu.memory_space<vmem>>[vector<16xi32>, vector<16xi32>], vector<16xf32>,
    %broadcast_in_dim3A_3119 = arith.constant 46 : i32
    %broadcast_in_dim3A_3120 = vector.broadcast %broadcast_in_dim3A_3119 : i32 to vector<16xi32>
    %get3A_3121 = arith.constant 46 : i32
    %get3A_3122 = arith.index_cast %get3A_3121 : i32 to index
    %get3A_3123 = arith.constant 0 : index
    %get3A_3124 = tpu.vector_load %arg22[%get3A_3122, %get3A_3123] {strides = array<i32>} : memref<64x32xf32, #tpu.memory_space<vmem>>, vector<16xf32>,
    %get3A_3125 = arith.constant 46 : i32
    %get3A_3126 = arith.index_cast %get3A_3125 : i32 to index
    %get3A_3127 = arith.constant 0 : index
    %get3A_3128 = tpu.vector_load %arg19[%get3A_3126, %get3A_3127] {strides = array<i32>} : memref<64x32xf32, #tpu.memory_space<vmem>>, vector<16xf32>,
    %add3A_3129 = arith.addf %get3A_3124, %get3A_3128 : vector<16xf32>
    %mul3A_3130 = arith.constant 5.000000e-01 : f32
    %mul3A_3131 = vector.broadcast %mul3A_3130 : f32 to vector<16xf32>
    %mul3A_3132 = arith.mulf %add3A_3129, %mul3A_3131 : vector<16xf32>
    %get3A_3133 = arith.constant 46 : i32
    %get3A_3134 = arith.index_cast %get3A_3133 : i32 to index
    %get3A_3135 = arith.constant 0 : index
    %get3A_3136 = tpu.vector_load %arg20[%get3A_3134, %get3A_3135] {strides = array<i32>} : memref<64x32xf32, #tpu.memory_space<vmem>>, vector<16xf32>,
    %get3A_3137 = arith.constant 46 : i32
    %get3A_3138 = arith.index_cast %get3A_3137 : i32 to index
    %get3A_3139 = arith.constant 0 : index
    %get3A_3140 = tpu.vector_load %arg21[%get3A_3138, %get3A_3139] {strides = array<i32>} : memref<64x32xf32, #tpu.memory_space<vmem>>, vector<16xf32>,
    %add3A_3141 = arith.addf %get3A_3136, %get3A_3140 : vector<16xf32>
    %mul3A_3142 = arith.constant 5.000000e-01 : f32
    %mul3A_3143 = vector.broadcast %mul3A_3142 : f32 to vector<16xf32>
    %mul3A_3144 = arith.mulf %add3A_3141, %mul3A_3143 : vector<16xf32>
    %add3A_3145 = arith.constant 0 : i32
    %add3A_3146 = vector.broadcast %add3A_3145 : i32 to vector<16xi32>
    %add3A_3147 = arith.addi %add3A_3146, %iota3A : vector<16xi32>
    %sub3A_3148 = arith.subf %mul3A_3144, %mul3A_3132 : vector<16xf32>
    %add3A_3149 = arith.addf %mul3A_3132, %sub3A_3148 : vector<16xf32>
    tpu.vector_store_idx %arg23[%add3A_3147, %broadcast_in_dim3A_3120], %add3A_3149 : memref<32x64xf32, #tpu.memory_space<vmem>>[vector<16xi32>, vector<16xi32>], vector<16xf32>,
    %get3A_3150 = arith.constant 46 : i32
    %get3A_3151 = arith.index_cast %get3A_3150 : i32 to index
    %get3A_3152 = arith.constant 16 : index
    %get3A_3153 = tpu.vector_load %arg22[%get3A_3151, %get3A_3152] {strides = array<i32>} : memref<64x32xf32, #tpu.memory_space<vmem>>, vector<16xf32>,
    %get3A_3154 = arith.constant 46 : i32
    %get3A_3155 = arith.index_cast %get3A_3154 : i32 to index
    %get3A_3156 = arith.constant 16 : index
    %get3A_3157 = tpu.vector_load %arg19[%get3A_3155, %get3A_3156] {strides = array<i32>} : memref<64x32xf32, #tpu.memory_space<vmem>>, vector<16xf32>,
    %add3A_3158 = arith.addf %get3A_3153, %get3A_3157 : vector<16xf32>
    %mul3A_3159 = arith.constant 5.000000e-01 : f32
    %mul3A_3160 = vector.broadcast %mul3A_3159 : f32 to vector<16xf32>
    %mul3A_3161 = arith.mulf %add3A_3158, %mul3A_3160 : vector<16xf32>
    %get3A_3162 = arith.constant 46 : i32
    %get3A_3163 = arith.index_cast %get3A_3162 : i32 to index
    %get3A_3164 = arith.constant 16 : index
    %get3A_3165 = tpu.vector_load %arg20[%get3A_3163, %get3A_3164] {strides = array<i32>} : memref<64x32xf32, #tpu.memory_space<vmem>>, vector<16xf32>,
    %get3A_3166 = arith.constant 46 : i32
    %get3A_3167 = arith.index_cast %get3A_3166 : i32 to index
    %get3A_3168 = arith.constant 16 : index
    %get3A_3169 = tpu.vector_load %arg21[%get3A_3167, %get3A_3168] {strides = array<i32>} : memref<64x32xf32, #tpu.memory_space<vmem>>, vector<16xf32>,
    %add3A_3170 = arith.addf %get3A_3165, %get3A_3169 : vector<16xf32>
    %mul3A_3171 = arith.constant 5.000000e-01 : f32
    %mul3A_3172 = vector.broadcast %mul3A_3171 : f32 to vector<16xf32>
    %mul3A_3173 = arith.mulf %add3A_3170, %mul3A_3172 : vector<16xf32>
    %add3A_3174 = arith.constant 16 : i32
    %add3A_3175 = vector.broadcast %add3A_3174 : i32 to vector<16xi32>
    %add3A_3176 = arith.addi %add3A_3175, %iota3A : vector<16xi32>
    %sub3A_3177 = arith.subf %mul3A_3173, %mul3A_3161 : vector<16xf32>
    %add3A_3178 = arith.addf %mul3A_3161, %sub3A_3177 : vector<16xf32>
    tpu.vector_store_idx %arg23[%add3A_3176, %broadcast_in_dim3A_3120], %add3A_3178 : memref<32x64xf32, #tpu.memory_space<vmem>>[vector<16xi32>, vector<16xi32>], vector<16xf32>,
    %broadcast_in_dim3A_3179 = arith.constant 47 : i32
    %broadcast_in_dim3A_3180 = vector.broadcast %broadcast_in_dim3A_3179 : i32 to vector<16xi32>
    %get3A_3181 = arith.constant 47 : i32
    %get3A_3182 = arith.index_cast %get3A_3181 : i32 to index
    %get3A_3183 = arith.constant 0 : index
    %get3A_3184 = tpu.vector_load %arg22[%get3A_3182, %get3A_3183] {strides = array<i32>} : memref<64x32xf32, #tpu.memory_space<vmem>>, vector<16xf32>,
    %get3A_3185 = arith.constant 47 : i32
    %get3A_3186 = arith.index_cast %get3A_3185 : i32 to index
    %get3A_3187 = arith.constant 0 : index
    %get3A_3188 = tpu.vector_load %arg19[%get3A_3186, %get3A_3187] {strides = array<i32>} : memref<64x32xf32, #tpu.memory_space<vmem>>, vector<16xf32>,
    %add3A_3189 = arith.addf %get3A_3184, %get3A_3188 : vector<16xf32>
    %mul3A_3190 = arith.constant 5.000000e-01 : f32
    %mul3A_3191 = vector.broadcast %mul3A_3190 : f32 to vector<16xf32>
    %mul3A_3192 = arith.mulf %add3A_3189, %mul3A_3191 : vector<16xf32>
    %get3A_3193 = arith.constant 47 : i32
    %get3A_3194 = arith.index_cast %get3A_3193 : i32 to index
    %get3A_3195 = arith.constant 0 : index
    %get3A_3196 = tpu.vector_load %arg20[%get3A_3194, %get3A_3195] {strides = array<i32>} : memref<64x32xf32, #tpu.memory_space<vmem>>, vector<16xf32>,
    %get3A_3197 = arith.constant 47 : i32
    %get3A_3198 = arith.index_cast %get3A_3197 : i32 to index
    %get3A_3199 = arith.constant 0 : index
    %get3A_3200 = tpu.vector_load %arg21[%get3A_3198, %get3A_3199] {strides = array<i32>} : memref<64x32xf32, #tpu.memory_space<vmem>>, vector<16xf32>,
    %add3A_3201 = arith.addf %get3A_3196, %get3A_3200 : vector<16xf32>
    %mul3A_3202 = arith.constant 5.000000e-01 : f32
    %mul3A_3203 = vector.broadcast %mul3A_3202 : f32 to vector<16xf32>
    %mul3A_3204 = arith.mulf %add3A_3201, %mul3A_3203 : vector<16xf32>
    %add3A_3205 = arith.constant 0 : i32
    %add3A_3206 = vector.broadcast %add3A_3205 : i32 to vector<16xi32>
    %add3A_3207 = arith.addi %add3A_3206, %iota3A : vector<16xi32>
    %sub3A_3208 = arith.subf %mul3A_3204, %mul3A_3192 : vector<16xf32>
    %add3A_3209 = arith.addf %mul3A_3192, %sub3A_3208 : vector<16xf32>
    tpu.vector_store_idx %arg23[%add3A_3207, %broadcast_in_dim3A_3180], %add3A_3209 : memref<32x64xf32, #tpu.memory_space<vmem>>[vector<16xi32>, vector<16xi32>], vector<16xf32>,
    %get3A_3210 = arith.constant 47 : i32
    %get3A_3211 = arith.index_cast %get3A_3210 : i32 to index
    %get3A_3212 = arith.constant 16 : index
    %get3A_3213 = tpu.vector_load %arg22[%get3A_3211, %get3A_3212] {strides = array<i32>} : memref<64x32xf32, #tpu.memory_space<vmem>>, vector<16xf32>,
    %get3A_3214 = arith.constant 47 : i32
    %get3A_3215 = arith.index_cast %get3A_3214 : i32 to index
    %get3A_3216 = arith.constant 16 : index
    %get3A_3217 = tpu.vector_load %arg19[%get3A_3215, %get3A_3216] {strides = array<i32>} : memref<64x32xf32, #tpu.memory_space<vmem>>, vector<16xf32>,
    %add3A_3218 = arith.addf %get3A_3213, %get3A_3217 : vector<16xf32>
    %mul3A_3219 = arith.constant 5.000000e-01 : f32
    %mul3A_3220 = vector.broadcast %mul3A_3219 : f32 to vector<16xf32>
    %mul3A_3221 = arith.mulf %add3A_3218, %mul3A_3220 : vector<16xf32>
    %get3A_3222 = arith.constant 47 : i32
    %get3A_3223 = arith.index_cast %get3A_3222 : i32 to index
    %get3A_3224 = arith.constant 16 : index
    %get3A_3225 = tpu.vector_load %arg20[%get3A_3223, %get3A_3224] {strides = array<i32>} : memref<64x32xf32, #tpu.memory_space<vmem>>, vector<16xf32>,
    %get3A_3226 = arith.constant 47 : i32
    %get3A_3227 = arith.index_cast %get3A_3226 : i32 to index
    %get3A_3228 = arith.constant 16 : index
    %get3A_3229 = tpu.vector_load %arg21[%get3A_3227, %get3A_3228] {strides = array<i32>} : memref<64x32xf32, #tpu.memory_space<vmem>>, vector<16xf32>,
    %add3A_3230 = arith.addf %get3A_3225, %get3A_3229 : vector<16xf32>
    %mul3A_3231 = arith.constant 5.000000e-01 : f32
    %mul3A_3232 = vector.broadcast %mul3A_3231 : f32 to vector<16xf32>
    %mul3A_3233 = arith.mulf %add3A_3230, %mul3A_3232 : vector<16xf32>
    %add3A_3234 = arith.constant 16 : i32
    %add3A_3235 = vector.broadcast %add3A_3234 : i32 to vector<16xi32>
    %add3A_3236 = arith.addi %add3A_3235, %iota3A : vector<16xi32>
    %sub3A_3237 = arith.subf %mul3A_3233, %mul3A_3221 : vector<16xf32>
    %add3A_3238 = arith.addf %mul3A_3221, %sub3A_3237 : vector<16xf32>
    tpu.vector_store_idx %arg23[%add3A_3236, %broadcast_in_dim3A_3180], %add3A_3238 : memref<32x64xf32, #tpu.memory_space<vmem>>[vector<16xi32>, vector<16xi32>], vector<16xf32>,
    %broadcast_in_dim3A_3239 = arith.constant 48 : i32
    %broadcast_in_dim3A_3240 = vector.broadcast %broadcast_in_dim3A_3239 : i32 to vector<16xi32>
    %get3A_3241 = arith.constant 48 : i32
    %get3A_3242 = arith.index_cast %get3A_3241 : i32 to index
    %get3A_3243 = arith.constant 0 : index
    %get3A_3244 = tpu.vector_load %arg22[%get3A_3242, %get3A_3243] {strides = array<i32>} : memref<64x32xf32, #tpu.memory_space<vmem>>, vector<16xf32>,
    %get3A_3245 = arith.constant 48 : i32
    %get3A_3246 = arith.index_cast %get3A_3245 : i32 to index
    %get3A_3247 = arith.constant 0 : index
    %get3A_3248 = tpu.vector_load %arg19[%get3A_3246, %get3A_3247] {strides = array<i32>} : memref<64x32xf32, #tpu.memory_space<vmem>>, vector<16xf32>,
    %add3A_3249 = arith.addf %get3A_3244, %get3A_3248 : vector<16xf32>
    %mul3A_3250 = arith.constant 5.000000e-01 : f32
    %mul3A_3251 = vector.broadcast %mul3A_3250 : f32 to vector<16xf32>
    %mul3A_3252 = arith.mulf %add3A_3249, %mul3A_3251 : vector<16xf32>
    %get3A_3253 = arith.constant 48 : i32
    %get3A_3254 = arith.index_cast %get3A_3253 : i32 to index
    %get3A_3255 = arith.constant 0 : index
    %get3A_3256 = tpu.vector_load %arg20[%get3A_3254, %get3A_3255] {strides = array<i32>} : memref<64x32xf32, #tpu.memory_space<vmem>>, vector<16xf32>,
    %get3A_3257 = arith.constant 48 : i32
    %get3A_3258 = arith.index_cast %get3A_3257 : i32 to index
    %get3A_3259 = arith.constant 0 : index
    %get3A_3260 = tpu.vector_load %arg21[%get3A_3258, %get3A_3259] {strides = array<i32>} : memref<64x32xf32, #tpu.memory_space<vmem>>, vector<16xf32>,
    %add3A_3261 = arith.addf %get3A_3256, %get3A_3260 : vector<16xf32>
    %mul3A_3262 = arith.constant 5.000000e-01 : f32
    %mul3A_3263 = vector.broadcast %mul3A_3262 : f32 to vector<16xf32>
    %mul3A_3264 = arith.mulf %add3A_3261, %mul3A_3263 : vector<16xf32>
    %add3A_3265 = arith.constant 0 : i32
    %add3A_3266 = vector.broadcast %add3A_3265 : i32 to vector<16xi32>
    %add3A_3267 = arith.addi %add3A_3266, %iota3A : vector<16xi32>
    %sub3A_3268 = arith.subf %mul3A_3264, %mul3A_3252 : vector<16xf32>
    %add3A_3269 = arith.addf %mul3A_3252, %sub3A_3268 : vector<16xf32>
    tpu.vector_store_idx %arg23[%add3A_3267, %broadcast_in_dim3A_3240], %add3A_3269 : memref<32x64xf32, #tpu.memory_space<vmem>>[vector<16xi32>, vector<16xi32>], vector<16xf32>,
    %get3A_3270 = arith.constant 48 : i32
    %get3A_3271 = arith.index_cast %get3A_3270 : i32 to index
    %get3A_3272 = arith.constant 16 : index
    %get3A_3273 = tpu.vector_load %arg22[%get3A_3271, %get3A_3272] {strides = array<i32>} : memref<64x32xf32, #tpu.memory_space<vmem>>, vector<16xf32>,
    %get3A_3274 = arith.constant 48 : i32
    %get3A_3275 = arith.index_cast %get3A_3274 : i32 to index
    %get3A_3276 = arith.constant 16 : index
    %get3A_3277 = tpu.vector_load %arg19[%get3A_3275, %get3A_3276] {strides = array<i32>} : memref<64x32xf32, #tpu.memory_space<vmem>>, vector<16xf32>,
    %add3A_3278 = arith.addf %get3A_3273, %get3A_3277 : vector<16xf32>
    %mul3A_3279 = arith.constant 5.000000e-01 : f32
    %mul3A_3280 = vector.broadcast %mul3A_3279 : f32 to vector<16xf32>
    %mul3A_3281 = arith.mulf %add3A_3278, %mul3A_3280 : vector<16xf32>
    %get3A_3282 = arith.constant 48 : i32
    %get3A_3283 = arith.index_cast %get3A_3282 : i32 to index
    %get3A_3284 = arith.constant 16 : index
    %get3A_3285 = tpu.vector_load %arg20[%get3A_3283, %get3A_3284] {strides = array<i32>} : memref<64x32xf32, #tpu.memory_space<vmem>>, vector<16xf32>,
    %get3A_3286 = arith.constant 48 : i32
    %get3A_3287 = arith.index_cast %get3A_3286 : i32 to index
    %get3A_3288 = arith.constant 16 : index
    %get3A_3289 = tpu.vector_load %arg21[%get3A_3287, %get3A_3288] {strides = array<i32>} : memref<64x32xf32, #tpu.memory_space<vmem>>, vector<16xf32>,
    %add3A_3290 = arith.addf %get3A_3285, %get3A_3289 : vector<16xf32>
    %mul3A_3291 = arith.constant 5.000000e-01 : f32
    %mul3A_3292 = vector.broadcast %mul3A_3291 : f32 to vector<16xf32>
    %mul3A_3293 = arith.mulf %add3A_3290, %mul3A_3292 : vector<16xf32>
    %add3A_3294 = arith.constant 16 : i32
    %add3A_3295 = vector.broadcast %add3A_3294 : i32 to vector<16xi32>
    %add3A_3296 = arith.addi %add3A_3295, %iota3A : vector<16xi32>
    %sub3A_3297 = arith.subf %mul3A_3293, %mul3A_3281 : vector<16xf32>
    %add3A_3298 = arith.addf %mul3A_3281, %sub3A_3297 : vector<16xf32>
    tpu.vector_store_idx %arg23[%add3A_3296, %broadcast_in_dim3A_3240], %add3A_3298 : memref<32x64xf32, #tpu.memory_space<vmem>>[vector<16xi32>, vector<16xi32>], vector<16xf32>,
    %broadcast_in_dim3A_3299 = arith.constant 49 : i32
    %broadcast_in_dim3A_3300 = vector.broadcast %broadcast_in_dim3A_3299 : i32 to vector<16xi32>
    %get3A_3301 = arith.constant 49 : i32
    %get3A_3302 = arith.index_cast %get3A_3301 : i32 to index
    %get3A_3303 = arith.constant 0 : index
    %get3A_3304 = tpu.vector_load %arg22[%get3A_3302, %get3A_3303] {strides = array<i32>} : memref<64x32xf32, #tpu.memory_space<vmem>>, vector<16xf32>,
    %get3A_3305 = arith.constant 49 : i32
    %get3A_3306 = arith.index_cast %get3A_3305 : i32 to index
    %get3A_3307 = arith.constant 0 : index
    %get3A_3308 = tpu.vector_load %arg19[%get3A_3306, %get3A_3307] {strides = array<i32>} : memref<64x32xf32, #tpu.memory_space<vmem>>, vector<16xf32>,
    %add3A_3309 = arith.addf %get3A_3304, %get3A_3308 : vector<16xf32>
    %mul3A_3310 = arith.constant 5.000000e-01 : f32
    %mul3A_3311 = vector.broadcast %mul3A_3310 : f32 to vector<16xf32>
    %mul3A_3312 = arith.mulf %add3A_3309, %mul3A_3311 : vector<16xf32>
    %get3A_3313 = arith.constant 49 : i32
    %get3A_3314 = arith.index_cast %get3A_3313 : i32 to index
    %get3A_3315 = arith.constant 0 : index
    %get3A_3316 = tpu.vector_load %arg20[%get3A_3314, %get3A_3315] {strides = array<i32>} : memref<64x32xf32, #tpu.memory_space<vmem>>, vector<16xf32>,
    %get3A_3317 = arith.constant 49 : i32
    %get3A_3318 = arith.index_cast %get3A_3317 : i32 to index
    %get3A_3319 = arith.constant 0 : index
    %get3A_3320 = tpu.vector_load %arg21[%get3A_3318, %get3A_3319] {strides = array<i32>} : memref<64x32xf32, #tpu.memory_space<vmem>>, vector<16xf32>,
    %add3A_3321 = arith.addf %get3A_3316, %get3A_3320 : vector<16xf32>
    %mul3A_3322 = arith.constant 5.000000e-01 : f32
    %mul3A_3323 = vector.broadcast %mul3A_3322 : f32 to vector<16xf32>
    %mul3A_3324 = arith.mulf %add3A_3321, %mul3A_3323 : vector<16xf32>
    %add3A_3325 = arith.constant 0 : i32
    %add3A_3326 = vector.broadcast %add3A_3325 : i32 to vector<16xi32>
    %add3A_3327 = arith.addi %add3A_3326, %iota3A : vector<16xi32>
    %sub3A_3328 = arith.subf %mul3A_3324, %mul3A_3312 : vector<16xf32>
    %add3A_3329 = arith.addf %mul3A_3312, %sub3A_3328 : vector<16xf32>
    tpu.vector_store_idx %arg23[%add3A_3327, %broadcast_in_dim3A_3300], %add3A_3329 : memref<32x64xf32, #tpu.memory_space<vmem>>[vector<16xi32>, vector<16xi32>], vector<16xf32>,
    %get3A_3330 = arith.constant 49 : i32
    %get3A_3331 = arith.index_cast %get3A_3330 : i32 to index
    %get3A_3332 = arith.constant 16 : index
    %get3A_3333 = tpu.vector_load %arg22[%get3A_3331, %get3A_3332] {strides = array<i32>} : memref<64x32xf32, #tpu.memory_space<vmem>>, vector<16xf32>,
    %get3A_3334 = arith.constant 49 : i32
    %get3A_3335 = arith.index_cast %get3A_3334 : i32 to index
    %get3A_3336 = arith.constant 16 : index
    %get3A_3337 = tpu.vector_load %arg19[%get3A_3335, %get3A_3336] {strides = array<i32>} : memref<64x32xf32, #tpu.memory_space<vmem>>, vector<16xf32>,
    %add3A_3338 = arith.addf %get3A_3333, %get3A_3337 : vector<16xf32>
    %mul3A_3339 = arith.constant 5.000000e-01 : f32
    %mul3A_3340 = vector.broadcast %mul3A_3339 : f32 to vector<16xf32>
    %mul3A_3341 = arith.mulf %add3A_3338, %mul3A_3340 : vector<16xf32>
    %get3A_3342 = arith.constant 49 : i32
    %get3A_3343 = arith.index_cast %get3A_3342 : i32 to index
    %get3A_3344 = arith.constant 16 : index
    %get3A_3345 = tpu.vector_load %arg20[%get3A_3343, %get3A_3344] {strides = array<i32>} : memref<64x32xf32, #tpu.memory_space<vmem>>, vector<16xf32>,
    %get3A_3346 = arith.constant 49 : i32
    %get3A_3347 = arith.index_cast %get3A_3346 : i32 to index
    %get3A_3348 = arith.constant 16 : index
    %get3A_3349 = tpu.vector_load %arg21[%get3A_3347, %get3A_3348] {strides = array<i32>} : memref<64x32xf32, #tpu.memory_space<vmem>>, vector<16xf32>,
    %add3A_3350 = arith.addf %get3A_3345, %get3A_3349 : vector<16xf32>
    %mul3A_3351 = arith.constant 5.000000e-01 : f32
    %mul3A_3352 = vector.broadcast %mul3A_3351 : f32 to vector<16xf32>
    %mul3A_3353 = arith.mulf %add3A_3350, %mul3A_3352 : vector<16xf32>
    %add3A_3354 = arith.constant 16 : i32
    %add3A_3355 = vector.broadcast %add3A_3354 : i32 to vector<16xi32>
    %add3A_3356 = arith.addi %add3A_3355, %iota3A : vector<16xi32>
    %sub3A_3357 = arith.subf %mul3A_3353, %mul3A_3341 : vector<16xf32>
    %add3A_3358 = arith.addf %mul3A_3341, %sub3A_3357 : vector<16xf32>
    tpu.vector_store_idx %arg23[%add3A_3356, %broadcast_in_dim3A_3300], %add3A_3358 : memref<32x64xf32, #tpu.memory_space<vmem>>[vector<16xi32>, vector<16xi32>], vector<16xf32>,
    %broadcast_in_dim3A_3359 = arith.constant 50 : i32
    %broadcast_in_dim3A_3360 = vector.broadcast %broadcast_in_dim3A_3359 : i32 to vector<16xi32>
    %get3A_3361 = arith.constant 50 : i32
    %get3A_3362 = arith.index_cast %get3A_3361 : i32 to index
    %get3A_3363 = arith.constant 0 : index
    %get3A_3364 = tpu.vector_load %arg22[%get3A_3362, %get3A_3363] {strides = array<i32>} : memref<64x32xf32, #tpu.memory_space<vmem>>, vector<16xf32>,
    %get3A_3365 = arith.constant 50 : i32
    %get3A_3366 = arith.index_cast %get3A_3365 : i32 to index
    %get3A_3367 = arith.constant 0 : index
    %get3A_3368 = tpu.vector_load %arg19[%get3A_3366, %get3A_3367] {strides = array<i32>} : memref<64x32xf32, #tpu.memory_space<vmem>>, vector<16xf32>,
    %add3A_3369 = arith.addf %get3A_3364, %get3A_3368 : vector<16xf32>
    %mul3A_3370 = arith.constant 5.000000e-01 : f32
    %mul3A_3371 = vector.broadcast %mul3A_3370 : f32 to vector<16xf32>
    %mul3A_3372 = arith.mulf %add3A_3369, %mul3A_3371 : vector<16xf32>
    %get3A_3373 = arith.constant 50 : i32
    %get3A_3374 = arith.index_cast %get3A_3373 : i32 to index
    %get3A_3375 = arith.constant 0 : index
    %get3A_3376 = tpu.vector_load %arg20[%get3A_3374, %get3A_3375] {strides = array<i32>} : memref<64x32xf32, #tpu.memory_space<vmem>>, vector<16xf32>,
    %get3A_3377 = arith.constant 50 : i32
    %get3A_3378 = arith.index_cast %get3A_3377 : i32 to index
    %get3A_3379 = arith.constant 0 : index
    %get3A_3380 = tpu.vector_load %arg21[%get3A_3378, %get3A_3379] {strides = array<i32>} : memref<64x32xf32, #tpu.memory_space<vmem>>, vector<16xf32>,
    %add3A_3381 = arith.addf %get3A_3376, %get3A_3380 : vector<16xf32>
    %mul3A_3382 = arith.constant 5.000000e-01 : f32
    %mul3A_3383 = vector.broadcast %mul3A_3382 : f32 to vector<16xf32>
    %mul3A_3384 = arith.mulf %add3A_3381, %mul3A_3383 : vector<16xf32>
    %add3A_3385 = arith.constant 0 : i32
    %add3A_3386 = vector.broadcast %add3A_3385 : i32 to vector<16xi32>
    %add3A_3387 = arith.addi %add3A_3386, %iota3A : vector<16xi32>
    %sub3A_3388 = arith.subf %mul3A_3384, %mul3A_3372 : vector<16xf32>
    %add3A_3389 = arith.addf %mul3A_3372, %sub3A_3388 : vector<16xf32>
    tpu.vector_store_idx %arg23[%add3A_3387, %broadcast_in_dim3A_3360], %add3A_3389 : memref<32x64xf32, #tpu.memory_space<vmem>>[vector<16xi32>, vector<16xi32>], vector<16xf32>,
    %get3A_3390 = arith.constant 50 : i32
    %get3A_3391 = arith.index_cast %get3A_3390 : i32 to index
    %get3A_3392 = arith.constant 16 : index
    %get3A_3393 = tpu.vector_load %arg22[%get3A_3391, %get3A_3392] {strides = array<i32>} : memref<64x32xf32, #tpu.memory_space<vmem>>, vector<16xf32>,
    %get3A_3394 = arith.constant 50 : i32
    %get3A_3395 = arith.index_cast %get3A_3394 : i32 to index
    %get3A_3396 = arith.constant 16 : index
    %get3A_3397 = tpu.vector_load %arg19[%get3A_3395, %get3A_3396] {strides = array<i32>} : memref<64x32xf32, #tpu.memory_space<vmem>>, vector<16xf32>,
    %add3A_3398 = arith.addf %get3A_3393, %get3A_3397 : vector<16xf32>
    %mul3A_3399 = arith.constant 5.000000e-01 : f32
    %mul3A_3400 = vector.broadcast %mul3A_3399 : f32 to vector<16xf32>
    %mul3A_3401 = arith.mulf %add3A_3398, %mul3A_3400 : vector<16xf32>
    %get3A_3402 = arith.constant 50 : i32
    %get3A_3403 = arith.index_cast %get3A_3402 : i32 to index
    %get3A_3404 = arith.constant 16 : index
    %get3A_3405 = tpu.vector_load %arg20[%get3A_3403, %get3A_3404] {strides = array<i32>} : memref<64x32xf32, #tpu.memory_space<vmem>>, vector<16xf32>,
    %get3A_3406 = arith.constant 50 : i32
    %get3A_3407 = arith.index_cast %get3A_3406 : i32 to index
    %get3A_3408 = arith.constant 16 : index
    %get3A_3409 = tpu.vector_load %arg21[%get3A_3407, %get3A_3408] {strides = array<i32>} : memref<64x32xf32, #tpu.memory_space<vmem>>, vector<16xf32>,
    %add3A_3410 = arith.addf %get3A_3405, %get3A_3409 : vector<16xf32>
    %mul3A_3411 = arith.constant 5.000000e-01 : f32
    %mul3A_3412 = vector.broadcast %mul3A_3411 : f32 to vector<16xf32>
    %mul3A_3413 = arith.mulf %add3A_3410, %mul3A_3412 : vector<16xf32>
    %add3A_3414 = arith.constant 16 : i32
    %add3A_3415 = vector.broadcast %add3A_3414 : i32 to vector<16xi32>
    %add3A_3416 = arith.addi %add3A_3415, %iota3A : vector<16xi32>
    %sub3A_3417 = arith.subf %mul3A_3413, %mul3A_3401 : vector<16xf32>
    %add3A_3418 = arith.addf %mul3A_3401, %sub3A_3417 : vector<16xf32>
    tpu.vector_store_idx %arg23[%add3A_3416, %broadcast_in_dim3A_3360], %add3A_3418 : memref<32x64xf32, #tpu.memory_space<vmem>>[vector<16xi32>, vector<16xi32>], vector<16xf32>,
    %broadcast_in_dim3A_3419 = arith.constant 51 : i32
    %broadcast_in_dim3A_3420 = vector.broadcast %broadcast_in_dim3A_3419 : i32 to vector<16xi32>
    %get3A_3421 = arith.constant 51 : i32
    %get3A_3422 = arith.index_cast %get3A_3421 : i32 to index
    %get3A_3423 = arith.constant 0 : index
    %get3A_3424 = tpu.vector_load %arg22[%get3A_3422, %get3A_3423] {strides = array<i32>} : memref<64x32xf32, #tpu.memory_space<vmem>>, vector<16xf32>,
    %get3A_3425 = arith.constant 51 : i32
    %get3A_3426 = arith.index_cast %get3A_3425 : i32 to index
    %get3A_3427 = arith.constant 0 : index
    %get3A_3428 = tpu.vector_load %arg19[%get3A_3426, %get3A_3427] {strides = array<i32>} : memref<64x32xf32, #tpu.memory_space<vmem>>, vector<16xf32>,
    %add3A_3429 = arith.addf %get3A_3424, %get3A_3428 : vector<16xf32>
    %mul3A_3430 = arith.constant 5.000000e-01 : f32
    %mul3A_3431 = vector.broadcast %mul3A_3430 : f32 to vector<16xf32>
    %mul3A_3432 = arith.mulf %add3A_3429, %mul3A_3431 : vector<16xf32>
    %get3A_3433 = arith.constant 51 : i32
    %get3A_3434 = arith.index_cast %get3A_3433 : i32 to index
    %get3A_3435 = arith.constant 0 : index
    %get3A_3436 = tpu.vector_load %arg20[%get3A_3434, %get3A_3435] {strides = array<i32>} : memref<64x32xf32, #tpu.memory_space<vmem>>, vector<16xf32>,
    %get3A_3437 = arith.constant 51 : i32
    %get3A_3438 = arith.index_cast %get3A_3437 : i32 to index
    %get3A_3439 = arith.constant 0 : index
    %get3A_3440 = tpu.vector_load %arg21[%get3A_3438, %get3A_3439] {strides = array<i32>} : memref<64x32xf32, #tpu.memory_space<vmem>>, vector<16xf32>,
    %add3A_3441 = arith.addf %get3A_3436, %get3A_3440 : vector<16xf32>
    %mul3A_3442 = arith.constant 5.000000e-01 : f32
    %mul3A_3443 = vector.broadcast %mul3A_3442 : f32 to vector<16xf32>
    %mul3A_3444 = arith.mulf %add3A_3441, %mul3A_3443 : vector<16xf32>
    %add3A_3445 = arith.constant 0 : i32
    %add3A_3446 = vector.broadcast %add3A_3445 : i32 to vector<16xi32>
    %add3A_3447 = arith.addi %add3A_3446, %iota3A : vector<16xi32>
    %sub3A_3448 = arith.subf %mul3A_3444, %mul3A_3432 : vector<16xf32>
    %add3A_3449 = arith.addf %mul3A_3432, %sub3A_3448 : vector<16xf32>
    tpu.vector_store_idx %arg23[%add3A_3447, %broadcast_in_dim3A_3420], %add3A_3449 : memref<32x64xf32, #tpu.memory_space<vmem>>[vector<16xi32>, vector<16xi32>], vector<16xf32>,
    %get3A_3450 = arith.constant 51 : i32
    %get3A_3451 = arith.index_cast %get3A_3450 : i32 to index
    %get3A_3452 = arith.constant 16 : index
    %get3A_3453 = tpu.vector_load %arg22[%get3A_3451, %get3A_3452] {strides = array<i32>} : memref<64x32xf32, #tpu.memory_space<vmem>>, vector<16xf32>,
    %get3A_3454 = arith.constant 51 : i32
    %get3A_3455 = arith.index_cast %get3A_3454 : i32 to index
    %get3A_3456 = arith.constant 16 : index
    %get3A_3457 = tpu.vector_load %arg19[%get3A_3455, %get3A_3456] {strides = array<i32>} : memref<64x32xf32, #tpu.memory_space<vmem>>, vector<16xf32>,
    %add3A_3458 = arith.addf %get3A_3453, %get3A_3457 : vector<16xf32>
    %mul3A_3459 = arith.constant 5.000000e-01 : f32
    %mul3A_3460 = vector.broadcast %mul3A_3459 : f32 to vector<16xf32>
    %mul3A_3461 = arith.mulf %add3A_3458, %mul3A_3460 : vector<16xf32>
    %get3A_3462 = arith.constant 51 : i32
    %get3A_3463 = arith.index_cast %get3A_3462 : i32 to index
    %get3A_3464 = arith.constant 16 : index
    %get3A_3465 = tpu.vector_load %arg20[%get3A_3463, %get3A_3464] {strides = array<i32>} : memref<64x32xf32, #tpu.memory_space<vmem>>, vector<16xf32>,
    %get3A_3466 = arith.constant 51 : i32
    %get3A_3467 = arith.index_cast %get3A_3466 : i32 to index
    %get3A_3468 = arith.constant 16 : index
    %get3A_3469 = tpu.vector_load %arg21[%get3A_3467, %get3A_3468] {strides = array<i32>} : memref<64x32xf32, #tpu.memory_space<vmem>>, vector<16xf32>,
    %add3A_3470 = arith.addf %get3A_3465, %get3A_3469 : vector<16xf32>
    %mul3A_3471 = arith.constant 5.000000e-01 : f32
    %mul3A_3472 = vector.broadcast %mul3A_3471 : f32 to vector<16xf32>
    %mul3A_3473 = arith.mulf %add3A_3470, %mul3A_3472 : vector<16xf32>
    %add3A_3474 = arith.constant 16 : i32
    %add3A_3475 = vector.broadcast %add3A_3474 : i32 to vector<16xi32>
    %add3A_3476 = arith.addi %add3A_3475, %iota3A : vector<16xi32>
    %sub3A_3477 = arith.subf %mul3A_3473, %mul3A_3461 : vector<16xf32>
    %add3A_3478 = arith.addf %mul3A_3461, %sub3A_3477 : vector<16xf32>
    tpu.vector_store_idx %arg23[%add3A_3476, %broadcast_in_dim3A_3420], %add3A_3478 : memref<32x64xf32, #tpu.memory_space<vmem>>[vector<16xi32>, vector<16xi32>], vector<16xf32>,
    %broadcast_in_dim3A_3479 = arith.constant 52 : i32
    %broadcast_in_dim3A_3480 = vector.broadcast %broadcast_in_dim3A_3479 : i32 to vector<16xi32>
    %get3A_3481 = arith.constant 52 : i32
    %get3A_3482 = arith.index_cast %get3A_3481 : i32 to index
    %get3A_3483 = arith.constant 0 : index
    %get3A_3484 = tpu.vector_load %arg22[%get3A_3482, %get3A_3483] {strides = array<i32>} : memref<64x32xf32, #tpu.memory_space<vmem>>, vector<16xf32>,
    %get3A_3485 = arith.constant 52 : i32
    %get3A_3486 = arith.index_cast %get3A_3485 : i32 to index
    %get3A_3487 = arith.constant 0 : index
    %get3A_3488 = tpu.vector_load %arg19[%get3A_3486, %get3A_3487] {strides = array<i32>} : memref<64x32xf32, #tpu.memory_space<vmem>>, vector<16xf32>,
    %add3A_3489 = arith.addf %get3A_3484, %get3A_3488 : vector<16xf32>
    %mul3A_3490 = arith.constant 5.000000e-01 : f32
    %mul3A_3491 = vector.broadcast %mul3A_3490 : f32 to vector<16xf32>
    %mul3A_3492 = arith.mulf %add3A_3489, %mul3A_3491 : vector<16xf32>
    %get3A_3493 = arith.constant 52 : i32
    %get3A_3494 = arith.index_cast %get3A_3493 : i32 to index
    %get3A_3495 = arith.constant 0 : index
    %get3A_3496 = tpu.vector_load %arg20[%get3A_3494, %get3A_3495] {strides = array<i32>} : memref<64x32xf32, #tpu.memory_space<vmem>>, vector<16xf32>,
    %get3A_3497 = arith.constant 52 : i32
    %get3A_3498 = arith.index_cast %get3A_3497 : i32 to index
    %get3A_3499 = arith.constant 0 : index
    %get3A_3500 = tpu.vector_load %arg21[%get3A_3498, %get3A_3499] {strides = array<i32>} : memref<64x32xf32, #tpu.memory_space<vmem>>, vector<16xf32>,
    %add3A_3501 = arith.addf %get3A_3496, %get3A_3500 : vector<16xf32>
    %mul3A_3502 = arith.constant 5.000000e-01 : f32
    %mul3A_3503 = vector.broadcast %mul3A_3502 : f32 to vector<16xf32>
    %mul3A_3504 = arith.mulf %add3A_3501, %mul3A_3503 : vector<16xf32>
    %add3A_3505 = arith.constant 0 : i32
    %add3A_3506 = vector.broadcast %add3A_3505 : i32 to vector<16xi32>
    %add3A_3507 = arith.addi %add3A_3506, %iota3A : vector<16xi32>
    %sub3A_3508 = arith.subf %mul3A_3504, %mul3A_3492 : vector<16xf32>
    %add3A_3509 = arith.addf %mul3A_3492, %sub3A_3508 : vector<16xf32>
    tpu.vector_store_idx %arg23[%add3A_3507, %broadcast_in_dim3A_3480], %add3A_3509 : memref<32x64xf32, #tpu.memory_space<vmem>>[vector<16xi32>, vector<16xi32>], vector<16xf32>,
    %get3A_3510 = arith.constant 52 : i32
    %get3A_3511 = arith.index_cast %get3A_3510 : i32 to index
    %get3A_3512 = arith.constant 16 : index
    %get3A_3513 = tpu.vector_load %arg22[%get3A_3511, %get3A_3512] {strides = array<i32>} : memref<64x32xf32, #tpu.memory_space<vmem>>, vector<16xf32>,
    %get3A_3514 = arith.constant 52 : i32
    %get3A_3515 = arith.index_cast %get3A_3514 : i32 to index
    %get3A_3516 = arith.constant 16 : index
    %get3A_3517 = tpu.vector_load %arg19[%get3A_3515, %get3A_3516] {strides = array<i32>} : memref<64x32xf32, #tpu.memory_space<vmem>>, vector<16xf32>,
    %add3A_3518 = arith.addf %get3A_3513, %get3A_3517 : vector<16xf32>
    %mul3A_3519 = arith.constant 5.000000e-01 : f32
    %mul3A_3520 = vector.broadcast %mul3A_3519 : f32 to vector<16xf32>
    %mul3A_3521 = arith.mulf %add3A_3518, %mul3A_3520 : vector<16xf32>
    %get3A_3522 = arith.constant 52 : i32
    %get3A_3523 = arith.index_cast %get3A_3522 : i32 to index
    %get3A_3524 = arith.constant 16 : index
    %get3A_3525 = tpu.vector_load %arg20[%get3A_3523, %get3A_3524] {strides = array<i32>} : memref<64x32xf32, #tpu.memory_space<vmem>>, vector<16xf32>,
    %get3A_3526 = arith.constant 52 : i32
    %get3A_3527 = arith.index_cast %get3A_3526 : i32 to index
    %get3A_3528 = arith.constant 16 : index
    %get3A_3529 = tpu.vector_load %arg21[%get3A_3527, %get3A_3528] {strides = array<i32>} : memref<64x32xf32, #tpu.memory_space<vmem>>, vector<16xf32>,
    %add3A_3530 = arith.addf %get3A_3525, %get3A_3529 : vector<16xf32>
    %mul3A_3531 = arith.constant 5.000000e-01 : f32
    %mul3A_3532 = vector.broadcast %mul3A_3531 : f32 to vector<16xf32>
    %mul3A_3533 = arith.mulf %add3A_3530, %mul3A_3532 : vector<16xf32>
    %add3A_3534 = arith.constant 16 : i32
    %add3A_3535 = vector.broadcast %add3A_3534 : i32 to vector<16xi32>
    %add3A_3536 = arith.addi %add3A_3535, %iota3A : vector<16xi32>
    %sub3A_3537 = arith.subf %mul3A_3533, %mul3A_3521 : vector<16xf32>
    %add3A_3538 = arith.addf %mul3A_3521, %sub3A_3537 : vector<16xf32>
    tpu.vector_store_idx %arg23[%add3A_3536, %broadcast_in_dim3A_3480], %add3A_3538 : memref<32x64xf32, #tpu.memory_space<vmem>>[vector<16xi32>, vector<16xi32>], vector<16xf32>,
    %broadcast_in_dim3A_3539 = arith.constant 53 : i32
    %broadcast_in_dim3A_3540 = vector.broadcast %broadcast_in_dim3A_3539 : i32 to vector<16xi32>
    %get3A_3541 = arith.constant 53 : i32
    %get3A_3542 = arith.index_cast %get3A_3541 : i32 to index
    %get3A_3543 = arith.constant 0 : index
    %get3A_3544 = tpu.vector_load %arg22[%get3A_3542, %get3A_3543] {strides = array<i32>} : memref<64x32xf32, #tpu.memory_space<vmem>>, vector<16xf32>,
    %get3A_3545 = arith.constant 53 : i32
    %get3A_3546 = arith.index_cast %get3A_3545 : i32 to index
    %get3A_3547 = arith.constant 0 : index
    %get3A_3548 = tpu.vector_load %arg19[%get3A_3546, %get3A_3547] {strides = array<i32>} : memref<64x32xf32, #tpu.memory_space<vmem>>, vector<16xf32>,
    %add3A_3549 = arith.addf %get3A_3544, %get3A_3548 : vector<16xf32>
    %mul3A_3550 = arith.constant 5.000000e-01 : f32
    %mul3A_3551 = vector.broadcast %mul3A_3550 : f32 to vector<16xf32>
    %mul3A_3552 = arith.mulf %add3A_3549, %mul3A_3551 : vector<16xf32>
    %get3A_3553 = arith.constant 53 : i32
    %get3A_3554 = arith.index_cast %get3A_3553 : i32 to index
    %get3A_3555 = arith.constant 0 : index
    %get3A_3556 = tpu.vector_load %arg20[%get3A_3554, %get3A_3555] {strides = array<i32>} : memref<64x32xf32, #tpu.memory_space<vmem>>, vector<16xf32>,
    %get3A_3557 = arith.constant 53 : i32
    %get3A_3558 = arith.index_cast %get3A_3557 : i32 to index
    %get3A_3559 = arith.constant 0 : index
    %get3A_3560 = tpu.vector_load %arg21[%get3A_3558, %get3A_3559] {strides = array<i32>} : memref<64x32xf32, #tpu.memory_space<vmem>>, vector<16xf32>,
    %add3A_3561 = arith.addf %get3A_3556, %get3A_3560 : vector<16xf32>
    %mul3A_3562 = arith.constant 5.000000e-01 : f32
    %mul3A_3563 = vector.broadcast %mul3A_3562 : f32 to vector<16xf32>
    %mul3A_3564 = arith.mulf %add3A_3561, %mul3A_3563 : vector<16xf32>
    %add3A_3565 = arith.constant 0 : i32
    %add3A_3566 = vector.broadcast %add3A_3565 : i32 to vector<16xi32>
    %add3A_3567 = arith.addi %add3A_3566, %iota3A : vector<16xi32>
    %sub3A_3568 = arith.subf %mul3A_3564, %mul3A_3552 : vector<16xf32>
    %add3A_3569 = arith.addf %mul3A_3552, %sub3A_3568 : vector<16xf32>
    tpu.vector_store_idx %arg23[%add3A_3567, %broadcast_in_dim3A_3540], %add3A_3569 : memref<32x64xf32, #tpu.memory_space<vmem>>[vector<16xi32>, vector<16xi32>], vector<16xf32>,
    %get3A_3570 = arith.constant 53 : i32
    %get3A_3571 = arith.index_cast %get3A_3570 : i32 to index
    %get3A_3572 = arith.constant 16 : index
    %get3A_3573 = tpu.vector_load %arg22[%get3A_3571, %get3A_3572] {strides = array<i32>} : memref<64x32xf32, #tpu.memory_space<vmem>>, vector<16xf32>,
    %get3A_3574 = arith.constant 53 : i32
    %get3A_3575 = arith.index_cast %get3A_3574 : i32 to index
    %get3A_3576 = arith.constant 16 : index
    %get3A_3577 = tpu.vector_load %arg19[%get3A_3575, %get3A_3576] {strides = array<i32>} : memref<64x32xf32, #tpu.memory_space<vmem>>, vector<16xf32>,
    %add3A_3578 = arith.addf %get3A_3573, %get3A_3577 : vector<16xf32>
    %mul3A_3579 = arith.constant 5.000000e-01 : f32
    %mul3A_3580 = vector.broadcast %mul3A_3579 : f32 to vector<16xf32>
    %mul3A_3581 = arith.mulf %add3A_3578, %mul3A_3580 : vector<16xf32>
    %get3A_3582 = arith.constant 53 : i32
    %get3A_3583 = arith.index_cast %get3A_3582 : i32 to index
    %get3A_3584 = arith.constant 16 : index
    %get3A_3585 = tpu.vector_load %arg20[%get3A_3583, %get3A_3584] {strides = array<i32>} : memref<64x32xf32, #tpu.memory_space<vmem>>, vector<16xf32>,
    %get3A_3586 = arith.constant 53 : i32
    %get3A_3587 = arith.index_cast %get3A_3586 : i32 to index
    %get3A_3588 = arith.constant 16 : index
    %get3A_3589 = tpu.vector_load %arg21[%get3A_3587, %get3A_3588] {strides = array<i32>} : memref<64x32xf32, #tpu.memory_space<vmem>>, vector<16xf32>,
    %add3A_3590 = arith.addf %get3A_3585, %get3A_3589 : vector<16xf32>
    %mul3A_3591 = arith.constant 5.000000e-01 : f32
    %mul3A_3592 = vector.broadcast %mul3A_3591 : f32 to vector<16xf32>
    %mul3A_3593 = arith.mulf %add3A_3590, %mul3A_3592 : vector<16xf32>
    %add3A_3594 = arith.constant 16 : i32
    %add3A_3595 = vector.broadcast %add3A_3594 : i32 to vector<16xi32>
    %add3A_3596 = arith.addi %add3A_3595, %iota3A : vector<16xi32>
    %sub3A_3597 = arith.subf %mul3A_3593, %mul3A_3581 : vector<16xf32>
    %add3A_3598 = arith.addf %mul3A_3581, %sub3A_3597 : vector<16xf32>
    tpu.vector_store_idx %arg23[%add3A_3596, %broadcast_in_dim3A_3540], %add3A_3598 : memref<32x64xf32, #tpu.memory_space<vmem>>[vector<16xi32>, vector<16xi32>], vector<16xf32>,
    %broadcast_in_dim3A_3599 = arith.constant 54 : i32
    %broadcast_in_dim3A_3600 = vector.broadcast %broadcast_in_dim3A_3599 : i32 to vector<16xi32>
    %get3A_3601 = arith.constant 54 : i32
    %get3A_3602 = arith.index_cast %get3A_3601 : i32 to index
    %get3A_3603 = arith.constant 0 : index
    %get3A_3604 = tpu.vector_load %arg22[%get3A_3602, %get3A_3603] {strides = array<i32>} : memref<64x32xf32, #tpu.memory_space<vmem>>, vector<16xf32>,
    %get3A_3605 = arith.constant 54 : i32
    %get3A_3606 = arith.index_cast %get3A_3605 : i32 to index
    %get3A_3607 = arith.constant 0 : index
    %get3A_3608 = tpu.vector_load %arg19[%get3A_3606, %get3A_3607] {strides = array<i32>} : memref<64x32xf32, #tpu.memory_space<vmem>>, vector<16xf32>,
    %add3A_3609 = arith.addf %get3A_3604, %get3A_3608 : vector<16xf32>
    %mul3A_3610 = arith.constant 5.000000e-01 : f32
    %mul3A_3611 = vector.broadcast %mul3A_3610 : f32 to vector<16xf32>
    %mul3A_3612 = arith.mulf %add3A_3609, %mul3A_3611 : vector<16xf32>
    %get3A_3613 = arith.constant 54 : i32
    %get3A_3614 = arith.index_cast %get3A_3613 : i32 to index
    %get3A_3615 = arith.constant 0 : index
    %get3A_3616 = tpu.vector_load %arg20[%get3A_3614, %get3A_3615] {strides = array<i32>} : memref<64x32xf32, #tpu.memory_space<vmem>>, vector<16xf32>,
    %get3A_3617 = arith.constant 54 : i32
    %get3A_3618 = arith.index_cast %get3A_3617 : i32 to index
    %get3A_3619 = arith.constant 0 : index
    %get3A_3620 = tpu.vector_load %arg21[%get3A_3618, %get3A_3619] {strides = array<i32>} : memref<64x32xf32, #tpu.memory_space<vmem>>, vector<16xf32>,
    %add3A_3621 = arith.addf %get3A_3616, %get3A_3620 : vector<16xf32>
    %mul3A_3622 = arith.constant 5.000000e-01 : f32
    %mul3A_3623 = vector.broadcast %mul3A_3622 : f32 to vector<16xf32>
    %mul3A_3624 = arith.mulf %add3A_3621, %mul3A_3623 : vector<16xf32>
    %add3A_3625 = arith.constant 0 : i32
    %add3A_3626 = vector.broadcast %add3A_3625 : i32 to vector<16xi32>
    %add3A_3627 = arith.addi %add3A_3626, %iota3A : vector<16xi32>
    %sub3A_3628 = arith.subf %mul3A_3624, %mul3A_3612 : vector<16xf32>
    %add3A_3629 = arith.addf %mul3A_3612, %sub3A_3628 : vector<16xf32>
    tpu.vector_store_idx %arg23[%add3A_3627, %broadcast_in_dim3A_3600], %add3A_3629 : memref<32x64xf32, #tpu.memory_space<vmem>>[vector<16xi32>, vector<16xi32>], vector<16xf32>,
    %get3A_3630 = arith.constant 54 : i32
    %get3A_3631 = arith.index_cast %get3A_3630 : i32 to index
    %get3A_3632 = arith.constant 16 : index
    %get3A_3633 = tpu.vector_load %arg22[%get3A_3631, %get3A_3632] {strides = array<i32>} : memref<64x32xf32, #tpu.memory_space<vmem>>, vector<16xf32>,
    %get3A_3634 = arith.constant 54 : i32
    %get3A_3635 = arith.index_cast %get3A_3634 : i32 to index
    %get3A_3636 = arith.constant 16 : index
    %get3A_3637 = tpu.vector_load %arg19[%get3A_3635, %get3A_3636] {strides = array<i32>} : memref<64x32xf32, #tpu.memory_space<vmem>>, vector<16xf32>,
    %add3A_3638 = arith.addf %get3A_3633, %get3A_3637 : vector<16xf32>
    %mul3A_3639 = arith.constant 5.000000e-01 : f32
    %mul3A_3640 = vector.broadcast %mul3A_3639 : f32 to vector<16xf32>
    %mul3A_3641 = arith.mulf %add3A_3638, %mul3A_3640 : vector<16xf32>
    %get3A_3642 = arith.constant 54 : i32
    %get3A_3643 = arith.index_cast %get3A_3642 : i32 to index
    %get3A_3644 = arith.constant 16 : index
    %get3A_3645 = tpu.vector_load %arg20[%get3A_3643, %get3A_3644] {strides = array<i32>} : memref<64x32xf32, #tpu.memory_space<vmem>>, vector<16xf32>,
    %get3A_3646 = arith.constant 54 : i32
    %get3A_3647 = arith.index_cast %get3A_3646 : i32 to index
    %get3A_3648 = arith.constant 16 : index
    %get3A_3649 = tpu.vector_load %arg21[%get3A_3647, %get3A_3648] {strides = array<i32>} : memref<64x32xf32, #tpu.memory_space<vmem>>, vector<16xf32>,
    %add3A_3650 = arith.addf %get3A_3645, %get3A_3649 : vector<16xf32>
    %mul3A_3651 = arith.constant 5.000000e-01 : f32
    %mul3A_3652 = vector.broadcast %mul3A_3651 : f32 to vector<16xf32>
    %mul3A_3653 = arith.mulf %add3A_3650, %mul3A_3652 : vector<16xf32>
    %add3A_3654 = arith.constant 16 : i32
    %add3A_3655 = vector.broadcast %add3A_3654 : i32 to vector<16xi32>
    %add3A_3656 = arith.addi %add3A_3655, %iota3A : vector<16xi32>
    %sub3A_3657 = arith.subf %mul3A_3653, %mul3A_3641 : vector<16xf32>
    %add3A_3658 = arith.addf %mul3A_3641, %sub3A_3657 : vector<16xf32>
    tpu.vector_store_idx %arg23[%add3A_3656, %broadcast_in_dim3A_3600], %add3A_3658 : memref<32x64xf32, #tpu.memory_space<vmem>>[vector<16xi32>, vector<16xi32>], vector<16xf32>,
    %broadcast_in_dim3A_3659 = arith.constant 55 : i32
    %broadcast_in_dim3A_3660 = vector.broadcast %broadcast_in_dim3A_3659 : i32 to vector<16xi32>
    %get3A_3661 = arith.constant 55 : i32
    %get3A_3662 = arith.index_cast %get3A_3661 : i32 to index
    %get3A_3663 = arith.constant 0 : index
    %get3A_3664 = tpu.vector_load %arg22[%get3A_3662, %get3A_3663] {strides = array<i32>} : memref<64x32xf32, #tpu.memory_space<vmem>>, vector<16xf32>,
    %get3A_3665 = arith.constant 55 : i32
    %get3A_3666 = arith.index_cast %get3A_3665 : i32 to index
    %get3A_3667 = arith.constant 0 : index
    %get3A_3668 = tpu.vector_load %arg19[%get3A_3666, %get3A_3667] {strides = array<i32>} : memref<64x32xf32, #tpu.memory_space<vmem>>, vector<16xf32>,
    %add3A_3669 = arith.addf %get3A_3664, %get3A_3668 : vector<16xf32>
    %mul3A_3670 = arith.constant 5.000000e-01 : f32
    %mul3A_3671 = vector.broadcast %mul3A_3670 : f32 to vector<16xf32>
    %mul3A_3672 = arith.mulf %add3A_3669, %mul3A_3671 : vector<16xf32>
    %get3A_3673 = arith.constant 55 : i32
    %get3A_3674 = arith.index_cast %get3A_3673 : i32 to index
    %get3A_3675 = arith.constant 0 : index
    %get3A_3676 = tpu.vector_load %arg20[%get3A_3674, %get3A_3675] {strides = array<i32>} : memref<64x32xf32, #tpu.memory_space<vmem>>, vector<16xf32>,
    %get3A_3677 = arith.constant 55 : i32
    %get3A_3678 = arith.index_cast %get3A_3677 : i32 to index
    %get3A_3679 = arith.constant 0 : index
    %get3A_3680 = tpu.vector_load %arg21[%get3A_3678, %get3A_3679] {strides = array<i32>} : memref<64x32xf32, #tpu.memory_space<vmem>>, vector<16xf32>,
    %add3A_3681 = arith.addf %get3A_3676, %get3A_3680 : vector<16xf32>
    %mul3A_3682 = arith.constant 5.000000e-01 : f32
    %mul3A_3683 = vector.broadcast %mul3A_3682 : f32 to vector<16xf32>
    %mul3A_3684 = arith.mulf %add3A_3681, %mul3A_3683 : vector<16xf32>
    %add3A_3685 = arith.constant 0 : i32
    %add3A_3686 = vector.broadcast %add3A_3685 : i32 to vector<16xi32>
    %add3A_3687 = arith.addi %add3A_3686, %iota3A : vector<16xi32>
    %sub3A_3688 = arith.subf %mul3A_3684, %mul3A_3672 : vector<16xf32>
    %add3A_3689 = arith.addf %mul3A_3672, %sub3A_3688 : vector<16xf32>
    tpu.vector_store_idx %arg23[%add3A_3687, %broadcast_in_dim3A_3660], %add3A_3689 : memref<32x64xf32, #tpu.memory_space<vmem>>[vector<16xi32>, vector<16xi32>], vector<16xf32>,
    %get3A_3690 = arith.constant 55 : i32
    %get3A_3691 = arith.index_cast %get3A_3690 : i32 to index
    %get3A_3692 = arith.constant 16 : index
    %get3A_3693 = tpu.vector_load %arg22[%get3A_3691, %get3A_3692] {strides = array<i32>} : memref<64x32xf32, #tpu.memory_space<vmem>>, vector<16xf32>,
    %get3A_3694 = arith.constant 55 : i32
    %get3A_3695 = arith.index_cast %get3A_3694 : i32 to index
    %get3A_3696 = arith.constant 16 : index
    %get3A_3697 = tpu.vector_load %arg19[%get3A_3695, %get3A_3696] {strides = array<i32>} : memref<64x32xf32, #tpu.memory_space<vmem>>, vector<16xf32>,
    %add3A_3698 = arith.addf %get3A_3693, %get3A_3697 : vector<16xf32>
    %mul3A_3699 = arith.constant 5.000000e-01 : f32
    %mul3A_3700 = vector.broadcast %mul3A_3699 : f32 to vector<16xf32>
    %mul3A_3701 = arith.mulf %add3A_3698, %mul3A_3700 : vector<16xf32>
    %get3A_3702 = arith.constant 55 : i32
    %get3A_3703 = arith.index_cast %get3A_3702 : i32 to index
    %get3A_3704 = arith.constant 16 : index
    %get3A_3705 = tpu.vector_load %arg20[%get3A_3703, %get3A_3704] {strides = array<i32>} : memref<64x32xf32, #tpu.memory_space<vmem>>, vector<16xf32>,
    %get3A_3706 = arith.constant 55 : i32
    %get3A_3707 = arith.index_cast %get3A_3706 : i32 to index
    %get3A_3708 = arith.constant 16 : index
    %get3A_3709 = tpu.vector_load %arg21[%get3A_3707, %get3A_3708] {strides = array<i32>} : memref<64x32xf32, #tpu.memory_space<vmem>>, vector<16xf32>,
    %add3A_3710 = arith.addf %get3A_3705, %get3A_3709 : vector<16xf32>
    %mul3A_3711 = arith.constant 5.000000e-01 : f32
    %mul3A_3712 = vector.broadcast %mul3A_3711 : f32 to vector<16xf32>
    %mul3A_3713 = arith.mulf %add3A_3710, %mul3A_3712 : vector<16xf32>
    %add3A_3714 = arith.constant 16 : i32
    %add3A_3715 = vector.broadcast %add3A_3714 : i32 to vector<16xi32>
    %add3A_3716 = arith.addi %add3A_3715, %iota3A : vector<16xi32>
    %sub3A_3717 = arith.subf %mul3A_3713, %mul3A_3701 : vector<16xf32>
    %add3A_3718 = arith.addf %mul3A_3701, %sub3A_3717 : vector<16xf32>
    tpu.vector_store_idx %arg23[%add3A_3716, %broadcast_in_dim3A_3660], %add3A_3718 : memref<32x64xf32, #tpu.memory_space<vmem>>[vector<16xi32>, vector<16xi32>], vector<16xf32>,
    %broadcast_in_dim3A_3719 = arith.constant 56 : i32
    %broadcast_in_dim3A_3720 = vector.broadcast %broadcast_in_dim3A_3719 : i32 to vector<16xi32>
    %get3A_3721 = arith.constant 56 : i32
    %get3A_3722 = arith.index_cast %get3A_3721 : i32 to index
    %get3A_3723 = arith.constant 0 : index
    %get3A_3724 = tpu.vector_load %arg22[%get3A_3722, %get3A_3723] {strides = array<i32>} : memref<64x32xf32, #tpu.memory_space<vmem>>, vector<16xf32>,
    %get3A_3725 = arith.constant 56 : i32
    %get3A_3726 = arith.index_cast %get3A_3725 : i32 to index
    %get3A_3727 = arith.constant 0 : index
    %get3A_3728 = tpu.vector_load %arg19[%get3A_3726, %get3A_3727] {strides = array<i32>} : memref<64x32xf32, #tpu.memory_space<vmem>>, vector<16xf32>,
    %add3A_3729 = arith.addf %get3A_3724, %get3A_3728 : vector<16xf32>
    %mul3A_3730 = arith.constant 5.000000e-01 : f32
    %mul3A_3731 = vector.broadcast %mul3A_3730 : f32 to vector<16xf32>
    %mul3A_3732 = arith.mulf %add3A_3729, %mul3A_3731 : vector<16xf32>
    %get3A_3733 = arith.constant 56 : i32
    %get3A_3734 = arith.index_cast %get3A_3733 : i32 to index
    %get3A_3735 = arith.constant 0 : index
    %get3A_3736 = tpu.vector_load %arg20[%get3A_3734, %get3A_3735] {strides = array<i32>} : memref<64x32xf32, #tpu.memory_space<vmem>>, vector<16xf32>,
    %get3A_3737 = arith.constant 56 : i32
    %get3A_3738 = arith.index_cast %get3A_3737 : i32 to index
    %get3A_3739 = arith.constant 0 : index
    %get3A_3740 = tpu.vector_load %arg21[%get3A_3738, %get3A_3739] {strides = array<i32>} : memref<64x32xf32, #tpu.memory_space<vmem>>, vector<16xf32>,
    %add3A_3741 = arith.addf %get3A_3736, %get3A_3740 : vector<16xf32>
    %mul3A_3742 = arith.constant 5.000000e-01 : f32
    %mul3A_3743 = vector.broadcast %mul3A_3742 : f32 to vector<16xf32>
    %mul3A_3744 = arith.mulf %add3A_3741, %mul3A_3743 : vector<16xf32>
    %add3A_3745 = arith.constant 0 : i32
    %add3A_3746 = vector.broadcast %add3A_3745 : i32 to vector<16xi32>
    %add3A_3747 = arith.addi %add3A_3746, %iota3A : vector<16xi32>
    %sub3A_3748 = arith.subf %mul3A_3744, %mul3A_3732 : vector<16xf32>
    %add3A_3749 = arith.addf %mul3A_3732, %sub3A_3748 : vector<16xf32>
    tpu.vector_store_idx %arg23[%add3A_3747, %broadcast_in_dim3A_3720], %add3A_3749 : memref<32x64xf32, #tpu.memory_space<vmem>>[vector<16xi32>, vector<16xi32>], vector<16xf32>,
    %get3A_3750 = arith.constant 56 : i32
    %get3A_3751 = arith.index_cast %get3A_3750 : i32 to index
    %get3A_3752 = arith.constant 16 : index
    %get3A_3753 = tpu.vector_load %arg22[%get3A_3751, %get3A_3752] {strides = array<i32>} : memref<64x32xf32, #tpu.memory_space<vmem>>, vector<16xf32>,
    %get3A_3754 = arith.constant 56 : i32
    %get3A_3755 = arith.index_cast %get3A_3754 : i32 to index
    %get3A_3756 = arith.constant 16 : index
    %get3A_3757 = tpu.vector_load %arg19[%get3A_3755, %get3A_3756] {strides = array<i32>} : memref<64x32xf32, #tpu.memory_space<vmem>>, vector<16xf32>,
    %add3A_3758 = arith.addf %get3A_3753, %get3A_3757 : vector<16xf32>
    %mul3A_3759 = arith.constant 5.000000e-01 : f32
    %mul3A_3760 = vector.broadcast %mul3A_3759 : f32 to vector<16xf32>
    %mul3A_3761 = arith.mulf %add3A_3758, %mul3A_3760 : vector<16xf32>
    %get3A_3762 = arith.constant 56 : i32
    %get3A_3763 = arith.index_cast %get3A_3762 : i32 to index
    %get3A_3764 = arith.constant 16 : index
    %get3A_3765 = tpu.vector_load %arg20[%get3A_3763, %get3A_3764] {strides = array<i32>} : memref<64x32xf32, #tpu.memory_space<vmem>>, vector<16xf32>,
    %get3A_3766 = arith.constant 56 : i32
    %get3A_3767 = arith.index_cast %get3A_3766 : i32 to index
    %get3A_3768 = arith.constant 16 : index
    %get3A_3769 = tpu.vector_load %arg21[%get3A_3767, %get3A_3768] {strides = array<i32>} : memref<64x32xf32, #tpu.memory_space<vmem>>, vector<16xf32>,
    %add3A_3770 = arith.addf %get3A_3765, %get3A_3769 : vector<16xf32>
    %mul3A_3771 = arith.constant 5.000000e-01 : f32
    %mul3A_3772 = vector.broadcast %mul3A_3771 : f32 to vector<16xf32>
    %mul3A_3773 = arith.mulf %add3A_3770, %mul3A_3772 : vector<16xf32>
    %add3A_3774 = arith.constant 16 : i32
    %add3A_3775 = vector.broadcast %add3A_3774 : i32 to vector<16xi32>
    %add3A_3776 = arith.addi %add3A_3775, %iota3A : vector<16xi32>
    %sub3A_3777 = arith.subf %mul3A_3773, %mul3A_3761 : vector<16xf32>
    %add3A_3778 = arith.addf %mul3A_3761, %sub3A_3777 : vector<16xf32>
    tpu.vector_store_idx %arg23[%add3A_3776, %broadcast_in_dim3A_3720], %add3A_3778 : memref<32x64xf32, #tpu.memory_space<vmem>>[vector<16xi32>, vector<16xi32>], vector<16xf32>,
    %broadcast_in_dim3A_3779 = arith.constant 57 : i32
    %broadcast_in_dim3A_3780 = vector.broadcast %broadcast_in_dim3A_3779 : i32 to vector<16xi32>
    %get3A_3781 = arith.constant 57 : i32
    %get3A_3782 = arith.index_cast %get3A_3781 : i32 to index
    %get3A_3783 = arith.constant 0 : index
    %get3A_3784 = tpu.vector_load %arg22[%get3A_3782, %get3A_3783] {strides = array<i32>} : memref<64x32xf32, #tpu.memory_space<vmem>>, vector<16xf32>,
    %get3A_3785 = arith.constant 57 : i32
    %get3A_3786 = arith.index_cast %get3A_3785 : i32 to index
    %get3A_3787 = arith.constant 0 : index
    %get3A_3788 = tpu.vector_load %arg19[%get3A_3786, %get3A_3787] {strides = array<i32>} : memref<64x32xf32, #tpu.memory_space<vmem>>, vector<16xf32>,
    %add3A_3789 = arith.addf %get3A_3784, %get3A_3788 : vector<16xf32>
    %mul3A_3790 = arith.constant 5.000000e-01 : f32
    %mul3A_3791 = vector.broadcast %mul3A_3790 : f32 to vector<16xf32>
    %mul3A_3792 = arith.mulf %add3A_3789, %mul3A_3791 : vector<16xf32>
    %get3A_3793 = arith.constant 57 : i32
    %get3A_3794 = arith.index_cast %get3A_3793 : i32 to index
    %get3A_3795 = arith.constant 0 : index
    %get3A_3796 = tpu.vector_load %arg20[%get3A_3794, %get3A_3795] {strides = array<i32>} : memref<64x32xf32, #tpu.memory_space<vmem>>, vector<16xf32>,
    %get3A_3797 = arith.constant 57 : i32
    %get3A_3798 = arith.index_cast %get3A_3797 : i32 to index
    %get3A_3799 = arith.constant 0 : index
    %get3A_3800 = tpu.vector_load %arg21[%get3A_3798, %get3A_3799] {strides = array<i32>} : memref<64x32xf32, #tpu.memory_space<vmem>>, vector<16xf32>,
    %add3A_3801 = arith.addf %get3A_3796, %get3A_3800 : vector<16xf32>
    %mul3A_3802 = arith.constant 5.000000e-01 : f32
    %mul3A_3803 = vector.broadcast %mul3A_3802 : f32 to vector<16xf32>
    %mul3A_3804 = arith.mulf %add3A_3801, %mul3A_3803 : vector<16xf32>
    %add3A_3805 = arith.constant 0 : i32
    %add3A_3806 = vector.broadcast %add3A_3805 : i32 to vector<16xi32>
    %add3A_3807 = arith.addi %add3A_3806, %iota3A : vector<16xi32>
    %sub3A_3808 = arith.subf %mul3A_3804, %mul3A_3792 : vector<16xf32>
    %add3A_3809 = arith.addf %mul3A_3792, %sub3A_3808 : vector<16xf32>
    tpu.vector_store_idx %arg23[%add3A_3807, %broadcast_in_dim3A_3780], %add3A_3809 : memref<32x64xf32, #tpu.memory_space<vmem>>[vector<16xi32>, vector<16xi32>], vector<16xf32>,
    %get3A_3810 = arith.constant 57 : i32
    %get3A_3811 = arith.index_cast %get3A_3810 : i32 to index
    %get3A_3812 = arith.constant 16 : index
    %get3A_3813 = tpu.vector_load %arg22[%get3A_3811, %get3A_3812] {strides = array<i32>} : memref<64x32xf32, #tpu.memory_space<vmem>>, vector<16xf32>,
    %get3A_3814 = arith.constant 57 : i32
    %get3A_3815 = arith.index_cast %get3A_3814 : i32 to index
    %get3A_3816 = arith.constant 16 : index
    %get3A_3817 = tpu.vector_load %arg19[%get3A_3815, %get3A_3816] {strides = array<i32>} : memref<64x32xf32, #tpu.memory_space<vmem>>, vector<16xf32>,
    %add3A_3818 = arith.addf %get3A_3813, %get3A_3817 : vector<16xf32>
    %mul3A_3819 = arith.constant 5.000000e-01 : f32
    %mul3A_3820 = vector.broadcast %mul3A_3819 : f32 to vector<16xf32>
    %mul3A_3821 = arith.mulf %add3A_3818, %mul3A_3820 : vector<16xf32>
    %get3A_3822 = arith.constant 57 : i32
    %get3A_3823 = arith.index_cast %get3A_3822 : i32 to index
    %get3A_3824 = arith.constant 16 : index
    %get3A_3825 = tpu.vector_load %arg20[%get3A_3823, %get3A_3824] {strides = array<i32>} : memref<64x32xf32, #tpu.memory_space<vmem>>, vector<16xf32>,
    %get3A_3826 = arith.constant 57 : i32
    %get3A_3827 = arith.index_cast %get3A_3826 : i32 to index
    %get3A_3828 = arith.constant 16 : index
    %get3A_3829 = tpu.vector_load %arg21[%get3A_3827, %get3A_3828] {strides = array<i32>} : memref<64x32xf32, #tpu.memory_space<vmem>>, vector<16xf32>,
    %add3A_3830 = arith.addf %get3A_3825, %get3A_3829 : vector<16xf32>
    %mul3A_3831 = arith.constant 5.000000e-01 : f32
    %mul3A_3832 = vector.broadcast %mul3A_3831 : f32 to vector<16xf32>
    %mul3A_3833 = arith.mulf %add3A_3830, %mul3A_3832 : vector<16xf32>
    %add3A_3834 = arith.constant 16 : i32
    %add3A_3835 = vector.broadcast %add3A_3834 : i32 to vector<16xi32>
    %add3A_3836 = arith.addi %add3A_3835, %iota3A : vector<16xi32>
    %sub3A_3837 = arith.subf %mul3A_3833, %mul3A_3821 : vector<16xf32>
    %add3A_3838 = arith.addf %mul3A_3821, %sub3A_3837 : vector<16xf32>
    tpu.vector_store_idx %arg23[%add3A_3836, %broadcast_in_dim3A_3780], %add3A_3838 : memref<32x64xf32, #tpu.memory_space<vmem>>[vector<16xi32>, vector<16xi32>], vector<16xf32>,
    %broadcast_in_dim3A_3839 = arith.constant 58 : i32
    %broadcast_in_dim3A_3840 = vector.broadcast %broadcast_in_dim3A_3839 : i32 to vector<16xi32>
    %get3A_3841 = arith.constant 58 : i32
    %get3A_3842 = arith.index_cast %get3A_3841 : i32 to index
    %get3A_3843 = arith.constant 0 : index
    %get3A_3844 = tpu.vector_load %arg22[%get3A_3842, %get3A_3843] {strides = array<i32>} : memref<64x32xf32, #tpu.memory_space<vmem>>, vector<16xf32>,
    %get3A_3845 = arith.constant 58 : i32
    %get3A_3846 = arith.index_cast %get3A_3845 : i32 to index
    %get3A_3847 = arith.constant 0 : index
    %get3A_3848 = tpu.vector_load %arg19[%get3A_3846, %get3A_3847] {strides = array<i32>} : memref<64x32xf32, #tpu.memory_space<vmem>>, vector<16xf32>,
    %add3A_3849 = arith.addf %get3A_3844, %get3A_3848 : vector<16xf32>
    %mul3A_3850 = arith.constant 5.000000e-01 : f32
    %mul3A_3851 = vector.broadcast %mul3A_3850 : f32 to vector<16xf32>
    %mul3A_3852 = arith.mulf %add3A_3849, %mul3A_3851 : vector<16xf32>
    %get3A_3853 = arith.constant 58 : i32
    %get3A_3854 = arith.index_cast %get3A_3853 : i32 to index
    %get3A_3855 = arith.constant 0 : index
    %get3A_3856 = tpu.vector_load %arg20[%get3A_3854, %get3A_3855] {strides = array<i32>} : memref<64x32xf32, #tpu.memory_space<vmem>>, vector<16xf32>,
    %get3A_3857 = arith.constant 58 : i32
    %get3A_3858 = arith.index_cast %get3A_3857 : i32 to index
    %get3A_3859 = arith.constant 0 : index
    %get3A_3860 = tpu.vector_load %arg21[%get3A_3858, %get3A_3859] {strides = array<i32>} : memref<64x32xf32, #tpu.memory_space<vmem>>, vector<16xf32>,
    %add3A_3861 = arith.addf %get3A_3856, %get3A_3860 : vector<16xf32>
    %mul3A_3862 = arith.constant 5.000000e-01 : f32
    %mul3A_3863 = vector.broadcast %mul3A_3862 : f32 to vector<16xf32>
    %mul3A_3864 = arith.mulf %add3A_3861, %mul3A_3863 : vector<16xf32>
    %add3A_3865 = arith.constant 0 : i32
    %add3A_3866 = vector.broadcast %add3A_3865 : i32 to vector<16xi32>
    %add3A_3867 = arith.addi %add3A_3866, %iota3A : vector<16xi32>
    %sub3A_3868 = arith.subf %mul3A_3864, %mul3A_3852 : vector<16xf32>
    %add3A_3869 = arith.addf %mul3A_3852, %sub3A_3868 : vector<16xf32>
    tpu.vector_store_idx %arg23[%add3A_3867, %broadcast_in_dim3A_3840], %add3A_3869 : memref<32x64xf32, #tpu.memory_space<vmem>>[vector<16xi32>, vector<16xi32>], vector<16xf32>,
    %get3A_3870 = arith.constant 58 : i32
    %get3A_3871 = arith.index_cast %get3A_3870 : i32 to index
    %get3A_3872 = arith.constant 16 : index
    %get3A_3873 = tpu.vector_load %arg22[%get3A_3871, %get3A_3872] {strides = array<i32>} : memref<64x32xf32, #tpu.memory_space<vmem>>, vector<16xf32>,
    %get3A_3874 = arith.constant 58 : i32
    %get3A_3875 = arith.index_cast %get3A_3874 : i32 to index
    %get3A_3876 = arith.constant 16 : index
    %get3A_3877 = tpu.vector_load %arg19[%get3A_3875, %get3A_3876] {strides = array<i32>} : memref<64x32xf32, #tpu.memory_space<vmem>>, vector<16xf32>,
    %add3A_3878 = arith.addf %get3A_3873, %get3A_3877 : vector<16xf32>
    %mul3A_3879 = arith.constant 5.000000e-01 : f32
    %mul3A_3880 = vector.broadcast %mul3A_3879 : f32 to vector<16xf32>
    %mul3A_3881 = arith.mulf %add3A_3878, %mul3A_3880 : vector<16xf32>
    %get3A_3882 = arith.constant 58 : i32
    %get3A_3883 = arith.index_cast %get3A_3882 : i32 to index
    %get3A_3884 = arith.constant 16 : index
    %get3A_3885 = tpu.vector_load %arg20[%get3A_3883, %get3A_3884] {strides = array<i32>} : memref<64x32xf32, #tpu.memory_space<vmem>>, vector<16xf32>,
    %get3A_3886 = arith.constant 58 : i32
    %get3A_3887 = arith.index_cast %get3A_3886 : i32 to index
    %get3A_3888 = arith.constant 16 : index
    %get3A_3889 = tpu.vector_load %arg21[%get3A_3887, %get3A_3888] {strides = array<i32>} : memref<64x32xf32, #tpu.memory_space<vmem>>, vector<16xf32>,
    %add3A_3890 = arith.addf %get3A_3885, %get3A_3889 : vector<16xf32>
    %mul3A_3891 = arith.constant 5.000000e-01 : f32
    %mul3A_3892 = vector.broadcast %mul3A_3891 : f32 to vector<16xf32>
    %mul3A_3893 = arith.mulf %add3A_3890, %mul3A_3892 : vector<16xf32>
    %add3A_3894 = arith.constant 16 : i32
    %add3A_3895 = vector.broadcast %add3A_3894 : i32 to vector<16xi32>
    %add3A_3896 = arith.addi %add3A_3895, %iota3A : vector<16xi32>
    %sub3A_3897 = arith.subf %mul3A_3893, %mul3A_3881 : vector<16xf32>
    %add3A_3898 = arith.addf %mul3A_3881, %sub3A_3897 : vector<16xf32>
    tpu.vector_store_idx %arg23[%add3A_3896, %broadcast_in_dim3A_3840], %add3A_3898 : memref<32x64xf32, #tpu.memory_space<vmem>>[vector<16xi32>, vector<16xi32>], vector<16xf32>,
    %broadcast_in_dim3A_3899 = arith.constant 59 : i32
    %broadcast_in_dim3A_3900 = vector.broadcast %broadcast_in_dim3A_3899 : i32 to vector<16xi32>
    %get3A_3901 = arith.constant 59 : i32
    %get3A_3902 = arith.index_cast %get3A_3901 : i32 to index
    %get3A_3903 = arith.constant 0 : index
    %get3A_3904 = tpu.vector_load %arg22[%get3A_3902, %get3A_3903] {strides = array<i32>} : memref<64x32xf32, #tpu.memory_space<vmem>>, vector<16xf32>,
    %get3A_3905 = arith.constant 59 : i32
    %get3A_3906 = arith.index_cast %get3A_3905 : i32 to index
    %get3A_3907 = arith.constant 0 : index
    %get3A_3908 = tpu.vector_load %arg19[%get3A_3906, %get3A_3907] {strides = array<i32>} : memref<64x32xf32, #tpu.memory_space<vmem>>, vector<16xf32>,
    %add3A_3909 = arith.addf %get3A_3904, %get3A_3908 : vector<16xf32>
    %mul3A_3910 = arith.constant 5.000000e-01 : f32
    %mul3A_3911 = vector.broadcast %mul3A_3910 : f32 to vector<16xf32>
    %mul3A_3912 = arith.mulf %add3A_3909, %mul3A_3911 : vector<16xf32>
    %get3A_3913 = arith.constant 59 : i32
    %get3A_3914 = arith.index_cast %get3A_3913 : i32 to index
    %get3A_3915 = arith.constant 0 : index
    %get3A_3916 = tpu.vector_load %arg20[%get3A_3914, %get3A_3915] {strides = array<i32>} : memref<64x32xf32, #tpu.memory_space<vmem>>, vector<16xf32>,
    %get3A_3917 = arith.constant 59 : i32
    %get3A_3918 = arith.index_cast %get3A_3917 : i32 to index
    %get3A_3919 = arith.constant 0 : index
    %get3A_3920 = tpu.vector_load %arg21[%get3A_3918, %get3A_3919] {strides = array<i32>} : memref<64x32xf32, #tpu.memory_space<vmem>>, vector<16xf32>,
    %add3A_3921 = arith.addf %get3A_3916, %get3A_3920 : vector<16xf32>
    %mul3A_3922 = arith.constant 5.000000e-01 : f32
    %mul3A_3923 = vector.broadcast %mul3A_3922 : f32 to vector<16xf32>
    %mul3A_3924 = arith.mulf %add3A_3921, %mul3A_3923 : vector<16xf32>
    %add3A_3925 = arith.constant 0 : i32
    %add3A_3926 = vector.broadcast %add3A_3925 : i32 to vector<16xi32>
    %add3A_3927 = arith.addi %add3A_3926, %iota3A : vector<16xi32>
    %sub3A_3928 = arith.subf %mul3A_3924, %mul3A_3912 : vector<16xf32>
    %add3A_3929 = arith.addf %mul3A_3912, %sub3A_3928 : vector<16xf32>
    tpu.vector_store_idx %arg23[%add3A_3927, %broadcast_in_dim3A_3900], %add3A_3929 : memref<32x64xf32, #tpu.memory_space<vmem>>[vector<16xi32>, vector<16xi32>], vector<16xf32>,
    %get3A_3930 = arith.constant 59 : i32
    %get3A_3931 = arith.index_cast %get3A_3930 : i32 to index
    %get3A_3932 = arith.constant 16 : index
    %get3A_3933 = tpu.vector_load %arg22[%get3A_3931, %get3A_3932] {strides = array<i32>} : memref<64x32xf32, #tpu.memory_space<vmem>>, vector<16xf32>,
    %get3A_3934 = arith.constant 59 : i32
    %get3A_3935 = arith.index_cast %get3A_3934 : i32 to index
    %get3A_3936 = arith.constant 16 : index
    %get3A_3937 = tpu.vector_load %arg19[%get3A_3935, %get3A_3936] {strides = array<i32>} : memref<64x32xf32, #tpu.memory_space<vmem>>, vector<16xf32>,
    %add3A_3938 = arith.addf %get3A_3933, %get3A_3937 : vector<16xf32>
    %mul3A_3939 = arith.constant 5.000000e-01 : f32
    %mul3A_3940 = vector.broadcast %mul3A_3939 : f32 to vector<16xf32>
    %mul3A_3941 = arith.mulf %add3A_3938, %mul3A_3940 : vector<16xf32>
    %get3A_3942 = arith.constant 59 : i32
    %get3A_3943 = arith.index_cast %get3A_3942 : i32 to index
    %get3A_3944 = arith.constant 16 : index
    %get3A_3945 = tpu.vector_load %arg20[%get3A_3943, %get3A_3944] {strides = array<i32>} : memref<64x32xf32, #tpu.memory_space<vmem>>, vector<16xf32>,
    %get3A_3946 = arith.constant 59 : i32
    %get3A_3947 = arith.index_cast %get3A_3946 : i32 to index
    %get3A_3948 = arith.constant 16 : index
    %get3A_3949 = tpu.vector_load %arg21[%get3A_3947, %get3A_3948] {strides = array<i32>} : memref<64x32xf32, #tpu.memory_space<vmem>>, vector<16xf32>,
    %add3A_3950 = arith.addf %get3A_3945, %get3A_3949 : vector<16xf32>
    %mul3A_3951 = arith.constant 5.000000e-01 : f32
    %mul3A_3952 = vector.broadcast %mul3A_3951 : f32 to vector<16xf32>
    %mul3A_3953 = arith.mulf %add3A_3950, %mul3A_3952 : vector<16xf32>
    %add3A_3954 = arith.constant 16 : i32
    %add3A_3955 = vector.broadcast %add3A_3954 : i32 to vector<16xi32>
    %add3A_3956 = arith.addi %add3A_3955, %iota3A : vector<16xi32>
    %sub3A_3957 = arith.subf %mul3A_3953, %mul3A_3941 : vector<16xf32>
    %add3A_3958 = arith.addf %mul3A_3941, %sub3A_3957 : vector<16xf32>
    tpu.vector_store_idx %arg23[%add3A_3956, %broadcast_in_dim3A_3900], %add3A_3958 : memref<32x64xf32, #tpu.memory_space<vmem>>[vector<16xi32>, vector<16xi32>], vector<16xf32>,
    %broadcast_in_dim3A_3959 = arith.constant 60 : i32
    %broadcast_in_dim3A_3960 = vector.broadcast %broadcast_in_dim3A_3959 : i32 to vector<16xi32>
    %get3A_3961 = arith.constant 60 : i32
    %get3A_3962 = arith.index_cast %get3A_3961 : i32 to index
    %get3A_3963 = arith.constant 0 : index
    %get3A_3964 = tpu.vector_load %arg22[%get3A_3962, %get3A_3963] {strides = array<i32>} : memref<64x32xf32, #tpu.memory_space<vmem>>, vector<16xf32>,
    %get3A_3965 = arith.constant 60 : i32
    %get3A_3966 = arith.index_cast %get3A_3965 : i32 to index
    %get3A_3967 = arith.constant 0 : index
    %get3A_3968 = tpu.vector_load %arg19[%get3A_3966, %get3A_3967] {strides = array<i32>} : memref<64x32xf32, #tpu.memory_space<vmem>>, vector<16xf32>,
    %add3A_3969 = arith.addf %get3A_3964, %get3A_3968 : vector<16xf32>
    %mul3A_3970 = arith.constant 5.000000e-01 : f32
    %mul3A_3971 = vector.broadcast %mul3A_3970 : f32 to vector<16xf32>
    %mul3A_3972 = arith.mulf %add3A_3969, %mul3A_3971 : vector<16xf32>
    %get3A_3973 = arith.constant 60 : i32
    %get3A_3974 = arith.index_cast %get3A_3973 : i32 to index
    %get3A_3975 = arith.constant 0 : index
    %get3A_3976 = tpu.vector_load %arg20[%get3A_3974, %get3A_3975] {strides = array<i32>} : memref<64x32xf32, #tpu.memory_space<vmem>>, vector<16xf32>,
    %get3A_3977 = arith.constant 60 : i32
    %get3A_3978 = arith.index_cast %get3A_3977 : i32 to index
    %get3A_3979 = arith.constant 0 : index
    %get3A_3980 = tpu.vector_load %arg21[%get3A_3978, %get3A_3979] {strides = array<i32>} : memref<64x32xf32, #tpu.memory_space<vmem>>, vector<16xf32>,
    %add3A_3981 = arith.addf %get3A_3976, %get3A_3980 : vector<16xf32>
    %mul3A_3982 = arith.constant 5.000000e-01 : f32
    %mul3A_3983 = vector.broadcast %mul3A_3982 : f32 to vector<16xf32>
    %mul3A_3984 = arith.mulf %add3A_3981, %mul3A_3983 : vector<16xf32>
    %add3A_3985 = arith.constant 0 : i32
    %add3A_3986 = vector.broadcast %add3A_3985 : i32 to vector<16xi32>
    %add3A_3987 = arith.addi %add3A_3986, %iota3A : vector<16xi32>
    %sub3A_3988 = arith.subf %mul3A_3984, %mul3A_3972 : vector<16xf32>
    %add3A_3989 = arith.addf %mul3A_3972, %sub3A_3988 : vector<16xf32>
    tpu.vector_store_idx %arg23[%add3A_3987, %broadcast_in_dim3A_3960], %add3A_3989 : memref<32x64xf32, #tpu.memory_space<vmem>>[vector<16xi32>, vector<16xi32>], vector<16xf32>,
    %get3A_3990 = arith.constant 60 : i32
    %get3A_3991 = arith.index_cast %get3A_3990 : i32 to index
    %get3A_3992 = arith.constant 16 : index
    %get3A_3993 = tpu.vector_load %arg22[%get3A_3991, %get3A_3992] {strides = array<i32>} : memref<64x32xf32, #tpu.memory_space<vmem>>, vector<16xf32>,
    %get3A_3994 = arith.constant 60 : i32
    %get3A_3995 = arith.index_cast %get3A_3994 : i32 to index
    %get3A_3996 = arith.constant 16 : index
    %get3A_3997 = tpu.vector_load %arg19[%get3A_3995, %get3A_3996] {strides = array<i32>} : memref<64x32xf32, #tpu.memory_space<vmem>>, vector<16xf32>,
    %add3A_3998 = arith.addf %get3A_3993, %get3A_3997 : vector<16xf32>
    %mul3A_3999 = arith.constant 5.000000e-01 : f32
    %mul3A_4000 = vector.broadcast %mul3A_3999 : f32 to vector<16xf32>
    %mul3A_4001 = arith.mulf %add3A_3998, %mul3A_4000 : vector<16xf32>
    %get3A_4002 = arith.constant 60 : i32
    %get3A_4003 = arith.index_cast %get3A_4002 : i32 to index
    %get3A_4004 = arith.constant 16 : index
    %get3A_4005 = tpu.vector_load %arg20[%get3A_4003, %get3A_4004] {strides = array<i32>} : memref<64x32xf32, #tpu.memory_space<vmem>>, vector<16xf32>,
    %get3A_4006 = arith.constant 60 : i32
    %get3A_4007 = arith.index_cast %get3A_4006 : i32 to index
    %get3A_4008 = arith.constant 16 : index
    %get3A_4009 = tpu.vector_load %arg21[%get3A_4007, %get3A_4008] {strides = array<i32>} : memref<64x32xf32, #tpu.memory_space<vmem>>, vector<16xf32>,
    %add3A_4010 = arith.addf %get3A_4005, %get3A_4009 : vector<16xf32>
    %mul3A_4011 = arith.constant 5.000000e-01 : f32
    %mul3A_4012 = vector.broadcast %mul3A_4011 : f32 to vector<16xf32>
    %mul3A_4013 = arith.mulf %add3A_4010, %mul3A_4012 : vector<16xf32>
    %add3A_4014 = arith.constant 16 : i32
    %add3A_4015 = vector.broadcast %add3A_4014 : i32 to vector<16xi32>
    %add3A_4016 = arith.addi %add3A_4015, %iota3A : vector<16xi32>
    %sub3A_4017 = arith.subf %mul3A_4013, %mul3A_4001 : vector<16xf32>
    %add3A_4018 = arith.addf %mul3A_4001, %sub3A_4017 : vector<16xf32>
    tpu.vector_store_idx %arg23[%add3A_4016, %broadcast_in_dim3A_3960], %add3A_4018 : memref<32x64xf32, #tpu.memory_space<vmem>>[vector<16xi32>, vector<16xi32>], vector<16xf32>,
    %broadcast_in_dim3A_4019 = arith.constant 61 : i32
    %broadcast_in_dim3A_4020 = vector.broadcast %broadcast_in_dim3A_4019 : i32 to vector<16xi32>
    %get3A_4021 = arith.constant 61 : i32
    %get3A_4022 = arith.index_cast %get3A_4021 : i32 to index
    %get3A_4023 = arith.constant 0 : index
    %get3A_4024 = tpu.vector_load %arg22[%get3A_4022, %get3A_4023] {strides = array<i32>} : memref<64x32xf32, #tpu.memory_space<vmem>>, vector<16xf32>,
    %get3A_4025 = arith.constant 61 : i32
    %get3A_4026 = arith.index_cast %get3A_4025 : i32 to index
    %get3A_4027 = arith.constant 0 : index
    %get3A_4028 = tpu.vector_load %arg19[%get3A_4026, %get3A_4027] {strides = array<i32>} : memref<64x32xf32, #tpu.memory_space<vmem>>, vector<16xf32>,
    %add3A_4029 = arith.addf %get3A_4024, %get3A_4028 : vector<16xf32>
    %mul3A_4030 = arith.constant 5.000000e-01 : f32
    %mul3A_4031 = vector.broadcast %mul3A_4030 : f32 to vector<16xf32>
    %mul3A_4032 = arith.mulf %add3A_4029, %mul3A_4031 : vector<16xf32>
    %get3A_4033 = arith.constant 61 : i32
    %get3A_4034 = arith.index_cast %get3A_4033 : i32 to index
    %get3A_4035 = arith.constant 0 : index
    %get3A_4036 = tpu.vector_load %arg20[%get3A_4034, %get3A_4035] {strides = array<i32>} : memref<64x32xf32, #tpu.memory_space<vmem>>, vector<16xf32>,
    %get3A_4037 = arith.constant 61 : i32
    %get3A_4038 = arith.index_cast %get3A_4037 : i32 to index
    %get3A_4039 = arith.constant 0 : index
    %get3A_4040 = tpu.vector_load %arg21[%get3A_4038, %get3A_4039] {strides = array<i32>} : memref<64x32xf32, #tpu.memory_space<vmem>>, vector<16xf32>,
    %add3A_4041 = arith.addf %get3A_4036, %get3A_4040 : vector<16xf32>
    %mul3A_4042 = arith.constant 5.000000e-01 : f32
    %mul3A_4043 = vector.broadcast %mul3A_4042 : f32 to vector<16xf32>
    %mul3A_4044 = arith.mulf %add3A_4041, %mul3A_4043 : vector<16xf32>
    %add3A_4045 = arith.constant 0 : i32
    %add3A_4046 = vector.broadcast %add3A_4045 : i32 to vector<16xi32>
    %add3A_4047 = arith.addi %add3A_4046, %iota3A : vector<16xi32>
    %sub3A_4048 = arith.subf %mul3A_4044, %mul3A_4032 : vector<16xf32>
    %add3A_4049 = arith.addf %mul3A_4032, %sub3A_4048 : vector<16xf32>
    tpu.vector_store_idx %arg23[%add3A_4047, %broadcast_in_dim3A_4020], %add3A_4049 : memref<32x64xf32, #tpu.memory_space<vmem>>[vector<16xi32>, vector<16xi32>], vector<16xf32>,
    %get3A_4050 = arith.constant 61 : i32
    %get3A_4051 = arith.index_cast %get3A_4050 : i32 to index
    %get3A_4052 = arith.constant 16 : index
    %get3A_4053 = tpu.vector_load %arg22[%get3A_4051, %get3A_4052] {strides = array<i32>} : memref<64x32xf32, #tpu.memory_space<vmem>>, vector<16xf32>,
    %get3A_4054 = arith.constant 61 : i32
    %get3A_4055 = arith.index_cast %get3A_4054 : i32 to index
    %get3A_4056 = arith.constant 16 : index
    %get3A_4057 = tpu.vector_load %arg19[%get3A_4055, %get3A_4056] {strides = array<i32>} : memref<64x32xf32, #tpu.memory_space<vmem>>, vector<16xf32>,
    %add3A_4058 = arith.addf %get3A_4053, %get3A_4057 : vector<16xf32>
    %mul3A_4059 = arith.constant 5.000000e-01 : f32
    %mul3A_4060 = vector.broadcast %mul3A_4059 : f32 to vector<16xf32>
    %mul3A_4061 = arith.mulf %add3A_4058, %mul3A_4060 : vector<16xf32>
    %get3A_4062 = arith.constant 61 : i32
    %get3A_4063 = arith.index_cast %get3A_4062 : i32 to index
    %get3A_4064 = arith.constant 16 : index
    %get3A_4065 = tpu.vector_load %arg20[%get3A_4063, %get3A_4064] {strides = array<i32>} : memref<64x32xf32, #tpu.memory_space<vmem>>, vector<16xf32>,
    %get3A_4066 = arith.constant 61 : i32
    %get3A_4067 = arith.index_cast %get3A_4066 : i32 to index
    %get3A_4068 = arith.constant 16 : index
    %get3A_4069 = tpu.vector_load %arg21[%get3A_4067, %get3A_4068] {strides = array<i32>} : memref<64x32xf32, #tpu.memory_space<vmem>>, vector<16xf32>,
    %add3A_4070 = arith.addf %get3A_4065, %get3A_4069 : vector<16xf32>
    %mul3A_4071 = arith.constant 5.000000e-01 : f32
    %mul3A_4072 = vector.broadcast %mul3A_4071 : f32 to vector<16xf32>
    %mul3A_4073 = arith.mulf %add3A_4070, %mul3A_4072 : vector<16xf32>
    %add3A_4074 = arith.constant 16 : i32
    %add3A_4075 = vector.broadcast %add3A_4074 : i32 to vector<16xi32>
    %add3A_4076 = arith.addi %add3A_4075, %iota3A : vector<16xi32>
    %sub3A_4077 = arith.subf %mul3A_4073, %mul3A_4061 : vector<16xf32>
    %add3A_4078 = arith.addf %mul3A_4061, %sub3A_4077 : vector<16xf32>
    tpu.vector_store_idx %arg23[%add3A_4076, %broadcast_in_dim3A_4020], %add3A_4078 : memref<32x64xf32, #tpu.memory_space<vmem>>[vector<16xi32>, vector<16xi32>], vector<16xf32>,
    %broadcast_in_dim3A_4079 = arith.constant 62 : i32
    %broadcast_in_dim3A_4080 = vector.broadcast %broadcast_in_dim3A_4079 : i32 to vector<16xi32>
    %get3A_4081 = arith.constant 62 : i32
    %get3A_4082 = arith.index_cast %get3A_4081 : i32 to index
    %get3A_4083 = arith.constant 0 : index
    %get3A_4084 = tpu.vector_load %arg22[%get3A_4082, %get3A_4083] {strides = array<i32>} : memref<64x32xf32, #tpu.memory_space<vmem>>, vector<16xf32>,
    %get3A_4085 = arith.constant 62 : i32
    %get3A_4086 = arith.index_cast %get3A_4085 : i32 to index
    %get3A_4087 = arith.constant 0 : index
    %get3A_4088 = tpu.vector_load %arg19[%get3A_4086, %get3A_4087] {strides = array<i32>} : memref<64x32xf32, #tpu.memory_space<vmem>>, vector<16xf32>,
    %add3A_4089 = arith.addf %get3A_4084, %get3A_4088 : vector<16xf32>
    %mul3A_4090 = arith.constant 5.000000e-01 : f32
    %mul3A_4091 = vector.broadcast %mul3A_4090 : f32 to vector<16xf32>
    %mul3A_4092 = arith.mulf %add3A_4089, %mul3A_4091 : vector<16xf32>
    %get3A_4093 = arith.constant 62 : i32
    %get3A_4094 = arith.index_cast %get3A_4093 : i32 to index
    %get3A_4095 = arith.constant 0 : index
    %get3A_4096 = tpu.vector_load %arg20[%get3A_4094, %get3A_4095] {strides = array<i32>} : memref<64x32xf32, #tpu.memory_space<vmem>>, vector<16xf32>,
    %get3A_4097 = arith.constant 62 : i32
    %get3A_4098 = arith.index_cast %get3A_4097 : i32 to index
    %get3A_4099 = arith.constant 0 : index
    %get3A_4100 = tpu.vector_load %arg21[%get3A_4098, %get3A_4099] {strides = array<i32>} : memref<64x32xf32, #tpu.memory_space<vmem>>, vector<16xf32>,
    %add3A_4101 = arith.addf %get3A_4096, %get3A_4100 : vector<16xf32>
    %mul3A_4102 = arith.constant 5.000000e-01 : f32
    %mul3A_4103 = vector.broadcast %mul3A_4102 : f32 to vector<16xf32>
    %mul3A_4104 = arith.mulf %add3A_4101, %mul3A_4103 : vector<16xf32>
    %add3A_4105 = arith.constant 0 : i32
    %add3A_4106 = vector.broadcast %add3A_4105 : i32 to vector<16xi32>
    %add3A_4107 = arith.addi %add3A_4106, %iota3A : vector<16xi32>
    %sub3A_4108 = arith.subf %mul3A_4104, %mul3A_4092 : vector<16xf32>
    %add3A_4109 = arith.addf %mul3A_4092, %sub3A_4108 : vector<16xf32>
    tpu.vector_store_idx %arg23[%add3A_4107, %broadcast_in_dim3A_4080], %add3A_4109 : memref<32x64xf32, #tpu.memory_space<vmem>>[vector<16xi32>, vector<16xi32>], vector<16xf32>,
    %get3A_4110 = arith.constant 62 : i32
    %get3A_4111 = arith.index_cast %get3A_4110 : i32 to index
    %get3A_4112 = arith.constant 16 : index
    %get3A_4113 = tpu.vector_load %arg22[%get3A_4111, %get3A_4112] {strides = array<i32>} : memref<64x32xf32, #tpu.memory_space<vmem>>, vector<16xf32>,
    %get3A_4114 = arith.constant 62 : i32
    %get3A_4115 = arith.index_cast %get3A_4114 : i32 to index
    %get3A_4116 = arith.constant 16 : index
    %get3A_4117 = tpu.vector_load %arg19[%get3A_4115, %get3A_4116] {strides = array<i32>} : memref<64x32xf32, #tpu.memory_space<vmem>>, vector<16xf32>,
    %add3A_4118 = arith.addf %get3A_4113, %get3A_4117 : vector<16xf32>
    %mul3A_4119 = arith.constant 5.000000e-01 : f32
    %mul3A_4120 = vector.broadcast %mul3A_4119 : f32 to vector<16xf32>
    %mul3A_4121 = arith.mulf %add3A_4118, %mul3A_4120 : vector<16xf32>
    %get3A_4122 = arith.constant 62 : i32
    %get3A_4123 = arith.index_cast %get3A_4122 : i32 to index
    %get3A_4124 = arith.constant 16 : index
    %get3A_4125 = tpu.vector_load %arg20[%get3A_4123, %get3A_4124] {strides = array<i32>} : memref<64x32xf32, #tpu.memory_space<vmem>>, vector<16xf32>,
    %get3A_4126 = arith.constant 62 : i32
    %get3A_4127 = arith.index_cast %get3A_4126 : i32 to index
    %get3A_4128 = arith.constant 16 : index
    %get3A_4129 = tpu.vector_load %arg21[%get3A_4127, %get3A_4128] {strides = array<i32>} : memref<64x32xf32, #tpu.memory_space<vmem>>, vector<16xf32>,
    %add3A_4130 = arith.addf %get3A_4125, %get3A_4129 : vector<16xf32>
    %mul3A_4131 = arith.constant 5.000000e-01 : f32
    %mul3A_4132 = vector.broadcast %mul3A_4131 : f32 to vector<16xf32>
    %mul3A_4133 = arith.mulf %add3A_4130, %mul3A_4132 : vector<16xf32>
    %add3A_4134 = arith.constant 16 : i32
    %add3A_4135 = vector.broadcast %add3A_4134 : i32 to vector<16xi32>
    %add3A_4136 = arith.addi %add3A_4135, %iota3A : vector<16xi32>
    %sub3A_4137 = arith.subf %mul3A_4133, %mul3A_4121 : vector<16xf32>
    %add3A_4138 = arith.addf %mul3A_4121, %sub3A_4137 : vector<16xf32>
    tpu.vector_store_idx %arg23[%add3A_4136, %broadcast_in_dim3A_4080], %add3A_4138 : memref<32x64xf32, #tpu.memory_space<vmem>>[vector<16xi32>, vector<16xi32>], vector<16xf32>,
    %broadcast_in_dim3A_4139 = arith.constant 63 : i32
    %broadcast_in_dim3A_4140 = vector.broadcast %broadcast_in_dim3A_4139 : i32 to vector<16xi32>
    %get3A_4141 = arith.constant 63 : i32
    %get3A_4142 = arith.index_cast %get3A_4141 : i32 to index
    %get3A_4143 = arith.constant 0 : index
    %get3A_4144 = tpu.vector_load %arg22[%get3A_4142, %get3A_4143] {strides = array<i32>} : memref<64x32xf32, #tpu.memory_space<vmem>>, vector<16xf32>,
    %get3A_4145 = arith.constant 63 : i32
    %get3A_4146 = arith.index_cast %get3A_4145 : i32 to index
    %get3A_4147 = arith.constant 0 : index
    %get3A_4148 = tpu.vector_load %arg19[%get3A_4146, %get3A_4147] {strides = array<i32>} : memref<64x32xf32, #tpu.memory_space<vmem>>, vector<16xf32>,
    %add3A_4149 = arith.addf %get3A_4144, %get3A_4148 : vector<16xf32>
    %mul3A_4150 = arith.constant 5.000000e-01 : f32
    %mul3A_4151 = vector.broadcast %mul3A_4150 : f32 to vector<16xf32>
    %mul3A_4152 = arith.mulf %add3A_4149, %mul3A_4151 : vector<16xf32>
    %get3A_4153 = arith.constant 63 : i32
    %get3A_4154 = arith.index_cast %get3A_4153 : i32 to index
    %get3A_4155 = arith.constant 0 : index
    %get3A_4156 = tpu.vector_load %arg20[%get3A_4154, %get3A_4155] {strides = array<i32>} : memref<64x32xf32, #tpu.memory_space<vmem>>, vector<16xf32>,
    %get3A_4157 = arith.constant 63 : i32
    %get3A_4158 = arith.index_cast %get3A_4157 : i32 to index
    %get3A_4159 = arith.constant 0 : index
    %get3A_4160 = tpu.vector_load %arg21[%get3A_4158, %get3A_4159] {strides = array<i32>} : memref<64x32xf32, #tpu.memory_space<vmem>>, vector<16xf32>,
    %add3A_4161 = arith.addf %get3A_4156, %get3A_4160 : vector<16xf32>
    %mul3A_4162 = arith.constant 5.000000e-01 : f32
    %mul3A_4163 = vector.broadcast %mul3A_4162 : f32 to vector<16xf32>
    %mul3A_4164 = arith.mulf %add3A_4161, %mul3A_4163 : vector<16xf32>
    %add3A_4165 = arith.constant 0 : i32
    %add3A_4166 = vector.broadcast %add3A_4165 : i32 to vector<16xi32>
    %add3A_4167 = arith.addi %add3A_4166, %iota3A : vector<16xi32>
    %sub3A_4168 = arith.subf %mul3A_4164, %mul3A_4152 : vector<16xf32>
    %add3A_4169 = arith.addf %mul3A_4152, %sub3A_4168 : vector<16xf32>
    tpu.vector_store_idx %arg23[%add3A_4167, %broadcast_in_dim3A_4140], %add3A_4169 : memref<32x64xf32, #tpu.memory_space<vmem>>[vector<16xi32>, vector<16xi32>], vector<16xf32>,
    %get3A_4170 = arith.constant 63 : i32
    %get3A_4171 = arith.index_cast %get3A_4170 : i32 to index
    %get3A_4172 = arith.constant 16 : index
    %get3A_4173 = tpu.vector_load %arg22[%get3A_4171, %get3A_4172] {strides = array<i32>} : memref<64x32xf32, #tpu.memory_space<vmem>>, vector<16xf32>,
    %get3A_4174 = arith.constant 63 : i32
    %get3A_4175 = arith.index_cast %get3A_4174 : i32 to index
    %get3A_4176 = arith.constant 16 : index
    %get3A_4177 = tpu.vector_load %arg19[%get3A_4175, %get3A_4176] {strides = array<i32>} : memref<64x32xf32, #tpu.memory_space<vmem>>, vector<16xf32>,
    %add3A_4178 = arith.addf %get3A_4173, %get3A_4177 : vector<16xf32>
    %mul3A_4179 = arith.constant 5.000000e-01 : f32
    %mul3A_4180 = vector.broadcast %mul3A_4179 : f32 to vector<16xf32>
    %mul3A_4181 = arith.mulf %add3A_4178, %mul3A_4180 : vector<16xf32>
    %get3A_4182 = arith.constant 63 : i32
    %get3A_4183 = arith.index_cast %get3A_4182 : i32 to index
    %get3A_4184 = arith.constant 16 : index
    %get3A_4185 = tpu.vector_load %arg20[%get3A_4183, %get3A_4184] {strides = array<i32>} : memref<64x32xf32, #tpu.memory_space<vmem>>, vector<16xf32>,
    %get3A_4186 = arith.constant 63 : i32
    %get3A_4187 = arith.index_cast %get3A_4186 : i32 to index
    %get3A_4188 = arith.constant 16 : index
    %get3A_4189 = tpu.vector_load %arg21[%get3A_4187, %get3A_4188] {strides = array<i32>} : memref<64x32xf32, #tpu.memory_space<vmem>>, vector<16xf32>,
    %add3A_4190 = arith.addf %get3A_4185, %get3A_4189 : vector<16xf32>
    %mul3A_4191 = arith.constant 5.000000e-01 : f32
    %mul3A_4192 = vector.broadcast %mul3A_4191 : f32 to vector<16xf32>
    %mul3A_4193 = arith.mulf %add3A_4190, %mul3A_4192 : vector<16xf32>
    %add3A_4194 = arith.constant 16 : i32
    %add3A_4195 = vector.broadcast %add3A_4194 : i32 to vector<16xi32>
    %add3A_4196 = arith.addi %add3A_4195, %iota3A : vector<16xi32>
    %sub3A_4197 = arith.subf %mul3A_4193, %mul3A_4181 : vector<16xf32>
    %add3A_4198 = arith.addf %mul3A_4181, %sub3A_4197 : vector<16xf32>
    tpu.vector_store_idx %arg23[%add3A_4196, %broadcast_in_dim3A_4140], %add3A_4198 : memref<32x64xf32, #tpu.memory_space<vmem>>[vector<16xi32>, vector<16xi32>], vector<16xf32>,
    "tpu.region"() ({
      %run_scoped3A_4200 = tpu.sem_alloc : memref<!tpu.dma_semaphore, #tpu.memory_space<semaphore_mem>>
      %dma_start3A_4201 = arith.constant 0 : i32
      %dma_start3A_4202 = tpu.memref_slice %arg8[%select_n3A, %dma_start3A_4201, %select_n3A_32] : memref<2x32x1024xf32, #tpu.memory_space<hbm>> -> memref<1x32x64xf32, #tpu.memory_space<hbm>>
      %dma_start3A_4203 = tpu.memref_squeeze %dma_start3A_4202 : memref<1x32x64xf32, #tpu.memory_space<hbm>> -> memref<32x64xf32, #tpu.memory_space<hbm>>
      %dma_start3A_4204 = arith.constant 0 : i32
      %dma_start3A_4205 = tpu.memref_slice %arg8[%select_n3A, %dma_start3A_4204, %select_n3A_32] : memref<2x32x1024xf32, #tpu.memory_space<hbm>> -> memref<1x32x64xf32, #tpu.memory_space<hbm>>
      %dma_start3A_4206 = tpu.memref_squeeze %dma_start3A_4205 : memref<1x32x64xf32, #tpu.memory_space<hbm>> -> memref<32x64xf32, #tpu.memory_space<hbm>>
      tpu.enqueue_dma source(%arg23 : memref<32x64xf32, #tpu.memory_space<vmem>>) target(%dma_start3A_4206 : memref<32x64xf32, #tpu.memory_space<hbm>>) target_semaphore(%run_scoped3A_4200 : memref<!tpu.dma_semaphore, #tpu.memory_space<semaphore_mem>>)
      %dma_wait3A_4207 = arith.constant 0 : i32
      %dma_wait3A_4208 = tpu.memref_slice %arg8[%select_n3A, %dma_wait3A_4207, %select_n3A_32] : memref<2x32x1024xf32, #tpu.memory_space<hbm>> -> memref<1x32x64xf32, #tpu.memory_space<hbm>>
      %dma_wait3A_4209 = tpu.memref_squeeze %dma_wait3A_4208 : memref<1x32x64xf32, #tpu.memory_space<hbm>> -> memref<32x64xf32, #tpu.memory_space<hbm>>
      %dma_wait3A_4210 = arith.constant 0 : i32
      %dma_wait3A_4211 = tpu.memref_slice %arg8[%select_n3A, %dma_wait3A_4210, %select_n3A_32] : memref<2x32x1024xf32, #tpu.memory_space<hbm>> -> memref<1x32x64xf32, #tpu.memory_space<hbm>>
      %dma_wait3A_4212 = tpu.memref_squeeze %dma_wait3A_4211 : memref<1x32x64xf32, #tpu.memory_space<hbm>> -> memref<32x64xf32, #tpu.memory_space<hbm>>
      tpu.wait_dma2 semaphore(%run_scoped3A_4200 : memref<!tpu.dma_semaphore, #tpu.memory_space<semaphore_mem>>) src(%arg23 : memref<32x64xf32, #tpu.memory_space<vmem>>) dst(%dma_wait3A_4212 : memref<32x64xf32, #tpu.memory_space<hbm>>)
      tpu.yield
    }) : () -> ()
    %run_scoped3A = arith.constant 0 : i32
    "tpu.region"() ({
      %run_scoped3A_4200 = tpu.sem_alloc : memref<!tpu.dma_semaphore, #tpu.memory_space<semaphore_mem>>
      %dma_start3A_4201 = tpu.memref_slice %arg9[%select_n3A, %run_scoped3A, %select_n3A_32] : memref<2x2x1024xi32, #tpu.memory_space<hbm>> -> memref<1x1x64xi32, #tpu.memory_space<hbm>>
      %dma_start3A_4202 = tpu.memref_squeeze %dma_start3A_4201 : memref<1x1x64xi32, #tpu.memory_space<hbm>> -> memref<64xi32, #tpu.memory_space<hbm>>
      %dma_start3A_4203 = tpu.memref_slice %arg9[%select_n3A, %run_scoped3A, %select_n3A_32] : memref<2x2x1024xi32, #tpu.memory_space<hbm>> -> memref<1x1x64xi32, #tpu.memory_space<hbm>>
      %dma_start3A_4204 = tpu.memref_squeeze %dma_start3A_4203 : memref<1x1x64xi32, #tpu.memory_space<hbm>> -> memref<64xi32, #tpu.memory_space<hbm>>
      tpu.enqueue_dma source(%arg17 : memref<64xi32, #tpu.memory_space<vmem>>) target(%dma_start3A_4204 : memref<64xi32, #tpu.memory_space<hbm>>) target_semaphore(%run_scoped3A_4200 : memref<!tpu.dma_semaphore, #tpu.memory_space<semaphore_mem>>)
      %dma_wait3A_4205 = tpu.memref_slice %arg9[%select_n3A, %run_scoped3A, %select_n3A_32] : memref<2x2x1024xi32, #tpu.memory_space<hbm>> -> memref<1x1x64xi32, #tpu.memory_space<hbm>>
      %dma_wait3A_4206 = tpu.memref_squeeze %dma_wait3A_4205 : memref<1x1x64xi32, #tpu.memory_space<hbm>> -> memref<64xi32, #tpu.memory_space<hbm>>
      %dma_wait3A_4207 = tpu.memref_slice %arg9[%select_n3A, %run_scoped3A, %select_n3A_32] : memref<2x2x1024xi32, #tpu.memory_space<hbm>> -> memref<1x1x64xi32, #tpu.memory_space<hbm>>
      %dma_wait3A_4208 = tpu.memref_squeeze %dma_wait3A_4207 : memref<1x1x64xi32, #tpu.memory_space<hbm>> -> memref<64xi32, #tpu.memory_space<hbm>>
      tpu.wait_dma2 semaphore(%run_scoped3A_4200 : memref<!tpu.dma_semaphore, #tpu.memory_space<semaphore_mem>>) src(%arg17 : memref<64xi32, #tpu.memory_space<vmem>>) dst(%dma_wait3A_4208 : memref<64xi32, #tpu.memory_space<hbm>>)
      tpu.yield
    }) : () -> ()
    %run_scoped3A_4199 = arith.constant 1 : i32
    "tpu.region"() ({
      %run_scoped3A_4200 = tpu.sem_alloc : memref<!tpu.dma_semaphore, #tpu.memory_space<semaphore_mem>>
      %dma_start3A_4201 = tpu.memref_slice %arg9[%select_n3A, %run_scoped3A_4199, %select_n3A_32] : memref<2x2x1024xi32, #tpu.memory_space<hbm>> -> memref<1x1x64xi32, #tpu.memory_space<hbm>>
      %dma_start3A_4202 = tpu.memref_squeeze %dma_start3A_4201 : memref<1x1x64xi32, #tpu.memory_space<hbm>> -> memref<64xi32, #tpu.memory_space<hbm>>
      %dma_start3A_4203 = tpu.memref_slice %arg9[%select_n3A, %run_scoped3A_4199, %select_n3A_32] : memref<2x2x1024xi32, #tpu.memory_space<hbm>> -> memref<1x1x64xi32, #tpu.memory_space<hbm>>
      %dma_start3A_4204 = tpu.memref_squeeze %dma_start3A_4203 : memref<1x1x64xi32, #tpu.memory_space<hbm>> -> memref<64xi32, #tpu.memory_space<hbm>>
      tpu.enqueue_dma source(%arg12 : memref<64xi32, #tpu.memory_space<vmem>>) target(%dma_start3A_4204 : memref<64xi32, #tpu.memory_space<hbm>>) target_semaphore(%run_scoped3A_4200 : memref<!tpu.dma_semaphore, #tpu.memory_space<semaphore_mem>>)
      %dma_wait3A_4205 = tpu.memref_slice %arg9[%select_n3A, %run_scoped3A_4199, %select_n3A_32] : memref<2x2x1024xi32, #tpu.memory_space<hbm>> -> memref<1x1x64xi32, #tpu.memory_space<hbm>>
      %dma_wait3A_4206 = tpu.memref_squeeze %dma_wait3A_4205 : memref<1x1x64xi32, #tpu.memory_space<hbm>> -> memref<64xi32, #tpu.memory_space<hbm>>
      %dma_wait3A_4207 = tpu.memref_slice %arg9[%select_n3A, %run_scoped3A_4199, %select_n3A_32] : memref<2x2x1024xi32, #tpu.memory_space<hbm>> -> memref<1x1x64xi32, #tpu.memory_space<hbm>>
      %dma_wait3A_4208 = tpu.memref_squeeze %dma_wait3A_4207 : memref<1x1x64xi32, #tpu.memory_space<hbm>> -> memref<64xi32, #tpu.memory_space<hbm>>
      tpu.wait_dma2 semaphore(%run_scoped3A_4200 : memref<!tpu.dma_semaphore, #tpu.memory_space<semaphore_mem>>) src(%arg12 : memref<64xi32, #tpu.memory_space<vmem>>) dst(%dma_wait3A_4208 : memref<64xi32, #tpu.memory_space<hbm>>)
      tpu.yield
    }) : () -> ()
    return
  }
}

module attributes {stable_mosaic.version = 14 : i64} {
  func.func @_matcher_soft(%arg0: i32, %arg1: memref<1x256x32xf32, #tpu.memory_space<vmem>>, %arg2: memref<8192x32xf32, #tpu.memory_space<vmem>>, %arg3: memref<256xi32, #tpu.memory_space<vmem>>, %arg4: memref<256xf32, #tpu.memory_space<vmem>>) attributes {dimension_semantics = [#tpu.dimension_semantics<arbitrary>], iteration_bounds = array<i64: 11>, scalar_prefetch = 0 : i64, scratch_operands = 0 : i64, tpu.core_type = #tpu.core_type<tc>, window_params = [{transform_indices = @transform_0, window_bounds = array<i64: 1, 256, 32>}, {pipeline_mode = #tpu.pipeline_mode<synchronous>, transform_indices = @transform_1, window_bounds = array<i64: 8192, 32>}, {transform_indices = @transform_2, window_bounds = array<i64: 256>}, {transform_indices = @transform_3, window_bounds = array<i64: 256>}]} {
    %get3A = arith.constant 0 : index
    %get3A_0 = arith.constant 0 : index
    %get3A_1 = arith.constant 0 : index
    %get3A_2 = vector.load %arg1[%get3A, %get3A_0, %get3A_1] : memref<1x256x32xf32, #tpu.memory_space<vmem>>, vector<1x256x32xf32>
    %get3A_3 = vector.shape_cast %get3A_2 : vector<1x256x32xf32> to vector<256x32xf32>
    %get3A_4 = arith.constant 0 : index
    %get3A_5 = arith.constant 0 : index
    %get3A_6 = vector.load %arg2[%get3A_4, %get3A_5] : memref<8192x32xf32, #tpu.memory_space<vmem>>, vector<8192x32xf32>
    %dot_general3A = arith.constant dense<0.000000e+00> : vector<256x8192xf32>
    %dot_general3A_7 = tpu.matmul %get3A_3, %get3A_6, %dot_general3A {dimension_numbers = #tpu.dot_dimension_numbers<[1], [1], [0], [0], [0, 0, 1, 0], [], []>, transpose_lhs_hint = false} : vector<256x32xf32>, vector<8192x32xf32>, vector<256x8192xf32> -> vector<256x8192xf32>
    %mul3A = arith.mulf %get3A_3, %get3A_3 : vector<256x32xf32>
    %reduce_sum3A = arith.constant dense<0.000000e+00> : vector<256xf32>
    %reduce_sum3A_8 = vector.multi_reduction <add>, %mul3A, %reduce_sum3A [1] : vector<256x32xf32> to vector<256xf32>
    %broadcast_in_dim3A = vector.shape_cast %reduce_sum3A_8 : vector<256xf32> to vector<256x1xf32>
    %mul3A_9 = arith.mulf %get3A_6, %get3A_6 : vector<8192x32xf32>
    %reduce_sum3A_10 = arith.constant dense<0.000000e+00> : vector<8192xf32>
    %reduce_sum3A_11 = vector.multi_reduction <add>, %mul3A_9, %reduce_sum3A_10 [1] : vector<8192x32xf32> to vector<8192xf32>
    %broadcast_in_dim3A_12 = vector.shape_cast %reduce_sum3A_11 : vector<8192xf32> to vector<1x8192xf32>
    %mul3A_13 = arith.constant 2.000000e+00 : f32
    %mul3A_14 = vector.broadcast %mul3A_13 : f32 to vector<256x8192xf32>
    %mul3A_15 = arith.mulf %mul3A_14, %dot_general3A_7 : vector<256x8192xf32>
    %sub3A = vector.broadcast %broadcast_in_dim3A : vector<256x1xf32> to vector<256x8192xf32>
    %sub3A_16 = arith.subf %mul3A_15, %sub3A : vector<256x8192xf32>
    %sub3A_17 = vector.broadcast %broadcast_in_dim3A_12 : vector<1x8192xf32> to vector<256x8192xf32>
    %sub3A_18 = arith.subf %sub3A_16, %sub3A_17 : vector<256x8192xf32>
    %argmax3A = tpu.reduce_index %sub3A_18 {axis = 1 : i32, kind = #tpu.reduction_kind<arg_max>} : vector<256x8192xf32> -> vector<256xi32>
    %swap3A = arith.constant 0 : index
    %swap3A_19 = vector.load %arg3[%swap3A] : memref<256xi32, #tpu.memory_space<vmem>>, vector<256xi32>
    tpu.vector_store %arg3[%swap3A], %argmax3A {strides = array<i32>} : memref<256xi32, #tpu.memory_space<vmem>>, vector<256xi32>,
    %reduce_max3A = arith.constant dense<0xFF800000> : vector<256xf32>
    %reduce_max3A_20 = vector.multi_reduction <maximumf>, %sub3A_18, %reduce_max3A [1] : vector<256x8192xf32> to vector<256xf32>
    %broadcast_in_dim3A_21 = vector.shape_cast %reduce_max3A_20 : vector<256xf32> to vector<256x1xf32>
    %sub3A_22 = vector.broadcast %broadcast_in_dim3A_21 : vector<256x1xf32> to vector<256x8192xf32>
    %sub3A_23 = arith.subf %sub3A_18, %sub3A_22 : vector<256x8192xf32>
    %exp3A = math.exp %sub3A_23 : vector<256x8192xf32>
    %reduce_sum3A_24 = arith.constant dense<0.000000e+00> : vector<256xf32>
    %reduce_sum3A_25 = vector.multi_reduction <add>, %exp3A, %reduce_sum3A_24 [1] : vector<256x8192xf32> to vector<256xf32>
    %div3A = arith.constant 1.000000e+00 : f32
    %div3A_26 = vector.broadcast %div3A : f32 to vector<256xf32>
    %div3A_27 = arith.divf %div3A_26, %reduce_sum3A_25 : vector<256xf32>
    %swap3A_28 = arith.constant 0 : index
    %swap3A_29 = vector.load %arg4[%swap3A_28] : memref<256xf32, #tpu.memory_space<vmem>>, vector<256xf32>
    tpu.vector_store %arg4[%swap3A_28], %div3A_27 {strides = array<i32>} : memref<256xf32, #tpu.memory_space<vmem>>, vector<256xf32>,
    return
  }
  func.func @transform_0(%arg0: i32) -> (i32, i32, i32) {
    %c0_i32 = arith.constant 0 : i32
    %c0_i32_0 = arith.constant 0 : i32
    %c0_i32_1 = arith.constant 0 : i32
    return %arg0, %c0_i32, %c0_i32_0 : i32, i32, i32
  }
  func.func @transform_1(%arg0: i32) -> (i32, i32) {
    %c0_i32 = arith.constant 0 : i32
    %c0_i32_0 = arith.constant 0 : i32
    %c0_i32_1 = arith.constant 0 : i32
    return %c0_i32, %c0_i32_0 : i32, i32
  }
  func.func @transform_2(%arg0: i32) -> i32 {
    %c0_i32 = arith.constant 0 : i32
    return %arg0 : i32
  }
  func.func @transform_3(%arg0: i32) -> i32 {
    %c0_i32 = arith.constant 0 : i32
    return %arg0 : i32
  }
}

module attributes {stable_mosaic.version = 14 : i64} {
  func.func @_matcher_hard(%arg0: i32, %arg1: memref<1x256x32xf32, #tpu.memory_space<vmem>>, %arg2: memref<8192x32xf32, #tpu.memory_space<vmem>>, %arg3: memref<256xi32, #tpu.memory_space<vmem>>) attributes {dimension_semantics = [#tpu.dimension_semantics<arbitrary>], iteration_bounds = array<i64: 8>, scalar_prefetch = 0 : i64, scratch_operands = 0 : i64, tpu.core_type = #tpu.core_type<tc>, window_params = [{transform_indices = @transform_0, window_bounds = array<i64: 1, 256, 32>}, {pipeline_mode = #tpu.pipeline_mode<synchronous>, transform_indices = @transform_1, window_bounds = array<i64: 8192, 32>}, {transform_indices = @transform_2, window_bounds = array<i64: 256>}]} {
    %get3A = arith.constant 0 : index
    %get3A_0 = arith.constant 0 : index
    %get3A_1 = arith.constant 0 : index
    %get3A_2 = vector.load %arg1[%get3A, %get3A_0, %get3A_1] : memref<1x256x32xf32, #tpu.memory_space<vmem>>, vector<1x256x32xf32>
    %get3A_3 = vector.shape_cast %get3A_2 : vector<1x256x32xf32> to vector<256x32xf32>
    %get3A_4 = arith.constant 0 : index
    %get3A_5 = arith.constant 0 : index
    %get3A_6 = vector.load %arg2[%get3A_4, %get3A_5] : memref<8192x32xf32, #tpu.memory_space<vmem>>, vector<8192x32xf32>
    %dot_general3A = arith.constant dense<0.000000e+00> : vector<256x8192xf32>
    %dot_general3A_7 = tpu.matmul %get3A_3, %get3A_6, %dot_general3A {dimension_numbers = #tpu.dot_dimension_numbers<[1], [1], [0], [0], [0, 0, 1, 0], [], []>, transpose_lhs_hint = false} : vector<256x32xf32>, vector<8192x32xf32>, vector<256x8192xf32> -> vector<256x8192xf32>
    %mul3A = arith.mulf %get3A_3, %get3A_3 : vector<256x32xf32>
    %reduce_sum3A = arith.constant dense<0.000000e+00> : vector<256xf32>
    %reduce_sum3A_8 = vector.multi_reduction <add>, %mul3A, %reduce_sum3A [1] : vector<256x32xf32> to vector<256xf32>
    %broadcast_in_dim3A = vector.shape_cast %reduce_sum3A_8 : vector<256xf32> to vector<256x1xf32>
    %mul3A_9 = arith.mulf %get3A_6, %get3A_6 : vector<8192x32xf32>
    %reduce_sum3A_10 = arith.constant dense<0.000000e+00> : vector<8192xf32>
    %reduce_sum3A_11 = vector.multi_reduction <add>, %mul3A_9, %reduce_sum3A_10 [1] : vector<8192x32xf32> to vector<8192xf32>
    %broadcast_in_dim3A_12 = vector.shape_cast %reduce_sum3A_11 : vector<8192xf32> to vector<1x8192xf32>
    %mul3A_13 = arith.constant 2.000000e+00 : f32
    %mul3A_14 = vector.broadcast %mul3A_13 : f32 to vector<256x8192xf32>
    %mul3A_15 = arith.mulf %mul3A_14, %dot_general3A_7 : vector<256x8192xf32>
    %sub3A = vector.broadcast %broadcast_in_dim3A : vector<256x1xf32> to vector<256x8192xf32>
    %sub3A_16 = arith.subf %mul3A_15, %sub3A : vector<256x8192xf32>
    %sub3A_17 = vector.broadcast %broadcast_in_dim3A_12 : vector<1x8192xf32> to vector<256x8192xf32>
    %sub3A_18 = arith.subf %sub3A_16, %sub3A_17 : vector<256x8192xf32>
    %argmax3A = tpu.reduce_index %sub3A_18 {axis = 1 : i32, kind = #tpu.reduction_kind<arg_max>} : vector<256x8192xf32> -> vector<256xi32>
    %swap3A = arith.constant 0 : index
    %swap3A_19 = vector.load %arg3[%swap3A] : memref<256xi32, #tpu.memory_space<vmem>>, vector<256xi32>
    tpu.vector_store %arg3[%swap3A], %argmax3A {strides = array<i32>} : memref<256xi32, #tpu.memory_space<vmem>>, vector<256xi32>,
    return
  }
  func.func @transform_0(%arg0: i32) -> (i32, i32, i32) {
    %c0_i32 = arith.constant 0 : i32
    %c0_i32_0 = arith.constant 0 : i32
    %c0_i32_1 = arith.constant 0 : i32
    return %arg0, %c0_i32, %c0_i32_0 : i32, i32, i32
  }
  func.func @transform_1(%arg0: i32) -> (i32, i32) {
    %c0_i32 = arith.constant 0 : i32
    %c0_i32_0 = arith.constant 0 : i32
    %c0_i32_1 = arith.constant 0 : i32
    return %c0_i32, %c0_i32_0 : i32, i32
  }
  func.func @transform_2(%arg0: i32) -> i32 {
    %c0_i32 = arith.constant 0 : i32
    return %arg0 : i32
  }
}

</mosaic_0001>

<sc_bundles>
// kernel: kernel.5.cloned.1.call-start
scs
__scs_entry_jumppad:
0x0: {  	(pc) =	sbr.rel $0x88, $3  }
0x1: {  	(tag) =	ssettag $0x0;
	lr =	simm.s32 $0x1  }
0x2: {  	[smem:$0x3F9E] =	sst lr;
	_ =	strace $0xD0000000  }
0x3: {  	_ = 	snop  }
0x4: {  	_ = 	snop  }
0x5: {  	_ = 	snop  }
0x6: {  	_ = 	snop  }
0x7: {  	_ = 	snop  }
__scs_overlays_trampoline_lowered:
0x8: {  	[smem:$0x3FAD] =	sst s0  }
0x9: {  	[smem:$0x3FAE] =	sst s1  }
0xa: {  	[smem:$0x3FAF] =	sst s2  }
0xb: {  	[smem:$0x3FB0] =	sst s3  }
0xc: {  	[smem:$0x3FB1] =	sst s4  }
0xd: {  	[smem:$0x3FB2] =	sst s5  }
0xe: {  	[smem:$0x3FB3] =	sst s6  }
0xf: {  	[smem:$0x3FB4] =	sst s7  }
0x10: {  	[smem:$0x3FB5] =	sst s8  }
0x11: {  	[smem:$0x3FB6] =	sst s9;
	s0 =	simm.s32 @!p0 $0x0  }
0x12: {  	s1 =	sld [smem:$0x3F9C];
	s0 =	simm.s32 @p0 $0x1  }
0x13: {  	[smem:$0x3FB7] =	sst s0;
	s0 =	simm.s32 @!p1 $0x0  }
0x14: {  	s2 =	sld [smem:$0x3F9B];
	s0 =	simm.s32 @p1 $0x1  }
0x15: {  	[smem:$0x3FB8] =	sst s0;
	s0 =	simm.s32 @!p2 $0x0  }
0x16: {  	s3 =	sld [smem:$0x3FDB];
	s0 =	simm.s32 @p2 $0x1  }
0x17: {  	s4 =	simm.s32 $0x1BF5;
	[smem:$0x3FBA] =	sst s0  }
0x18: {  	s0 =	sld [smem:$0x3F9D];
	_ =	swait.ge [sflag:s4], $0x0  }
0x19: {  	s7 =	sld [smem:$0x3F9E]  }
0x1a: {  	s8 =	sadd.s32 $0xFFFFE003, lr  }
0x1b: {  	s9 =	sadd.s32 $0xFFFFFEF7, lr;
	s5 =	simm.s32 $0xFFFFFFFF;
	p2 =	slt.u32 s8, $0xFFFFF086  }
0x1c: {  	p1 =	slt.u32 s9, $0xF7A;
	s5 =	simm.s32 @!p2 $0x0  }
0x1d: {  	s5 =	simm.s32 @p1 $0x1;
	p0 =	seq.s32 s7, s2  }
0x1e: {  	s7 =	smul.u32 @!p0 $0xF7A, s2;
	p2 =	seq.s32 @!p0 s5, $0x0  }
0x1f: {  	s9 =	smul.u32 $0xF7A, s1;
	s8 =	simm.s32 @!p0 $0x1BF5;
	p2 =	por !p2, p0  }
0x20: {  	[sflag:s8] =	ssyncset.s32 @!p0 $0xFFFFF086;
	s6 =	sadd.s32 @!p0 s3, s7;
	s7 =	simm.s32 @!p0 $0x108  }
0x21: {  	s3 =	sadd.s32 s3, s9;
	s6 =	sadd.s32 @!p0 $0x88, s6;
	s7 =	simm.s32 @p2 $0x1082  }
0x22: {  	[simem:s7], [sflag:s8] =	dma.local @!p0 [hbm:s6], $0xF7A  }
0x23: {  	s9 =	sor.u32 $0xD0000000, s2;
	s6 =	simm.s32 $0x108;
	_ =	swait.ge @!p0 [sflag:s8], $0x0  }
0x24: {  	s3 =	sadd.s32 $0x88, s3;
	s6 =	simm.s32 @!p1 $0x1082;
	[sflag:s4] =	ssyncset.s32 $0xFFFFF086  }
0x25: {  	[simem:s6], [sflag:s4] =	dma.local [hbm:s3], $0xF7A  }
0x26: {  	[smem:$0x3F9E] =	sst s1;
	(tag) =	ssettag s2;
	_ =	strace s9  }
0x27: {  	s1 =	sld [smem:$0x3FAE]  }
0x28: {  	s2 =	sld [smem:$0x3FAF]  }
0x29: {  	s4 =	sld [smem:$0x3FB1]  }
0x2a: {  	p0 =	seq.s32 s5, $0x0;
	s5 =	sld [smem:$0x3FB2]  }
0x2b: {  	s6 =	sld [smem:$0x3FB3]  }
0x2c: {  	s7 =	sld [smem:$0x3FB4]  }
0x2d: {  	s3 =	simm.s32 $0x108;
	s8 =	sld [smem:$0x3FB5]  }
0x2e: {  	s3 =	simm.s32 @!p0 $0x1082;
	s9 =	sld [smem:$0x3FB6]  }
0x2f: {  	lr =	sadd.s32 s0, s3;
	s0 =	sld [smem:$0x3FAD]  }
0x30: {  	s3 =	sld [smem:$0x3FB0]  }
0x31: {  	[smem:$0x3FB9] =	sst s10  }
0x32: {  	s10 =	sld [smem:$0x3FB7];
	_ =	sdelay $0x3  }
0x33: {  	p0 =	seq.s32 s10, $0x1;
	s10 =	sld [smem:$0x3FB9];
	_ =	sdelay $0x3  }
0x34: {  	[smem:$0x3FB9] =	sst s10  }
0x35: {  	s10 =	sld [smem:$0x3FB8];
	_ =	sdelay $0x3  }
0x36: {  	p1 =	seq.s32 s10, $0x1;
	s10 =	sld [smem:$0x3FB9];
	_ =	sdelay $0x3  }
0x37: {  	[smem:$0x3FB9] =	sst s10  }
0x38: {  	s10 =	sld [smem:$0x3FBA]  }
0x39: {  	_ = 	snop;
	(pc) =	sbr.ind lr, $3  }
0x3a: {  	_ = 	snop  }
0x3b: {  	_ = 	snop  }
0x3c: {  	p2 =	seq.s32 s10, $0x1;
	s10 =	sld [smem:$0x3FB9]  }
0x3d: {  	_ =	shalt  }
0x3e: {  	_ =	shalt  }
0x3f: {  	_ =	shalt  }
0x40: {  	_ =	shalt  }
0x41: {  	_ =	shalt  }
0x42: {  	_ =	shalt  }
0x43: {  	_ =	shalt  }
0x44: {  	_ =	shalt  }
0x45: {  	_ =	shalt  }
0x46: {  	_ =	shalt  }
0x47: {  	_ =	shalt  }
0x48: {  	_ =	shalt  }
0x49: {  	_ =	shalt  }
0x4a: {  	_ =	shalt  }
0x4b: {  	_ =	shalt  }
0x4c: {  	_ =	shalt  }
0x4d: {  	_ =	shalt  }
0x4e: {  	_ =	shalt  }
0x4f: {  	_ =	shalt  }
0x50: {  	_ =	shalt  }
0x51: {  	_ =	shalt  }
0x52: {  	_ =	shalt  }
0x53: {  	_ =	shalt  }
0x54: {  	_ =	shalt  }
0x55: {  	_ =	shalt  }
0x56: {  	_ =	shalt  }
0x57: {  	_ =	shalt  }
0x58: {  	_ =	shalt  }
0x59: {  	_ =	shalt  }
0x5a: {  	_ =	shalt  }
0x5b: {  	_ =	shalt  }
0x5c: {  	_ =	shalt  }
0x5d: {  	_ =	shalt  }
0x5e: {  	_ =	shalt  }
0x5f: {  	_ =	shalt  }
0x60: {  	_ =	shalt  }
0x61: {  	_ =	shalt  }
0x62: {  	_ =	shalt  }
0x63: {  	_ =	shalt  }
0x64: {  	_ =	shalt  }
0x65: {  	_ =	shalt  }
0x66: {  	_ =	shalt  }
0x67: {  	_ =	shalt  }
0x68: {  	_ =	shalt  }
0x69: {  	_ =	shalt  }
0x6a: {  	_ =	shalt  }
0x6b: {  	_ =	shalt  }
0x6c: {  	_ =	shalt  }
0x6d: {  	_ =	shalt  }
0x6e: {  	_ =	shalt  }
0x6f: {  	_ =	shalt  }
0x70: {  	_ =	shalt  }
0x71: {  	_ =	shalt  }
0x72: {  	_ =	shalt  }
0x73: {  	_ =	shalt  }
0x74: {  	_ =	shalt  }
0x75: {  	_ =	shalt  }
0x76: {  	_ =	shalt  }
0x77: {  	_ =	shalt  }
0x78: {  	_ =	shalt  }
0x79: {  	_ =	shalt  }
0x7a: {  	_ =	shalt  }
0x7b: {  	_ =	shalt  }
0x7c: {  	_ =	shalt  }
0x7d: {  	_ =	shalt  }
0x7e: {  	_ =	shalt  }
0x7f: {  	_ =	shalt  }
0x80: {  	_ =	shalt  }
0x81: {  	_ =	shalt  }
0x82: {  	_ =	shalt  }
0x83: {  	_ =	shalt  }
0x84: {  	_ =	shalt  }
0x85: {  	_ =	shalt  }
0x86: {  	_ =	shalt  }
0x87: {  	_ =	shalt  }
.Lfunc_end0:
.L_simem_size_0:
called_computation_lowered:
.L_overlay_start_0:
0x88: {  	s2 =	sld [smem:$0x3FD9]  }
0x89: {  	s3 =	sld [smem:$0x3FFE];
	_ =	sdelay $0x1  }
0x8a: {  	s1 =	srdreg.scid  }
0x8b: {  	s0 =	sand.u32 $0x1, s1  }
0x8c: {  	s14 =	sshll.u32 s0, $0xA;
	s2 =	sadd.s32 s3, s2  }
0x8d: {  	s2 =	sadd.s32 s2, s14  }
0x8e: {  	[smem:$0x3FC5] =	sst s2  }
0x8f: {  	_ = 	snop  }
0x90: {  	s2 =	sld [smem:$0x3FD0];
	_ =	sdelay $0x2  }
0x91: {  	s15 =	simm.s32 $0xA;
	s4 =	simm.s32 $0x10  }
0x92: {  	[smem:s4], [sflag:s15] =	dma.local [hbm:s2], $0x1  }
0x93: {  	_ =	swait.eq [sflag:s15], $0x1  }
0x94: {  	s16 =	sld [smem:$0x10];
	[sflag:s15] =	ssyncset.done $0x0  }
0x95: {  	s17 =	sld [smem:$0x11];
	[sflag:s15] =	ssyncadd.s32 $0xFFFFFFFF  }
0x96: {  	s18 =	sld [smem:$0x12];
	(tm) =	ssettm $0x1  }
0x97: {  	s5 =	sld [smem:$0x3FFB];
	_ =	sdelay $0x3  }
0x98: {  	_ =	strace s5  }
0x99: {  	s5 =	sld [smem:$0x3FFC];
	_ =	sdelay $0x3  }
0x9a: {  	_ =	strace s5  }
0x9b: {  	s5 =	sld [smem:$0x3FFD];
	_ =	sdelay $0x3  }
0x9c: {  	_ =	strace s5  }
0x9d: {  	_ =	strace $0x8FFFFFFF  }
0x9e: {  	s19 =	sld [smem:$0x3FDB];
	_ =	sdelay $0x1  }
0x9f: {  	s6 =	simm.s32 $_scs_section_size  }
0xa0: {  	s7 =	simm.s32 $_size__tile_overlayer_lowered;
	s8 =	simm.s32 $_tile_overlayer_lowered  }
0xa1: {  	s22 =	simm.s32 $0x1BFF;
	s21 =	sshll.u32 s8, $0x1;
	s5 =	sadd.s32 s6, s19  }
0xa2: {  	s9 =	simm.s32 $0x0;
	s20 =	sshll.u32 s7, $0x1;
	s7 =	sadd.s32 s21, s5  }
0xa3: {  	[timem:s9], [sflag:s22] =	dma.local [hbm:s7], s20  }
0xa4: {  	_ =	swait.ge [sflag:s22], s20  }
0xa5: {  	s6 =	ssub.s32 $0x0, s20;
	[sflag:s22] =	ssyncset.done $0x0  }
0xa6: {  	[sflag:s22] =	ssyncadd.s32 s6;
	_ =	sdelay $0x1  }
0xa7: {  	s23 =	simm.s32 $0x1B8B  }
0xa8: {  	_ =	swait.ge [sflag:s23], $0x1  }
0xa9: {  	[sflag:s23] =	ssyncset.done $0x0  }
0xaa: {  	s25 =	simm.s32 $0x1B8E;
	s24 =	sld [smem:$0x3FFE];
	[sflag:s23] =	ssyncadd.s32 $0xFFFFFFFF  }
0xab: {  	s26 =	simm.s32 $execute0_lowered;
	[smem:$0x3FD2] =	sst s25  }
0xac: {  	s7 =	sshll.u32 s26, $0x1;
	_ =	strace $0x80000046;
	[dreg:$0x1] =	wrdreg $0xFFFFFFFF  }
0xad: {  	s28 =	simm.s32 $_size_execute0_lowered;
	s5 =	sadd.s32 s5, s7;
	[dreg:$0x0] =	wrdreg $0x0  }
0xae: {  	s7 =	sshll.u32 s28, $0x1;
	[dreg:$0x2] =	wrdreg s5  }
0xaf: {  	[dreg:$0x3] =	wrdreg s7  }
0xb0: {  	[dreg:$0x4] =	wrdreg $0xC0  }
0xb1: {  	_ =	task [dreg:s9], $0x5FFFF  }
0xb2: {  	[dreg:$0x1] =	wrdreg $0xFFFFFFFF  }
0xb3: {  	[dreg:$0x0] =	wrdreg $0x60  }
0xb4: {  	[dreg:$0x2] =	wrdreg s17  }
0xb5: {  	[dreg:$0x3] =	wrdreg s24  }
0xb6: {  	[dreg:$0x4] =	wrdreg s18  }
0xb7: {  	[dreg:$0x5] =	wrdreg s16  }
0xb8: {  	[dreg:$0x6] =	wrdreg $0x9  }
0xb9: {  	_ =	task.clear_ibuf [dreg:s9], $0x7FFFF;
	_ =	strace $0x90000046  }
0xba: {  	s29 =	simm.s32 $0x9;
	_ =	strace $0x80000048  }
0xbb: {  	_ =	swait.ge [sflag:s29], $0x1  }
0xbc: {  	[sflag:s29] =	ssyncadd.s32 $0xFFFFFFFF  }
0xbd: {  	_ =	strace $0x90000048  }
0xbe: {  	_ =	sfence  }
0xbf: {  	s30 =	sld [smem:$0x0];
	_ =	sdelay $0x2  }
0xc0: {  	s31 =	sshll.u32 s1, $0xD;
	s1 =	sshrl.u32 s1, $0x2  }
0xc1: {  	s3 =	sand.u32 $0x4000, s31;
	s1 =	sadd.s32 s1, s30  }
0xc2: {  	s0 =	sor.u32 s3, s0;
	s1 =	sshll.u32 s1, $0x11  }
0xc3: {  	s0 =	sor.u32 s1, s0  }
0xc4: {  	s0 =	sadd.s32 $0x8F2B, s0  }
0xc5: {  	[sflag:s0] =	ssyncadd.remote.s32 $0x1  }
0xc6: {  	_ =	sfence.sel $0xFFFF  }
0xc7: {  	[dreg:$0x0] =	wrdreg $0xFFFFFFFF;
	(pc) =	sbr.abs _section_cstart, $3  }
0xc8: {  	[dreg:$0x1] =	wrdreg $0xFFFFFFFF  }
0xc9: {  	_ =	task.clear_ibuf [dreg:s9], $0x2FFFF;
	_ =	strace $0x9FFFFFFF  }
0xca: {  	(tm) =	ssettm $0x7FFFFFFF  }
0xcb: {  	_ =	shalt  }
tec
execute0_lowered:
.L_overlay_start_1:
0x0: {  	(tag) =	ssettag $0x1  }
0x1: {  	s1 =	srdreg.scid  }
0x2: {  	s0 =	stileid.u32;
	s4 =	sand.u32 $0x1, s1  }
0x3: {  	s21 =	sshll.u32 s0, $0x7;
	s2 =	sshll.u32 s4, $0x6  }
0x4: {  	v15 =	vlaneseq.u32;
	s1 =	sor.u32 s2, s21  }
0x5: {  	v11 =	vshrl.u32 v15, $0x1;
	v12 =	vshrl.u32 v15, $0x2;
	v0 =	vmov s1  }
0x6: {  	v13 =	vor.u32 $0x800, v11;
	v16 =	vor.u32 $0xA00, v12;
	s2 =	sor.u32 $0x10, s1;
	v1 =	vshrl.u32 v0, $0x4  }
0x7: {  	s24 =	sor.u32 $0x30, s1;
	v2 =	vshrl.u32 v0, $0x2;
	v0 =	vor.u32 s1, v15;
	v6 =	vmov s2  }
0x8: {  	s3 =	sshrl.u32 s0, $0x3;
	v4 =	vor.u32 s2, v15;
	v19 =	vmov s24;
	v2 =	vand.u32 $0xF0, v2  }
0x9: {  	s5 =	sshll.u32 s3, $0x8;
	s6 =	sshll.u32 s3, $0x6;
	v1 =	vand.u32 $0x38, v1;
	v7 =	vshrl.u32 v6, $0x2;
	v8 =	vand.u32 $0x1F, v4  }
0xa: {  	v6 =	vshrl.u32 v6, $0x4;
	v3 =	vor.u32 s5, v2;
	v5 =	vor.u32 s6, v1  }
0xb: {  	v7 =	vand.u32 $0xF0, v7;
	v9 =	vshrl.u32 v8, $0x1;
	v6 =	vand.u32 $0x38, v6  }
0xc: {  	v8 =	vshrl.u32 v8, $0x2;
	v1 =	vor.u32 v11, v3;
	v2 =	vor.u32 v12, v5  }
0xd: {  	s7 =	sor.u32 $0x20, s1;
	v3 =	vor.u32 v13, v3;
	v5 =	vor.u32 v16, v5;
	v7 =	vor.u32 v9, v7  }
0xe: {  	s10 =	rddreg [dreg:$0x0];
	v8 =	vor.u32 v8, v6;
	v9 =	vmov s7;
	v6 =	vor.u32 s5, v7  }
0xf: {  	s8 =	rddreg [dreg:$0x1];
	v7 =	vor.u32 s6, v8;
	v10 =	vshrl.u32 v9, $0x2;
	v14 =	vshrl.u32 v9, $0x4  }
0x10: {  	s22 =	rddreg [dreg:$0x2];
	v8 =	vor.u32 $0x800, v6;
	v9 =	vor.u32 $0xA00, v7;
	v17 =	vand.u32 $0xF0, v10  }
0x11: {  	s23 =	rddreg [dreg:$0x3];
	v14 =	vand.u32 $0x38, v14;
	v10 =	vor.u32 s7, v15;
	v17 =	vor.u32 s5, v17  }
0x12: {  	s16 =	simm.s32 $0x40;
	s17 =	simm.s32 $0x80;
	s18 =	simm.s32 $0xC0;
	v18 =	vor.u32 s6, v14;
	v14 =	vor.u32 s24, v15;
	v15 =	vmul.u32 $0x40, v15  }
0x13: {  	s19 =	simm.s32 $0x2C0;
	s20 =	simm.s32 $0x340;
	s28 =	simm.s32 $0x600;
	v11 =	vor.u32 v11, v17;
	v12 =	vor.u32 v12, v18;
	v13 =	vor.u32 v13, v17  }
0x14: {  	s29 =	simm.s32 $0x1E40;
	s30 =	simm.s32 $0x2640;
	[dreg:$0x5] =	wrdreg s22;
	v17 =	vshrl.u32 v19, $0x2;
	v20 =	vand.u32 $0x1F, v14;
	v19 =	vshrl.u32 v19, $0x4  }
0x15: {  	s31 =	simm.s32 $0x400;
	[dreg:$0x6] =	wrdreg s23;
	s23 =	simm.s32 $0x1;
	v16 =	vor.u32 v16, v18;
	v17 =	vand.u32 $0xF0, v17;
	v21 =	vshrl.u32 v20, $0x1  }
0x16: {  	s12 =	sshll.u32 s3, $0xF;
	s13 =	sshll.u32 s3, $0xB;
	s4 =	ssub.s32 $0x2, s4;
	v19 =	vand.u32 $0x38, v19;
	v20 =	vshrl.u32 v20, $0x2;
	v22 =	vor.u32 $0x1, v15  }
0x17: {  	s3 =	sadd.s32 $0x1000, s8;
	s26 =	sshrl.u32 s4, $0x1;
	s21 =	simm.s32 $0x540;
	v23 =	vor.u32 $0x401, v15;
	v24 =	vor.u32 $0x2, v15;
	v25 =	vor.u32 $0x402, v15  }
0x18: {  	s9 =	sshrl.u32 s1, $0x3;
	s25 =	sand.u32 $0x3C0, s1;
	s15 =	ssub.s32 s4, s26;
	v26 =	vor.u32 $0x3, v15;
	v27 =	vor.u32 $0x403, v15;
	v28 =	vor.u32 $0x4, v15  }
0x19: {  	s26 =	simm.s32 $0x1640;
	s2 =	simm.s32 $0x0;
	s11 =	sadd.s32 s9, s8;
	v29 =	vor.u32 $0x404, v15;
	v30 =	vor.u32 $0x5, v15;
	v31 =	vor.u32 $0x405, v15  }
0x1a: {  	s12 =	sor.u32 s12, s25;
	s1 =	sshll.u32 s1, $0x2;
	s15 =	smax.u32 s15, $0x1;
	v32 =	vor.u32 $0x6, v15;
	v33 =	vor.u32 $0x406, v15;
	v34 =	vor.u32 $0x7, v15  }
0x1b: {  	[smem:$0x7FF] =	sst s2;
	s12 =	sshrl.u32 s12, $0x3;
	s4 =	sadd.s32 $0x3C00, s11;
	v35 =	vor.u32 $0x407, v15;
	v36 =	vor.u32 $0x8, v15;
	v37 =	vor.u32 $0x408, v15  }
0x1c: {  	_ =	strace $0x80000047;
	s12 =	sadd.s32 s12, s8;
	s7 =	sor.u32 s13, s25;
	v38 =	vor.u32 $0x9, v15;
	v39 =	vor.u32 $0x409, v15;
	v40 =	vor.u32 $0xA, v15  }
0x1d: {  	s12 =	sadd.s32 $0x4200, s12;
	s25 =	simm.s32 $0xE40;
	s7 =	sshrl.u32 s7, $0x3;
	v41 =	vor.u32 $0x40A, v15;
	v42 =	vor.u32 $0xB, v15;
	v43 =	vor.u32 $0x40B, v15  }
0x1e: {  	s24 =	simm.s32 $0x5C0;
	s14 =	sadd.s32 s7, s8;
	s7 =	sadd.s32 $0x3D00, s8;
	v44 =	vor.u32 $0xC, v15;
	v45 =	vor.u32 $0x40C, v15;
	v46 =	vor.u32 $0xD, v15  }
0x1f: {  	s8 =	sadd.s32 $0x3D40, s8;
	s13 =	sadd.s32 $0x4000, s14;
	s14 =	sadd.s32 $0x4080, s14;
	v47 =	vor.u32 $0x40D, v15;
	v17 =	vor.u32 v21, v17;
	v19 =	vor.u32 v20, v19  }
0x20: {  	v48 =	vor.u32 $0xE, v15;
	v17 =	vor.u32 s5, v17;
	v18 =	vor.u32 s6, v19;
	s5 =	sadd.s32 s10, s9;
	s6 =	sadd.s32 $0x3E00, s11;
	s9 =	sadd.s32 $0x100, s10  }
0x21: {  	v21 =	vor.u32 $0x400, v15;
	s10 =	sadd.s32 $0x140, s10;
	s11 =	sadd.s32 s3, s1;
	s1 =	simm.s32 $0x2;
	v19 =	vor.u32 $0x800, v17;
	v20 =	vor.u32 $0xA00, v18  }
.LBB2_1:
0x22: {  	[tilespmem:s2], [sflag:$0x1] =	stream.linear.gather [hbm4b:s4+s2], $0x40, $0x38;
	[tilespmem:$0x2E40] =	vst v63  }
0x23: {  	_ = 	snop  }
0x24: {  	[tilespmem:s16], [sflag:$0x1] =	stream.linear.gather [hbm4b:s5+s2], $0x40, $0x38;
	[tilespmem:$0x2E40] =	vst v63  }
0x25: {  	_ = 	snop  }
0x26: {  	[tilespmem:s17], [sflag:$0x1] =	stream.linear.gather [hbm4b:s6+s2], $0x40, $0x38;
	[tilespmem:$0x2E40] =	vst v63  }
0x27: {  	_ = 	snop  }
0x28: {  	[tilespmem:s18], [sflag:$0x1] =	stream.linear.gather [hbm4b:s7+s2], $0x200, $0x38;
	[tilespmem:$0x2E40] =	vst v63  }
0x29: {  	_ = 	snop  }
0x2a: {  	[tilespmem:s19], [sflag:$0x1] =	stream.linear.gather [hbm4b:s8+s2], $0x80, $0x38;
	[tilespmem:$0x2E40] =	vst v63  }
0x2b: {  	_ = 	snop  }
0x2c: {  	[tilespmem:s20], [sflag:$0x1] =	stream.linear.gather [hbm4b:s9+s2], $0x200, $0x38;
	[tilespmem:$0x2E40] =	vst v63  }
0x2d: {  	_ = 	snop  }
0x2e: {  	[tilespmem:s21], [sflag:$0x1] =	stream.linear.gather [hbm4b:s10+s2], $0x80, $0x38;
	[tilespmem:$0x2E40] =	vst v63  }
0x2f: {  	s0 =	simm.s32 $0x640  }
0x30: {  	[tilespmem:s0], [sflag:$0x1] =	stream.linear.gather [hbm4b:s11+s2], $0x800, $0x38;
	[tilespmem:$0x2E40] =	vst v63  }
0x31: {  	_ =	swait.ge [sflag:s23], $0x40  }
0x32: {  	[sflag:s23] =	ssyncset.done $0x0  }
0x33: {  	[sflag:s23] =	ssyncadd.s32 $0xFFFFFFC0  }
0x34: {  	_ =	swait.ge [sflag:s23], $0x40  }
0x35: {  	[sflag:s23] =	ssyncset.done $0x0  }
0x36: {  	[sflag:s23] =	ssyncadd.s32 $0xFFFFFFC0  }
0x37: {  	_ =	swait.ge [sflag:s23], $0x40  }
0x38: {  	[sflag:s23] =	ssyncset.done $0x0  }
0x39: {  	[sflag:s23] =	ssyncadd.s32 $0xFFFFFFC0  }
0x3a: {  	_ =	swait.ge [sflag:s23], $0x200  }
0x3b: {  	[sflag:s23] =	ssyncset.done $0x0  }
0x3c: {  	[sflag:s23] =	ssyncadd.s32 $0xFFFFFE00  }
0x3d: {  	_ =	swait.ge [sflag:s23], $0x80  }
0x3e: {  	[sflag:s23] =	ssyncset.done $0x0  }
0x3f: {  	[sflag:s23] =	ssyncadd.s32 $0xFFFFFF80  }
0x40: {  	_ =	swait.ge [sflag:s23], $0x200  }
0x41: {  	[sflag:s23] =	ssyncset.done $0x0  }
0x42: {  	[sflag:s23] =	ssyncadd.s32 $0xFFFFFE00  }
0x43: {  	_ =	swait.ge [sflag:s23], $0x80  }
0x44: {  	[sflag:s23] =	ssyncset.done $0x0  }
0x45: {  	[sflag:s23] =	ssyncadd.s32 $0xFFFFFF80  }
0x46: {  	_ =	swait.ge [sflag:s23], $0x800  }
0x47: {  	[sflag:s23] =	ssyncset.done $0x0  }
0x48: {  	[sflag:s23] =	ssyncadd.s32 $0xFFFFF800  }
0x49: {  	v49 =	vld.idx.msk [tilespmem:v1+s18+$0x0], $0xffff  }
0x4a: {  	v50 =	vld.idx.msk [tilespmem:v2+s19+$0x0], $0xffff  }
0x4b: {  	v51 =	vld [tilespmem:$0x0]  }
0x4c: {  	v52 =	vld.idx.msk [tilespmem:v1+s20+$0x0], $0xffff  }
0x4d: {  	v53 =	vld [tilespmem:$0x40]  }
0x4e: {  	v54 =	vld.idx.msk [tilespmem:v2+s21+$0x0], $0xffff;
	_ =	sdelay $0x1  }
0x4f: {  	vm0 =	vgt.f32 v49, v51  }
0x50: {  	v49 =	vsel vm0, v49, v51  }
0x51: {  	v59 =	vsel vm0, v52, v53;
	vm1 =	vgt.f32 v50, v49  }
0x52: {  	v60 =	vsel vm0, v3, v0;
	v50 =	vsel vm1, v54, v59  }
0x53: {  	v61 =	vld [tilespmem:$0x10];
	v49 =	vsel vm1, v5, v60;
	[tilespmem:$0x5C0] =	vst v50  }
0x54: {  	v63 =	vld [tilespmem:$0x50];
	[tilespmem:$0x600] =	vst v49  }
0x55: {  	v49 =	vld.idx.msk [tilespmem:v6+s18+$0x0], $0xffff  }
0x56: {  	v50 =	vld.idx.msk [tilespmem:v7+s19+$0x0], $0xffff  }
0x57: {  	v62 =	vld.idx.msk [tilespmem:v6+s20+$0x0], $0xffff  }
0x58: {  	v57 =	vld.idx.msk [tilespmem:v7+s21+$0x0], $0xffff;
	_ =	sdelay $0x1  }
0x59: {  	vm10 =	vgt.f32 v49, v61  }
0x5a: {  	v49 =	vsel vm10, v49, v61  }
0x5b: {  	v58 =	vsel vm10, v62, v63;
	vm11 =	vgt.f32 v50, v49  }
0x5c: {  	v59 =	vsel vm10, v8, v4;
	v50 =	vsel vm11, v57, v58  }
0x5d: {  	v60 =	vld [tilespmem:$0x20];
	v49 =	vsel vm11, v9, v59;
	[tilespmem:$0x5D0] =	vst v50  }
0x5e: {  	v62 =	vld [tilespmem:$0x60];
	[tilespmem:$0x610] =	vst v49  }
0x5f: {  	v49 =	vld.idx.msk [tilespmem:v11+s18+$0x0], $0xffff  }
0x60: {  	v50 =	vld.idx.msk [tilespmem:v12+s19+$0x0], $0xffff  }
0x61: {  	v61 =	vld.idx.msk [tilespmem:v11+s20+$0x0], $0xffff  }
0x62: {  	v63 =	vld.idx.msk [tilespmem:v12+s21+$0x0], $0xffff;
	_ =	sdelay $0x1  }
0x63: {  	vm12 =	vgt.f32 v49, v60  }
0x64: {  	v49 =	vsel vm12, v49, v60  }
0x65: {  	v57 =	vsel vm12, v61, v62;
	vm13 =	vgt.f32 v50, v49  }
0x66: {  	v58 =	vsel vm12, v13, v10;
	v50 =	vsel vm13, v63, v57  }
0x67: {  	v59 =	vld [tilespmem:$0x30];
	v49 =	vsel vm13, v16, v58;
	[tilespmem:$0x5E0] =	vst v50  }
0x68: {  	v61 =	vld [tilespmem:$0x70];
	[tilespmem:$0x620] =	vst v49  }
0x69: {  	v49 =	vld.idx.msk [tilespmem:v17+s18+$0x0], $0xffff  }
0x6a: {  	v50 =	vld.idx.msk [tilespmem:v18+s19+$0x0], $0xffff  }
0x6b: {  	v60 =	vld.idx.msk [tilespmem:v17+s20+$0x0], $0xffff  }
0x6c: {  	v62 =	vld.idx.msk [tilespmem:v18+s21+$0x0], $0xffff;
	_ =	sdelay $0x1  }
0x6d: {  	vm14 =	vgt.f32 v49, v59  }
0x6e: {  	v49 =	vsel vm14, v49, v59  }
0x6f: {  	v63 =	vsel vm14, v60, v61;
	vm15 =	vgt.f32 v50, v49  }
0x70: {  	v55 =	vsel vm14, v19, v14;
	v50 =	vsel vm15, v62, v63  }
0x71: {  	v49 =	vsel vm15, v20, v55;
	[tilespmem:$0x5F0] =	vst v50  }
0x72: {  	s0 =	rddreg [dreg:$0x5];
	[tilespmem:$0x630] =	vst v49  }
0x73: {  	[tilespmem:s25], [sflag:$0x1] =	stream.indirect.gather [hbm4b:s0+s16], $0x20, s24, s16, $0xb8;
	[tilespmem:$0x2E40] =	vst v63  }
0x74: {  	s22 =	rddreg [dreg:$0x6]  }
0x75: {  	[tilespmem:s26], [sflag:$0x1] =	stream.indirect.gather [hbm4b:s22+s16], $0x20, s17, s16, $0xb8;
	[tilespmem:$0x2E40] =	vst v63  }
0x76: {  	_ = 	snop  }
0x77: {  	[tilespmem:s29], [sflag:$0x1] =	stream.indirect.gather [hbm4b:s3+s16], $0x20, s28, s16, $0xb8;
	[tilespmem:$0x2E40] =	vst v63  }
0x78: {  	_ =	swait.ge [sflag:s23], $0x800  }
0x79: {  	[sflag:s23] =	ssyncset.done $0x0  }
0x7a: {  	[sflag:s23] =	ssyncadd.s32 $0xFFFFF800  }
0x7b: {  	_ =	swait.ge [sflag:s23], $0x800  }
0x7c: {  	[sflag:s23] =	ssyncset.done $0x0  }
0x7d: {  	[sflag:s23] =	ssyncadd.s32 $0xFFFFF800  }
0x7e: {  	_ =	swait.ge [sflag:s23], $0x800  }
0x7f: {  	[sflag:s23] =	ssyncset.done $0x0  }
0x80: {  	[sflag:s23] =	ssyncadd.s32 $0xFFFFF800  }
0x81: {  	v56 =	vld [tilespmem:$0x1E40]  }
0x82: {  	v57 =	vld [tilespmem:$0x640]  }
0x83: {  	v58 =	vld [tilespmem:$0xE40]  }
0x84: {  	v59 =	vld [tilespmem:$0x1640];
	_ =	sdelay $0x4  }
0x85: {  	v49 =	vadd.f32 v57, v56;
	v60 =	vadd.f32 v59, v58;
	_ =	sdelay $0x1  }
0x86: {  	v49 =	vmul.f32 $5.000000000e-01, v49;
	v50 =	vmul.f32 $5.000000000e-01, v60;
	_ =	sdelay $0x1  }
0x87: {  	v50 =	vsub.f32 v50, v49;
	_ =	sdelay $0x1  }
0x88: {  	v49 =	vadd.f32 v50, v49;
	_ =	sdelay $0x1  }
0x89: {  	[tilespmem:v15+s30+$0x0] =	vst.idx.msk $0xffff, v49  }
0x8a: {  	v49 =	vld [tilespmem:$0x1E50]  }
0x8b: {  	v61 =	vld [tilespmem:$0x650]  }
0x8c: {  	v62 =	vld [tilespmem:$0xE50]  }
0x8d: {  	v63 =	vld [tilespmem:$0x1650];
	_ =	sdelay $0x4  }
0x8e: {  	v49 =	vadd.f32 v61, v49;
	v56 =	vadd.f32 v63, v62;
	_ =	sdelay $0x1  }
0x8f: {  	v49 =	vmul.f32 $5.000000000e-01, v49;
	v50 =	vmul.f32 $5.000000000e-01, v56;
	_ =	sdelay $0x1  }
0x90: {  	v50 =	vsub.f32 v50, v49;
	_ =	sdelay $0x1  }
0x91: {  	v49 =	vadd.f32 v50, v49;
	_ =	sdelay $0x1  }
0x92: {  	[tilespmem:v21+s30+$0x0] =	vst.idx.msk $0xffff, v49  }
0x93: {  	v49 =	vld [tilespmem:$0x1E60]  }
0x94: {  	v57 =	vld [tilespmem:$0x660]  }
0x95: {  	v58 =	vld [tilespmem:$0xE60]  }
0x96: {  	v59 =	vld [tilespmem:$0x1660];
	_ =	sdelay $0x4  }
0x97: {  	v49 =	vadd.f32 v57, v49;
	v60 =	vadd.f32 v59, v58;
	_ =	sdelay $0x1  }
0x98: {  	v49 =	vmul.f32 $5.000000000e-01, v49;
	v50 =	vmul.f32 $5.000000000e-01, v60;
	_ =	sdelay $0x1  }
0x99: {  	v50 =	vsub.f32 v50, v49;
	_ =	sdelay $0x1  }
0x9a: {  	v49 =	vadd.f32 v50, v49;
	_ =	sdelay $0x1  }
0x9b: {  	[tilespmem:v22+s30+$0x0] =	vst.idx.msk $0xffff, v49  }
0x9c: {  	v49 =	vld [tilespmem:$0x1E70]  }
0x9d: {  	v61 =	vld [tilespmem:$0x670]  }
0x9e: {  	v62 =	vld [tilespmem:$0xE70]  }
0x9f: {  	v63 =	vld [tilespmem:$0x1670];
	_ =	sdelay $0x4  }
0xa0: {  	v49 =	vadd.f32 v61, v49;
	v56 =	vadd.f32 v63, v62;
	_ =	sdelay $0x1  }
0xa1: {  	v49 =	vmul.f32 $5.000000000e-01, v49;
	v50 =	vmul.f32 $5.000000000e-01, v56;
	_ =	sdelay $0x1  }
0xa2: {  	v50 =	vsub.f32 v50, v49;
	_ =	sdelay $0x1  }
0xa3: {  	v49 =	vadd.f32 v50, v49;
	_ =	sdelay $0x1  }
0xa4: {  	[tilespmem:v23+s30+$0x0] =	vst.idx.msk $0xffff, v49  }
0xa5: {  	v49 =	vld [tilespmem:$0x1E80]  }
0xa6: {  	v57 =	vld [tilespmem:$0x680]  }
0xa7: {  	v58 =	vld [tilespmem:$0xE80]  }
0xa8: {  	v59 =	vld [tilespmem:$0x1680];
	_ =	sdelay $0x4  }
0xa9: {  	v49 =	vadd.f32 v57, v49;
	v60 =	vadd.f32 v59, v58;
	_ =	sdelay $0x1  }
0xaa: {  	v49 =	vmul.f32 $5.000000000e-01, v49;
	v50 =	vmul.f32 $5.000000000e-01, v60;
	_ =	sdelay $0x1  }
0xab: {  	v50 =	vsub.f32 v50, v49;
	_ =	sdelay $0x1  }
0xac: {  	v49 =	vadd.f32 v50, v49;
	_ =	sdelay $0x1  }
0xad: {  	[tilespmem:v24+s30+$0x0] =	vst.idx.msk $0xffff, v49  }
0xae: {  	v49 =	vld [tilespmem:$0x1E90]  }
0xaf: {  	v61 =	vld [tilespmem:$0x690]  }
0xb0: {  	v62 =	vld [tilespmem:$0xE90]  }
0xb1: {  	v63 =	vld [tilespmem:$0x1690];
	_ =	sdelay $0x4  }
0xb2: {  	v49 =	vadd.f32 v61, v49;
	v56 =	vadd.f32 v63, v62;
	_ =	sdelay $0x1  }
0xb3: {  	v49 =	vmul.f32 $5.000000000e-01, v49;
	v50 =	vmul.f32 $5.000000000e-01, v56;
	_ =	sdelay $0x1  }
0xb4: {  	v50 =	vsub.f32 v50, v49;
	_ =	sdelay $0x1  }
0xb5: {  	v49 =	vadd.f32 v50, v49;
	_ =	sdelay $0x1  }
0xb6: {  	[tilespmem:v25+s30+$0x0] =	vst.idx.msk $0xffff, v49  }
0xb7: {  	v49 =	vld [tilespmem:$0x1EA0]  }
0xb8: {  	v57 =	vld [tilespmem:$0x6A0]  }
0xb9: {  	v58 =	vld [tilespmem:$0xEA0]  }
0xba: {  	v59 =	vld [tilespmem:$0x16A0];
	_ =	sdelay $0x4  }
0xbb: {  	v49 =	vadd.f32 v57, v49;
	v60 =	vadd.f32 v59, v58;
	_ =	sdelay $0x1  }
0xbc: {  	v49 =	vmul.f32 $5.000000000e-01, v49;
	v50 =	vmul.f32 $5.000000000e-01, v60;
	_ =	sdelay $0x1  }
0xbd: {  	v50 =	vsub.f32 v50, v49;
	_ =	sdelay $0x1  }
0xbe: {  	v49 =	vadd.f32 v50, v49;
	_ =	sdelay $0x1  }
0xbf: {  	[tilespmem:v26+s30+$0x0] =	vst.idx.msk $0xffff, v49  }
0xc0: {  	v49 =	vld [tilespmem:$0x1EB0]  }
0xc1: {  	v61 =	vld [tilespmem:$0x6B0]  }
0xc2: {  	v62 =	vld [tilespmem:$0xEB0]  }
0xc3: {  	v63 =	vld [tilespmem:$0x16B0];
	_ =	sdelay $0x4  }
0xc4: {  	v49 =	vadd.f32 v61, v49;
	v56 =	vadd.f32 v63, v62;
	_ =	sdelay $0x1  }
0xc5: {  	v49 =	vmul.f32 $5.000000000e-01, v49;
	v50 =	vmul.f32 $5.000000000e-01, v56;
	_ =	sdelay $0x1  }
0xc6: {  	v50 =	vsub.f32 v50, v49;
	_ =	sdelay $0x1  }
0xc7: {  	v49 =	vadd.f32 v50, v49;
	_ =	sdelay $0x1  }
0xc8: {  	[tilespmem:v27+s30+$0x0] =	vst.idx.msk $0xffff, v49  }
0xc9: {  	v49 =	vld [tilespmem:$0x1EC0]  }
0xca: {  	v57 =	vld [tilespmem:$0x6C0]  }
0xcb: {  	v58 =	vld [tilespmem:$0xEC0]  }
0xcc: {  	v59 =	vld [tilespmem:$0x16C0];
	_ =	sdelay $0x4  }
0xcd: {  	v49 =	vadd.f32 v57, v49;
	v60 =	vadd.f32 v59, v58;
	_ =	sdelay $0x1  }
0xce: {  	v49 =	vmul.f32 $5.000000000e-01, v49;
	v50 =	vmul.f32 $5.000000000e-01, v60;
	_ =	sdelay $0x1  }
0xcf: {  	v50 =	vsub.f32 v50, v49;
	_ =	sdelay $0x1  }
0xd0: {  	v49 =	vadd.f32 v50, v49;
	_ =	sdelay $0x1  }
0xd1: {  	[tilespmem:v28+s30+$0x0] =	vst.idx.msk $0xffff, v49  }
0xd2: {  	v49 =	vld [tilespmem:$0x1ED0]  }
0xd3: {  	v61 =	vld [tilespmem:$0x6D0]  }
0xd4: {  	v62 =	vld [tilespmem:$0xED0]  }
0xd5: {  	v63 =	vld [tilespmem:$0x16D0];
	_ =	sdelay $0x4  }
0xd6: {  	v49 =	vadd.f32 v61, v49;
	v56 =	vadd.f32 v63, v62;
	_ =	sdelay $0x1  }
0xd7: {  	v49 =	vmul.f32 $5.000000000e-01, v49;
	v50 =	vmul.f32 $5.000000000e-01, v56;
	_ =	sdelay $0x1  }
0xd8: {  	v50 =	vsub.f32 v50, v49;
	_ =	sdelay $0x1  }
0xd9: {  	v49 =	vadd.f32 v50, v49;
	_ =	sdelay $0x1  }
0xda: {  	[tilespmem:v29+s30+$0x0] =	vst.idx.msk $0xffff, v49  }
0xdb: {  	v49 =	vld [tilespmem:$0x1EE0]  }
0xdc: {  	v57 =	vld [tilespmem:$0x6E0]  }
0xdd: {  	v58 =	vld [tilespmem:$0xEE0]  }
0xde: {  	v59 =	vld [tilespmem:$0x16E0];
	_ =	sdelay $0x4  }
0xdf: {  	v49 =	vadd.f32 v57, v49;
	v60 =	vadd.f32 v59, v58;
	_ =	sdelay $0x1  }
0xe0: {  	v49 =	vmul.f32 $5.000000000e-01, v49;
	v50 =	vmul.f32 $5.000000000e-01, v60;
	_ =	sdelay $0x1  }
0xe1: {  	v50 =	vsub.f32 v50, v49;
	_ =	sdelay $0x1  }
0xe2: {  	v49 =	vadd.f32 v50, v49;
	_ =	sdelay $0x1  }
0xe3: {  	[tilespmem:v30+s30+$0x0] =	vst.idx.msk $0xffff, v49  }
0xe4: {  	v49 =	vld [tilespmem:$0x1EF0]  }
0xe5: {  	v61 =	vld [tilespmem:$0x6F0]  }
0xe6: {  	v62 =	vld [tilespmem:$0xEF0]  }
0xe7: {  	v63 =	vld [tilespmem:$0x16F0];
	_ =	sdelay $0x4  }
0xe8: {  	v49 =	vadd.f32 v61, v49;
	v56 =	vadd.f32 v63, v62;
	_ =	sdelay $0x1  }
0xe9: {  	v49 =	vmul.f32 $5.000000000e-01, v49;
	v50 =	vmul.f32 $5.000000000e-01, v56;
	_ =	sdelay $0x1  }
0xea: {  	v50 =	vsub.f32 v50, v49;
	_ =	sdelay $0x1  }
0xeb: {  	v49 =	vadd.f32 v50, v49;
	_ =	sdelay $0x1  }
0xec: {  	[tilespmem:v31+s30+$0x0] =	vst.idx.msk $0xffff, v49  }
0xed: {  	v49 =	vld [tilespmem:$0x1F00]  }
0xee: {  	v57 =	vld [tilespmem:$0x700]  }
0xef: {  	v58 =	vld [tilespmem:$0xF00]  }
0xf0: {  	v59 =	vld [tilespmem:$0x1700];
	_ =	sdelay $0x4  }
0xf1: {  	v49 =	vadd.f32 v57, v49;
	v60 =	vadd.f32 v59, v58;
	_ =	sdelay $0x1  }
0xf2: {  	v49 =	vmul.f32 $5.000000000e-01, v49;
	v50 =	vmul.f32 $5.000000000e-01, v60;
	_ =	sdelay $0x1  }
0xf3: {  	v50 =	vsub.f32 v50, v49;
	_ =	sdelay $0x1  }
0xf4: {  	v49 =	vadd.f32 v50, v49;
	_ =	sdelay $0x1  }
0xf5: {  	[tilespmem:v32+s30+$0x0] =	vst.idx.msk $0xffff, v49  }
0xf6: {  	v49 =	vld [tilespmem:$0x1F10]  }
0xf7: {  	v61 =	vld [tilespmem:$0x710]  }
0xf8: {  	v62 =	vld [tilespmem:$0xF10]  }
0xf9: {  	v63 =	vld [tilespmem:$0x1710];
	_ =	sdelay $0x4  }
0xfa: {  	v49 =	vadd.f32 v61, v49;
	v56 =	vadd.f32 v63, v62;
	_ =	sdelay $0x1  }
0xfb: {  	v49 =	vmul.f32 $5.000000000e-01, v49;
	v50 =	vmul.f32 $5.000000000e-01, v56;
	_ =	sdelay $0x1  }
0xfc: {  	v50 =	vsub.f32 v50, v49;
	_ =	sdelay $0x1  }
0xfd: {  	v49 =	vadd.f32 v50, v49;
	_ =	sdelay $0x1  }
0xfe: {  	[tilespmem:v33+s30+$0x0] =	vst.idx.msk $0xffff, v49  }
0xff: {  	v49 =	vld [tilespmem:$0x1F20]  }
0x100: {  	v57 =	vld [tilespmem:$0x720]  }
0x101: {  	v58 =	vld [tilespmem:$0xF20]  }
0x102: {  	v59 =	vld [tilespmem:$0x1720];
	_ =	sdelay $0x4  }
0x103: {  	v49 =	vadd.f32 v57, v49;
	v60 =	vadd.f32 v59, v58;
	_ =	sdelay $0x1  }
0x104: {  	v49 =	vmul.f32 $5.000000000e-01, v49;
	v50 =	vmul.f32 $5.000000000e-01, v60;
	_ =	sdelay $0x1  }
0x105: {  	v50 =	vsub.f32 v50, v49;
	_ =	sdelay $0x1  }
0x106: {  	v49 =	vadd.f32 v50, v49;
	_ =	sdelay $0x1  }
0x107: {  	[tilespmem:v34+s30+$0x0] =	vst.idx.msk $0xffff, v49  }
0x108: {  	v49 =	vld [tilespmem:$0x1F30]  }
0x109: {  	v61 =	vld [tilespmem:$0x730]  }
0x10a: {  	v62 =	vld [tilespmem:$0xF30]  }
0x10b: {  	v63 =	vld [tilespmem:$0x1730];
	_ =	sdelay $0x4  }
0x10c: {  	v49 =	vadd.f32 v61, v49;
	v56 =	vadd.f32 v63, v62;
	_ =	sdelay $0x1  }
0x10d: {  	v49 =	vmul.f32 $5.000000000e-01, v49;
	v50 =	vmul.f32 $5.000000000e-01, v56;
	_ =	sdelay $0x1  }
0x10e: {  	v50 =	vsub.f32 v50, v49;
	_ =	sdelay $0x1  }
0x10f: {  	v49 =	vadd.f32 v50, v49;
	_ =	sdelay $0x1  }
0x110: {  	[tilespmem:v35+s30+$0x0] =	vst.idx.msk $0xffff, v49  }
0x111: {  	v49 =	vld [tilespmem:$0x1F40]  }
0x112: {  	v57 =	vld [tilespmem:$0x740]  }
0x113: {  	v58 =	vld [tilespmem:$0xF40]  }
0x114: {  	v59 =	vld [tilespmem:$0x1740];
	_ =	sdelay $0x4  }
0x115: {  	v49 =	vadd.f32 v57, v49;
	v60 =	vadd.f32 v59, v58;
	_ =	sdelay $0x1  }
0x116: {  	v49 =	vmul.f32 $5.000000000e-01, v49;
	v50 =	vmul.f32 $5.000000000e-01, v60;
	_ =	sdelay $0x1  }
0x117: {  	v50 =	vsub.f32 v50, v49;
	_ =	sdelay $0x1  }
0x118: {  	v49 =	vadd.f32 v50, v49;
	_ =	sdelay $0x1  }
0x119: {  	[tilespmem:v36+s30+$0x0] =	vst.idx.msk $0xffff, v49  }
0x11a: {  	v49 =	vld [tilespmem:$0x1F50]  }
0x11b: {  	v61 =	vld [tilespmem:$0x750]  }
0x11c: {  	v62 =	vld [tilespmem:$0xF50]  }
0x11d: {  	v63 =	vld [tilespmem:$0x1750];
	_ =	sdelay $0x4  }
0x11e: {  	v49 =	vadd.f32 v61, v49;
	v56 =	vadd.f32 v63, v62;
	_ =	sdelay $0x1  }
0x11f: {  	v49 =	vmul.f32 $5.000000000e-01, v49;
	v50 =	vmul.f32 $5.000000000e-01, v56;
	_ =	sdelay $0x1  }
0x120: {  	v50 =	vsub.f32 v50, v49;
	_ =	sdelay $0x1  }
0x121: {  	v49 =	vadd.f32 v50, v49;
	_ =	sdelay $0x1  }
0x122: {  	[tilespmem:v37+s30+$0x0] =	vst.idx.msk $0xffff, v49  }
0x123: {  	v49 =	vld [tilespmem:$0x1F60]  }
0x124: {  	v57 =	vld [tilespmem:$0x760]  }
0x125: {  	v58 =	vld [tilespmem:$0xF60]  }
0x126: {  	v59 =	vld [tilespmem:$0x1760];
	_ =	sdelay $0x4  }
0x127: {  	v49 =	vadd.f32 v57, v49;
	v60 =	vadd.f32 v59, v58;
	_ =	sdelay $0x1  }
0x128: {  	v49 =	vmul.f32 $5.000000000e-01, v49;
	v50 =	vmul.f32 $5.000000000e-01, v60;
	_ =	sdelay $0x1  }
0x129: {  	v50 =	vsub.f32 v50, v49;
	_ =	sdelay $0x1  }
0x12a: {  	v49 =	vadd.f32 v50, v49;
	_ =	sdelay $0x1  }
0x12b: {  	[tilespmem:v38+s30+$0x0] =	vst.idx.msk $0xffff, v49  }
0x12c: {  	v49 =	vld [tilespmem:$0x1F70]  }
0x12d: {  	v61 =	vld [tilespmem:$0x770]  }
0x12e: {  	v62 =	vld [tilespmem:$0xF70]  }
0x12f: {  	v63 =	vld [tilespmem:$0x1770];
	_ =	sdelay $0x4  }
0x130: {  	v49 =	vadd.f32 v61, v49;
	v56 =	vadd.f32 v63, v62;
	_ =	sdelay $0x1  }
0x131: {  	v49 =	vmul.f32 $5.000000000e-01, v49;
	v50 =	vmul.f32 $5.000000000e-01, v56;
	_ =	sdelay $0x1  }
0x132: {  	v50 =	vsub.f32 v50, v49;
	_ =	sdelay $0x1  }
0x133: {  	v49 =	vadd.f32 v50, v49;
	_ =	sdelay $0x1  }
0x134: {  	[tilespmem:v39+s30+$0x0] =	vst.idx.msk $0xffff, v49  }
0x135: {  	v49 =	vld [tilespmem:$0x1F80]  }
0x136: {  	v57 =	vld [tilespmem:$0x780]  }
0x137: {  	v58 =	vld [tilespmem:$0xF80]  }
0x138: {  	v59 =	vld [tilespmem:$0x1780];
	_ =	sdelay $0x4  }
0x139: {  	v49 =	vadd.f32 v57, v49;
	v60 =	vadd.f32 v59, v58;
	_ =	sdelay $0x1  }
0x13a: {  	v49 =	vmul.f32 $5.000000000e-01, v49;
	v50 =	vmul.f32 $5.000000000e-01, v60;
	_ =	sdelay $0x1  }
0x13b: {  	v50 =	vsub.f32 v50, v49;
	_ =	sdelay $0x1  }
0x13c: {  	v49 =	vadd.f32 v50, v49;
	_ =	sdelay $0x1  }
0x13d: {  	[tilespmem:v40+s30+$0x0] =	vst.idx.msk $0xffff, v49  }
0x13e: {  	v49 =	vld [tilespmem:$0x1F90]  }
0x13f: {  	v61 =	vld [tilespmem:$0x790]  }
0x140: {  	v62 =	vld [tilespmem:$0xF90]  }
0x141: {  	v63 =	vld [tilespmem:$0x1790];
	_ =	sdelay $0x4  }
0x142: {  	v49 =	vadd.f32 v61, v49;
	v56 =	vadd.f32 v63, v62;
	_ =	sdelay $0x1  }
0x143: {  	v49 =	vmul.f32 $5.000000000e-01, v49;
	v50 =	vmul.f32 $5.000000000e-01, v56;
	_ =	sdelay $0x1  }
0x144: {  	v50 =	vsub.f32 v50, v49;
	_ =	sdelay $0x1  }
0x145: {  	v49 =	vadd.f32 v50, v49;
	_ =	sdelay $0x1  }
0x146: {  	[tilespmem:v41+s30+$0x0] =	vst.idx.msk $0xffff, v49  }
0x147: {  	v49 =	vld [tilespmem:$0x1FA0]  }
0x148: {  	v57 =	vld [tilespmem:$0x7A0]  }
0x149: {  	v58 =	vld [tilespmem:$0xFA0]  }
0x14a: {  	v59 =	vld [tilespmem:$0x17A0];
	_ =	sdelay $0x4  }
0x14b: {  	v49 =	vadd.f32 v57, v49;
	v60 =	vadd.f32 v59, v58;
	_ =	sdelay $0x1  }
0x14c: {  	v49 =	vmul.f32 $5.000000000e-01, v49;
	v50 =	vmul.f32 $5.000000000e-01, v60;
	_ =	sdelay $0x1  }
0x14d: {  	v50 =	vsub.f32 v50, v49;
	_ =	sdelay $0x1  }
0x14e: {  	v49 =	vadd.f32 v50, v49;
	_ =	sdelay $0x1  }
0x14f: {  	[tilespmem:v42+s30+$0x0] =	vst.idx.msk $0xffff, v49  }
0x150: {  	v49 =	vld [tilespmem:$0x1FB0]  }
0x151: {  	v61 =	vld [tilespmem:$0x7B0]  }
0x152: {  	v62 =	vld [tilespmem:$0xFB0]  }
0x153: {  	v63 =	vld [tilespmem:$0x17B0];
	_ =	sdelay $0x4  }
0x154: {  	v49 =	vadd.f32 v61, v49;
	v56 =	vadd.f32 v63, v62;
	_ =	sdelay $0x1  }
0x155: {  	v49 =	vmul.f32 $5.000000000e-01, v49;
	v50 =	vmul.f32 $5.000000000e-01, v56;
	_ =	sdelay $0x1  }
0x156: {  	v50 =	vsub.f32 v50, v49;
	_ =	sdelay $0x1  }
0x157: {  	v49 =	vadd.f32 v50, v49;
	_ =	sdelay $0x1  }
0x158: {  	[tilespmem:v43+s30+$0x0] =	vst.idx.msk $0xffff, v49  }
0x159: {  	v49 =	vld [tilespmem:$0x1FC0]  }
0x15a: {  	v57 =	vld [tilespmem:$0x7C0]  }
0x15b: {  	v58 =	vld [tilespmem:$0xFC0]  }
0x15c: {  	v59 =	vld [tilespmem:$0x17C0];
	_ =	sdelay $0x4  }
0x15d: {  	v49 =	vadd.f32 v57, v49;
	v60 =	vadd.f32 v59, v58;
	_ =	sdelay $0x1  }
0x15e: {  	v49 =	vmul.f32 $5.000000000e-01, v49;
	v50 =	vmul.f32 $5.000000000e-01, v60;
	_ =	sdelay $0x1  }
0x15f: {  	v50 =	vsub.f32 v50, v49;
	_ =	sdelay $0x1  }
0x160: {  	v49 =	vadd.f32 v50, v49;
	_ =	sdelay $0x1  }
0x161: {  	[tilespmem:v44+s30+$0x0] =	vst.idx.msk $0xffff, v49  }
0x162: {  	v49 =	vld [tilespmem:$0x1FD0]  }
0x163: {  	v61 =	vld [tilespmem:$0x7D0]  }
0x164: {  	v62 =	vld [tilespmem:$0xFD0]  }
0x165: {  	v63 =	vld [tilespmem:$0x17D0];
	_ =	sdelay $0x4  }
0x166: {  	v49 =	vadd.f32 v61, v49;
	v56 =	vadd.f32 v63, v62;
	_ =	sdelay $0x1  }
0x167: {  	v49 =	vmul.f32 $5.000000000e-01, v49;
	v50 =	vmul.f32 $5.000000000e-01, v56;
	_ =	sdelay $0x1  }
0x168: {  	v50 =	vsub.f32 v50, v49;
	_ =	sdelay $0x1  }
0x169: {  	v49 =	vadd.f32 v50, v49;
	_ =	sdelay $0x1  }
0x16a: {  	[tilespmem:v45+s30+$0x0] =	vst.idx.msk $0xffff, v49  }
0x16b: {  	v49 =	vld [tilespmem:$0x1FE0]  }
0x16c: {  	v57 =	vld [tilespmem:$0x7E0]  }
0x16d: {  	v58 =	vld [tilespmem:$0xFE0]  }
0x16e: {  	v59 =	vld [tilespmem:$0x17E0];
	_ =	sdelay $0x4  }
0x16f: {  	v49 =	vadd.f32 v57, v49;
	v60 =	vadd.f32 v59, v58;
	_ =	sdelay $0x1  }
0x170: {  	v49 =	vmul.f32 $5.000000000e-01, v49;
	v50 =	vmul.f32 $5.000000000e-01, v60;
	_ =	sdelay $0x1  }
0x171: {  	v50 =	vsub.f32 v50, v49;
	_ =	sdelay $0x1  }
0x172: {  	v49 =	vadd.f32 v50, v49;
	_ =	sdelay $0x1  }
0x173: {  	[tilespmem:v46+s30+$0x0] =	vst.idx.msk $0xffff, v49  }
0x174: {  	v49 =	vld [tilespmem:$0x1FF0]  }
0x175: {  	v61 =	vld [tilespmem:$0x7F0]  }
0x176: {  	v62 =	vld [tilespmem:$0xFF0]  }
0x177: {  	v63 =	vld [tilespmem:$0x17F0];
	_ =	sdelay $0x4  }
0x178: {  	v49 =	vadd.f32 v61, v49;
	v56 =	vadd.f32 v63, v62;
	_ =	sdelay $0x1  }
0x179: {  	v49 =	vmul.f32 $5.000000000e-01, v49;
	v50 =	vmul.f32 $5.000000000e-01, v56;
	_ =	sdelay $0x1  }
0x17a: {  	v50 =	vsub.f32 v50, v49;
	_ =	sdelay $0x1  }
0x17b: {  	v49 =	vadd.f32 v50, v49;
	_ =	sdelay $0x1  }
0x17c: {  	[tilespmem:v47+s30+$0x0] =	vst.idx.msk $0xffff, v49  }
0x17d: {  	v49 =	vld [tilespmem:$0x2000]  }
0x17e: {  	v57 =	vld [tilespmem:$0x800]  }
0x17f: {  	v58 =	vld [tilespmem:$0x1000]  }
0x180: {  	v59 =	vld [tilespmem:$0x1800];
	_ =	sdelay $0x4  }
0x181: {  	v49 =	vadd.f32 v57, v49;
	v60 =	vadd.f32 v59, v58;
	_ =	sdelay $0x1  }
0x182: {  	v49 =	vmul.f32 $5.000000000e-01, v49;
	v50 =	vmul.f32 $5.000000000e-01, v60;
	_ =	sdelay $0x1  }
0x183: {  	v50 =	vsub.f32 v50, v49;
	_ =	sdelay $0x1  }
0x184: {  	v49 =	vadd.f32 v50, v49;
	_ =	sdelay $0x1  }
0x185: {  	[tilespmem:v48+s30+$0x0] =	vst.idx.msk $0xffff, v49  }
0x186: {  	v49 =	vld [tilespmem:$0x2010]  }
0x187: {  	v61 =	vld [tilespmem:$0x810]  }
0x188: {  	v62 =	vld [tilespmem:$0x1010]  }
0x189: {  	v63 =	vld [tilespmem:$0x1810];
	_ =	sdelay $0x4  }
0x18a: {  	v49 =	vadd.f32 v61, v49;
	v56 =	vadd.f32 v63, v62;
	_ =	sdelay $0x1  }
0x18b: {  	v49 =	vmul.f32 $5.000000000e-01, v49;
	v50 =	vmul.f32 $5.000000000e-01, v56  }
0x18c: {  	v57 =	vor.u32 $0x40E, v15  }
0x18d: {  	v50 =	vsub.f32 v50, v49;
	_ =	sdelay $0x1  }
0x18e: {  	v49 =	vadd.f32 v50, v49;
	_ =	sdelay $0x1  }
0x18f: {  	[tilespmem:v57+s30+$0x0] =	vst.idx.msk $0xffff, v49  }
0x190: {  	v49 =	vld [tilespmem:$0x2020]  }
0x191: {  	v58 =	vld [tilespmem:$0x820]  }
0x192: {  	v51 =	vld [tilespmem:$0x1020]  }
0x193: {  	v59 =	vld [tilespmem:$0x1820];
	_ =	sdelay $0x4  }
0x194: {  	v49 =	vadd.f32 v58, v49;
	v60 =	vadd.f32 v59, v51;
	_ =	sdelay $0x1  }
0x195: {  	v49 =	vmul.f32 $5.000000000e-01, v49;
	v50 =	vmul.f32 $5.000000000e-01, v60  }
0x196: {  	v61 =	vor.u32 $0xF, v15  }
0x197: {  	v50 =	vsub.f32 v50, v49;
	_ =	sdelay $0x1  }
0x198: {  	v49 =	vadd.f32 v50, v49;
	_ =	sdelay $0x1  }
0x199: {  	[tilespmem:v61+s30+$0x0] =	vst.idx.msk $0xffff, v49  }
0x19a: {  	v49 =	vld [tilespmem:$0x2030]  }
0x19b: {  	v62 =	vld [tilespmem:$0x830]  }
0x19c: {  	v51 =	vld [tilespmem:$0x1030]  }
0x19d: {  	v63 =	vld [tilespmem:$0x1830];
	_ =	sdelay $0x4  }
0x19e: {  	v49 =	vadd.f32 v62, v49;
	v56 =	vadd.f32 v63, v51;
	_ =	sdelay $0x1  }
0x19f: {  	v49 =	vmul.f32 $5.000000000e-01, v49;
	v50 =	vmul.f32 $5.000000000e-01, v56  }
0x1a0: {  	v57 =	vor.u32 $0x40F, v15  }
0x1a1: {  	v50 =	vsub.f32 v50, v49;
	_ =	sdelay $0x1  }
0x1a2: {  	v49 =	vadd.f32 v50, v49;
	_ =	sdelay $0x1  }
0x1a3: {  	[tilespmem:v57+s30+$0x0] =	vst.idx.msk $0xffff, v49  }
0x1a4: {  	v49 =	vld [tilespmem:$0x2040]  }
0x1a5: {  	v58 =	vld [tilespmem:$0x840]  }
0x1a6: {  	v51 =	vld [tilespmem:$0x1040]  }
0x1a7: {  	v59 =	vld [tilespmem:$0x1840];
	_ =	sdelay $0x4  }
0x1a8: {  	v49 =	vadd.f32 v58, v49;
	v60 =	vadd.f32 v59, v51;
	_ =	sdelay $0x1  }
0x1a9: {  	v49 =	vmul.f32 $5.000000000e-01, v49;
	v50 =	vmul.f32 $5.000000000e-01, v60  }
0x1aa: {  	v61 =	vor.u32 $0x10, v15  }
0x1ab: {  	v50 =	vsub.f32 v50, v49;
	_ =	sdelay $0x1  }
0x1ac: {  	v49 =	vadd.f32 v50, v49;
	_ =	sdelay $0x1  }
0x1ad: {  	[tilespmem:v61+s30+$0x0] =	vst.idx.msk $0xffff, v49  }
0x1ae: {  	v49 =	vld [tilespmem:$0x2050]  }
0x1af: {  	v62 =	vld [tilespmem:$0x850]  }
0x1b0: {  	v51 =	vld [tilespmem:$0x1050]  }
0x1b1: {  	v63 =	vld [tilespmem:$0x1850];
	_ =	sdelay $0x4  }
0x1b2: {  	v49 =	vadd.f32 v62, v49;
	v56 =	vadd.f32 v63, v51;
	_ =	sdelay $0x1  }
0x1b3: {  	v49 =	vmul.f32 $5.000000000e-01, v49;
	v50 =	vmul.f32 $5.000000000e-01, v56  }
0x1b4: {  	v57 =	vor.u32 $0x410, v15  }
0x1b5: {  	v50 =	vsub.f32 v50, v49;
	_ =	sdelay $0x1  }
0x1b6: {  	v49 =	vadd.f32 v50, v49;
	_ =	sdelay $0x1  }
0x1b7: {  	[tilespmem:v57+s30+$0x0] =	vst.idx.msk $0xffff, v49  }
0x1b8: {  	v49 =	vld [tilespmem:$0x2060]  }
0x1b9: {  	v58 =	vld [tilespmem:$0x860]  }
0x1ba: {  	v51 =	vld [tilespmem:$0x1060]  }
0x1bb: {  	v59 =	vld [tilespmem:$0x1860];
	_ =	sdelay $0x4  }
0x1bc: {  	v49 =	vadd.f32 v58, v49;
	v60 =	vadd.f32 v59, v51;
	_ =	sdelay $0x1  }
0x1bd: {  	v49 =	vmul.f32 $5.000000000e-01, v49;
	v50 =	vmul.f32 $5.000000000e-01, v60  }
0x1be: {  	v61 =	vor.u32 $0x11, v15  }
0x1bf: {  	v50 =	vsub.f32 v50, v49;
	_ =	sdelay $0x1  }
0x1c0: {  	v49 =	vadd.f32 v50, v49;
	_ =	sdelay $0x1  }
0x1c1: {  	[tilespmem:v61+s30+$0x0] =	vst.idx.msk $0xffff, v49  }
0x1c2: {  	v49 =	vld [tilespmem:$0x2070]  }
0x1c3: {  	v62 =	vld [tilespmem:$0x870]  }
0x1c4: {  	v51 =	vld [tilespmem:$0x1070]  }
0x1c5: {  	v63 =	vld [tilespmem:$0x1870];
	_ =	sdelay $0x4  }
0x1c6: {  	v49 =	vadd.f32 v62, v49;
	v56 =	vadd.f32 v63, v51;
	_ =	sdelay $0x1  }
0x1c7: {  	v49 =	vmul.f32 $5.000000000e-01, v49;
	v50 =	vmul.f32 $5.000000000e-01, v56  }
0x1c8: {  	v57 =	vor.u32 $0x411, v15  }
0x1c9: {  	v50 =	vsub.f32 v50, v49;
	_ =	sdelay $0x1  }
0x1ca: {  	v49 =	vadd.f32 v50, v49;
	_ =	sdelay $0x1  }
0x1cb: {  	[tilespmem:v57+s30+$0x0] =	vst.idx.msk $0xffff, v49  }
0x1cc: {  	v49 =	vld [tilespmem:$0x2080]  }
0x1cd: {  	v58 =	vld [tilespmem:$0x880]  }
0x1ce: {  	v51 =	vld [tilespmem:$0x1080]  }
0x1cf: {  	v59 =	vld [tilespmem:$0x1880];
	_ =	sdelay $0x4  }
0x1d0: {  	v49 =	vadd.f32 v58, v49;
	v60 =	vadd.f32 v59, v51;
	_ =	sdelay $0x1  }
0x1d1: {  	v49 =	vmul.f32 $5.000000000e-01, v49;
	v50 =	vmul.f32 $5.000000000e-01, v60  }
0x1d2: {  	v61 =	vor.u32 $0x12, v15  }
0x1d3: {  	v50 =	vsub.f32 v50, v49;
	_ =	sdelay $0x1  }
0x1d4: {  	v49 =	vadd.f32 v50, v49;
	_ =	sdelay $0x1  }
0x1d5: {  	[tilespmem:v61+s30+$0x0] =	vst.idx.msk $0xffff, v49  }
0x1d6: {  	v49 =	vld [tilespmem:$0x2090]  }
0x1d7: {  	v62 =	vld [tilespmem:$0x890]  }
0x1d8: {  	v51 =	vld [tilespmem:$0x1090]  }
0x1d9: {  	v63 =	vld [tilespmem:$0x1890];
	_ =	sdelay $0x4  }
0x1da: {  	v49 =	vadd.f32 v62, v49;
	v56 =	vadd.f32 v63, v51;
	_ =	sdelay $0x1  }
0x1db: {  	v49 =	vmul.f32 $5.000000000e-01, v49;
	v50 =	vmul.f32 $5.000000000e-01, v56  }
0x1dc: {  	v57 =	vor.u32 $0x412, v15  }
0x1dd: {  	v50 =	vsub.f32 v50, v49;
	_ =	sdelay $0x1  }
0x1de: {  	v49 =	vadd.f32 v50, v49;
	_ =	sdelay $0x1  }
0x1df: {  	[tilespmem:v57+s30+$0x0] =	vst.idx.msk $0xffff, v49  }
0x1e0: {  	v49 =	vld [tilespmem:$0x20A0]  }
0x1e1: {  	v58 =	vld [tilespmem:$0x8A0]  }
0x1e2: {  	v51 =	vld [tilespmem:$0x10A0]  }
0x1e3: {  	v59 =	vld [tilespmem:$0x18A0];
	_ =	sdelay $0x4  }
0x1e4: {  	v49 =	vadd.f32 v58, v49;
	v60 =	vadd.f32 v59, v51;
	_ =	sdelay $0x1  }
0x1e5: {  	v49 =	vmul.f32 $5.000000000e-01, v49;
	v50 =	vmul.f32 $5.000000000e-01, v60  }
0x1e6: {  	v61 =	vor.u32 $0x13, v15  }
0x1e7: {  	v50 =	vsub.f32 v50, v49;
	_ =	sdelay $0x1  }
0x1e8: {  	v49 =	vadd.f32 v50, v49;
	_ =	sdelay $0x1  }
0x1e9: {  	[tilespmem:v61+s30+$0x0] =	vst.idx.msk $0xffff, v49  }
0x1ea: {  	v49 =	vld [tilespmem:$0x20B0]  }
0x1eb: {  	v62 =	vld [tilespmem:$0x8B0]  }
0x1ec: {  	v51 =	vld [tilespmem:$0x10B0]  }
0x1ed: {  	v63 =	vld [tilespmem:$0x18B0];
	_ =	sdelay $0x4  }
0x1ee: {  	v49 =	vadd.f32 v62, v49;
	v56 =	vadd.f32 v63, v51;
	_ =	sdelay $0x1  }
0x1ef: {  	v49 =	vmul.f32 $5.000000000e-01, v49;
	v50 =	vmul.f32 $5.000000000e-01, v56  }
0x1f0: {  	v57 =	vor.u32 $0x413, v15  }
0x1f1: {  	v50 =	vsub.f32 v50, v49;
	_ =	sdelay $0x1  }
0x1f2: {  	v49 =	vadd.f32 v50, v49;
	_ =	sdelay $0x1  }
0x1f3: {  	[tilespmem:v57+s30+$0x0] =	vst.idx.msk $0xffff, v49  }
0x1f4: {  	v49 =	vld [tilespmem:$0x20C0]  }
0x1f5: {  	v58 =	vld [tilespmem:$0x8C0]  }
0x1f6: {  	v51 =	vld [tilespmem:$0x10C0]  }
0x1f7: {  	v59 =	vld [tilespmem:$0x18C0];
	_ =	sdelay $0x4  }
0x1f8: {  	v49 =	vadd.f32 v58, v49;
	v60 =	vadd.f32 v59, v51;
	_ =	sdelay $0x1  }
0x1f9: {  	v49 =	vmul.f32 $5.000000000e-01, v49;
	v50 =	vmul.f32 $5.000000000e-01, v60  }
0x1fa: {  	v61 =	vor.u32 $0x14, v15  }
0x1fb: {  	v50 =	vsub.f32 v50, v49;
	_ =	sdelay $0x1  }
0x1fc: {  	v49 =	vadd.f32 v50, v49;
	_ =	sdelay $0x1  }
0x1fd: {  	[tilespmem:v61+s30+$0x0] =	vst.idx.msk $0xffff, v49  }
0x1fe: {  	v49 =	vld [tilespmem:$0x20D0]  }
0x1ff: {  	v62 =	vld [tilespmem:$0x8D0]  }
0x200: {  	v51 =	vld [tilespmem:$0x10D0]  }
0x201: {  	v63 =	vld [tilespmem:$0x18D0];
	_ =	sdelay $0x4  }
0x202: {  	v49 =	vadd.f32 v62, v49;
	v56 =	vadd.f32 v63, v51;
	_ =	sdelay $0x1  }
0x203: {  	v49 =	vmul.f32 $5.000000000e-01, v49;
	v50 =	vmul.f32 $5.000000000e-01, v56  }
0x204: {  	v57 =	vor.u32 $0x414, v15  }
0x205: {  	v50 =	vsub.f32 v50, v49;
	_ =	sdelay $0x1  }
0x206: {  	v49 =	vadd.f32 v50, v49;
	_ =	sdelay $0x1  }
0x207: {  	[tilespmem:v57+s30+$0x0] =	vst.idx.msk $0xffff, v49  }
0x208: {  	v49 =	vld [tilespmem:$0x20E0]  }
0x209: {  	v58 =	vld [tilespmem:$0x8E0]  }
0x20a: {  	v51 =	vld [tilespmem:$0x10E0]  }
0x20b: {  	v59 =	vld [tilespmem:$0x18E0];
	_ =	sdelay $0x4  }
0x20c: {  	v49 =	vadd.f32 v58, v49;
	v60 =	vadd.f32 v59, v51;
	_ =	sdelay $0x1  }
0x20d: {  	v49 =	vmul.f32 $5.000000000e-01, v49;
	v50 =	vmul.f32 $5.000000000e-01, v60  }
0x20e: {  	v61 =	vor.u32 $0x15, v15  }
0x20f: {  	v50 =	vsub.f32 v50, v49;
	_ =	sdelay $0x1  }
0x210: {  	v49 =	vadd.f32 v50, v49;
	_ =	sdelay $0x1  }
0x211: {  	[tilespmem:v61+s30+$0x0] =	vst.idx.msk $0xffff, v49  }
0x212: {  	v49 =	vld [tilespmem:$0x20F0]  }
0x213: {  	v62 =	vld [tilespmem:$0x8F0]  }
0x214: {  	v51 =	vld [tilespmem:$0x10F0]  }
0x215: {  	v63 =	vld [tilespmem:$0x18F0];
	_ =	sdelay $0x4  }
0x216: {  	v49 =	vadd.f32 v62, v49;
	v56 =	vadd.f32 v63, v51;
	_ =	sdelay $0x1  }
0x217: {  	v49 =	vmul.f32 $5.000000000e-01, v49;
	v50 =	vmul.f32 $5.000000000e-01, v56  }
0x218: {  	v57 =	vor.u32 $0x415, v15  }
0x219: {  	v50 =	vsub.f32 v50, v49;
	_ =	sdelay $0x1  }
0x21a: {  	v49 =	vadd.f32 v50, v49;
	_ =	sdelay $0x1  }
0x21b: {  	[tilespmem:v57+s30+$0x0] =	vst.idx.msk $0xffff, v49  }
0x21c: {  	v49 =	vld [tilespmem:$0x2100]  }
0x21d: {  	v58 =	vld [tilespmem:$0x900]  }
0x21e: {  	v51 =	vld [tilespmem:$0x1100]  }
0x21f: {  	v59 =	vld [tilespmem:$0x1900];
	_ =	sdelay $0x4  }
0x220: {  	v49 =	vadd.f32 v58, v49;
	v60 =	vadd.f32 v59, v51;
	_ =	sdelay $0x1  }
0x221: {  	v49 =	vmul.f32 $5.000000000e-01, v49;
	v50 =	vmul.f32 $5.000000000e-01, v60  }
0x222: {  	v61 =	vor.u32 $0x16, v15  }
0x223: {  	v50 =	vsub.f32 v50, v49;
	_ =	sdelay $0x1  }
0x224: {  	v49 =	vadd.f32 v50, v49;
	_ =	sdelay $0x1  }
0x225: {  	[tilespmem:v61+s30+$0x0] =	vst.idx.msk $0xffff, v49  }
0x226: {  	v49 =	vld [tilespmem:$0x2110]  }
0x227: {  	v62 =	vld [tilespmem:$0x910]  }
0x228: {  	v51 =	vld [tilespmem:$0x1110]  }
0x229: {  	v63 =	vld [tilespmem:$0x1910];
	_ =	sdelay $0x4  }
0x22a: {  	v49 =	vadd.f32 v62, v49;
	v56 =	vadd.f32 v63, v51;
	_ =	sdelay $0x1  }
0x22b: {  	v49 =	vmul.f32 $5.000000000e-01, v49;
	v50 =	vmul.f32 $5.000000000e-01, v56  }
0x22c: {  	v57 =	vor.u32 $0x416, v15  }
0x22d: {  	v50 =	vsub.f32 v50, v49;
	_ =	sdelay $0x1  }
0x22e: {  	v49 =	vadd.f32 v50, v49;
	_ =	sdelay $0x1  }
0x22f: {  	[tilespmem:v57+s30+$0x0] =	vst.idx.msk $0xffff, v49  }
0x230: {  	v49 =	vld [tilespmem:$0x2120]  }
0x231: {  	v58 =	vld [tilespmem:$0x920]  }
0x232: {  	v51 =	vld [tilespmem:$0x1120]  }
0x233: {  	v59 =	vld [tilespmem:$0x1920];
	_ =	sdelay $0x4  }
0x234: {  	v49 =	vadd.f32 v58, v49;
	v60 =	vadd.f32 v59, v51;
	_ =	sdelay $0x1  }
0x235: {  	v49 =	vmul.f32 $5.000000000e-01, v49;
	v50 =	vmul.f32 $5.000000000e-01, v60  }
0x236: {  	v61 =	vor.u32 $0x17, v15  }
0x237: {  	v50 =	vsub.f32 v50, v49;
	_ =	sdelay $0x1  }
0x238: {  	v49 =	vadd.f32 v50, v49;
	_ =	sdelay $0x1  }
0x239: {  	[tilespmem:v61+s30+$0x0] =	vst.idx.msk $0xffff, v49  }
0x23a: {  	v49 =	vld [tilespmem:$0x2130]  }
0x23b: {  	v62 =	vld [tilespmem:$0x930]  }
0x23c: {  	v51 =	vld [tilespmem:$0x1130]  }
0x23d: {  	v63 =	vld [tilespmem:$0x1930];
	_ =	sdelay $0x4  }
0x23e: {  	v49 =	vadd.f32 v62, v49;
	v56 =	vadd.f32 v63, v51;
	_ =	sdelay $0x1  }
0x23f: {  	v49 =	vmul.f32 $5.000000000e-01, v49;
	v50 =	vmul.f32 $5.000000000e-01, v56  }
0x240: {  	v57 =	vor.u32 $0x417, v15  }
0x241: {  	v50 =	vsub.f32 v50, v49;
	_ =	sdelay $0x1  }
0x242: {  	v49 =	vadd.f32 v50, v49;
	_ =	sdelay $0x1  }
0x243: {  	[tilespmem:v57+s30+$0x0] =	vst.idx.msk $0xffff, v49  }
0x244: {  	v49 =	vld [tilespmem:$0x2140]  }
0x245: {  	v58 =	vld [tilespmem:$0x940]  }
0x246: {  	v51 =	vld [tilespmem:$0x1140]  }
0x247: {  	v59 =	vld [tilespmem:$0x1940];
	_ =	sdelay $0x4  }
0x248: {  	v49 =	vadd.f32 v58, v49;
	v60 =	vadd.f32 v59, v51;
	_ =	sdelay $0x1  }
0x249: {  	v49 =	vmul.f32 $5.000000000e-01, v49;
	v50 =	vmul.f32 $5.000000000e-01, v60  }
0x24a: {  	v61 =	vor.u32 $0x18, v15  }
0x24b: {  	v50 =	vsub.f32 v50, v49;
	_ =	sdelay $0x1  }
0x24c: {  	v49 =	vadd.f32 v50, v49;
	_ =	sdelay $0x1  }
0x24d: {  	[tilespmem:v61+s30+$0x0] =	vst.idx.msk $0xffff, v49  }
0x24e: {  	v49 =	vld [tilespmem:$0x2150]  }
0x24f: {  	v62 =	vld [tilespmem:$0x950]  }
0x250: {  	v51 =	vld [tilespmem:$0x1150]  }
0x251: {  	v63 =	vld [tilespmem:$0x1950];
	_ =	sdelay $0x4  }
0x252: {  	v49 =	vadd.f32 v62, v49;
	v56 =	vadd.f32 v63, v51;
	_ =	sdelay $0x1  }
0x253: {  	v49 =	vmul.f32 $5.000000000e-01, v49;
	v50 =	vmul.f32 $5.000000000e-01, v56  }
0x254: {  	v57 =	vor.u32 $0x418, v15  }
0x255: {  	v50 =	vsub.f32 v50, v49;
	_ =	sdelay $0x1  }
0x256: {  	v49 =	vadd.f32 v50, v49;
	_ =	sdelay $0x1  }
0x257: {  	[tilespmem:v57+s30+$0x0] =	vst.idx.msk $0xffff, v49  }
0x258: {  	v49 =	vld [tilespmem:$0x2160]  }
0x259: {  	v58 =	vld [tilespmem:$0x960]  }
0x25a: {  	v51 =	vld [tilespmem:$0x1160]  }
0x25b: {  	v59 =	vld [tilespmem:$0x1960];
	_ =	sdelay $0x4  }
0x25c: {  	v49 =	vadd.f32 v58, v49;
	v60 =	vadd.f32 v59, v51;
	_ =	sdelay $0x1  }
0x25d: {  	v49 =	vmul.f32 $5.000000000e-01, v49;
	v50 =	vmul.f32 $5.000000000e-01, v60  }
0x25e: {  	v61 =	vor.u32 $0x19, v15  }
0x25f: {  	v50 =	vsub.f32 v50, v49;
	_ =	sdelay $0x1  }
0x260: {  	v49 =	vadd.f32 v50, v49;
	_ =	sdelay $0x1  }
0x261: {  	[tilespmem:v61+s30+$0x0] =	vst.idx.msk $0xffff, v49  }
0x262: {  	v49 =	vld [tilespmem:$0x2170]  }
0x263: {  	v62 =	vld [tilespmem:$0x970]  }
0x264: {  	v51 =	vld [tilespmem:$0x1170]  }
0x265: {  	v63 =	vld [tilespmem:$0x1970];
	_ =	sdelay $0x4  }
0x266: {  	v49 =	vadd.f32 v62, v49;
	v56 =	vadd.f32 v63, v51;
	_ =	sdelay $0x1  }
0x267: {  	v49 =	vmul.f32 $5.000000000e-01, v49;
	v50 =	vmul.f32 $5.000000000e-01, v56  }
0x268: {  	v57 =	vor.u32 $0x419, v15  }
0x269: {  	v50 =	vsub.f32 v50, v49;
	_ =	sdelay $0x1  }
0x26a: {  	v49 =	vadd.f32 v50, v49;
	_ =	sdelay $0x1  }
0x26b: {  	[tilespmem:v57+s30+$0x0] =	vst.idx.msk $0xffff, v49  }
0x26c: {  	v49 =	vld [tilespmem:$0x2180]  }
0x26d: {  	v58 =	vld [tilespmem:$0x980]  }
0x26e: {  	v51 =	vld [tilespmem:$0x1180]  }
0x26f: {  	v59 =	vld [tilespmem:$0x1980];
	_ =	sdelay $0x4  }
0x270: {  	v49 =	vadd.f32 v58, v49;
	v60 =	vadd.f32 v59, v51;
	_ =	sdelay $0x1  }
0x271: {  	v49 =	vmul.f32 $5.000000000e-01, v49;
	v50 =	vmul.f32 $5.000000000e-01, v60  }
0x272: {  	v61 =	vor.u32 $0x1A, v15  }
0x273: {  	v50 =	vsub.f32 v50, v49;
	_ =	sdelay $0x1  }
0x274: {  	v49 =	vadd.f32 v50, v49;
	_ =	sdelay $0x1  }
0x275: {  	[tilespmem:v61+s30+$0x0] =	vst.idx.msk $0xffff, v49  }
0x276: {  	v49 =	vld [tilespmem:$0x2190]  }
0x277: {  	v62 =	vld [tilespmem:$0x990]  }
0x278: {  	v51 =	vld [tilespmem:$0x1190]  }
0x279: {  	v63 =	vld [tilespmem:$0x1990];
	_ =	sdelay $0x4  }
0x27a: {  	v49 =	vadd.f32 v62, v49;
	v56 =	vadd.f32 v63, v51;
	_ =	sdelay $0x1  }
0x27b: {  	v49 =	vmul.f32 $5.000000000e-01, v49;
	v50 =	vmul.f32 $5.000000000e-01, v56  }
0x27c: {  	v57 =	vor.u32 $0x41A, v15  }
0x27d: {  	v50 =	vsub.f32 v50, v49;
	_ =	sdelay $0x1  }
0x27e: {  	v49 =	vadd.f32 v50, v49;
	_ =	sdelay $0x1  }
0x27f: {  	[tilespmem:v57+s30+$0x0] =	vst.idx.msk $0xffff, v49  }
0x280: {  	v49 =	vld [tilespmem:$0x21A0]  }
0x281: {  	v58 =	vld [tilespmem:$0x9A0]  }
0x282: {  	v51 =	vld [tilespmem:$0x11A0]  }
0x283: {  	v59 =	vld [tilespmem:$0x19A0];
	_ =	sdelay $0x4  }
0x284: {  	v49 =	vadd.f32 v58, v49;
	v60 =	vadd.f32 v59, v51;
	_ =	sdelay $0x1  }
0x285: {  	v49 =	vmul.f32 $5.000000000e-01, v49;
	v50 =	vmul.f32 $5.000000000e-01, v60  }
0x286: {  	v61 =	vor.u32 $0x1B, v15  }
0x287: {  	v50 =	vsub.f32 v50, v49;
	_ =	sdelay $0x1  }
0x288: {  	v49 =	vadd.f32 v50, v49;
	_ =	sdelay $0x1  }
0x289: {  	[tilespmem:v61+s30+$0x0] =	vst.idx.msk $0xffff, v49  }
0x28a: {  	v49 =	vld [tilespmem:$0x21B0]  }
0x28b: {  	v62 =	vld [tilespmem:$0x9B0]  }
0x28c: {  	v51 =	vld [tilespmem:$0x11B0]  }
0x28d: {  	v63 =	vld [tilespmem:$0x19B0];
	_ =	sdelay $0x4  }
0x28e: {  	v49 =	vadd.f32 v62, v49;
	v56 =	vadd.f32 v63, v51;
	_ =	sdelay $0x1  }
0x28f: {  	v49 =	vmul.f32 $5.000000000e-01, v49;
	v50 =	vmul.f32 $5.000000000e-01, v56  }
0x290: {  	v57 =	vor.u32 $0x41B, v15  }
0x291: {  	v50 =	vsub.f32 v50, v49;
	_ =	sdelay $0x1  }
0x292: {  	v49 =	vadd.f32 v50, v49;
	_ =	sdelay $0x1  }
0x293: {  	[tilespmem:v57+s30+$0x0] =	vst.idx.msk $0xffff, v49  }
0x294: {  	v49 =	vld [tilespmem:$0x21C0]  }
0x295: {  	v58 =	vld [tilespmem:$0x9C0]  }
0x296: {  	v51 =	vld [tilespmem:$0x11C0]  }
0x297: {  	v59 =	vld [tilespmem:$0x19C0];
	_ =	sdelay $0x4  }
0x298: {  	v49 =	vadd.f32 v58, v49;
	v60 =	vadd.f32 v59, v51;
	_ =	sdelay $0x1  }
0x299: {  	v49 =	vmul.f32 $5.000000000e-01, v49;
	v50 =	vmul.f32 $5.000000000e-01, v60  }
0x29a: {  	v61 =	vor.u32 $0x1C, v15  }
0x29b: {  	v50 =	vsub.f32 v50, v49;
	_ =	sdelay $0x1  }
0x29c: {  	v49 =	vadd.f32 v50, v49;
	_ =	sdelay $0x1  }
0x29d: {  	[tilespmem:v61+s30+$0x0] =	vst.idx.msk $0xffff, v49  }
0x29e: {  	v49 =	vld [tilespmem:$0x21D0]  }
0x29f: {  	v62 =	vld [tilespmem:$0x9D0]  }
0x2a0: {  	v51 =	vld [tilespmem:$0x11D0]  }
0x2a1: {  	v63 =	vld [tilespmem:$0x19D0];
	_ =	sdelay $0x4  }
0x2a2: {  	v49 =	vadd.f32 v62, v49;
	v56 =	vadd.f32 v63, v51;
	_ =	sdelay $0x1  }
0x2a3: {  	v49 =	vmul.f32 $5.000000000e-01, v49;
	v50 =	vmul.f32 $5.000000000e-01, v56  }
0x2a4: {  	v57 =	vor.u32 $0x41C, v15  }
0x2a5: {  	v50 =	vsub.f32 v50, v49;
	_ =	sdelay $0x1  }
0x2a6: {  	v49 =	vadd.f32 v50, v49;
	_ =	sdelay $0x1  }
0x2a7: {  	[tilespmem:v57+s30+$0x0] =	vst.idx.msk $0xffff, v49  }
0x2a8: {  	v49 =	vld [tilespmem:$0x21E0]  }
0x2a9: {  	v58 =	vld [tilespmem:$0x9E0]  }
0x2aa: {  	v51 =	vld [tilespmem:$0x11E0]  }
0x2ab: {  	v59 =	vld [tilespmem:$0x19E0];
	_ =	sdelay $0x4  }
0x2ac: {  	v49 =	vadd.f32 v58, v49;
	v60 =	vadd.f32 v59, v51;
	_ =	sdelay $0x1  }
0x2ad: {  	v49 =	vmul.f32 $5.000000000e-01, v49;
	v50 =	vmul.f32 $5.000000000e-01, v60  }
0x2ae: {  	v61 =	vor.u32 $0x1D, v15  }
0x2af: {  	v50 =	vsub.f32 v50, v49;
	_ =	sdelay $0x1  }
0x2b0: {  	v49 =	vadd.f32 v50, v49;
	_ =	sdelay $0x1  }
0x2b1: {  	[tilespmem:v61+s30+$0x0] =	vst.idx.msk $0xffff, v49  }
0x2b2: {  	v49 =	vld [tilespmem:$0x21F0]  }
0x2b3: {  	v62 =	vld [tilespmem:$0x9F0]  }
0x2b4: {  	v51 =	vld [tilespmem:$0x11F0]  }
0x2b5: {  	v63 =	vld [tilespmem:$0x19F0];
	_ =	sdelay $0x4  }
0x2b6: {  	v49 =	vadd.f32 v62, v49;
	v56 =	vadd.f32 v63, v51;
	_ =	sdelay $0x1  }
0x2b7: {  	v49 =	vmul.f32 $5.000000000e-01, v49;
	v50 =	vmul.f32 $5.000000000e-01, v56  }
0x2b8: {  	v57 =	vor.u32 $0x41D, v15  }
0x2b9: {  	v50 =	vsub.f32 v50, v49;
	_ =	sdelay $0x1  }
0x2ba: {  	v49 =	vadd.f32 v50, v49;
	_ =	sdelay $0x1  }
0x2bb: {  	[tilespmem:v57+s30+$0x0] =	vst.idx.msk $0xffff, v49  }
0x2bc: {  	v49 =	vld [tilespmem:$0x2200]  }
0x2bd: {  	v58 =	vld [tilespmem:$0xA00]  }
0x2be: {  	v51 =	vld [tilespmem:$0x1200]  }
0x2bf: {  	v59 =	vld [tilespmem:$0x1A00];
	_ =	sdelay $0x4  }
0x2c0: {  	v49 =	vadd.f32 v58, v49;
	v60 =	vadd.f32 v59, v51;
	_ =	sdelay $0x1  }
0x2c1: {  	v49 =	vmul.f32 $5.000000000e-01, v49;
	v50 =	vmul.f32 $5.000000000e-01, v60  }
0x2c2: {  	v61 =	vor.u32 $0x1E, v15  }
0x2c3: {  	v50 =	vsub.f32 v50, v49;
	_ =	sdelay $0x1  }
0x2c4: {  	v49 =	vadd.f32 v50, v49;
	_ =	sdelay $0x1  }
0x2c5: {  	[tilespmem:v61+s30+$0x0] =	vst.idx.msk $0xffff, v49  }
0x2c6: {  	v49 =	vld [tilespmem:$0x2210]  }
0x2c7: {  	v62 =	vld [tilespmem:$0xA10]  }
0x2c8: {  	v51 =	vld [tilespmem:$0x1210]  }
0x2c9: {  	v63 =	vld [tilespmem:$0x1A10];
	_ =	sdelay $0x4  }
0x2ca: {  	v49 =	vadd.f32 v62, v49;
	v56 =	vadd.f32 v63, v51;
	_ =	sdelay $0x1  }
0x2cb: {  	v49 =	vmul.f32 $5.000000000e-01, v49;
	v50 =	vmul.f32 $5.000000000e-01, v56  }
0x2cc: {  	v57 =	vor.u32 $0x41E, v15  }
0x2cd: {  	v50 =	vsub.f32 v50, v49;
	_ =	sdelay $0x1  }
0x2ce: {  	v49 =	vadd.f32 v50, v49;
	_ =	sdelay $0x1  }
0x2cf: {  	[tilespmem:v57+s30+$0x0] =	vst.idx.msk $0xffff, v49  }
0x2d0: {  	v49 =	vld [tilespmem:$0x2220]  }
0x2d1: {  	v58 =	vld [tilespmem:$0xA20]  }
0x2d2: {  	v51 =	vld [tilespmem:$0x1220]  }
0x2d3: {  	v59 =	vld [tilespmem:$0x1A20];
	_ =	sdelay $0x4  }
0x2d4: {  	v49 =	vadd.f32 v58, v49;
	v60 =	vadd.f32 v59, v51;
	_ =	sdelay $0x1  }
0x2d5: {  	v49 =	vmul.f32 $5.000000000e-01, v49;
	v50 =	vmul.f32 $5.000000000e-01, v60  }
0x2d6: {  	v61 =	vor.u32 $0x1F, v15  }
0x2d7: {  	v50 =	vsub.f32 v50, v49;
	_ =	sdelay $0x1  }
0x2d8: {  	v49 =	vadd.f32 v50, v49;
	_ =	sdelay $0x1  }
0x2d9: {  	[tilespmem:v61+s30+$0x0] =	vst.idx.msk $0xffff, v49  }
0x2da: {  	v49 =	vld [tilespmem:$0x2230]  }
0x2db: {  	v62 =	vld [tilespmem:$0xA30]  }
0x2dc: {  	v51 =	vld [tilespmem:$0x1230]  }
0x2dd: {  	v63 =	vld [tilespmem:$0x1A30];
	_ =	sdelay $0x4  }
0x2de: {  	v49 =	vadd.f32 v62, v49;
	v56 =	vadd.f32 v63, v51;
	_ =	sdelay $0x1  }
0x2df: {  	v49 =	vmul.f32 $5.000000000e-01, v49;
	v50 =	vmul.f32 $5.000000000e-01, v56  }
0x2e0: {  	v57 =	vor.u32 $0x41F, v15  }
0x2e1: {  	v50 =	vsub.f32 v50, v49;
	_ =	sdelay $0x1  }
0x2e2: {  	v49 =	vadd.f32 v50, v49;
	_ =	sdelay $0x1  }
0x2e3: {  	[tilespmem:v57+s30+$0x0] =	vst.idx.msk $0xffff, v49  }
0x2e4: {  	v49 =	vld [tilespmem:$0x2240]  }
0x2e5: {  	v58 =	vld [tilespmem:$0xA40]  }
0x2e6: {  	v51 =	vld [tilespmem:$0x1240]  }
0x2e7: {  	v59 =	vld [tilespmem:$0x1A40];
	_ =	sdelay $0x4  }
0x2e8: {  	v49 =	vadd.f32 v58, v49;
	v60 =	vadd.f32 v59, v51;
	_ =	sdelay $0x1  }
0x2e9: {  	v49 =	vmul.f32 $5.000000000e-01, v49;
	v50 =	vmul.f32 $5.000000000e-01, v60  }
0x2ea: {  	v61 =	vor.u32 $0x20, v15  }
0x2eb: {  	v50 =	vsub.f32 v50, v49;
	_ =	sdelay $0x1  }
0x2ec: {  	v49 =	vadd.f32 v50, v49;
	_ =	sdelay $0x1  }
0x2ed: {  	[tilespmem:v61+s30+$0x0] =	vst.idx.msk $0xffff, v49  }
0x2ee: {  	v49 =	vld [tilespmem:$0x2250]  }
0x2ef: {  	v62 =	vld [tilespmem:$0xA50]  }
0x2f0: {  	v51 =	vld [tilespmem:$0x1250]  }
0x2f1: {  	v63 =	vld [tilespmem:$0x1A50];
	_ =	sdelay $0x4  }
0x2f2: {  	v49 =	vadd.f32 v62, v49;
	v56 =	vadd.f32 v63, v51;
	_ =	sdelay $0x1  }
0x2f3: {  	v49 =	vmul.f32 $5.000000000e-01, v49;
	v50 =	vmul.f32 $5.000000000e-01, v56  }
0x2f4: {  	v57 =	vor.u32 $0x420, v15  }
0x2f5: {  	v50 =	vsub.f32 v50, v49;
	_ =	sdelay $0x1  }
0x2f6: {  	v49 =	vadd.f32 v50, v49;
	_ =	sdelay $0x1  }
0x2f7: {  	[tilespmem:v57+s30+$0x0] =	vst.idx.msk $0xffff, v49  }
0x2f8: {  	v49 =	vld [tilespmem:$0x2260]  }
0x2f9: {  	v58 =	vld [tilespmem:$0xA60]  }
0x2fa: {  	v51 =	vld [tilespmem:$0x1260]  }
0x2fb: {  	v59 =	vld [tilespmem:$0x1A60];
	_ =	sdelay $0x4  }
0x2fc: {  	v49 =	vadd.f32 v58, v49;
	v60 =	vadd.f32 v59, v51;
	_ =	sdelay $0x1  }
0x2fd: {  	v49 =	vmul.f32 $5.000000000e-01, v49;
	v50 =	vmul.f32 $5.000000000e-01, v60  }
0x2fe: {  	v61 =	vor.u32 $0x21, v15  }
0x2ff: {  	v50 =	vsub.f32 v50, v49;
	_ =	sdelay $0x1  }
0x300: {  	v49 =	vadd.f32 v50, v49;
	_ =	sdelay $0x1  }
0x301: {  	[tilespmem:v61+s30+$0x0] =	vst.idx.msk $0xffff, v49  }
0x302: {  	v49 =	vld [tilespmem:$0x2270]  }
0x303: {  	v62 =	vld [tilespmem:$0xA70]  }
0x304: {  	v51 =	vld [tilespmem:$0x1270]  }
0x305: {  	v63 =	vld [tilespmem:$0x1A70];
	_ =	sdelay $0x4  }
0x306: {  	v49 =	vadd.f32 v62, v49;
	v56 =	vadd.f32 v63, v51;
	_ =	sdelay $0x1  }
0x307: {  	v49 =	vmul.f32 $5.000000000e-01, v49;
	v50 =	vmul.f32 $5.000000000e-01, v56  }
0x308: {  	v57 =	vor.u32 $0x421, v15  }
0x309: {  	v50 =	vsub.f32 v50, v49;
	_ =	sdelay $0x1  }
0x30a: {  	v49 =	vadd.f32 v50, v49;
	_ =	sdelay $0x1  }
0x30b: {  	[tilespmem:v57+s30+$0x0] =	vst.idx.msk $0xffff, v49  }
0x30c: {  	v49 =	vld [tilespmem:$0x2280]  }
0x30d: {  	v58 =	vld [tilespmem:$0xA80]  }
0x30e: {  	v51 =	vld [tilespmem:$0x1280]  }
0x30f: {  	v59 =	vld [tilespmem:$0x1A80];
	_ =	sdelay $0x4  }
0x310: {  	v49 =	vadd.f32 v58, v49;
	v60 =	vadd.f32 v59, v51;
	_ =	sdelay $0x1  }
0x311: {  	v49 =	vmul.f32 $5.000000000e-01, v49;
	v50 =	vmul.f32 $5.000000000e-01, v60  }
0x312: {  	v61 =	vor.u32 $0x22, v15  }
0x313: {  	v50 =	vsub.f32 v50, v49;
	_ =	sdelay $0x1  }
0x314: {  	v49 =	vadd.f32 v50, v49;
	_ =	sdelay $0x1  }
0x315: {  	[tilespmem:v61+s30+$0x0] =	vst.idx.msk $0xffff, v49  }
0x316: {  	v49 =	vld [tilespmem:$0x2290]  }
0x317: {  	v62 =	vld [tilespmem:$0xA90]  }
0x318: {  	v51 =	vld [tilespmem:$0x1290]  }
0x319: {  	v63 =	vld [tilespmem:$0x1A90];
	_ =	sdelay $0x4  }
0x31a: {  	v49 =	vadd.f32 v62, v49;
	v56 =	vadd.f32 v63, v51;
	_ =	sdelay $0x1  }
0x31b: {  	v49 =	vmul.f32 $5.000000000e-01, v49;
	v50 =	vmul.f32 $5.000000000e-01, v56  }
0x31c: {  	v57 =	vor.u32 $0x422, v15  }
0x31d: {  	v50 =	vsub.f32 v50, v49;
	_ =	sdelay $0x1  }
0x31e: {  	v49 =	vadd.f32 v50, v49;
	_ =	sdelay $0x1  }
0x31f: {  	[tilespmem:v57+s30+$0x0] =	vst.idx.msk $0xffff, v49  }
0x320: {  	v49 =	vld [tilespmem:$0x22A0]  }
0x321: {  	v58 =	vld [tilespmem:$0xAA0]  }
0x322: {  	v51 =	vld [tilespmem:$0x12A0]  }
0x323: {  	v59 =	vld [tilespmem:$0x1AA0];
	_ =	sdelay $0x4  }
0x324: {  	v49 =	vadd.f32 v58, v49;
	v60 =	vadd.f32 v59, v51;
	_ =	sdelay $0x1  }
0x325: {  	v49 =	vmul.f32 $5.000000000e-01, v49;
	v50 =	vmul.f32 $5.000000000e-01, v60  }
0x326: {  	v61 =	vor.u32 $0x23, v15  }
0x327: {  	v50 =	vsub.f32 v50, v49;
	_ =	sdelay $0x1  }
0x328: {  	v49 =	vadd.f32 v50, v49;
	_ =	sdelay $0x1  }
0x329: {  	[tilespmem:v61+s30+$0x0] =	vst.idx.msk $0xffff, v49  }
0x32a: {  	v49 =	vld [tilespmem:$0x22B0]  }
0x32b: {  	v62 =	vld [tilespmem:$0xAB0]  }
0x32c: {  	v51 =	vld [tilespmem:$0x12B0]  }
0x32d: {  	v63 =	vld [tilespmem:$0x1AB0];
	_ =	sdelay $0x4  }
0x32e: {  	v49 =	vadd.f32 v62, v49;
	v56 =	vadd.f32 v63, v51;
	_ =	sdelay $0x1  }
0x32f: {  	v49 =	vmul.f32 $5.000000000e-01, v49;
	v50 =	vmul.f32 $5.000000000e-01, v56  }
0x330: {  	v57 =	vor.u32 $0x423, v15  }
0x331: {  	v50 =	vsub.f32 v50, v49;
	_ =	sdelay $0x1  }
0x332: {  	v49 =	vadd.f32 v50, v49;
	_ =	sdelay $0x1  }
0x333: {  	[tilespmem:v57+s30+$0x0] =	vst.idx.msk $0xffff, v49  }
0x334: {  	v49 =	vld [tilespmem:$0x22C0]  }
0x335: {  	v58 =	vld [tilespmem:$0xAC0]  }
0x336: {  	v51 =	vld [tilespmem:$0x12C0]  }
0x337: {  	v59 =	vld [tilespmem:$0x1AC0];
	_ =	sdelay $0x4  }
0x338: {  	v49 =	vadd.f32 v58, v49;
	v60 =	vadd.f32 v59, v51;
	_ =	sdelay $0x1  }
0x339: {  	v49 =	vmul.f32 $5.000000000e-01, v49;
	v50 =	vmul.f32 $5.000000000e-01, v60  }
0x33a: {  	v61 =	vor.u32 $0x24, v15  }
0x33b: {  	v50 =	vsub.f32 v50, v49;
	_ =	sdelay $0x1  }
0x33c: {  	v49 =	vadd.f32 v50, v49;
	_ =	sdelay $0x1  }
0x33d: {  	[tilespmem:v61+s30+$0x0] =	vst.idx.msk $0xffff, v49  }
0x33e: {  	v49 =	vld [tilespmem:$0x22D0]  }
0x33f: {  	v62 =	vld [tilespmem:$0xAD0]  }
0x340: {  	v51 =	vld [tilespmem:$0x12D0]  }
0x341: {  	v63 =	vld [tilespmem:$0x1AD0];
	_ =	sdelay $0x4  }
0x342: {  	v49 =	vadd.f32 v62, v49;
	v56 =	vadd.f32 v63, v51;
	_ =	sdelay $0x1  }
0x343: {  	v49 =	vmul.f32 $5.000000000e-01, v49;
	v50 =	vmul.f32 $5.000000000e-01, v56  }
0x344: {  	v57 =	vor.u32 $0x424, v15  }
0x345: {  	v50 =	vsub.f32 v50, v49;
	_ =	sdelay $0x1  }
0x346: {  	v49 =	vadd.f32 v50, v49;
	_ =	sdelay $0x1  }
0x347: {  	[tilespmem:v57+s30+$0x0] =	vst.idx.msk $0xffff, v49  }
0x348: {  	v49 =	vld [tilespmem:$0x22E0]  }
0x349: {  	v58 =	vld [tilespmem:$0xAE0]  }
0x34a: {  	v51 =	vld [tilespmem:$0x12E0]  }
0x34b: {  	v59 =	vld [tilespmem:$0x1AE0];
	_ =	sdelay $0x4  }
0x34c: {  	v49 =	vadd.f32 v58, v49;
	v60 =	vadd.f32 v59, v51;
	_ =	sdelay $0x1  }
0x34d: {  	v49 =	vmul.f32 $5.000000000e-01, v49;
	v50 =	vmul.f32 $5.000000000e-01, v60  }
0x34e: {  	v61 =	vor.u32 $0x25, v15  }
0x34f: {  	v50 =	vsub.f32 v50, v49;
	_ =	sdelay $0x1  }
0x350: {  	v49 =	vadd.f32 v50, v49;
	_ =	sdelay $0x1  }
0x351: {  	[tilespmem:v61+s30+$0x0] =	vst.idx.msk $0xffff, v49  }
0x352: {  	v49 =	vld [tilespmem:$0x22F0]  }
0x353: {  	v62 =	vld [tilespmem:$0xAF0]  }
0x354: {  	v51 =	vld [tilespmem:$0x12F0]  }
0x355: {  	v63 =	vld [tilespmem:$0x1AF0];
	_ =	sdelay $0x4  }
0x356: {  	v49 =	vadd.f32 v62, v49;
	v56 =	vadd.f32 v63, v51;
	_ =	sdelay $0x1  }
0x357: {  	v49 =	vmul.f32 $5.000000000e-01, v49;
	v50 =	vmul.f32 $5.000000000e-01, v56  }
0x358: {  	v57 =	vor.u32 $0x425, v15  }
0x359: {  	v50 =	vsub.f32 v50, v49;
	_ =	sdelay $0x1  }
0x35a: {  	v49 =	vadd.f32 v50, v49;
	_ =	sdelay $0x1  }
0x35b: {  	[tilespmem:v57+s30+$0x0] =	vst.idx.msk $0xffff, v49  }
0x35c: {  	v49 =	vld [tilespmem:$0x2300]  }
0x35d: {  	v58 =	vld [tilespmem:$0xB00]  }
0x35e: {  	v51 =	vld [tilespmem:$0x1300]  }
0x35f: {  	v59 =	vld [tilespmem:$0x1B00];
	_ =	sdelay $0x4  }
0x360: {  	v49 =	vadd.f32 v58, v49;
	v60 =	vadd.f32 v59, v51;
	_ =	sdelay $0x1  }
0x361: {  	v49 =	vmul.f32 $5.000000000e-01, v49;
	v50 =	vmul.f32 $5.000000000e-01, v60  }
0x362: {  	v61 =	vor.u32 $0x26, v15  }
0x363: {  	v50 =	vsub.f32 v50, v49;
	_ =	sdelay $0x1  }
0x364: {  	v49 =	vadd.f32 v50, v49;
	_ =	sdelay $0x1  }
0x365: {  	[tilespmem:v61+s30+$0x0] =	vst.idx.msk $0xffff, v49  }
0x366: {  	v49 =	vld [tilespmem:$0x2310]  }
0x367: {  	v62 =	vld [tilespmem:$0xB10]  }
0x368: {  	v51 =	vld [tilespmem:$0x1310]  }
0x369: {  	v63 =	vld [tilespmem:$0x1B10];
	_ =	sdelay $0x4  }
0x36a: {  	v49 =	vadd.f32 v62, v49;
	v56 =	vadd.f32 v63, v51;
	_ =	sdelay $0x1  }
0x36b: {  	v49 =	vmul.f32 $5.000000000e-01, v49;
	v50 =	vmul.f32 $5.000000000e-01, v56  }
0x36c: {  	v57 =	vor.u32 $0x426, v15  }
0x36d: {  	v50 =	vsub.f32 v50, v49;
	_ =	sdelay $0x1  }
0x36e: {  	v49 =	vadd.f32 v50, v49;
	_ =	sdelay $0x1  }
0x36f: {  	[tilespmem:v57+s30+$0x0] =	vst.idx.msk $0xffff, v49  }
0x370: {  	v49 =	vld [tilespmem:$0x2320]  }
0x371: {  	v58 =	vld [tilespmem:$0xB20]  }
0x372: {  	v51 =	vld [tilespmem:$0x1320]  }
0x373: {  	v59 =	vld [tilespmem:$0x1B20];
	_ =	sdelay $0x4  }
0x374: {  	v49 =	vadd.f32 v58, v49;
	v60 =	vadd.f32 v59, v51;
	_ =	sdelay $0x1  }
0x375: {  	v49 =	vmul.f32 $5.000000000e-01, v49;
	v50 =	vmul.f32 $5.000000000e-01, v60  }
0x376: {  	v61 =	vor.u32 $0x27, v15  }
0x377: {  	v50 =	vsub.f32 v50, v49;
	_ =	sdelay $0x1  }
0x378: {  	v49 =	vadd.f32 v50, v49;
	_ =	sdelay $0x1  }
0x379: {  	[tilespmem:v61+s30+$0x0] =	vst.idx.msk $0xffff, v49  }
0x37a: {  	v49 =	vld [tilespmem:$0x2330]  }
0x37b: {  	v62 =	vld [tilespmem:$0xB30]  }
0x37c: {  	v51 =	vld [tilespmem:$0x1330]  }
0x37d: {  	v63 =	vld [tilespmem:$0x1B30];
	_ =	sdelay $0x4  }
0x37e: {  	v49 =	vadd.f32 v62, v49;
	v56 =	vadd.f32 v63, v51;
	_ =	sdelay $0x1  }
0x37f: {  	v49 =	vmul.f32 $5.000000000e-01, v49;
	v50 =	vmul.f32 $5.000000000e-01, v56  }
0x380: {  	v57 =	vor.u32 $0x427, v15  }
0x381: {  	v50 =	vsub.f32 v50, v49;
	_ =	sdelay $0x1  }
0x382: {  	v49 =	vadd.f32 v50, v49;
	_ =	sdelay $0x1  }
0x383: {  	[tilespmem:v57+s30+$0x0] =	vst.idx.msk $0xffff, v49  }
0x384: {  	v49 =	vld [tilespmem:$0x2340]  }
0x385: {  	v58 =	vld [tilespmem:$0xB40]  }
0x386: {  	v51 =	vld [tilespmem:$0x1340]  }
0x387: {  	v59 =	vld [tilespmem:$0x1B40];
	_ =	sdelay $0x4  }
0x388: {  	v49 =	vadd.f32 v58, v49;
	v60 =	vadd.f32 v59, v51;
	_ =	sdelay $0x1  }
0x389: {  	v49 =	vmul.f32 $5.000000000e-01, v49;
	v50 =	vmul.f32 $5.000000000e-01, v60  }
0x38a: {  	v61 =	vor.u32 $0x28, v15  }
0x38b: {  	v50 =	vsub.f32 v50, v49;
	_ =	sdelay $0x1  }
0x38c: {  	v49 =	vadd.f32 v50, v49;
	_ =	sdelay $0x1  }
0x38d: {  	[tilespmem:v61+s30+$0x0] =	vst.idx.msk $0xffff, v49  }
0x38e: {  	v49 =	vld [tilespmem:$0x2350]  }
0x38f: {  	v62 =	vld [tilespmem:$0xB50]  }
0x390: {  	v51 =	vld [tilespmem:$0x1350]  }
0x391: {  	v63 =	vld [tilespmem:$0x1B50];
	_ =	sdelay $0x4  }
0x392: {  	v49 =	vadd.f32 v62, v49;
	v56 =	vadd.f32 v63, v51;
	_ =	sdelay $0x1  }
0x393: {  	v49 =	vmul.f32 $5.000000000e-01, v49;
	v50 =	vmul.f32 $5.000000000e-01, v56  }
0x394: {  	v57 =	vor.u32 $0x428, v15  }
0x395: {  	v50 =	vsub.f32 v50, v49;
	_ =	sdelay $0x1  }
0x396: {  	v49 =	vadd.f32 v50, v49;
	_ =	sdelay $0x1  }
0x397: {  	[tilespmem:v57+s30+$0x0] =	vst.idx.msk $0xffff, v49  }
0x398: {  	v49 =	vld [tilespmem:$0x2360]  }
0x399: {  	v58 =	vld [tilespmem:$0xB60]  }
0x39a: {  	v51 =	vld [tilespmem:$0x1360]  }
0x39b: {  	v59 =	vld [tilespmem:$0x1B60];
	_ =	sdelay $0x4  }
0x39c: {  	v49 =	vadd.f32 v58, v49;
	v60 =	vadd.f32 v59, v51;
	_ =	sdelay $0x1  }
0x39d: {  	v49 =	vmul.f32 $5.000000000e-01, v49;
	v50 =	vmul.f32 $5.000000000e-01, v60  }
0x39e: {  	v61 =	vor.u32 $0x29, v15  }
0x39f: {  	v50 =	vsub.f32 v50, v49;
	_ =	sdelay $0x1  }
0x3a0: {  	v49 =	vadd.f32 v50, v49;
	_ =	sdelay $0x1  }
0x3a1: {  	[tilespmem:v61+s30+$0x0] =	vst.idx.msk $0xffff, v49  }
0x3a2: {  	v49 =	vld [tilespmem:$0x2370]  }
0x3a3: {  	v62 =	vld [tilespmem:$0xB70]  }
0x3a4: {  	v51 =	vld [tilespmem:$0x1370]  }
0x3a5: {  	v63 =	vld [tilespmem:$0x1B70];
	_ =	sdelay $0x4  }
0x3a6: {  	v49 =	vadd.f32 v62, v49;
	v56 =	vadd.f32 v63, v51;
	_ =	sdelay $0x1  }
0x3a7: {  	v49 =	vmul.f32 $5.000000000e-01, v49;
	v50 =	vmul.f32 $5.000000000e-01, v56  }
0x3a8: {  	v57 =	vor.u32 $0x429, v15  }
0x3a9: {  	v50 =	vsub.f32 v50, v49;
	_ =	sdelay $0x1  }
0x3aa: {  	v49 =	vadd.f32 v50, v49;
	_ =	sdelay $0x1  }
0x3ab: {  	[tilespmem:v57+s30+$0x0] =	vst.idx.msk $0xffff, v49  }
0x3ac: {  	v49 =	vld [tilespmem:$0x2380]  }
0x3ad: {  	v58 =	vld [tilespmem:$0xB80]  }
0x3ae: {  	v51 =	vld [tilespmem:$0x1380]  }
0x3af: {  	v59 =	vld [tilespmem:$0x1B80];
	_ =	sdelay $0x4  }
0x3b0: {  	v49 =	vadd.f32 v58, v49;
	v60 =	vadd.f32 v59, v51;
	_ =	sdelay $0x1  }
0x3b1: {  	v49 =	vmul.f32 $5.000000000e-01, v49;
	v50 =	vmul.f32 $5.000000000e-01, v60  }
0x3b2: {  	v61 =	vor.u32 $0x2A, v15  }
0x3b3: {  	v50 =	vsub.f32 v50, v49;
	_ =	sdelay $0x1  }
0x3b4: {  	v49 =	vadd.f32 v50, v49;
	_ =	sdelay $0x1  }
0x3b5: {  	[tilespmem:v61+s30+$0x0] =	vst.idx.msk $0xffff, v49  }
0x3b6: {  	v49 =	vld [tilespmem:$0x2390]  }
0x3b7: {  	v62 =	vld [tilespmem:$0xB90]  }
0x3b8: {  	v51 =	vld [tilespmem:$0x1390]  }
0x3b9: {  	v63 =	vld [tilespmem:$0x1B90];
	_ =	sdelay $0x4  }
0x3ba: {  	v49 =	vadd.f32 v62, v49;
	v56 =	vadd.f32 v63, v51;
	_ =	sdelay $0x1  }
0x3bb: {  	v49 =	vmul.f32 $5.000000000e-01, v49;
	v50 =	vmul.f32 $5.000000000e-01, v56  }
0x3bc: {  	v57 =	vor.u32 $0x42A, v15  }
0x3bd: {  	v50 =	vsub.f32 v50, v49;
	_ =	sdelay $0x1  }
0x3be: {  	v49 =	vadd.f32 v50, v49;
	_ =	sdelay $0x1  }
0x3bf: {  	[tilespmem:v57+s30+$0x0] =	vst.idx.msk $0xffff, v49  }
0x3c0: {  	v49 =	vld [tilespmem:$0x23A0]  }
0x3c1: {  	v58 =	vld [tilespmem:$0xBA0]  }
0x3c2: {  	v51 =	vld [tilespmem:$0x13A0]  }
0x3c3: {  	v59 =	vld [tilespmem:$0x1BA0];
	_ =	sdelay $0x4  }
0x3c4: {  	v49 =	vadd.f32 v58, v49;
	v60 =	vadd.f32 v59, v51;
	_ =	sdelay $0x1  }
0x3c5: {  	v49 =	vmul.f32 $5.000000000e-01, v49;
	v50 =	vmul.f32 $5.000000000e-01, v60  }
0x3c6: {  	v61 =	vor.u32 $0x2B, v15  }
0x3c7: {  	v50 =	vsub.f32 v50, v49;
	_ =	sdelay $0x1  }
0x3c8: {  	v49 =	vadd.f32 v50, v49;
	_ =	sdelay $0x1  }
0x3c9: {  	[tilespmem:v61+s30+$0x0] =	vst.idx.msk $0xffff, v49  }
0x3ca: {  	v49 =	vld [tilespmem:$0x23B0]  }
0x3cb: {  	v62 =	vld [tilespmem:$0xBB0]  }
0x3cc: {  	v51 =	vld [tilespmem:$0x13B0]  }
0x3cd: {  	v63 =	vld [tilespmem:$0x1BB0];
	_ =	sdelay $0x4  }
0x3ce: {  	v49 =	vadd.f32 v62, v49;
	v56 =	vadd.f32 v63, v51;
	_ =	sdelay $0x1  }
0x3cf: {  	v49 =	vmul.f32 $5.000000000e-01, v49;
	v50 =	vmul.f32 $5.000000000e-01, v56  }
0x3d0: {  	v57 =	vor.u32 $0x42B, v15  }
0x3d1: {  	v50 =	vsub.f32 v50, v49;
	_ =	sdelay $0x1  }
0x3d2: {  	v49 =	vadd.f32 v50, v49;
	_ =	sdelay $0x1  }
0x3d3: {  	[tilespmem:v57+s30+$0x0] =	vst.idx.msk $0xffff, v49  }
0x3d4: {  	v49 =	vld [tilespmem:$0x23C0]  }
0x3d5: {  	v58 =	vld [tilespmem:$0xBC0]  }
0x3d6: {  	v51 =	vld [tilespmem:$0x13C0]  }
0x3d7: {  	v59 =	vld [tilespmem:$0x1BC0];
	_ =	sdelay $0x4  }
0x3d8: {  	v49 =	vadd.f32 v58, v49;
	v60 =	vadd.f32 v59, v51;
	_ =	sdelay $0x1  }
0x3d9: {  	v49 =	vmul.f32 $5.000000000e-01, v49;
	v50 =	vmul.f32 $5.000000000e-01, v60  }
0x3da: {  	v61 =	vor.u32 $0x2C, v15  }
0x3db: {  	v50 =	vsub.f32 v50, v49;
	_ =	sdelay $0x1  }
0x3dc: {  	v49 =	vadd.f32 v50, v49;
	_ =	sdelay $0x1  }
0x3dd: {  	[tilespmem:v61+s30+$0x0] =	vst.idx.msk $0xffff, v49  }
0x3de: {  	v49 =	vld [tilespmem:$0x23D0]  }
0x3df: {  	v62 =	vld [tilespmem:$0xBD0]  }
0x3e0: {  	v51 =	vld [tilespmem:$0x13D0]  }
0x3e1: {  	v63 =	vld [tilespmem:$0x1BD0];
	_ =	sdelay $0x4  }
0x3e2: {  	v49 =	vadd.f32 v62, v49;
	v56 =	vadd.f32 v63, v51;
	_ =	sdelay $0x1  }
0x3e3: {  	v49 =	vmul.f32 $5.000000000e-01, v49;
	v50 =	vmul.f32 $5.000000000e-01, v56  }
0x3e4: {  	v57 =	vor.u32 $0x42C, v15  }
0x3e5: {  	v50 =	vsub.f32 v50, v49;
	_ =	sdelay $0x1  }
0x3e6: {  	v49 =	vadd.f32 v50, v49;
	_ =	sdelay $0x1  }
0x3e7: {  	[tilespmem:v57+s30+$0x0] =	vst.idx.msk $0xffff, v49  }
0x3e8: {  	v49 =	vld [tilespmem:$0x23E0]  }
0x3e9: {  	v58 =	vld [tilespmem:$0xBE0]  }
0x3ea: {  	v51 =	vld [tilespmem:$0x13E0]  }
0x3eb: {  	v59 =	vld [tilespmem:$0x1BE0];
	_ =	sdelay $0x4  }
0x3ec: {  	v49 =	vadd.f32 v58, v49;
	v60 =	vadd.f32 v59, v51;
	_ =	sdelay $0x1  }
0x3ed: {  	v49 =	vmul.f32 $5.000000000e-01, v49;
	v50 =	vmul.f32 $5.000000000e-01, v60  }
0x3ee: {  	v61 =	vor.u32 $0x2D, v15  }
0x3ef: {  	v50 =	vsub.f32 v50, v49;
	_ =	sdelay $0x1  }
0x3f0: {  	v49 =	vadd.f32 v50, v49;
	_ =	sdelay $0x1  }
0x3f1: {  	[tilespmem:v61+s30+$0x0] =	vst.idx.msk $0xffff, v49  }
0x3f2: {  	v49 =	vld [tilespmem:$0x23F0]  }
0x3f3: {  	v62 =	vld [tilespmem:$0xBF0]  }
0x3f4: {  	v51 =	vld [tilespmem:$0x13F0]  }
0x3f5: {  	v63 =	vld [tilespmem:$0x1BF0];
	_ =	sdelay $0x4  }
0x3f6: {  	v49 =	vadd.f32 v62, v49;
	v56 =	vadd.f32 v63, v51;
	_ =	sdelay $0x1  }
0x3f7: {  	v49 =	vmul.f32 $5.000000000e-01, v49;
	v50 =	vmul.f32 $5.000000000e-01, v56  }
0x3f8: {  	v57 =	vor.u32 $0x42D, v15  }
0x3f9: {  	v50 =	vsub.f32 v50, v49;
	_ =	sdelay $0x1  }
0x3fa: {  	v49 =	vadd.f32 v50, v49;
	_ =	sdelay $0x1  }
0x3fb: {  	[tilespmem:v57+s30+$0x0] =	vst.idx.msk $0xffff, v49  }
0x3fc: {  	v49 =	vld [tilespmem:$0x2400]  }
0x3fd: {  	v58 =	vld [tilespmem:$0xC00]  }
0x3fe: {  	v51 =	vld [tilespmem:$0x1400]  }
0x3ff: {  	v59 =	vld [tilespmem:$0x1C00];
	_ =	sdelay $0x4  }
0x400: {  	v49 =	vadd.f32 v58, v49;
	v60 =	vadd.f32 v59, v51;
	_ =	sdelay $0x1  }
0x401: {  	v49 =	vmul.f32 $5.000000000e-01, v49;
	v50 =	vmul.f32 $5.000000000e-01, v60  }
0x402: {  	v61 =	vor.u32 $0x2E, v15  }
0x403: {  	v50 =	vsub.f32 v50, v49;
	_ =	sdelay $0x1  }
0x404: {  	v49 =	vadd.f32 v50, v49;
	_ =	sdelay $0x1  }
0x405: {  	[tilespmem:v61+s30+$0x0] =	vst.idx.msk $0xffff, v49  }
0x406: {  	v49 =	vld [tilespmem:$0x2410]  }
0x407: {  	v62 =	vld [tilespmem:$0xC10]  }
0x408: {  	v51 =	vld [tilespmem:$0x1410]  }
0x409: {  	v63 =	vld [tilespmem:$0x1C10];
	_ =	sdelay $0x4  }
0x40a: {  	v49 =	vadd.f32 v62, v49;
	v56 =	vadd.f32 v63, v51;
	_ =	sdelay $0x1  }
0x40b: {  	v49 =	vmul.f32 $5.000000000e-01, v49;
	v50 =	vmul.f32 $5.000000000e-01, v56  }
0x40c: {  	v57 =	vor.u32 $0x42E, v15  }
0x40d: {  	v50 =	vsub.f32 v50, v49;
	_ =	sdelay $0x1  }
0x40e: {  	v49 =	vadd.f32 v50, v49;
	_ =	sdelay $0x1  }
0x40f: {  	[tilespmem:v57+s30+$0x0] =	vst.idx.msk $0xffff, v49  }
0x410: {  	v49 =	vld [tilespmem:$0x2420]  }
0x411: {  	v58 =	vld [tilespmem:$0xC20]  }
0x412: {  	v51 =	vld [tilespmem:$0x1420]  }
0x413: {  	v59 =	vld [tilespmem:$0x1C20];
	_ =	sdelay $0x4  }
0x414: {  	v49 =	vadd.f32 v58, v49;
	v60 =	vadd.f32 v59, v51;
	_ =	sdelay $0x1  }
0x415: {  	v49 =	vmul.f32 $5.000000000e-01, v49;
	v50 =	vmul.f32 $5.000000000e-01, v60  }
0x416: {  	v61 =	vor.u32 $0x2F, v15  }
0x417: {  	v50 =	vsub.f32 v50, v49;
	_ =	sdelay $0x1  }
0x418: {  	v49 =	vadd.f32 v50, v49;
	_ =	sdelay $0x1  }
0x419: {  	[tilespmem:v61+s30+$0x0] =	vst.idx.msk $0xffff, v49  }
0x41a: {  	v49 =	vld [tilespmem:$0x2430]  }
0x41b: {  	v62 =	vld [tilespmem:$0xC30]  }
0x41c: {  	v51 =	vld [tilespmem:$0x1430]  }
0x41d: {  	v63 =	vld [tilespmem:$0x1C30];
	_ =	sdelay $0x4  }
0x41e: {  	v49 =	vadd.f32 v62, v49;
	v56 =	vadd.f32 v63, v51;
	_ =	sdelay $0x1  }
0x41f: {  	v49 =	vmul.f32 $5.000000000e-01, v49;
	v50 =	vmul.f32 $5.000000000e-01, v56  }
0x420: {  	v57 =	vor.u32 $0x42F, v15  }
0x421: {  	v50 =	vsub.f32 v50, v49;
	_ =	sdelay $0x1  }
0x422: {  	v49 =	vadd.f32 v50, v49;
	_ =	sdelay $0x1  }
0x423: {  	[tilespmem:v57+s30+$0x0] =	vst.idx.msk $0xffff, v49  }
0x424: {  	v49 =	vld [tilespmem:$0x2440]  }
0x425: {  	v58 =	vld [tilespmem:$0xC40]  }
0x426: {  	v51 =	vld [tilespmem:$0x1440]  }
0x427: {  	v59 =	vld [tilespmem:$0x1C40];
	_ =	sdelay $0x4  }
0x428: {  	v49 =	vadd.f32 v58, v49;
	v60 =	vadd.f32 v59, v51;
	_ =	sdelay $0x1  }
0x429: {  	v49 =	vmul.f32 $5.000000000e-01, v49;
	v50 =	vmul.f32 $5.000000000e-01, v60  }
0x42a: {  	v61 =	vor.u32 $0x30, v15  }
0x42b: {  	v50 =	vsub.f32 v50, v49;
	_ =	sdelay $0x1  }
0x42c: {  	v49 =	vadd.f32 v50, v49;
	_ =	sdelay $0x1  }
0x42d: {  	[tilespmem:v61+s30+$0x0] =	vst.idx.msk $0xffff, v49  }
0x42e: {  	v49 =	vld [tilespmem:$0x2450]  }
0x42f: {  	v62 =	vld [tilespmem:$0xC50]  }
0x430: {  	v51 =	vld [tilespmem:$0x1450]  }
0x431: {  	v63 =	vld [tilespmem:$0x1C50];
	_ =	sdelay $0x4  }
0x432: {  	v49 =	vadd.f32 v62, v49;
	v56 =	vadd.f32 v63, v51;
	_ =	sdelay $0x1  }
0x433: {  	v49 =	vmul.f32 $5.000000000e-01, v49;
	v50 =	vmul.f32 $5.000000000e-01, v56  }
0x434: {  	v57 =	vor.u32 $0x430, v15  }
0x435: {  	v50 =	vsub.f32 v50, v49;
	_ =	sdelay $0x1  }
0x436: {  	v49 =	vadd.f32 v50, v49;
	_ =	sdelay $0x1  }
0x437: {  	[tilespmem:v57+s30+$0x0] =	vst.idx.msk $0xffff, v49  }
0x438: {  	v49 =	vld [tilespmem:$0x2460]  }
0x439: {  	v58 =	vld [tilespmem:$0xC60]  }
0x43a: {  	v51 =	vld [tilespmem:$0x1460]  }
0x43b: {  	v59 =	vld [tilespmem:$0x1C60];
	_ =	sdelay $0x4  }
0x43c: {  	v49 =	vadd.f32 v58, v49;
	v60 =	vadd.f32 v59, v51;
	_ =	sdelay $0x1  }
0x43d: {  	v49 =	vmul.f32 $5.000000000e-01, v49;
	v50 =	vmul.f32 $5.000000000e-01, v60  }
0x43e: {  	v61 =	vor.u32 $0x31, v15  }
0x43f: {  	v50 =	vsub.f32 v50, v49;
	_ =	sdelay $0x1  }
0x440: {  	v49 =	vadd.f32 v50, v49;
	_ =	sdelay $0x1  }
0x441: {  	[tilespmem:v61+s30+$0x0] =	vst.idx.msk $0xffff, v49  }
0x442: {  	v49 =	vld [tilespmem:$0x2470]  }
0x443: {  	v62 =	vld [tilespmem:$0xC70]  }
0x444: {  	v51 =	vld [tilespmem:$0x1470]  }
0x445: {  	v63 =	vld [tilespmem:$0x1C70];
	_ =	sdelay $0x4  }
0x446: {  	v49 =	vadd.f32 v62, v49;
	v56 =	vadd.f32 v63, v51;
	_ =	sdelay $0x1  }
0x447: {  	v49 =	vmul.f32 $5.000000000e-01, v49;
	v50 =	vmul.f32 $5.000000000e-01, v56  }
0x448: {  	v57 =	vor.u32 $0x431, v15  }
0x449: {  	v50 =	vsub.f32 v50, v49;
	_ =	sdelay $0x1  }
0x44a: {  	v49 =	vadd.f32 v50, v49;
	_ =	sdelay $0x1  }
0x44b: {  	[tilespmem:v57+s30+$0x0] =	vst.idx.msk $0xffff, v49  }
0x44c: {  	v49 =	vld [tilespmem:$0x2480]  }
0x44d: {  	v58 =	vld [tilespmem:$0xC80]  }
0x44e: {  	v51 =	vld [tilespmem:$0x1480]  }
0x44f: {  	v59 =	vld [tilespmem:$0x1C80];
	_ =	sdelay $0x4  }
0x450: {  	v49 =	vadd.f32 v58, v49;
	v60 =	vadd.f32 v59, v51;
	_ =	sdelay $0x1  }
0x451: {  	v49 =	vmul.f32 $5.000000000e-01, v49;
	v50 =	vmul.f32 $5.000000000e-01, v60  }
0x452: {  	v61 =	vor.u32 $0x32, v15  }
0x453: {  	v50 =	vsub.f32 v50, v49;
	_ =	sdelay $0x1  }
0x454: {  	v49 =	vadd.f32 v50, v49;
	_ =	sdelay $0x1  }
0x455: {  	[tilespmem:v61+s30+$0x0] =	vst.idx.msk $0xffff, v49  }
0x456: {  	v49 =	vld [tilespmem:$0x2490]  }
0x457: {  	v62 =	vld [tilespmem:$0xC90]  }
0x458: {  	v51 =	vld [tilespmem:$0x1490]  }
0x459: {  	v63 =	vld [tilespmem:$0x1C90];
	_ =	sdelay $0x4  }
0x45a: {  	v49 =	vadd.f32 v62, v49;
	v56 =	vadd.f32 v63, v51;
	_ =	sdelay $0x1  }
0x45b: {  	v49 =	vmul.f32 $5.000000000e-01, v49;
	v50 =	vmul.f32 $5.000000000e-01, v56  }
0x45c: {  	v57 =	vor.u32 $0x432, v15  }
0x45d: {  	v50 =	vsub.f32 v50, v49;
	_ =	sdelay $0x1  }
0x45e: {  	v49 =	vadd.f32 v50, v49;
	_ =	sdelay $0x1  }
0x45f: {  	[tilespmem:v57+s30+$0x0] =	vst.idx.msk $0xffff, v49  }
0x460: {  	v49 =	vld [tilespmem:$0x24A0]  }
0x461: {  	v58 =	vld [tilespmem:$0xCA0]  }
0x462: {  	v51 =	vld [tilespmem:$0x14A0]  }
0x463: {  	v59 =	vld [tilespmem:$0x1CA0];
	_ =	sdelay $0x4  }
0x464: {  	v49 =	vadd.f32 v58, v49;
	v60 =	vadd.f32 v59, v51;
	_ =	sdelay $0x1  }
0x465: {  	v49 =	vmul.f32 $5.000000000e-01, v49;
	v50 =	vmul.f32 $5.000000000e-01, v60  }
0x466: {  	v61 =	vor.u32 $0x33, v15  }
0x467: {  	v50 =	vsub.f32 v50, v49;
	_ =	sdelay $0x1  }
0x468: {  	v49 =	vadd.f32 v50, v49;
	_ =	sdelay $0x1  }
0x469: {  	[tilespmem:v61+s30+$0x0] =	vst.idx.msk $0xffff, v49  }
0x46a: {  	v49 =	vld [tilespmem:$0x24B0]  }
0x46b: {  	v62 =	vld [tilespmem:$0xCB0]  }
0x46c: {  	v51 =	vld [tilespmem:$0x14B0]  }
0x46d: {  	v63 =	vld [tilespmem:$0x1CB0];
	_ =	sdelay $0x4  }
0x46e: {  	v49 =	vadd.f32 v62, v49;
	v56 =	vadd.f32 v63, v51;
	_ =	sdelay $0x1  }
0x46f: {  	v49 =	vmul.f32 $5.000000000e-01, v49;
	v50 =	vmul.f32 $5.000000000e-01, v56  }
0x470: {  	v57 =	vor.u32 $0x433, v15  }
0x471: {  	v50 =	vsub.f32 v50, v49;
	_ =	sdelay $0x1  }
0x472: {  	v49 =	vadd.f32 v50, v49;
	_ =	sdelay $0x1  }
0x473: {  	[tilespmem:v57+s30+$0x0] =	vst.idx.msk $0xffff, v49  }
0x474: {  	v49 =	vld [tilespmem:$0x24C0]  }
0x475: {  	v58 =	vld [tilespmem:$0xCC0]  }
0x476: {  	v51 =	vld [tilespmem:$0x14C0]  }
0x477: {  	v59 =	vld [tilespmem:$0x1CC0];
	_ =	sdelay $0x4  }
0x478: {  	v49 =	vadd.f32 v58, v49;
	v60 =	vadd.f32 v59, v51;
	_ =	sdelay $0x1  }
0x479: {  	v49 =	vmul.f32 $5.000000000e-01, v49;
	v50 =	vmul.f32 $5.000000000e-01, v60  }
0x47a: {  	v61 =	vor.u32 $0x34, v15  }
0x47b: {  	v50 =	vsub.f32 v50, v49;
	_ =	sdelay $0x1  }
0x47c: {  	v49 =	vadd.f32 v50, v49;
	_ =	sdelay $0x1  }
0x47d: {  	[tilespmem:v61+s30+$0x0] =	vst.idx.msk $0xffff, v49  }
0x47e: {  	v49 =	vld [tilespmem:$0x24D0]  }
0x47f: {  	v62 =	vld [tilespmem:$0xCD0]  }
0x480: {  	v51 =	vld [tilespmem:$0x14D0]  }
0x481: {  	v63 =	vld [tilespmem:$0x1CD0];
	_ =	sdelay $0x4  }
0x482: {  	v49 =	vadd.f32 v62, v49;
	v56 =	vadd.f32 v63, v51;
	_ =	sdelay $0x1  }
0x483: {  	v49 =	vmul.f32 $5.000000000e-01, v49;
	v50 =	vmul.f32 $5.000000000e-01, v56  }
0x484: {  	v57 =	vor.u32 $0x434, v15  }
0x485: {  	v50 =	vsub.f32 v50, v49;
	_ =	sdelay $0x1  }
0x486: {  	v49 =	vadd.f32 v50, v49;
	_ =	sdelay $0x1  }
0x487: {  	[tilespmem:v57+s30+$0x0] =	vst.idx.msk $0xffff, v49  }
0x488: {  	v49 =	vld [tilespmem:$0x24E0]  }
0x489: {  	v58 =	vld [tilespmem:$0xCE0]  }
0x48a: {  	v51 =	vld [tilespmem:$0x14E0]  }
0x48b: {  	v59 =	vld [tilespmem:$0x1CE0];
	_ =	sdelay $0x4  }
0x48c: {  	v49 =	vadd.f32 v58, v49;
	v60 =	vadd.f32 v59, v51;
	_ =	sdelay $0x1  }
0x48d: {  	v49 =	vmul.f32 $5.000000000e-01, v49;
	v50 =	vmul.f32 $5.000000000e-01, v60  }
0x48e: {  	v61 =	vor.u32 $0x35, v15  }
0x48f: {  	v50 =	vsub.f32 v50, v49;
	_ =	sdelay $0x1  }
0x490: {  	v49 =	vadd.f32 v50, v49;
	_ =	sdelay $0x1  }
0x491: {  	[tilespmem:v61+s30+$0x0] =	vst.idx.msk $0xffff, v49  }
0x492: {  	v49 =	vld [tilespmem:$0x24F0]  }
0x493: {  	v62 =	vld [tilespmem:$0xCF0]  }
0x494: {  	v51 =	vld [tilespmem:$0x14F0]  }
0x495: {  	v63 =	vld [tilespmem:$0x1CF0];
	_ =	sdelay $0x4  }
0x496: {  	v49 =	vadd.f32 v62, v49;
	v56 =	vadd.f32 v63, v51;
	_ =	sdelay $0x1  }
0x497: {  	v49 =	vmul.f32 $5.000000000e-01, v49;
	v50 =	vmul.f32 $5.000000000e-01, v56  }
0x498: {  	v57 =	vor.u32 $0x435, v15  }
0x499: {  	v50 =	vsub.f32 v50, v49;
	_ =	sdelay $0x1  }
0x49a: {  	v49 =	vadd.f32 v50, v49;
	_ =	sdelay $0x1  }
0x49b: {  	[tilespmem:v57+s30+$0x0] =	vst.idx.msk $0xffff, v49  }
0x49c: {  	v49 =	vld [tilespmem:$0x2500]  }
0x49d: {  	v58 =	vld [tilespmem:$0xD00]  }
0x49e: {  	v51 =	vld [tilespmem:$0x1500]  }
0x49f: {  	v59 =	vld [tilespmem:$0x1D00];
	_ =	sdelay $0x4  }
0x4a0: {  	v49 =	vadd.f32 v58, v49;
	v60 =	vadd.f32 v59, v51;
	_ =	sdelay $0x1  }
0x4a1: {  	v49 =	vmul.f32 $5.000000000e-01, v49;
	v50 =	vmul.f32 $5.000000000e-01, v60  }
0x4a2: {  	v61 =	vor.u32 $0x36, v15  }
0x4a3: {  	v50 =	vsub.f32 v50, v49;
	_ =	sdelay $0x1  }
0x4a4: {  	v49 =	vadd.f32 v50, v49;
	_ =	sdelay $0x1  }
0x4a5: {  	[tilespmem:v61+s30+$0x0] =	vst.idx.msk $0xffff, v49  }
0x4a6: {  	v49 =	vld [tilespmem:$0x2510]  }
0x4a7: {  	v62 =	vld [tilespmem:$0xD10]  }
0x4a8: {  	v51 =	vld [tilespmem:$0x1510]  }
0x4a9: {  	v63 =	vld [tilespmem:$0x1D10];
	_ =	sdelay $0x4  }
0x4aa: {  	v49 =	vadd.f32 v62, v49;
	v56 =	vadd.f32 v63, v51;
	_ =	sdelay $0x1  }
0x4ab: {  	v49 =	vmul.f32 $5.000000000e-01, v49;
	v50 =	vmul.f32 $5.000000000e-01, v56  }
0x4ac: {  	v57 =	vor.u32 $0x436, v15  }
0x4ad: {  	v50 =	vsub.f32 v50, v49;
	_ =	sdelay $0x1  }
0x4ae: {  	v49 =	vadd.f32 v50, v49;
	_ =	sdelay $0x1  }
0x4af: {  	[tilespmem:v57+s30+$0x0] =	vst.idx.msk $0xffff, v49  }
0x4b0: {  	v49 =	vld [tilespmem:$0x2520]  }
0x4b1: {  	v58 =	vld [tilespmem:$0xD20]  }
0x4b2: {  	v51 =	vld [tilespmem:$0x1520]  }
0x4b3: {  	v59 =	vld [tilespmem:$0x1D20];
	_ =	sdelay $0x4  }
0x4b4: {  	v49 =	vadd.f32 v58, v49;
	v60 =	vadd.f32 v59, v51;
	_ =	sdelay $0x1  }
0x4b5: {  	v49 =	vmul.f32 $5.000000000e-01, v49;
	v50 =	vmul.f32 $5.000000000e-01, v60  }
0x4b6: {  	v61 =	vor.u32 $0x37, v15  }
0x4b7: {  	v50 =	vsub.f32 v50, v49;
	_ =	sdelay $0x1  }
0x4b8: {  	v49 =	vadd.f32 v50, v49;
	_ =	sdelay $0x1  }
0x4b9: {  	[tilespmem:v61+s30+$0x0] =	vst.idx.msk $0xffff, v49  }
0x4ba: {  	v49 =	vld [tilespmem:$0x2530]  }
0x4bb: {  	v62 =	vld [tilespmem:$0xD30]  }
0x4bc: {  	v51 =	vld [tilespmem:$0x1530]  }
0x4bd: {  	v63 =	vld [tilespmem:$0x1D30];
	_ =	sdelay $0x4  }
0x4be: {  	v49 =	vadd.f32 v62, v49;
	v56 =	vadd.f32 v63, v51;
	_ =	sdelay $0x1  }
0x4bf: {  	v49 =	vmul.f32 $5.000000000e-01, v49;
	v50 =	vmul.f32 $5.000000000e-01, v56  }
0x4c0: {  	v57 =	vor.u32 $0x437, v15  }
0x4c1: {  	v50 =	vsub.f32 v50, v49;
	_ =	sdelay $0x1  }
0x4c2: {  	v49 =	vadd.f32 v50, v49;
	_ =	sdelay $0x1  }
0x4c3: {  	[tilespmem:v57+s30+$0x0] =	vst.idx.msk $0xffff, v49  }
0x4c4: {  	v49 =	vld [tilespmem:$0x2540]  }
0x4c5: {  	v58 =	vld [tilespmem:$0xD40]  }
0x4c6: {  	v51 =	vld [tilespmem:$0x1540]  }
0x4c7: {  	v59 =	vld [tilespmem:$0x1D40];
	_ =	sdelay $0x4  }
0x4c8: {  	v49 =	vadd.f32 v58, v49;
	v60 =	vadd.f32 v59, v51;
	_ =	sdelay $0x1  }
0x4c9: {  	v49 =	vmul.f32 $5.000000000e-01, v49;
	v50 =	vmul.f32 $5.000000000e-01, v60  }
0x4ca: {  	v61 =	vor.u32 $0x38, v15  }
0x4cb: {  	v50 =	vsub.f32 v50, v49;
	_ =	sdelay $0x1  }
0x4cc: {  	v49 =	vadd.f32 v50, v49;
	_ =	sdelay $0x1  }
0x4cd: {  	[tilespmem:v61+s30+$0x0] =	vst.idx.msk $0xffff, v49  }
0x4ce: {  	v49 =	vld [tilespmem:$0x2550]  }
0x4cf: {  	v62 =	vld [tilespmem:$0xD50]  }
0x4d0: {  	v51 =	vld [tilespmem:$0x1550]  }
0x4d1: {  	v63 =	vld [tilespmem:$0x1D50];
	_ =	sdelay $0x4  }
0x4d2: {  	v49 =	vadd.f32 v62, v49;
	v56 =	vadd.f32 v63, v51;
	_ =	sdelay $0x1  }
0x4d3: {  	v49 =	vmul.f32 $5.000000000e-01, v49;
	v50 =	vmul.f32 $5.000000000e-01, v56  }
0x4d4: {  	v57 =	vor.u32 $0x438, v15  }
0x4d5: {  	v50 =	vsub.f32 v50, v49;
	_ =	sdelay $0x1  }
0x4d6: {  	v49 =	vadd.f32 v50, v49;
	_ =	sdelay $0x1  }
0x4d7: {  	[tilespmem:v57+s30+$0x0] =	vst.idx.msk $0xffff, v49  }
0x4d8: {  	v49 =	vld [tilespmem:$0x2560]  }
0x4d9: {  	v58 =	vld [tilespmem:$0xD60]  }
0x4da: {  	v51 =	vld [tilespmem:$0x1560]  }
0x4db: {  	v59 =	vld [tilespmem:$0x1D60];
	_ =	sdelay $0x4  }
0x4dc: {  	v49 =	vadd.f32 v58, v49;
	v60 =	vadd.f32 v59, v51;
	_ =	sdelay $0x1  }
0x4dd: {  	v49 =	vmul.f32 $5.000000000e-01, v49;
	v50 =	vmul.f32 $5.000000000e-01, v60  }
0x4de: {  	v61 =	vor.u32 $0x39, v15  }
0x4df: {  	v50 =	vsub.f32 v50, v49;
	_ =	sdelay $0x1  }
0x4e0: {  	v49 =	vadd.f32 v50, v49;
	_ =	sdelay $0x1  }
0x4e1: {  	[tilespmem:v61+s30+$0x0] =	vst.idx.msk $0xffff, v49  }
0x4e2: {  	v49 =	vld [tilespmem:$0x2570]  }
0x4e3: {  	v62 =	vld [tilespmem:$0xD70]  }
0x4e4: {  	v51 =	vld [tilespmem:$0x1570]  }
0x4e5: {  	v63 =	vld [tilespmem:$0x1D70];
	_ =	sdelay $0x4  }
0x4e6: {  	v49 =	vadd.f32 v62, v49;
	v56 =	vadd.f32 v63, v51;
	_ =	sdelay $0x1  }
0x4e7: {  	v49 =	vmul.f32 $5.000000000e-01, v49;
	v50 =	vmul.f32 $5.000000000e-01, v56  }
0x4e8: {  	v57 =	vor.u32 $0x439, v15  }
0x4e9: {  	v50 =	vsub.f32 v50, v49;
	_ =	sdelay $0x1  }
0x4ea: {  	v49 =	vadd.f32 v50, v49;
	_ =	sdelay $0x1  }
0x4eb: {  	[tilespmem:v57+s30+$0x0] =	vst.idx.msk $0xffff, v49  }
0x4ec: {  	v49 =	vld [tilespmem:$0x2580]  }
0x4ed: {  	v58 =	vld [tilespmem:$0xD80]  }
0x4ee: {  	v51 =	vld [tilespmem:$0x1580]  }
0x4ef: {  	v59 =	vld [tilespmem:$0x1D80];
	_ =	sdelay $0x4  }
0x4f0: {  	v49 =	vadd.f32 v58, v49;
	v60 =	vadd.f32 v59, v51;
	_ =	sdelay $0x1  }
0x4f1: {  	v49 =	vmul.f32 $5.000000000e-01, v49;
	v50 =	vmul.f32 $5.000000000e-01, v60  }
0x4f2: {  	v61 =	vor.u32 $0x3A, v15  }
0x4f3: {  	v50 =	vsub.f32 v50, v49;
	_ =	sdelay $0x1  }
0x4f4: {  	v49 =	vadd.f32 v50, v49;
	_ =	sdelay $0x1  }
0x4f5: {  	[tilespmem:v61+s30+$0x0] =	vst.idx.msk $0xffff, v49  }
0x4f6: {  	v49 =	vld [tilespmem:$0x2590]  }
0x4f7: {  	v62 =	vld [tilespmem:$0xD90]  }
0x4f8: {  	v51 =	vld [tilespmem:$0x1590]  }
0x4f9: {  	v63 =	vld [tilespmem:$0x1D90];
	_ =	sdelay $0x4  }
0x4fa: {  	v49 =	vadd.f32 v62, v49;
	v56 =	vadd.f32 v63, v51;
	_ =	sdelay $0x1  }
0x4fb: {  	v49 =	vmul.f32 $5.000000000e-01, v49;
	v50 =	vmul.f32 $5.000000000e-01, v56  }
0x4fc: {  	v57 =	vor.u32 $0x43A, v15  }
0x4fd: {  	v50 =	vsub.f32 v50, v49;
	_ =	sdelay $0x1  }
0x4fe: {  	v49 =	vadd.f32 v50, v49;
	_ =	sdelay $0x1  }
0x4ff: {  	[tilespmem:v57+s30+$0x0] =	vst.idx.msk $0xffff, v49  }
0x500: {  	v49 =	vld [tilespmem:$0x25A0]  }
0x501: {  	v58 =	vld [tilespmem:$0xDA0]  }
0x502: {  	v51 =	vld [tilespmem:$0x15A0]  }
0x503: {  	v59 =	vld [tilespmem:$0x1DA0];
	_ =	sdelay $0x4  }
0x504: {  	v49 =	vadd.f32 v58, v49;
	v60 =	vadd.f32 v59, v51;
	_ =	sdelay $0x1  }
0x505: {  	v49 =	vmul.f32 $5.000000000e-01, v49;
	v50 =	vmul.f32 $5.000000000e-01, v60  }
0x506: {  	v61 =	vor.u32 $0x3B, v15  }
0x507: {  	v50 =	vsub.f32 v50, v49;
	_ =	sdelay $0x1  }
0x508: {  	v49 =	vadd.f32 v50, v49;
	_ =	sdelay $0x1  }
0x509: {  	[tilespmem:v61+s30+$0x0] =	vst.idx.msk $0xffff, v49  }
0x50a: {  	v49 =	vld [tilespmem:$0x25B0]  }
0x50b: {  	v62 =	vld [tilespmem:$0xDB0]  }
0x50c: {  	v51 =	vld [tilespmem:$0x15B0]  }
0x50d: {  	v63 =	vld [tilespmem:$0x1DB0];
	_ =	sdelay $0x4  }
0x50e: {  	v49 =	vadd.f32 v62, v49;
	v56 =	vadd.f32 v63, v51;
	_ =	sdelay $0x1  }
0x50f: {  	v49 =	vmul.f32 $5.000000000e-01, v49;
	v50 =	vmul.f32 $5.000000000e-01, v56  }
0x510: {  	v57 =	vor.u32 $0x43B, v15  }
0x511: {  	v50 =	vsub.f32 v50, v49;
	_ =	sdelay $0x1  }
0x512: {  	v49 =	vadd.f32 v50, v49;
	_ =	sdelay $0x1  }
0x513: {  	[tilespmem:v57+s30+$0x0] =	vst.idx.msk $0xffff, v49  }
0x514: {  	v49 =	vld [tilespmem:$0x25C0]  }
0x515: {  	v58 =	vld [tilespmem:$0xDC0]  }
0x516: {  	v51 =	vld [tilespmem:$0x15C0]  }
0x517: {  	v59 =	vld [tilespmem:$0x1DC0];
	_ =	sdelay $0x4  }
0x518: {  	v49 =	vadd.f32 v58, v49;
	v60 =	vadd.f32 v59, v51;
	_ =	sdelay $0x1  }
0x519: {  	v49 =	vmul.f32 $5.000000000e-01, v49;
	v50 =	vmul.f32 $5.000000000e-01, v60  }
0x51a: {  	v61 =	vor.u32 $0x3C, v15  }
0x51b: {  	v50 =	vsub.f32 v50, v49;
	_ =	sdelay $0x1  }
0x51c: {  	v49 =	vadd.f32 v50, v49;
	_ =	sdelay $0x1  }
0x51d: {  	[tilespmem:v61+s30+$0x0] =	vst.idx.msk $0xffff, v49  }
0x51e: {  	v49 =	vld [tilespmem:$0x25D0]  }
0x51f: {  	v62 =	vld [tilespmem:$0xDD0]  }
0x520: {  	v51 =	vld [tilespmem:$0x15D0]  }
0x521: {  	v63 =	vld [tilespmem:$0x1DD0];
	_ =	sdelay $0x4  }
0x522: {  	v49 =	vadd.f32 v62, v49;
	v56 =	vadd.f32 v63, v51;
	_ =	sdelay $0x1  }
0x523: {  	v49 =	vmul.f32 $5.000000000e-01, v49;
	v50 =	vmul.f32 $5.000000000e-01, v56  }
0x524: {  	v57 =	vor.u32 $0x43C, v15  }
0x525: {  	v50 =	vsub.f32 v50, v49;
	_ =	sdelay $0x1  }
0x526: {  	v49 =	vadd.f32 v50, v49;
	_ =	sdelay $0x1  }
0x527: {  	[tilespmem:v57+s30+$0x0] =	vst.idx.msk $0xffff, v49  }
0x528: {  	v49 =	vld [tilespmem:$0x25E0]  }
0x529: {  	v58 =	vld [tilespmem:$0xDE0]  }
0x52a: {  	v51 =	vld [tilespmem:$0x15E0]  }
0x52b: {  	v59 =	vld [tilespmem:$0x1DE0];
	_ =	sdelay $0x4  }
0x52c: {  	v49 =	vadd.f32 v58, v49;
	v60 =	vadd.f32 v59, v51;
	_ =	sdelay $0x1  }
0x52d: {  	v49 =	vmul.f32 $5.000000000e-01, v49;
	v50 =	vmul.f32 $5.000000000e-01, v60  }
0x52e: {  	v61 =	vor.u32 $0x3D, v15  }
0x52f: {  	v50 =	vsub.f32 v50, v49;
	_ =	sdelay $0x1  }
0x530: {  	v49 =	vadd.f32 v50, v49;
	_ =	sdelay $0x1  }
0x531: {  	[tilespmem:v61+s30+$0x0] =	vst.idx.msk $0xffff, v49  }
0x532: {  	v49 =	vld [tilespmem:$0x25F0]  }
0x533: {  	v62 =	vld [tilespmem:$0xDF0]  }
0x534: {  	v51 =	vld [tilespmem:$0x15F0]  }
0x535: {  	v63 =	vld [tilespmem:$0x1DF0];
	_ =	sdelay $0x4  }
0x536: {  	v49 =	vadd.f32 v62, v49;
	v56 =	vadd.f32 v63, v51;
	_ =	sdelay $0x1  }
0x537: {  	v49 =	vmul.f32 $5.000000000e-01, v49;
	v50 =	vmul.f32 $5.000000000e-01, v56  }
0x538: {  	v57 =	vor.u32 $0x43D, v15  }
0x539: {  	v50 =	vsub.f32 v50, v49;
	_ =	sdelay $0x1  }
0x53a: {  	v49 =	vadd.f32 v50, v49;
	_ =	sdelay $0x1  }
0x53b: {  	[tilespmem:v57+s30+$0x0] =	vst.idx.msk $0xffff, v49  }
0x53c: {  	v49 =	vld [tilespmem:$0x2600]  }
0x53d: {  	v58 =	vld [tilespmem:$0xE00]  }
0x53e: {  	v51 =	vld [tilespmem:$0x1600]  }
0x53f: {  	v59 =	vld [tilespmem:$0x1E00];
	_ =	sdelay $0x4  }
0x540: {  	v49 =	vadd.f32 v58, v49;
	v60 =	vadd.f32 v59, v51;
	_ =	sdelay $0x1  }
0x541: {  	v49 =	vmul.f32 $5.000000000e-01, v49;
	v50 =	vmul.f32 $5.000000000e-01, v60  }
0x542: {  	v61 =	vor.u32 $0x3E, v15  }
0x543: {  	v50 =	vsub.f32 v50, v49;
	_ =	sdelay $0x1  }
0x544: {  	v49 =	vadd.f32 v50, v49;
	_ =	sdelay $0x1  }
0x545: {  	[tilespmem:v61+s30+$0x0] =	vst.idx.msk $0xffff, v49  }
0x546: {  	v49 =	vld [tilespmem:$0x2610]  }
0x547: {  	v62 =	vld [tilespmem:$0xE10]  }
0x548: {  	v51 =	vld [tilespmem:$0x1610]  }
0x549: {  	v63 =	vld [tilespmem:$0x1E10];
	_ =	sdelay $0x4  }
0x54a: {  	v49 =	vadd.f32 v62, v49;
	v54 =	vadd.f32 v63, v51;
	_ =	sdelay $0x1  }
0x54b: {  	v49 =	vmul.f32 $5.000000000e-01, v49;
	v50 =	vmul.f32 $5.000000000e-01, v54  }
0x54c: {  	v55 =	vor.u32 $0x43E, v15  }
0x54d: {  	v50 =	vsub.f32 v50, v49;
	_ =	sdelay $0x1  }
0x54e: {  	v49 =	vadd.f32 v50, v49;
	_ =	sdelay $0x1  }
0x54f: {  	[tilespmem:v55+s30+$0x0] =	vst.idx.msk $0xffff, v49  }
0x550: {  	v49 =	vld [tilespmem:$0x2620]  }
0x551: {  	v56 =	vld [tilespmem:$0xE20]  }
0x552: {  	v51 =	vld [tilespmem:$0x1620]  }
0x553: {  	v57 =	vld [tilespmem:$0x1E20];
	_ =	sdelay $0x4  }
0x554: {  	v49 =	vadd.f32 v56, v49;
	v58 =	vadd.f32 v57, v51;
	_ =	sdelay $0x1  }
0x555: {  	v49 =	vmul.f32 $5.000000000e-01, v49;
	v50 =	vmul.f32 $5.000000000e-01, v58  }
0x556: {  	v59 =	vor.u32 $0x3F, v15  }
0x557: {  	v50 =	vsub.f32 v50, v49;
	_ =	sdelay $0x1  }
0x558: {  	v49 =	vadd.f32 v50, v49;
	_ =	sdelay $0x1  }
0x559: {  	[tilespmem:v59+s30+$0x0] =	vst.idx.msk $0xffff, v49  }
0x55a: {  	v49 =	vld [tilespmem:$0x2630]  }
0x55b: {  	v60 =	vld [tilespmem:$0xE30]  }
0x55c: {  	v51 =	vld [tilespmem:$0x1630]  }
0x55d: {  	v61 =	vld [tilespmem:$0x1E30];
	_ =	sdelay $0x4  }
0x55e: {  	v49 =	vadd.f32 v60, v49;
	v62 =	vadd.f32 v61, v51;
	_ =	sdelay $0x1  }
0x55f: {  	v49 =	vmul.f32 $5.000000000e-01, v49;
	v50 =	vmul.f32 $5.000000000e-01, v62  }
0x560: {  	v63 =	vor.u32 $0x43F, v15  }
0x561: {  	v50 =	vsub.f32 v50, v49;
	_ =	sdelay $0x1  }
0x562: {  	v49 =	vadd.f32 v50, v49;
	_ =	sdelay $0x1  }
0x563: {  	[tilespmem:v63+s30+$0x0] =	vst.idx.msk $0xffff, v49  }
0x564: {  	[hbm4b:s12+s16] =	stream.strided.scatter [tilespmem:s30], [sflag:$0x2], $0x800, s31, s16, $0x38;
	[tilespmem:$0x2E40] =	vst v63  }
0x565: {  	_ =	swait.ge [sflag:s1], $0x800  }
0x566: {  	[sflag:s1] =	ssyncset.done $0x0  }
0x567: {  	[sflag:s1] =	ssyncadd.s32 $0xFFFFF800  }
0x568: {  	[hbm4b:s13+s2] =	stream.linear.scatter [tilespmem:s24], [sflag:$0x2], $0x40, $0x38;
	[tilespmem:$0x2E40] =	vst v63  }
0x569: {  	_ =	swait.ge [sflag:s1], $0x40  }
0x56a: {  	p0 =	sne.s32 s15, $0x1;
	[sflag:s1] =	ssyncset.done $0x0  }
.Ltmp0:
0x56b: {  	[sflag:s1] =	ssyncadd.s32 $0xFFFFFFC0;
	(pc) =	sbr.rel @p0 .LBB2_1-.Ltmp0, $4  }
0x56c: {  	[hbm4b:s14+s2] =	stream.linear.scatter [tilespmem:s17], [sflag:$0x2], $0x40, $0x38;
	[tilespmem:$0x2E40] =	vst v63  }
0x56d: {  	_ =	swait.ge [sflag:s1], $0x40  }
0x56e: {  	[sflag:s1] =	ssyncset.done $0x0  }
0x56f: {  	s15 =	sadd.s32 $0xFFFFFFFF, s15;
	[sflag:s1] =	ssyncadd.s32 $0xFFFFFFC0  }
0x570: {  	_ =	sfence.sel $0x180000  }
0x571: {  	[bflag:$0x0] =	sbarrier.arrive $0xFFFF  }
0x572: {  	_ =	strace $0x90000047  }
0x573: {  	s0 =	stileid.u32;
	[bflag:$0x2] =	sbarrier.arrive $0xFFFF  }
0x574: {  	p0 =	sne.s32 s0, $0x0;
	s0 =	rddreg [dreg:$0x4]  }
0x575: {  	s0 =	sadd.s32 @!p0 $0x100000, s0  }
0x576: {  	[sflag:s0] =	ssyncadd.tile.s32 @!p0 $0x1;
	_ =	shalt  }
.Lfunc_end2:
_tile_overlayer_lowered:
.L_overlay_start_2:
0x577: {  	(tag) =	ssettag $0x2  }
0x578: {  	s0 =	rddreg [dreg:$0x0];
	s2 =	stileid.u32  }
0x579: {  	s1 =	rddreg [dreg:$0x1];
	p0 =	sne.s32 s2, $0x0  }
0x57a: {  	s3 =	rddreg [dreg:$0x2];
	[bflag:$0x3] =	sbarrier.arrive $0xFFFF;
	s2 =	simm.s32 @!p0 $0x1C02  }
0x57b: {  	[timem:s3], [sflag:s2] =	dma.local @!p0 [hbm:s0], s1  }
0x57c: {  	s0 =	simm.s32 @!p0 $0x2  }
0x57d: {  	_ =	swait.ge @!p0 [sflag:s0], s1  }
0x57e: {  	s1 =	ssub.s32 @!p0 $0x0, s1;
	[sflag:s0] =	ssyncset.done @!p0 $0x0  }
0x57f: {  	[sflag:s0] =	ssyncadd.s32 @!p0 s1  }
0x580: {  	[bflag:$0x3] =	sbarrier.arrive $0xFFFF  }
0x581: {  	_ =	shalt  }

</sc_bundles>
